<compile_context>
chip_gen: v7x
topology: tpu7x:2x2x1
jax: 0.10.2.dev20260603
libtpu: 0.0.44.dev20260713+nightly
codegen_flags: <defaults>
</compile_context>

<pallas_src>
import functools

import jax
import jax.numpy as jnp
from jax import lax
from jax.experimental import pallas as pl
from jax.experimental.pallas import tpu as pltpu
from jax.experimental.pallas import tpu_sc as plsc

NC = 2
NS = 16
NW = NC * NS
LANES = 128


def _mesh():
  return plsc.VectorSubcoreMesh(core_axis_name="c", subcore_axis_name="s")


def _stage_of(slc, cap=512):
  return next(s for s in range(cap, 7, -8) if slc % s == 0)


def _deg_kernel(n_pad, rows_pt, rb):
  slc = n_pad // NS
  stage = _stage_of(slc)
  n_stage = slc // stage

  @functools.partial(
      pl.kernel,
      out_type=jax.ShapeDtypeStruct((NC * n_pad,), jnp.float32),
      mesh=_mesh(),
      compiler_params=pltpu.CompilerParams(use_tc_tiling_on_sc=False),
      scratch_types=[
          pltpu.VMEM_SHARED((n_pad,), jnp.float32),
          pltpu.VMEM((2, rb, LANES), jnp.int32),
          pltpu.VMEM((LANES,), jnp.float32),
          pltpu.VMEM((stage,), jnp.float32),
          pltpu.SemaphoreType.DMA,
      ],
  )
  def k(dst_hbm, out_hbm, deg_sp, idx_v, ones_v, stg1, ssem):
    c = lax.axis_index("c")
    s = lax.axis_index("s")
    wid = c * NS + s
    r0s = s * slc

    @pl.loop(0, stage // 16)
    def _(i):
      stg1[pl.ds(i * 16, 16)] = jnp.zeros((16,), jnp.float32)

    @pl.loop(0, n_stage)
    def _(i):
      pltpu.sync_copy(stg1, deg_sp.at[pl.ds(r0s + i * stage, stage)])

    for j in range(LANES // 16):
      ones_v[pl.ds(j * 16, 16)] = jnp.full((16,), 1.0, jnp.float32)
    plsc.subcore_barrier()
    row_base = wid * rows_pt
    nblk = rows_pt // rb
    row_cap = NW * rows_pt - rb

    def load(b, half):
      off = lax.min(row_base + b * rb, row_cap)
      pltpu.sync_copy(dst_hbm.at[pl.ds(off, rb)], idx_v.at[half])

    def fire(half):
      return [pltpu.async_copy(ones_v, deg_sp.at[idx_v.at[half, r]], ssem,
                               add=True) for r in range(rb)]

    load(0, 0)

    @pl.loop(0, nblk // 2)
    def _(t):
      b0 = 2 * t
      s0 = fire(0)
      load(b0 + 1, 1)
      s1 = fire(1)
      for d in s0:
        d.wait()
      load(b0 + 2, 0)
      for d in s1:
        d.wait()

    if nblk % 2:
      st = fire(0)
      for d in st:
        d.wait()

    plsc.subcore_barrier()

    @pl.loop(0, n_stage)
    def _(i):
      pltpu.sync_copy(deg_sp.at[pl.ds(r0s + i * stage, stage)], stg1)
      pltpu.sync_copy(stg1, out_hbm.at[pl.ds(c * n_pad + r0s + i * stage,
                                             stage)])

  return k


def _main_kernel(n_pad, rows_pt, rb):
  slc = n_pad // NS
  stage = _stage_of(slc)
  n_stage = slc // stage

  @functools.partial(
      pl.kernel,
      out_type=(jax.ShapeDtypeStruct((NC * n_pad, 8), jnp.float32),
                jax.ShapeDtypeStruct((NC * n_pad,), jnp.float32)),
      mesh=_mesh(),
      compiler_params=pltpu.CompilerParams(use_tc_tiling_on_sc=False),
      scratch_types=[
          pltpu.VMEM_SHARED((n_pad, 8), jnp.float32),
          pltpu.VMEM_SHARED((n_pad, 8), jnp.float32),
          pltpu.VMEM_SHARED((n_pad,), jnp.float32),
          pltpu.VMEM_SHARED((n_pad,), jnp.float32),
          pltpu.VMEM((1, rb, LANES), jnp.int32),
          pltpu.VMEM((1, rb, LANES), jnp.int32),
          pltpu.VMEM((1, rb, LANES, 8), jnp.float32),
          pltpu.VMEM((1, rb, LANES), jnp.float32),
          pltpu.VMEM((stage, 8), jnp.float32),
          pltpu.VMEM((stage,), jnp.float32),
          pltpu.SemaphoreType.DMA,
          pltpu.SemaphoreType.DMA,
          pltpu.SemaphoreType.DMA,
          pltpu.SemaphoreType.DMA,
      ],
  )
  def k(src_hbm, dst_hbm, y_hbm, dinv_hbm, z8_hbm,
        s_out, c_out, y_sp, s_sp, c_sp, dinv_sp, sidx, didx, ybufs, cvals,
        stg8, stg1, gsem, dsem, ssem, csem):
    c = lax.axis_index("c")
    s = lax.axis_index("s")
    wid = c * NS + s
    r0s = s * slc

    @pl.loop(0, stage // 16)
    def _(i):
      stg1[pl.ds(i * 16, 16)] = jnp.zeros((16,), jnp.float32)

    pltpu.sync_copy(z8_hbm, stg8)

    @pl.loop(0, n_stage)
    def _(i):
      pltpu.sync_copy(stg8, s_sp.at[pl.ds(r0s + i * stage, stage)])
      pltpu.sync_copy(stg1, c_sp.at[pl.ds(r0s + i * stage, stage)])

    @pl.loop(0, n_stage)
    def _(i):
      pltpu.sync_copy(y_hbm.at[pl.ds(r0s + i * stage, stage)], stg8)
      pltpu.sync_copy(stg8, y_sp.at[pl.ds(r0s + i * stage, stage)])
      pltpu.sync_copy(dinv_hbm.at[pl.ds(r0s + i * stage, stage)], stg1)
      pltpu.sync_copy(stg1, dinv_sp.at[pl.ds(r0s + i * stage, stage)])

    plsc.subcore_barrier()
    row_base = wid * rows_pt
    nblk = rows_pt // rb
    row_cap = NW * rows_pt - rb

    def load(b, half):
      off = lax.min(row_base + b * rb, row_cap)
      pltpu.sync_copy(src_hbm.at[pl.ds(off, rb)], sidx.at[half])
      pltpu.sync_copy(dst_hbm.at[pl.ds(off, rb)], didx.at[half])

    def fire_gathers(h):
      return ([pltpu.async_copy(y_sp.at[sidx.at[h, r]], ybufs.at[0, r], gsem)
               for r in range(rb)]
              + [pltpu.async_copy(dinv_sp.at[didx.at[h, r]], cvals.at[0, r],
                                  dsem) for r in range(rb)])

    def fire_scatters(h):
      return ([pltpu.async_copy(ybufs.at[0, r], s_sp.at[didx.at[h, r]], ssem,
                                add=True) for r in range(rb)]
              + [pltpu.async_copy(cvals.at[0, r], c_sp.at[sidx.at[h, r]],
                                  csem, add=True) for r in range(rb)])

    @pl.loop(0, nblk)
    def _(b):
      load(b, 0)
      g = fire_gathers(0)
      for d in g:
        d.wait()
      s = fire_scatters(0)
      for d in s:
        d.wait()

    plsc.subcore_barrier()

    @pl.loop(0, n_stage)
    def _(i):
      pltpu.sync_copy(s_sp.at[pl.ds(r0s + i * stage, stage)], stg8)
      pltpu.sync_copy(stg8, s_out.at[pl.ds(c * n_pad + r0s + i * stage,
                                           stage)])
      pltpu.sync_copy(c_sp.at[pl.ds(r0s + i * stage, stage)], stg1)
      pltpu.sync_copy(stg1, c_out.at[pl.ds(c * n_pad + r0s + i * stage,
                                           stage)])

  return k


def _norm_tc(n_pad, n, blk):
  nb = n_pad // blk

  def body(p0_ref, p1_ref, x_ref, dinv_ref, y_ref):
    i = pl.program_id(0)
    deg = p0_ref[...] + p1_ref[...] + 1.0
    dinv = lax.rsqrt(deg)
    rid = lax.broadcasted_iota(jnp.int32, (blk,), 0) + i * blk
    dinv = jnp.where(rid < n, dinv, 0.0)
    dinv_ref[...] = dinv
    y_ref[...] = dinv.reshape(blk, 1) * x_ref[...]

  return pl.pallas_call(
      body,
      grid=(nb,),
      in_specs=[
          pl.BlockSpec((blk,), lambda i: (i,)),
          pl.BlockSpec((blk,), lambda i: (i + nb,)),
          pl.BlockSpec((blk, 8), lambda i: (i, 0)),
      ],
      out_specs=[
          pl.BlockSpec((blk,), lambda i: (i,)),
          pl.BlockSpec((blk, 8), lambda i: (i, 0)),
      ],
      out_shape=(jax.ShapeDtypeStruct((n_pad,), jnp.float32),
                 jax.ShapeDtypeStruct((n_pad, 8), jnp.float32)),
  )


def _fuse_tc(n_pad, n, blk):
  nb = n_pad // blk

  def body(s0_ref, s1_ref, x_ref, dv_ref, c0_ref, c1_ref,
           w1_ref, b1_ref, w2_ref, b2_ref, st_ref, ws_ref, bs_ref,
           wc1_ref, wc2_ref, bc_ref, out_ref, acc):
    i = pl.program_id(0)

    @pl.when(i == 0)
    def _():
      acc[...] = jnp.zeros_like(acc)

    dv = dv_ref[...]
    dvc = dv.reshape(blk, 1)
    a1 = dvc * (s0_ref[...] + s1_ref[...] + dvc * x_ref[...])
    h1 = jnp.maximum(
        jnp.dot(a1, w1_ref[...], preferred_element_type=jnp.float32)
        + b1_ref[...], 0.0)
    w = dv * (c0_ref[...] + c1_ref[...] + dv) * (1.0 / n)
    acc[...] += jnp.dot(w.reshape(1, blk), h1,
                        preferred_element_type=jnp.float32)

    @pl.when(i == nb - 1)
    def _():
      pooled = jnp.dot(acc[...], w2_ref[...],
                       preferred_element_type=jnp.float32) + b2_ref[...]
      sf = jnp.maximum(
          jnp.dot(st_ref[...], ws_ref[...],
                  preferred_element_type=jnp.float32) + bs_ref[...], 0.0)
      out_ref[...] = (
          jnp.dot(pooled, wc1_ref[...], preferred_element_type=jnp.float32)
          + jnp.dot(sf, wc2_ref[...], preferred_element_type=jnp.float32)
          + bc_ref[...])

  full = lambda shape: pl.BlockSpec(shape, lambda i: tuple(0 for _ in shape))
  return pl.pallas_call(
      body,
      grid=(nb,),
      in_specs=[
          pl.BlockSpec((blk, 8), lambda i: (i, 0)),
          pl.BlockSpec((blk, 8), lambda i: (i + nb, 0)),
          pl.BlockSpec((blk, 8), lambda i: (i, 0)),
          pl.BlockSpec((blk,), lambda i: (i,)),
          pl.BlockSpec((blk,), lambda i: (i,)),
          pl.BlockSpec((blk,), lambda i: (i + nb,)),
          full((8, 64)), full((1, 64)),
          full((64, 64)), full((1, 64)),
          full((1, 8)), full((8, 64)), full((1, 64)),
          full((64, 2)), full((64, 2)), full((1, 2)),
      ],
      out_specs=pl.BlockSpec((1, 2), lambda i: (0, 0)),
      out_shape=jax.ShapeDtypeStruct((1, 2), jnp.float32),
      scratch_shapes=[pltpu.VMEM((1, 64), jnp.float32)],
  )


def kernel(x, edge_index, state, W1, b1, W2, b2, Ws, bs, Wc, bc):
  n, _ = x.shape
  e = edge_index.shape[1]
  n_pad = ((n + 1 + 1023) // 1024) * 1024
  rows_pt8 = (e + NW * LANES - 1) // (NW * LANES)
  rows_pt = ((rows_pt8 + 7) // 8) * 8
  e_pad = NW * rows_pt * LANES
  rb = 8

  sent = (n + (jnp.arange(e_pad - e, dtype=jnp.int32) % (n_pad - n)))
  src2d = jnp.concatenate([edge_index[0], sent]).reshape(-1, LANES)
  dst2d = jnp.concatenate([edge_index[1], sent]).reshape(-1, LANES)
  x_pad = jnp.pad(x, ((0, n_pad - n), (0, 0)))
  zeros8 = jnp.zeros((_stage_of(n_pad // NS), 8), jnp.float32)

  degp = _deg_kernel(n_pad, rows_pt, 16)(dst2d)

  blk = next(n_pad // nb for nb in (14, 16, 8, 4, 2, 1)
             if n_pad % (nb * 1024) == 0)
  dinv, y = _norm_tc(n_pad, n, blk)(degp, degp, x_pad)

  sp, cp = _main_kernel(n_pad, rows_pt, rb)(src2d, dst2d, y, dinv, zeros8)

  out = _fuse_tc(n_pad, n, blk)(
      sp, sp, x_pad, dinv, cp, cp,
      W1, b1.reshape(1, -1), W2, b2.reshape(1, -1),
      state, Ws, bs.reshape(1, -1), Wc[:64], Wc[64:], bc.reshape(1, -1))
  return out

# --- scband reference (transcript-rebuilt; emitter-appended) ---
"""Pipeline reference for scband-rlgcn-1151051236067 (READ-ONLY COPY).

The authoritative reference and input builder live on the scoring server;
editing this copy changes nothing except your own understanding.
"""

import jax, jax.numpy as jnp
import numpy as np

N = 100000
E = 3200000

def setup_inputs(seed: int = 0):
    key = jax.random.key(seed)
    ks = jax.random.split(key, 12)
    x = jax.random.normal(ks[0], (N, 8), dtype=jnp.float32)
    edge_index = jax.random.randint(ks[1], (2, E), 0, N, dtype=jnp.int32)
    state = jax.random.normal(ks[2], (1, 8), dtype=jnp.float32)
    W1 = jax.random.normal(ks[3], (8, 64), dtype=jnp.float32) * 0.1
    b1 = jnp.zeros((64,), dtype=jnp.float32)
    W2 = jax.random.normal(ks[4], (64, 64), dtype=jnp.float32) * 0.1
    b2 = jnp.zeros((64,), dtype=jnp.float32)
    Ws = jax.random.normal(ks[5], (8, 64), dtype=jnp.float32) * 0.1
    bs = jnp.zeros((64,), dtype=jnp.float32)
    Wc = jax.random.normal(ks[6], (128, 2), dtype=jnp.float32) * 0.1
    bc = jnp.zeros((2,), dtype=jnp.float32)
    return {"x": x, "edge_index": edge_index, "state": state,
            "W1": W1, "b1": b1, "W2": W2, "b2": b2,
            "Ws": Ws, "bs": bs, "Wc": Wc, "bc": bc}


def _gcn_conv(x, src, dst, W, b, n):
    # PyG-style GCNConv: linear transform, symmetric deg normalization
    # (self-loops already appended to src/dst), scatter-add aggregation.
    h = x @ W
    deg = jnp.zeros((n,), dtype=h.dtype).at[dst].add(1.0)
    dinv = jnp.where(deg > 0, deg ** -0.5, 0.0)
    norm = dinv[src] * dinv[dst]
    msg = norm[:, None] * jnp.take(h, src, axis=0)
    out = jnp.zeros_like(h).at[dst].add(msg)
    return out + b


def reference(x, edge_index, state, W1, b1, W2, b2, Ws, bs, Wc, bc):
    n = x.shape[0]
    loop = jnp.arange(n, dtype=edge_index.dtype)
    src = jnp.concatenate([edge_index[0], loop])
    dst = jnp.concatenate([edge_index[1], loop])
    h = jax.nn.relu(_gcn_conv(x, src, dst, W1, b1, n))
    # dropout p=0.5 is identity at inference (training=False)
    h = _gcn_conv(h, src, dst, W2, b2, n)
    # global_mean_pool with batch = zeros -> mean over all nodes
    pooled = jnp.mean(h, axis=0, keepdims=True)
    s = jax.nn.relu(state @ Ws + bs)
    feat = jnp.concatenate([pooled, s], axis=1)
    return feat @ Wc + bc

if __name__ == "__main__":
    import jax
    _d = setup_inputs()
    print(jax.jit(kernel)(*tuple(_d.values())))

</pallas_src>

<mosaic_0001>
#map = affine_map<(d0, d1) -> (0, 0)>
#map1 = affine_map<(d0, d1) -> (0)>
module attributes {stable_mosaic.version = 14 : i64} {
  func.func @k(%arg0: i32, %arg1: i32, %arg2: memref<25088x128xi32, #tpu.memory_space<hbm>>, %arg3: memref<25088x128xi32, #tpu.memory_space<hbm>>, %arg4: memref<100352x8xf32, #tpu.memory_space<hbm>>, %arg5: memref<100352xf32, #tpu.memory_space<hbm>>, %arg6: memref<448x8xf32, #tpu.memory_space<hbm>>, %arg7: memref<200704x8xf32, #tpu.memory_space<hbm>>, %arg8: memref<200704xf32, #tpu.memory_space<hbm>>, %arg9: memref<100352x8xf32, #tpu.memory_space<vmem_shared>>, %arg10: memref<100352x8xf32, #tpu.memory_space<vmem_shared>>, %arg11: memref<100352xf32, #tpu.memory_space<vmem_shared>>, %arg12: memref<100352xf32, #tpu.memory_space<vmem_shared>>, %arg13: memref<1x8x128xi32, #tpu.memory_space<vmem>>, %arg14: memref<1x8x128xi32, #tpu.memory_space<vmem>>, %arg15: memref<1x8x128x8xf32, #tpu.memory_space<vmem>>, %arg16: memref<1x8x128xf32, #tpu.memory_space<vmem>>, %arg17: memref<448x8xf32, #tpu.memory_space<vmem>>, %arg18: memref<448xf32, #tpu.memory_space<vmem>>, %arg19: memref<!tpu.dma_semaphore, #tpu.memory_space<semaphore_mem>>, %arg20: memref<!tpu.dma_semaphore, #tpu.memory_space<semaphore_mem>>, %arg21: memref<!tpu.dma_semaphore, #tpu.memory_space<semaphore_mem>>, %arg22: memref<!tpu.dma_semaphore, #tpu.memory_space<semaphore_mem>>) attributes {dimension_semantics = [#tpu.dimension_semantics<core_parallel>, #tpu.dimension_semantics<subcore_parallel>], iteration_bounds = array<i64: 2, 16>, scalar_prefetch = 0 : i64, scratch_operands = 14 : i64, tpu.core_type = #tpu.core_type<sc_vector_subcore>, window_params = [{transform_indices = #map}, {transform_indices = #map}, {transform_indices = #map}, {transform_indices = #map1}, {transform_indices = #map}, {transform_indices = #map}, {transform_indices = #map1}]} {
    %mul3A = arith.constant 16 : i32
    %mul3A_0 = arith.muli %arg0, %mul3A : i32
    %add3A = arith.addi %mul3A_0, %arg1 : i32
    %mul3A_1 = arith.constant 6272 : i32
    %mul3A_2 = arith.muli %arg1, %mul3A_1 : i32
    %scan3A = arith.constant 0 : i32
    %scan3A_3 = arith.constant 28 : i32
    %scan3A_4 = arith.addi %scan3A, %scan3A_3 : i32
    %scan3A_5 = arith.constant 1 : i32
    scf.for %scan3A_30 = %scan3A to %scan3A_4 step %scan3A_5  : i32 {
      %mul3A_31 = arith.constant 1 : i32
      %mul3A_32 = arith.muli %scan3A_30, %mul3A_31 : i32
      %add3A_33 = arith.constant 0 : i32
      %add3A_34 = arith.addi %add3A_33, %mul3A_32 : i32
      %broadcast_in_dim3A = arith.constant 0.000000e+00 : f32
      %broadcast_in_dim3A_35 = vector.broadcast %broadcast_in_dim3A : f32 to vector<16xf32>
      %mul3A_36 = arith.constant 16 : i32
      %mul3A_37 = arith.muli %add3A_34, %mul3A_36 : i32
      %swap3A = arith.index_cast %mul3A_37 : i32 to index
      %swap3A_38 = tpu.vector_load %arg18[%swap3A] {strides = array<i32>} : memref<448xf32, #tpu.memory_space<vmem>>, vector<16xf32>,
      %swap3A_39 = vector.shape_cast %swap3A_38 : vector<16xf32> to vector<16xf32>
      %swap3A_40 = vector.shape_cast %broadcast_in_dim3A_35 : vector<16xf32> to vector<16xf32>
      tpu.vector_store %arg18[%swap3A], %swap3A_40 {strides = array<i32>} : memref<448xf32, #tpu.memory_space<vmem>>, vector<16xf32>,
    }
    %scan3A_6 = arith.constant 28 : i32
    "tpu.region"() ({
      %run_scoped3A = tpu.sem_alloc : memref<!tpu.dma_semaphore, #tpu.memory_space<semaphore_mem>>
      tpu.enqueue_dma source(%arg6 : memref<448x8xf32, #tpu.memory_space<hbm>>) target(%arg17 : memref<448x8xf32, #tpu.memory_space<vmem>>) target_semaphore(%run_scoped3A : memref<!tpu.dma_semaphore, #tpu.memory_space<semaphore_mem>>)
      tpu.wait_dma2 semaphore(%run_scoped3A : memref<!tpu.dma_semaphore, #tpu.memory_space<semaphore_mem>>) src(%arg6 : memref<448x8xf32, #tpu.memory_space<hbm>>) dst(%arg17 : memref<448x8xf32, #tpu.memory_space<vmem>>)
      tpu.yield
    }) : () -> ()
    %scan3A_7 = arith.constant 0 : i32
    %scan3A_8 = arith.constant 14 : i32
    %scan3A_9 = arith.addi %scan3A_7, %scan3A_8 : i32
    %scan3A_10 = arith.constant 1 : i32
    scf.for %scan3A_30 = %scan3A_7 to %scan3A_9 step %scan3A_10  : i32 {
      %mul3A_31 = arith.constant 1 : i32
      %mul3A_32 = arith.muli %scan3A_30, %mul3A_31 : i32
      %add3A_33 = arith.constant 0 : i32
      %add3A_34 = arith.addi %add3A_33, %mul3A_32 : i32
      %mul3A_35 = arith.constant 448 : i32
      %mul3A_36 = arith.muli %add3A_34, %mul3A_35 : i32
      %add3A_37 = arith.addi %mul3A_2, %mul3A_36 : i32
      "tpu.region"() ({
        %run_scoped3A = tpu.sem_alloc : memref<!tpu.dma_semaphore, #tpu.memory_space<semaphore_mem>>
        %dma_start3A = arith.constant 0 : i32
        %dma_start3A_41 = tpu.memref_slice %arg10[%add3A_37, %dma_start3A] : memref<100352x8xf32, #tpu.memory_space<vmem_shared>> -> memref<448x8xf32, #tpu.memory_space<vmem_shared>>
        %dma_start3A_42 = arith.constant 0 : i32
        %dma_start3A_43 = tpu.memref_slice %arg10[%add3A_37, %dma_start3A_42] : memref<100352x8xf32, #tpu.memory_space<vmem_shared>> -> memref<448x8xf32, #tpu.memory_space<vmem_shared>>
        tpu.enqueue_dma source(%arg17 : memref<448x8xf32, #tpu.memory_space<vmem>>) target(%dma_start3A_43 : memref<448x8xf32, #tpu.memory_space<vmem_shared>>) target_semaphore(%run_scoped3A : memref<!tpu.dma_semaphore, #tpu.memory_space<semaphore_mem>>)
        %dma_wait3A = arith.constant 0 : i32
        %dma_wait3A_44 = tpu.memref_slice %arg10[%add3A_37, %dma_wait3A] : memref<100352x8xf32, #tpu.memory_space<vmem_shared>> -> memref<448x8xf32, #tpu.memory_space<vmem_shared>>
        %dma_wait3A_45 = arith.constant 0 : i32
        %dma_wait3A_46 = tpu.memref_slice %arg10[%add3A_37, %dma_wait3A_45] : memref<100352x8xf32, #tpu.memory_space<vmem_shared>> -> memref<448x8xf32, #tpu.memory_space<vmem_shared>>
        tpu.wait_dma2 semaphore(%run_scoped3A : memref<!tpu.dma_semaphore, #tpu.memory_space<semaphore_mem>>) src(%arg17 : memref<448x8xf32, #tpu.memory_space<vmem>>) dst(%dma_wait3A_46 : memref<448x8xf32, #tpu.memory_space<vmem_shared>>)
        tpu.yield
      }) : () -> ()
      %mul3A_38 = arith.constant 448 : i32
      %mul3A_39 = arith.muli %add3A_34, %mul3A_38 : i32
      %add3A_40 = arith.addi %mul3A_2, %mul3A_39 : i32
      "tpu.region"() ({
        %run_scoped3A = tpu.sem_alloc : memref<!tpu.dma_semaphore, #tpu.memory_space<semaphore_mem>>
        %dma_start3A = tpu.memref_slice %arg11[%add3A_40] : memref<100352xf32, #tpu.memory_space<vmem_shared>> -> memref<448xf32, #tpu.memory_space<vmem_shared>>
        %dma_start3A_41 = tpu.memref_slice %arg11[%add3A_40] : memref<100352xf32, #tpu.memory_space<vmem_shared>> -> memref<448xf32, #tpu.memory_space<vmem_shared>>
        tpu.enqueue_dma source(%arg18 : memref<448xf32, #tpu.memory_space<vmem>>) target(%dma_start3A_41 : memref<448xf32, #tpu.memory_space<vmem_shared>>) target_semaphore(%run_scoped3A : memref<!tpu.dma_semaphore, #tpu.memory_space<semaphore_mem>>)
        %dma_wait3A = tpu.memref_slice %arg11[%add3A_40] : memref<100352xf32, #tpu.memory_space<vmem_shared>> -> memref<448xf32, #tpu.memory_space<vmem_shared>>
        %dma_wait3A_42 = tpu.memref_slice %arg11[%add3A_40] : memref<100352xf32, #tpu.memory_space<vmem_shared>> -> memref<448xf32, #tpu.memory_space<vmem_shared>>
        tpu.wait_dma2 semaphore(%run_scoped3A : memref<!tpu.dma_semaphore, #tpu.memory_space<semaphore_mem>>) src(%arg18 : memref<448xf32, #tpu.memory_space<vmem>>) dst(%dma_wait3A_42 : memref<448xf32, #tpu.memory_space<vmem_shared>>)
        tpu.yield
      }) : () -> ()
    }
    %scan3A_11 = arith.constant 14 : i32
    %scan3A_12 = arith.constant 0 : i32
    %scan3A_13 = arith.constant 14 : i32
    %scan3A_14 = arith.addi %scan3A_12, %scan3A_13 : i32
    %scan3A_15 = arith.constant 1 : i32
    scf.for %scan3A_30 = %scan3A_12 to %scan3A_14 step %scan3A_15  : i32 {
      %mul3A_31 = arith.constant 1 : i32
      %mul3A_32 = arith.muli %scan3A_30, %mul3A_31 : i32
      %add3A_33 = arith.constant 0 : i32
      %add3A_34 = arith.addi %add3A_33, %mul3A_32 : i32
      %mul3A_35 = arith.constant 448 : i32
      %mul3A_36 = arith.muli %add3A_34, %mul3A_35 : i32
      %add3A_37 = arith.addi %mul3A_2, %mul3A_36 : i32
      "tpu.region"() ({
        %run_scoped3A = tpu.sem_alloc : memref<!tpu.dma_semaphore, #tpu.memory_space<semaphore_mem>>
        %dma_start3A = arith.constant 0 : i32
        %dma_start3A_47 = tpu.memref_slice %arg4[%add3A_37, %dma_start3A] : memref<100352x8xf32, #tpu.memory_space<hbm>> -> memref<448x8xf32, #tpu.memory_space<hbm>>
        %dma_start3A_48 = arith.constant 0 : i32
        %dma_start3A_49 = tpu.memref_slice %arg4[%add3A_37, %dma_start3A_48] : memref<100352x8xf32, #tpu.memory_space<hbm>> -> memref<448x8xf32, #tpu.memory_space<hbm>>
        tpu.enqueue_dma source(%dma_start3A_49 : memref<448x8xf32, #tpu.memory_space<hbm>>) target(%arg17 : memref<448x8xf32, #tpu.memory_space<vmem>>) target_semaphore(%run_scoped3A : memref<!tpu.dma_semaphore, #tpu.memory_space<semaphore_mem>>)
        %dma_wait3A = arith.constant 0 : i32
        %dma_wait3A_50 = tpu.memref_slice %arg4[%add3A_37, %dma_wait3A] : memref<100352x8xf32, #tpu.memory_space<hbm>> -> memref<448x8xf32, #tpu.memory_space<hbm>>
        %dma_wait3A_51 = arith.constant 0 : i32
        %dma_wait3A_52 = tpu.memref_slice %arg4[%add3A_37, %dma_wait3A_51] : memref<100352x8xf32, #tpu.memory_space<hbm>> -> memref<448x8xf32, #tpu.memory_space<hbm>>
        tpu.wait_dma2 semaphore(%run_scoped3A : memref<!tpu.dma_semaphore, #tpu.memory_space<semaphore_mem>>) src(%dma_wait3A_52 : memref<448x8xf32, #tpu.memory_space<hbm>>) dst(%arg17 : memref<448x8xf32, #tpu.memory_space<vmem>>)
        tpu.yield
      }) : () -> ()
      %mul3A_38 = arith.constant 448 : i32
      %mul3A_39 = arith.muli %add3A_34, %mul3A_38 : i32
      %add3A_40 = arith.addi %mul3A_2, %mul3A_39 : i32
      "tpu.region"() ({
        %run_scoped3A = tpu.sem_alloc : memref<!tpu.dma_semaphore, #tpu.memory_space<semaphore_mem>>
        %dma_start3A = arith.constant 0 : i32
        %dma_start3A_47 = tpu.memref_slice %arg9[%add3A_40, %dma_start3A] : memref<100352x8xf32, #tpu.memory_space<vmem_shared>> -> memref<448x8xf32, #tpu.memory_space<vmem_shared>>
        %dma_start3A_48 = arith.constant 0 : i32
        %dma_start3A_49 = tpu.memref_slice %arg9[%add3A_40, %dma_start3A_48] : memref<100352x8xf32, #tpu.memory_space<vmem_shared>> -> memref<448x8xf32, #tpu.memory_space<vmem_shared>>
        tpu.enqueue_dma source(%arg17 : memref<448x8xf32, #tpu.memory_space<vmem>>) target(%dma_start3A_49 : memref<448x8xf32, #tpu.memory_space<vmem_shared>>) target_semaphore(%run_scoped3A : memref<!tpu.dma_semaphore, #tpu.memory_space<semaphore_mem>>)
        %dma_wait3A = arith.constant 0 : i32
        %dma_wait3A_50 = tpu.memref_slice %arg9[%add3A_40, %dma_wait3A] : memref<100352x8xf32, #tpu.memory_space<vmem_shared>> -> memref<448x8xf32, #tpu.memory_space<vmem_shared>>
        %dma_wait3A_51 = arith.constant 0 : i32
        %dma_wait3A_52 = tpu.memref_slice %arg9[%add3A_40, %dma_wait3A_51] : memref<100352x8xf32, #tpu.memory_space<vmem_shared>> -> memref<448x8xf32, #tpu.memory_space<vmem_shared>>
        tpu.wait_dma2 semaphore(%run_scoped3A : memref<!tpu.dma_semaphore, #tpu.memory_space<semaphore_mem>>) src(%arg17 : memref<448x8xf32, #tpu.memory_space<vmem>>) dst(%dma_wait3A_52 : memref<448x8xf32, #tpu.memory_space<vmem_shared>>)
        tpu.yield
      }) : () -> ()
      %mul3A_41 = arith.constant 448 : i32
      %mul3A_42 = arith.muli %add3A_34, %mul3A_41 : i32
      %add3A_43 = arith.addi %mul3A_2, %mul3A_42 : i32
      "tpu.region"() ({
        %run_scoped3A = tpu.sem_alloc : memref<!tpu.dma_semaphore, #tpu.memory_space<semaphore_mem>>
        %dma_start3A = tpu.memref_slice %arg5[%add3A_43] : memref<100352xf32, #tpu.memory_space<hbm>> -> memref<448xf32, #tpu.memory_space<hbm>>
        %dma_start3A_47 = tpu.memref_slice %arg5[%add3A_43] : memref<100352xf32, #tpu.memory_space<hbm>> -> memref<448xf32, #tpu.memory_space<hbm>>
        tpu.enqueue_dma source(%dma_start3A_47 : memref<448xf32, #tpu.memory_space<hbm>>) target(%arg18 : memref<448xf32, #tpu.memory_space<vmem>>) target_semaphore(%run_scoped3A : memref<!tpu.dma_semaphore, #tpu.memory_space<semaphore_mem>>)
        %dma_wait3A = tpu.memref_slice %arg5[%add3A_43] : memref<100352xf32, #tpu.memory_space<hbm>> -> memref<448xf32, #tpu.memory_space<hbm>>
        %dma_wait3A_48 = tpu.memref_slice %arg5[%add3A_43] : memref<100352xf32, #tpu.memory_space<hbm>> -> memref<448xf32, #tpu.memory_space<hbm>>
        tpu.wait_dma2 semaphore(%run_scoped3A : memref<!tpu.dma_semaphore, #tpu.memory_space<semaphore_mem>>) src(%dma_wait3A_48 : memref<448xf32, #tpu.memory_space<hbm>>) dst(%arg18 : memref<448xf32, #tpu.memory_space<vmem>>)
        tpu.yield
      }) : () -> ()
      %mul3A_44 = arith.constant 448 : i32
      %mul3A_45 = arith.muli %add3A_34, %mul3A_44 : i32
      %add3A_46 = arith.addi %mul3A_2, %mul3A_45 : i32
      "tpu.region"() ({
        %run_scoped3A = tpu.sem_alloc : memref<!tpu.dma_semaphore, #tpu.memory_space<semaphore_mem>>
        %dma_start3A = tpu.memref_slice %arg12[%add3A_46] : memref<100352xf32, #tpu.memory_space<vmem_shared>> -> memref<448xf32, #tpu.memory_space<vmem_shared>>
        %dma_start3A_47 = tpu.memref_slice %arg12[%add3A_46] : memref<100352xf32, #tpu.memory_space<vmem_shared>> -> memref<448xf32, #tpu.memory_space<vmem_shared>>
        tpu.enqueue_dma source(%arg18 : memref<448xf32, #tpu.memory_space<vmem>>) target(%dma_start3A_47 : memref<448xf32, #tpu.memory_space<vmem_shared>>) target_semaphore(%run_scoped3A : memref<!tpu.dma_semaphore, #tpu.memory_space<semaphore_mem>>)
        %dma_wait3A = tpu.memref_slice %arg12[%add3A_46] : memref<100352xf32, #tpu.memory_space<vmem_shared>> -> memref<448xf32, #tpu.memory_space<vmem_shared>>
        %dma_wait3A_48 = tpu.memref_slice %arg12[%add3A_46] : memref<100352xf32, #tpu.memory_space<vmem_shared>> -> memref<448xf32, #tpu.memory_space<vmem_shared>>
        tpu.wait_dma2 semaphore(%run_scoped3A : memref<!tpu.dma_semaphore, #tpu.memory_space<semaphore_mem>>) src(%arg18 : memref<448xf32, #tpu.memory_space<vmem>>) dst(%dma_wait3A_48 : memref<448xf32, #tpu.memory_space<vmem_shared>>)
        tpu.yield
      }) : () -> ()
    }
    %scan3A_16 = arith.constant 14 : i32
    %barrier3A = arith.constant 0 : index
    tpu.barrier barrier_id(%barrier3A)
    %mul3A_17 = arith.constant 784 : i32
    %mul3A_18 = arith.muli %add3A, %mul3A_17 : i32
    %scan3A_19 = arith.constant 0 : i32
    %scan3A_20 = arith.constant 98 : i32
    %scan3A_21 = arith.addi %scan3A_19, %scan3A_20 : i32
    %scan3A_22 = arith.constant 1 : i32
    scf.for %scan3A_30 = %scan3A_19 to %scan3A_21 step %scan3A_22  : i32 {
      %mul3A_31 = arith.constant 1 : i32
      %mul3A_32 = arith.muli %scan3A_30, %mul3A_31 : i32
      %add3A_33 = arith.constant 0 : i32
      %add3A_34 = arith.addi %add3A_33, %mul3A_32 : i32
      %mul3A_35 = arith.constant 8 : i32
      %mul3A_36 = arith.muli %add3A_34, %mul3A_35 : i32
      %add3A_37 = arith.addi %mul3A_18, %mul3A_36 : i32
      %min3A = arith.constant 25080 : i32
      %min3A_38 = arith.minsi %add3A_37, %min3A : i32
      %run_scoped3A = arith.constant 0 : i32
      "tpu.region"() ({
        %run_scoped3A_870 = tpu.sem_alloc : memref<!tpu.dma_semaphore, #tpu.memory_space<semaphore_mem>>
        %dma_start3A_871 = arith.constant 0 : i32
        %dma_start3A_872 = arith.constant 0 : i32
        %dma_start3A_873 = tpu.memref_slice %arg13[%run_scoped3A, %dma_start3A_871, %dma_start3A_872] : memref<1x8x128xi32, #tpu.memory_space<vmem>> -> memref<1x8x128xi32, #tpu.memory_space<vmem>>
        %dma_start3A_874 = tpu.memref_squeeze %dma_start3A_873 : memref<1x8x128xi32, #tpu.memory_space<vmem>> -> memref<8x128xi32, #tpu.memory_space<vmem>>
        %dma_start3A_875 = arith.constant 0 : i32
        %dma_start3A_876 = tpu.memref_slice %arg2[%min3A_38, %dma_start3A_875] : memref<25088x128xi32, #tpu.memory_space<hbm>> -> memref<8x128xi32, #tpu.memory_space<hbm>>
        %dma_start3A_877 = arith.constant 0 : i32
        %dma_start3A_878 = arith.constant 0 : i32
        %dma_start3A_879 = tpu.memref_slice %arg13[%run_scoped3A, %dma_start3A_877, %dma_start3A_878] : memref<1x8x128xi32, #tpu.memory_space<vmem>> -> memref<1x8x128xi32, #tpu.memory_space<vmem>>
        %dma_start3A_880 = tpu.memref_squeeze %dma_start3A_879 : memref<1x8x128xi32, #tpu.memory_space<vmem>> -> memref<8x128xi32, #tpu.memory_space<vmem>>
        %dma_start3A_881 = arith.constant 0 : i32
        %dma_start3A_882 = tpu.memref_slice %arg2[%min3A_38, %dma_start3A_881] : memref<25088x128xi32, #tpu.memory_space<hbm>> -> memref<8x128xi32, #tpu.memory_space<hbm>>
        tpu.enqueue_dma source(%dma_start3A_882 : memref<8x128xi32, #tpu.memory_space<hbm>>) target(%dma_start3A_880 : memref<8x128xi32, #tpu.memory_space<vmem>>) target_semaphore(%run_scoped3A_870 : memref<!tpu.dma_semaphore, #tpu.memory_space<semaphore_mem>>)
        %dma_wait3A_883 = arith.constant 0 : i32
        %dma_wait3A_884 = arith.constant 0 : i32
        %dma_wait3A_885 = tpu.memref_slice %arg13[%run_scoped3A, %dma_wait3A_883, %dma_wait3A_884] : memref<1x8x128xi32, #tpu.memory_space<vmem>> -> memref<1x8x128xi32, #tpu.memory_space<vmem>>
        %dma_wait3A_886 = tpu.memref_squeeze %dma_wait3A_885 : memref<1x8x128xi32, #tpu.memory_space<vmem>> -> memref<8x128xi32, #tpu.memory_space<vmem>>
        %dma_wait3A_887 = arith.constant 0 : i32
        %dma_wait3A_888 = tpu.memref_slice %arg2[%min3A_38, %dma_wait3A_887] : memref<25088x128xi32, #tpu.memory_space<hbm>> -> memref<8x128xi32, #tpu.memory_space<hbm>>
        %dma_wait3A_889 = arith.constant 0 : i32
        %dma_wait3A_890 = arith.constant 0 : i32
        %dma_wait3A_891 = tpu.memref_slice %arg13[%run_scoped3A, %dma_wait3A_889, %dma_wait3A_890] : memref<1x8x128xi32, #tpu.memory_space<vmem>> -> memref<1x8x128xi32, #tpu.memory_space<vmem>>
        %dma_wait3A_892 = tpu.memref_squeeze %dma_wait3A_891 : memref<1x8x128xi32, #tpu.memory_space<vmem>> -> memref<8x128xi32, #tpu.memory_space<vmem>>
        %dma_wait3A_893 = arith.constant 0 : i32
        %dma_wait3A_894 = tpu.memref_slice %arg2[%min3A_38, %dma_wait3A_893] : memref<25088x128xi32, #tpu.memory_space<hbm>> -> memref<8x128xi32, #tpu.memory_space<hbm>>
        tpu.wait_dma2 semaphore(%run_scoped3A_870 : memref<!tpu.dma_semaphore, #tpu.memory_space<semaphore_mem>>) src(%dma_wait3A_894 : memref<8x128xi32, #tpu.memory_space<hbm>>) dst(%dma_wait3A_892 : memref<8x128xi32, #tpu.memory_space<vmem>>)
        tpu.yield
      }) : () -> ()
      %run_scoped3A_39 = arith.constant 0 : i32
      "tpu.region"() ({
        %run_scoped3A_870 = tpu.sem_alloc : memref<!tpu.dma_semaphore, #tpu.memory_space<semaphore_mem>>
        %dma_start3A_871 = arith.constant 0 : i32
        %dma_start3A_872 = arith.constant 0 : i32
        %dma_start3A_873 = tpu.memref_slice %arg14[%run_scoped3A_39, %dma_start3A_871, %dma_start3A_872] : memref<1x8x128xi32, #tpu.memory_space<vmem>> -> memref<1x8x128xi32, #tpu.memory_space<vmem>>
        %dma_start3A_874 = tpu.memref_squeeze %dma_start3A_873 : memref<1x8x128xi32, #tpu.memory_space<vmem>> -> memref<8x128xi32, #tpu.memory_space<vmem>>
        %dma_start3A_875 = arith.constant 0 : i32
        %dma_start3A_876 = tpu.memref_slice %arg3[%min3A_38, %dma_start3A_875] : memref<25088x128xi32, #tpu.memory_space<hbm>> -> memref<8x128xi32, #tpu.memory_space<hbm>>
        %dma_start3A_877 = arith.constant 0 : i32
        %dma_start3A_878 = arith.constant 0 : i32
        %dma_start3A_879 = tpu.memref_slice %arg14[%run_scoped3A_39, %dma_start3A_877, %dma_start3A_878] : memref<1x8x128xi32, #tpu.memory_space<vmem>> -> memref<1x8x128xi32, #tpu.memory_space<vmem>>
        %dma_start3A_880 = tpu.memref_squeeze %dma_start3A_879 : memref<1x8x128xi32, #tpu.memory_space<vmem>> -> memref<8x128xi32, #tpu.memory_space<vmem>>
        %dma_start3A_881 = arith.constant 0 : i32
        %dma_start3A_882 = tpu.memref_slice %arg3[%min3A_38, %dma_start3A_881] : memref<25088x128xi32, #tpu.memory_space<hbm>> -> memref<8x128xi32, #tpu.memory_space<hbm>>
        tpu.enqueue_dma source(%dma_start3A_882 : memref<8x128xi32, #tpu.memory_space<hbm>>) target(%dma_start3A_880 : memref<8x128xi32, #tpu.memory_space<vmem>>) target_semaphore(%run_scoped3A_870 : memref<!tpu.dma_semaphore, #tpu.memory_space<semaphore_mem>>)
        %dma_wait3A_883 = arith.constant 0 : i32
        %dma_wait3A_884 = arith.constant 0 : i32
        %dma_wait3A_885 = tpu.memref_slice %arg14[%run_scoped3A_39, %dma_wait3A_883, %dma_wait3A_884] : memref<1x8x128xi32, #tpu.memory_space<vmem>> -> memref<1x8x128xi32, #tpu.memory_space<vmem>>
        %dma_wait3A_886 = tpu.memref_squeeze %dma_wait3A_885 : memref<1x8x128xi32, #tpu.memory_space<vmem>> -> memref<8x128xi32, #tpu.memory_space<vmem>>
        %dma_wait3A_887 = arith.constant 0 : i32
        %dma_wait3A_888 = tpu.memref_slice %arg3[%min3A_38, %dma_wait3A_887] : memref<25088x128xi32, #tpu.memory_space<hbm>> -> memref<8x128xi32, #tpu.memory_space<hbm>>
        %dma_wait3A_889 = arith.constant 0 : i32
        %dma_wait3A_890 = arith.constant 0 : i32
        %dma_wait3A_891 = tpu.memref_slice %arg14[%run_scoped3A_39, %dma_wait3A_889, %dma_wait3A_890] : memref<1x8x128xi32, #tpu.memory_space<vmem>> -> memref<1x8x128xi32, #tpu.memory_space<vmem>>
        %dma_wait3A_892 = tpu.memref_squeeze %dma_wait3A_891 : memref<1x8x128xi32, #tpu.memory_space<vmem>> -> memref<8x128xi32, #tpu.memory_space<vmem>>
        %dma_wait3A_893 = arith.constant 0 : i32
        %dma_wait3A_894 = tpu.memref_slice %arg3[%min3A_38, %dma_wait3A_893] : memref<25088x128xi32, #tpu.memory_space<hbm>> -> memref<8x128xi32, #tpu.memory_space<hbm>>
        tpu.wait_dma2 semaphore(%run_scoped3A_870 : memref<!tpu.dma_semaphore, #tpu.memory_space<semaphore_mem>>) src(%dma_wait3A_894 : memref<8x128xi32, #tpu.memory_space<hbm>>) dst(%dma_wait3A_892 : memref<8x128xi32, #tpu.memory_space<vmem>>)
        tpu.yield
      }) : () -> ()
      %dma_start3A = arith.constant 0 : i32
      %dma_start3A_40 = arith.constant 0 : i32
      %dma_start3A_41 = arith.constant 0 : i32
      %dma_start3A_42 = arith.constant 0 : i32
      %dma_start3A_43 = arith.constant 0 : i32
      %dma_start3A_44 = arith.constant 0 : i32
      %dma_start3A_45 = tpu.memref_slice %arg15[%dma_start3A_41, %dma_start3A_42, %dma_start3A_43, %dma_start3A_44] : memref<1x8x128x8xf32, #tpu.memory_space<vmem>> -> memref<1x1x128x8xf32, #tpu.memory_space<vmem>>
      %dma_start3A_46 = tpu.memref_squeeze %dma_start3A_45 : memref<1x1x128x8xf32, #tpu.memory_space<vmem>> -> memref<128x8xf32, #tpu.memory_space<vmem>>
      %dma_start3A_47 = arith.constant 0 : i32
      %dma_start3A_48 = tpu.memref_slice %arg13[%dma_start3A, %dma_start3A_40, %dma_start3A_47] : memref<1x8x128xi32, #tpu.memory_space<vmem>> -> memref<1x1x128xi32, #tpu.memory_space<vmem>>
      %dma_start3A_49 = tpu.memref_squeeze %dma_start3A_48 : memref<1x1x128xi32, #tpu.memory_space<vmem>> -> memref<128xi32, #tpu.memory_space<vmem>>
      %dma_start3A_50 = arith.constant 0 : i32
      %dma_start3A_51 = arith.constant 0 : i32
      %dma_start3A_52 = tpu.memref_slice %arg9[%dma_start3A_50, %dma_start3A_51] : memref<100352x8xf32, #tpu.memory_space<vmem_shared>> -> memref<100352x8xf32, #tpu.memory_space<vmem_shared>>
      tpu.enqueue_indirect_dma source(%dma_start3A_52 : memref<100352x8xf32, #tpu.memory_space<vmem_shared>>) target(%dma_start3A_46 : memref<128x8xf32, #tpu.memory_space<vmem>>) offsets(%dma_start3A_49 : memref<128xi32, #tpu.memory_space<vmem>>) semaphore(%arg19 : memref<!tpu.dma_semaphore, #tpu.memory_space<semaphore_mem>>)
      %dma_start3A_53 = arith.constant 0 : i32
      %dma_start3A_54 = arith.constant 1 : i32
      %dma_start3A_55 = arith.constant 0 : i32
      %dma_start3A_56 = arith.constant 1 : i32
      %dma_start3A_57 = arith.constant 0 : i32
      %dma_start3A_58 = arith.constant 0 : i32
      %dma_start3A_59 = tpu.memref_slice %arg15[%dma_start3A_55, %dma_start3A_56, %dma_start3A_57, %dma_start3A_58] : memref<1x8x128x8xf32, #tpu.memory_space<vmem>> -> memref<1x1x128x8xf32, #tpu.memory_space<vmem>>
      %dma_start3A_60 = tpu.memref_squeeze %dma_start3A_59 : memref<1x1x128x8xf32, #tpu.memory_space<vmem>> -> memref<128x8xf32, #tpu.memory_space<vmem>>
      %dma_start3A_61 = arith.constant 0 : i32
      %dma_start3A_62 = tpu.memref_slice %arg13[%dma_start3A_53, %dma_start3A_54, %dma_start3A_61] : memref<1x8x128xi32, #tpu.memory_space<vmem>> -> memref<1x1x128xi32, #tpu.memory_space<vmem>>
      %dma_start3A_63 = tpu.memref_squeeze %dma_start3A_62 : memref<1x1x128xi32, #tpu.memory_space<vmem>> -> memref<128xi32, #tpu.memory_space<vmem>>
      %dma_start3A_64 = arith.constant 0 : i32
      %dma_start3A_65 = arith.constant 0 : i32
      %dma_start3A_66 = tpu.memref_slice %arg9[%dma_start3A_64, %dma_start3A_65] : memref<100352x8xf32, #tpu.memory_space<vmem_shared>> -> memref<100352x8xf32, #tpu.memory_space<vmem_shared>>
      tpu.enqueue_indirect_dma source(%dma_start3A_66 : memref<100352x8xf32, #tpu.memory_space<vmem_shared>>) target(%dma_start3A_60 : memref<128x8xf32, #tpu.memory_space<vmem>>) offsets(%dma_start3A_63 : memref<128xi32, #tpu.memory_space<vmem>>) semaphore(%arg19 : memref<!tpu.dma_semaphore, #tpu.memory_space<semaphore_mem>>)
      %dma_start3A_67 = arith.constant 0 : i32
      %dma_start3A_68 = arith.constant 2 : i32
      %dma_start3A_69 = arith.constant 0 : i32
      %dma_start3A_70 = arith.constant 2 : i32
      %dma_start3A_71 = arith.constant 0 : i32
      %dma_start3A_72 = arith.constant 0 : i32
      %dma_start3A_73 = tpu.memref_slice %arg15[%dma_start3A_69, %dma_start3A_70, %dma_start3A_71, %dma_start3A_72] : memref<1x8x128x8xf32, #tpu.memory_space<vmem>> -> memref<1x1x128x8xf32, #tpu.memory_space<vmem>>
      %dma_start3A_74 = tpu.memref_squeeze %dma_start3A_73 : memref<1x1x128x8xf32, #tpu.memory_space<vmem>> -> memref<128x8xf32, #tpu.memory_space<vmem>>
      %dma_start3A_75 = arith.constant 0 : i32
      %dma_start3A_76 = tpu.memref_slice %arg13[%dma_start3A_67, %dma_start3A_68, %dma_start3A_75] : memref<1x8x128xi32, #tpu.memory_space<vmem>> -> memref<1x1x128xi32, #tpu.memory_space<vmem>>
      %dma_start3A_77 = tpu.memref_squeeze %dma_start3A_76 : memref<1x1x128xi32, #tpu.memory_space<vmem>> -> memref<128xi32, #tpu.memory_space<vmem>>
      %dma_start3A_78 = arith.constant 0 : i32
      %dma_start3A_79 = arith.constant 0 : i32
      %dma_start3A_80 = tpu.memref_slice %arg9[%dma_start3A_78, %dma_start3A_79] : memref<100352x8xf32, #tpu.memory_space<vmem_shared>> -> memref<100352x8xf32, #tpu.memory_space<vmem_shared>>
      tpu.enqueue_indirect_dma source(%dma_start3A_80 : memref<100352x8xf32, #tpu.memory_space<vmem_shared>>) target(%dma_start3A_74 : memref<128x8xf32, #tpu.memory_space<vmem>>) offsets(%dma_start3A_77 : memref<128xi32, #tpu.memory_space<vmem>>) semaphore(%arg19 : memref<!tpu.dma_semaphore, #tpu.memory_space<semaphore_mem>>)
      %dma_start3A_81 = arith.constant 0 : i32
      %dma_start3A_82 = arith.constant 3 : i32
      %dma_start3A_83 = arith.constant 0 : i32
      %dma_start3A_84 = arith.constant 3 : i32
      %dma_start3A_85 = arith.constant 0 : i32
      %dma_start3A_86 = arith.constant 0 : i32
      %dma_start3A_87 = tpu.memref_slice %arg15[%dma_start3A_83, %dma_start3A_84, %dma_start3A_85, %dma_start3A_86] : memref<1x8x128x8xf32, #tpu.memory_space<vmem>> -> memref<1x1x128x8xf32, #tpu.memory_space<vmem>>
      %dma_start3A_88 = tpu.memref_squeeze %dma_start3A_87 : memref<1x1x128x8xf32, #tpu.memory_space<vmem>> -> memref<128x8xf32, #tpu.memory_space<vmem>>
      %dma_start3A_89 = arith.constant 0 : i32
      %dma_start3A_90 = tpu.memref_slice %arg13[%dma_start3A_81, %dma_start3A_82, %dma_start3A_89] : memref<1x8x128xi32, #tpu.memory_space<vmem>> -> memref<1x1x128xi32, #tpu.memory_space<vmem>>
      %dma_start3A_91 = tpu.memref_squeeze %dma_start3A_90 : memref<1x1x128xi32, #tpu.memory_space<vmem>> -> memref<128xi32, #tpu.memory_space<vmem>>
      %dma_start3A_92 = arith.constant 0 : i32
      %dma_start3A_93 = arith.constant 0 : i32
      %dma_start3A_94 = tpu.memref_slice %arg9[%dma_start3A_92, %dma_start3A_93] : memref<100352x8xf32, #tpu.memory_space<vmem_shared>> -> memref<100352x8xf32, #tpu.memory_space<vmem_shared>>
      tpu.enqueue_indirect_dma source(%dma_start3A_94 : memref<100352x8xf32, #tpu.memory_space<vmem_shared>>) target(%dma_start3A_88 : memref<128x8xf32, #tpu.memory_space<vmem>>) offsets(%dma_start3A_91 : memref<128xi32, #tpu.memory_space<vmem>>) semaphore(%arg19 : memref<!tpu.dma_semaphore, #tpu.memory_space<semaphore_mem>>)
      %dma_start3A_95 = arith.constant 0 : i32
      %dma_start3A_96 = arith.constant 4 : i32
      %dma_start3A_97 = arith.constant 0 : i32
      %dma_start3A_98 = arith.constant 4 : i32
      %dma_start3A_99 = arith.constant 0 : i32
      %dma_start3A_100 = arith.constant 0 : i32
      %dma_start3A_101 = tpu.memref_slice %arg15[%dma_start3A_97, %dma_start3A_98, %dma_start3A_99, %dma_start3A_100] : memref<1x8x128x8xf32, #tpu.memory_space<vmem>> -> memref<1x1x128x8xf32, #tpu.memory_space<vmem>>
      %dma_start3A_102 = tpu.memref_squeeze %dma_start3A_101 : memref<1x1x128x8xf32, #tpu.memory_space<vmem>> -> memref<128x8xf32, #tpu.memory_space<vmem>>
      %dma_start3A_103 = arith.constant 0 : i32
      %dma_start3A_104 = tpu.memref_slice %arg13[%dma_start3A_95, %dma_start3A_96, %dma_start3A_103] : memref<1x8x128xi32, #tpu.memory_space<vmem>> -> memref<1x1x128xi32, #tpu.memory_space<vmem>>
      %dma_start3A_105 = tpu.memref_squeeze %dma_start3A_104 : memref<1x1x128xi32, #tpu.memory_space<vmem>> -> memref<128xi32, #tpu.memory_space<vmem>>
      %dma_start3A_106 = arith.constant 0 : i32
      %dma_start3A_107 = arith.constant 0 : i32
      %dma_start3A_108 = tpu.memref_slice %arg9[%dma_start3A_106, %dma_start3A_107] : memref<100352x8xf32, #tpu.memory_space<vmem_shared>> -> memref<100352x8xf32, #tpu.memory_space<vmem_shared>>
      tpu.enqueue_indirect_dma source(%dma_start3A_108 : memref<100352x8xf32, #tpu.memory_space<vmem_shared>>) target(%dma_start3A_102 : memref<128x8xf32, #tpu.memory_space<vmem>>) offsets(%dma_start3A_105 : memref<128xi32, #tpu.memory_space<vmem>>) semaphore(%arg19 : memref<!tpu.dma_semaphore, #tpu.memory_space<semaphore_mem>>)
      %dma_start3A_109 = arith.constant 0 : i32
      %dma_start3A_110 = arith.constant 5 : i32
      %dma_start3A_111 = arith.constant 0 : i32
      %dma_start3A_112 = arith.constant 5 : i32
      %dma_start3A_113 = arith.constant 0 : i32
      %dma_start3A_114 = arith.constant 0 : i32
      %dma_start3A_115 = tpu.memref_slice %arg15[%dma_start3A_111, %dma_start3A_112, %dma_start3A_113, %dma_start3A_114] : memref<1x8x128x8xf32, #tpu.memory_space<vmem>> -> memref<1x1x128x8xf32, #tpu.memory_space<vmem>>
      %dma_start3A_116 = tpu.memref_squeeze %dma_start3A_115 : memref<1x1x128x8xf32, #tpu.memory_space<vmem>> -> memref<128x8xf32, #tpu.memory_space<vmem>>
      %dma_start3A_117 = arith.constant 0 : i32
      %dma_start3A_118 = tpu.memref_slice %arg13[%dma_start3A_109, %dma_start3A_110, %dma_start3A_117] : memref<1x8x128xi32, #tpu.memory_space<vmem>> -> memref<1x1x128xi32, #tpu.memory_space<vmem>>
      %dma_start3A_119 = tpu.memref_squeeze %dma_start3A_118 : memref<1x1x128xi32, #tpu.memory_space<vmem>> -> memref<128xi32, #tpu.memory_space<vmem>>
      %dma_start3A_120 = arith.constant 0 : i32
      %dma_start3A_121 = arith.constant 0 : i32
      %dma_start3A_122 = tpu.memref_slice %arg9[%dma_start3A_120, %dma_start3A_121] : memref<100352x8xf32, #tpu.memory_space<vmem_shared>> -> memref<100352x8xf32, #tpu.memory_space<vmem_shared>>
      tpu.enqueue_indirect_dma source(%dma_start3A_122 : memref<100352x8xf32, #tpu.memory_space<vmem_shared>>) target(%dma_start3A_116 : memref<128x8xf32, #tpu.memory_space<vmem>>) offsets(%dma_start3A_119 : memref<128xi32, #tpu.memory_space<vmem>>) semaphore(%arg19 : memref<!tpu.dma_semaphore, #tpu.memory_space<semaphore_mem>>)
      %dma_start3A_123 = arith.constant 0 : i32
      %dma_start3A_124 = arith.constant 6 : i32
      %dma_start3A_125 = arith.constant 0 : i32
      %dma_start3A_126 = arith.constant 6 : i32
      %dma_start3A_127 = arith.constant 0 : i32
      %dma_start3A_128 = arith.constant 0 : i32
      %dma_start3A_129 = tpu.memref_slice %arg15[%dma_start3A_125, %dma_start3A_126, %dma_start3A_127, %dma_start3A_128] : memref<1x8x128x8xf32, #tpu.memory_space<vmem>> -> memref<1x1x128x8xf32, #tpu.memory_space<vmem>>
      %dma_start3A_130 = tpu.memref_squeeze %dma_start3A_129 : memref<1x1x128x8xf32, #tpu.memory_space<vmem>> -> memref<128x8xf32, #tpu.memory_space<vmem>>
      %dma_start3A_131 = arith.constant 0 : i32
      %dma_start3A_132 = tpu.memref_slice %arg13[%dma_start3A_123, %dma_start3A_124, %dma_start3A_131] : memref<1x8x128xi32, #tpu.memory_space<vmem>> -> memref<1x1x128xi32, #tpu.memory_space<vmem>>
      %dma_start3A_133 = tpu.memref_squeeze %dma_start3A_132 : memref<1x1x128xi32, #tpu.memory_space<vmem>> -> memref<128xi32, #tpu.memory_space<vmem>>
      %dma_start3A_134 = arith.constant 0 : i32
      %dma_start3A_135 = arith.constant 0 : i32
      %dma_start3A_136 = tpu.memref_slice %arg9[%dma_start3A_134, %dma_start3A_135] : memref<100352x8xf32, #tpu.memory_space<vmem_shared>> -> memref<100352x8xf32, #tpu.memory_space<vmem_shared>>
      tpu.enqueue_indirect_dma source(%dma_start3A_136 : memref<100352x8xf32, #tpu.memory_space<vmem_shared>>) target(%dma_start3A_130 : memref<128x8xf32, #tpu.memory_space<vmem>>) offsets(%dma_start3A_133 : memref<128xi32, #tpu.memory_space<vmem>>) semaphore(%arg19 : memref<!tpu.dma_semaphore, #tpu.memory_space<semaphore_mem>>)
      %dma_start3A_137 = arith.constant 0 : i32
      %dma_start3A_138 = arith.constant 7 : i32
      %dma_start3A_139 = arith.constant 0 : i32
      %dma_start3A_140 = arith.constant 7 : i32
      %dma_start3A_141 = arith.constant 0 : i32
      %dma_start3A_142 = arith.constant 0 : i32
      %dma_start3A_143 = tpu.memref_slice %arg15[%dma_start3A_139, %dma_start3A_140, %dma_start3A_141, %dma_start3A_142] : memref<1x8x128x8xf32, #tpu.memory_space<vmem>> -> memref<1x1x128x8xf32, #tpu.memory_space<vmem>>
      %dma_start3A_144 = tpu.memref_squeeze %dma_start3A_143 : memref<1x1x128x8xf32, #tpu.memory_space<vmem>> -> memref<128x8xf32, #tpu.memory_space<vmem>>
      %dma_start3A_145 = arith.constant 0 : i32
      %dma_start3A_146 = tpu.memref_slice %arg13[%dma_start3A_137, %dma_start3A_138, %dma_start3A_145] : memref<1x8x128xi32, #tpu.memory_space<vmem>> -> memref<1x1x128xi32, #tpu.memory_space<vmem>>
      %dma_start3A_147 = tpu.memref_squeeze %dma_start3A_146 : memref<1x1x128xi32, #tpu.memory_space<vmem>> -> memref<128xi32, #tpu.memory_space<vmem>>
      %dma_start3A_148 = arith.constant 0 : i32
      %dma_start3A_149 = arith.constant 0 : i32
      %dma_start3A_150 = tpu.memref_slice %arg9[%dma_start3A_148, %dma_start3A_149] : memref<100352x8xf32, #tpu.memory_space<vmem_shared>> -> memref<100352x8xf32, #tpu.memory_space<vmem_shared>>
      tpu.enqueue_indirect_dma source(%dma_start3A_150 : memref<100352x8xf32, #tpu.memory_space<vmem_shared>>) target(%dma_start3A_144 : memref<128x8xf32, #tpu.memory_space<vmem>>) offsets(%dma_start3A_147 : memref<128xi32, #tpu.memory_space<vmem>>) semaphore(%arg19 : memref<!tpu.dma_semaphore, #tpu.memory_space<semaphore_mem>>)
      %dma_start3A_151 = arith.constant 0 : i32
      %dma_start3A_152 = arith.constant 0 : i32
      %dma_start3A_153 = arith.constant 0 : i32
      %dma_start3A_154 = arith.constant 0 : i32
      %dma_start3A_155 = arith.constant 0 : i32
      %dma_start3A_156 = tpu.memref_slice %arg16[%dma_start3A_153, %dma_start3A_154, %dma_start3A_155] : memref<1x8x128xf32, #tpu.memory_space<vmem>> -> memref<1x1x128xf32, #tpu.memory_space<vmem>>
      %dma_start3A_157 = tpu.memref_squeeze %dma_start3A_156 : memref<1x1x128xf32, #tpu.memory_space<vmem>> -> memref<128xf32, #tpu.memory_space<vmem>>
      %dma_start3A_158 = arith.constant 0 : i32
      %dma_start3A_159 = tpu.memref_slice %arg14[%dma_start3A_151, %dma_start3A_152, %dma_start3A_158] : memref<1x8x128xi32, #tpu.memory_space<vmem>> -> memref<1x1x128xi32, #tpu.memory_space<vmem>>
      %dma_start3A_160 = tpu.memref_squeeze %dma_start3A_159 : memref<1x1x128xi32, #tpu.memory_space<vmem>> -> memref<128xi32, #tpu.memory_space<vmem>>
      %dma_start3A_161 = arith.constant 0 : i32
      %dma_start3A_162 = tpu.memref_slice %arg12[%dma_start3A_161] : memref<100352xf32, #tpu.memory_space<vmem_shared>> -> memref<100352xf32, #tpu.memory_space<vmem_shared>>
      tpu.enqueue_indirect_dma source(%dma_start3A_162 : memref<100352xf32, #tpu.memory_space<vmem_shared>>) target(%dma_start3A_157 : memref<128xf32, #tpu.memory_space<vmem>>) offsets(%dma_start3A_160 : memref<128xi32, #tpu.memory_space<vmem>>) semaphore(%arg20 : memref<!tpu.dma_semaphore, #tpu.memory_space<semaphore_mem>>)
      %dma_start3A_163 = arith.constant 0 : i32
      %dma_start3A_164 = arith.constant 1 : i32
      %dma_start3A_165 = arith.constant 0 : i32
      %dma_start3A_166 = arith.constant 1 : i32
      %dma_start3A_167 = arith.constant 0 : i32
      %dma_start3A_168 = tpu.memref_slice %arg16[%dma_start3A_165, %dma_start3A_166, %dma_start3A_167] : memref<1x8x128xf32, #tpu.memory_space<vmem>> -> memref<1x1x128xf32, #tpu.memory_space<vmem>>
      %dma_start3A_169 = tpu.memref_squeeze %dma_start3A_168 : memref<1x1x128xf32, #tpu.memory_space<vmem>> -> memref<128xf32, #tpu.memory_space<vmem>>
      %dma_start3A_170 = arith.constant 0 : i32
      %dma_start3A_171 = tpu.memref_slice %arg14[%dma_start3A_163, %dma_start3A_164, %dma_start3A_170] : memref<1x8x128xi32, #tpu.memory_space<vmem>> -> memref<1x1x128xi32, #tpu.memory_space<vmem>>
      %dma_start3A_172 = tpu.memref_squeeze %dma_start3A_171 : memref<1x1x128xi32, #tpu.memory_space<vmem>> -> memref<128xi32, #tpu.memory_space<vmem>>
      %dma_start3A_173 = arith.constant 0 : i32
      %dma_start3A_174 = tpu.memref_slice %arg12[%dma_start3A_173] : memref<100352xf32, #tpu.memory_space<vmem_shared>> -> memref<100352xf32, #tpu.memory_space<vmem_shared>>
      tpu.enqueue_indirect_dma source(%dma_start3A_174 : memref<100352xf32, #tpu.memory_space<vmem_shared>>) target(%dma_start3A_169 : memref<128xf32, #tpu.memory_space<vmem>>) offsets(%dma_start3A_172 : memref<128xi32, #tpu.memory_space<vmem>>) semaphore(%arg20 : memref<!tpu.dma_semaphore, #tpu.memory_space<semaphore_mem>>)
      %dma_start3A_175 = arith.constant 0 : i32
      %dma_start3A_176 = arith.constant 2 : i32
      %dma_start3A_177 = arith.constant 0 : i32
      %dma_start3A_178 = arith.constant 2 : i32
      %dma_start3A_179 = arith.constant 0 : i32
      %dma_start3A_180 = tpu.memref_slice %arg16[%dma_start3A_177, %dma_start3A_178, %dma_start3A_179] : memref<1x8x128xf32, #tpu.memory_space<vmem>> -> memref<1x1x128xf32, #tpu.memory_space<vmem>>
      %dma_start3A_181 = tpu.memref_squeeze %dma_start3A_180 : memref<1x1x128xf32, #tpu.memory_space<vmem>> -> memref<128xf32, #tpu.memory_space<vmem>>
      %dma_start3A_182 = arith.constant 0 : i32
      %dma_start3A_183 = tpu.memref_slice %arg14[%dma_start3A_175, %dma_start3A_176, %dma_start3A_182] : memref<1x8x128xi32, #tpu.memory_space<vmem>> -> memref<1x1x128xi32, #tpu.memory_space<vmem>>
      %dma_start3A_184 = tpu.memref_squeeze %dma_start3A_183 : memref<1x1x128xi32, #tpu.memory_space<vmem>> -> memref<128xi32, #tpu.memory_space<vmem>>
      %dma_start3A_185 = arith.constant 0 : i32
      %dma_start3A_186 = tpu.memref_slice %arg12[%dma_start3A_185] : memref<100352xf32, #tpu.memory_space<vmem_shared>> -> memref<100352xf32, #tpu.memory_space<vmem_shared>>
      tpu.enqueue_indirect_dma source(%dma_start3A_186 : memref<100352xf32, #tpu.memory_space<vmem_shared>>) target(%dma_start3A_181 : memref<128xf32, #tpu.memory_space<vmem>>) offsets(%dma_start3A_184 : memref<128xi32, #tpu.memory_space<vmem>>) semaphore(%arg20 : memref<!tpu.dma_semaphore, #tpu.memory_space<semaphore_mem>>)
      %dma_start3A_187 = arith.constant 0 : i32
      %dma_start3A_188 = arith.constant 3 : i32
      %dma_start3A_189 = arith.constant 0 : i32
      %dma_start3A_190 = arith.constant 3 : i32
      %dma_start3A_191 = arith.constant 0 : i32
      %dma_start3A_192 = tpu.memref_slice %arg16[%dma_start3A_189, %dma_start3A_190, %dma_start3A_191] : memref<1x8x128xf32, #tpu.memory_space<vmem>> -> memref<1x1x128xf32, #tpu.memory_space<vmem>>
      %dma_start3A_193 = tpu.memref_squeeze %dma_start3A_192 : memref<1x1x128xf32, #tpu.memory_space<vmem>> -> memref<128xf32, #tpu.memory_space<vmem>>
      %dma_start3A_194 = arith.constant 0 : i32
      %dma_start3A_195 = tpu.memref_slice %arg14[%dma_start3A_187, %dma_start3A_188, %dma_start3A_194] : memref<1x8x128xi32, #tpu.memory_space<vmem>> -> memref<1x1x128xi32, #tpu.memory_space<vmem>>
      %dma_start3A_196 = tpu.memref_squeeze %dma_start3A_195 : memref<1x1x128xi32, #tpu.memory_space<vmem>> -> memref<128xi32, #tpu.memory_space<vmem>>
      %dma_start3A_197 = arith.constant 0 : i32
      %dma_start3A_198 = tpu.memref_slice %arg12[%dma_start3A_197] : memref<100352xf32, #tpu.memory_space<vmem_shared>> -> memref<100352xf32, #tpu.memory_space<vmem_shared>>
      tpu.enqueue_indirect_dma source(%dma_start3A_198 : memref<100352xf32, #tpu.memory_space<vmem_shared>>) target(%dma_start3A_193 : memref<128xf32, #tpu.memory_space<vmem>>) offsets(%dma_start3A_196 : memref<128xi32, #tpu.memory_space<vmem>>) semaphore(%arg20 : memref<!tpu.dma_semaphore, #tpu.memory_space<semaphore_mem>>)
      %dma_start3A_199 = arith.constant 0 : i32
      %dma_start3A_200 = arith.constant 4 : i32
      %dma_start3A_201 = arith.constant 0 : i32
      %dma_start3A_202 = arith.constant 4 : i32
      %dma_start3A_203 = arith.constant 0 : i32
      %dma_start3A_204 = tpu.memref_slice %arg16[%dma_start3A_201, %dma_start3A_202, %dma_start3A_203] : memref<1x8x128xf32, #tpu.memory_space<vmem>> -> memref<1x1x128xf32, #tpu.memory_space<vmem>>
      %dma_start3A_205 = tpu.memref_squeeze %dma_start3A_204 : memref<1x1x128xf32, #tpu.memory_space<vmem>> -> memref<128xf32, #tpu.memory_space<vmem>>
      %dma_start3A_206 = arith.constant 0 : i32
      %dma_start3A_207 = tpu.memref_slice %arg14[%dma_start3A_199, %dma_start3A_200, %dma_start3A_206] : memref<1x8x128xi32, #tpu.memory_space<vmem>> -> memref<1x1x128xi32, #tpu.memory_space<vmem>>
      %dma_start3A_208 = tpu.memref_squeeze %dma_start3A_207 : memref<1x1x128xi32, #tpu.memory_space<vmem>> -> memref<128xi32, #tpu.memory_space<vmem>>
      %dma_start3A_209 = arith.constant 0 : i32
      %dma_start3A_210 = tpu.memref_slice %arg12[%dma_start3A_209] : memref<100352xf32, #tpu.memory_space<vmem_shared>> -> memref<100352xf32, #tpu.memory_space<vmem_shared>>
      tpu.enqueue_indirect_dma source(%dma_start3A_210 : memref<100352xf32, #tpu.memory_space<vmem_shared>>) target(%dma_start3A_205 : memref<128xf32, #tpu.memory_space<vmem>>) offsets(%dma_start3A_208 : memref<128xi32, #tpu.memory_space<vmem>>) semaphore(%arg20 : memref<!tpu.dma_semaphore, #tpu.memory_space<semaphore_mem>>)
      %dma_start3A_211 = arith.constant 0 : i32
      %dma_start3A_212 = arith.constant 5 : i32
      %dma_start3A_213 = arith.constant 0 : i32
      %dma_start3A_214 = arith.constant 5 : i32
      %dma_start3A_215 = arith.constant 0 : i32
      %dma_start3A_216 = tpu.memref_slice %arg16[%dma_start3A_213, %dma_start3A_214, %dma_start3A_215] : memref<1x8x128xf32, #tpu.memory_space<vmem>> -> memref<1x1x128xf32, #tpu.memory_space<vmem>>
      %dma_start3A_217 = tpu.memref_squeeze %dma_start3A_216 : memref<1x1x128xf32, #tpu.memory_space<vmem>> -> memref<128xf32, #tpu.memory_space<vmem>>
      %dma_start3A_218 = arith.constant 0 : i32
      %dma_start3A_219 = tpu.memref_slice %arg14[%dma_start3A_211, %dma_start3A_212, %dma_start3A_218] : memref<1x8x128xi32, #tpu.memory_space<vmem>> -> memref<1x1x128xi32, #tpu.memory_space<vmem>>
      %dma_start3A_220 = tpu.memref_squeeze %dma_start3A_219 : memref<1x1x128xi32, #tpu.memory_space<vmem>> -> memref<128xi32, #tpu.memory_space<vmem>>
      %dma_start3A_221 = arith.constant 0 : i32
      %dma_start3A_222 = tpu.memref_slice %arg12[%dma_start3A_221] : memref<100352xf32, #tpu.memory_space<vmem_shared>> -> memref<100352xf32, #tpu.memory_space<vmem_shared>>
      tpu.enqueue_indirect_dma source(%dma_start3A_222 : memref<100352xf32, #tpu.memory_space<vmem_shared>>) target(%dma_start3A_217 : memref<128xf32, #tpu.memory_space<vmem>>) offsets(%dma_start3A_220 : memref<128xi32, #tpu.memory_space<vmem>>) semaphore(%arg20 : memref<!tpu.dma_semaphore, #tpu.memory_space<semaphore_mem>>)
      %dma_start3A_223 = arith.constant 0 : i32
      %dma_start3A_224 = arith.constant 6 : i32
      %dma_start3A_225 = arith.constant 0 : i32
      %dma_start3A_226 = arith.constant 6 : i32
      %dma_start3A_227 = arith.constant 0 : i32
      %dma_start3A_228 = tpu.memref_slice %arg16[%dma_start3A_225, %dma_start3A_226, %dma_start3A_227] : memref<1x8x128xf32, #tpu.memory_space<vmem>> -> memref<1x1x128xf32, #tpu.memory_space<vmem>>
      %dma_start3A_229 = tpu.memref_squeeze %dma_start3A_228 : memref<1x1x128xf32, #tpu.memory_space<vmem>> -> memref<128xf32, #tpu.memory_space<vmem>>
      %dma_start3A_230 = arith.constant 0 : i32
      %dma_start3A_231 = tpu.memref_slice %arg14[%dma_start3A_223, %dma_start3A_224, %dma_start3A_230] : memref<1x8x128xi32, #tpu.memory_space<vmem>> -> memref<1x1x128xi32, #tpu.memory_space<vmem>>
      %dma_start3A_232 = tpu.memref_squeeze %dma_start3A_231 : memref<1x1x128xi32, #tpu.memory_space<vmem>> -> memref<128xi32, #tpu.memory_space<vmem>>
      %dma_start3A_233 = arith.constant 0 : i32
      %dma_start3A_234 = tpu.memref_slice %arg12[%dma_start3A_233] : memref<100352xf32, #tpu.memory_space<vmem_shared>> -> memref<100352xf32, #tpu.memory_space<vmem_shared>>
      tpu.enqueue_indirect_dma source(%dma_start3A_234 : memref<100352xf32, #tpu.memory_space<vmem_shared>>) target(%dma_start3A_229 : memref<128xf32, #tpu.memory_space<vmem>>) offsets(%dma_start3A_232 : memref<128xi32, #tpu.memory_space<vmem>>) semaphore(%arg20 : memref<!tpu.dma_semaphore, #tpu.memory_space<semaphore_mem>>)
      %dma_start3A_235 = arith.constant 0 : i32
      %dma_start3A_236 = arith.constant 7 : i32
      %dma_start3A_237 = arith.constant 0 : i32
      %dma_start3A_238 = arith.constant 7 : i32
      %dma_start3A_239 = arith.constant 0 : i32
      %dma_start3A_240 = tpu.memref_slice %arg16[%dma_start3A_237, %dma_start3A_238, %dma_start3A_239] : memref<1x8x128xf32, #tpu.memory_space<vmem>> -> memref<1x1x128xf32, #tpu.memory_space<vmem>>
      %dma_start3A_241 = tpu.memref_squeeze %dma_start3A_240 : memref<1x1x128xf32, #tpu.memory_space<vmem>> -> memref<128xf32, #tpu.memory_space<vmem>>
      %dma_start3A_242 = arith.constant 0 : i32
      %dma_start3A_243 = tpu.memref_slice %arg14[%dma_start3A_235, %dma_start3A_236, %dma_start3A_242] : memref<1x8x128xi32, #tpu.memory_space<vmem>> -> memref<1x1x128xi32, #tpu.memory_space<vmem>>
      %dma_start3A_244 = tpu.memref_squeeze %dma_start3A_243 : memref<1x1x128xi32, #tpu.memory_space<vmem>> -> memref<128xi32, #tpu.memory_space<vmem>>
      %dma_start3A_245 = arith.constant 0 : i32
      %dma_start3A_246 = tpu.memref_slice %arg12[%dma_start3A_245] : memref<100352xf32, #tpu.memory_space<vmem_shared>> -> memref<100352xf32, #tpu.memory_space<vmem_shared>>
      tpu.enqueue_indirect_dma source(%dma_start3A_246 : memref<100352xf32, #tpu.memory_space<vmem_shared>>) target(%dma_start3A_241 : memref<128xf32, #tpu.memory_space<vmem>>) offsets(%dma_start3A_244 : memref<128xi32, #tpu.memory_space<vmem>>) semaphore(%arg20 : memref<!tpu.dma_semaphore, #tpu.memory_space<semaphore_mem>>)
      %dma_wait3A = arith.constant 0 : i32
      %dma_wait3A_247 = arith.constant 0 : i32
      %dma_wait3A_248 = arith.constant 0 : i32
      %dma_wait3A_249 = arith.constant 0 : i32
      %dma_wait3A_250 = arith.constant 0 : i32
      %dma_wait3A_251 = arith.constant 0 : i32
      %dma_wait3A_252 = tpu.memref_slice %arg15[%dma_wait3A_248, %dma_wait3A_249, %dma_wait3A_250, %dma_wait3A_251] : memref<1x8x128x8xf32, #tpu.memory_space<vmem>> -> memref<1x1x128x8xf32, #tpu.memory_space<vmem>>
      %dma_wait3A_253 = tpu.memref_squeeze %dma_wait3A_252 : memref<1x1x128x8xf32, #tpu.memory_space<vmem>> -> memref<128x8xf32, #tpu.memory_space<vmem>>
      %dma_wait3A_254 = arith.constant 0 : i32
      %dma_wait3A_255 = tpu.memref_slice %arg13[%dma_wait3A, %dma_wait3A_247, %dma_wait3A_254] : memref<1x8x128xi32, #tpu.memory_space<vmem>> -> memref<1x1x128xi32, #tpu.memory_space<vmem>>
      %dma_wait3A_256 = tpu.memref_squeeze %dma_wait3A_255 : memref<1x1x128xi32, #tpu.memory_space<vmem>> -> memref<128xi32, #tpu.memory_space<vmem>>
      %dma_wait3A_257 = arith.constant 0 : i32
      %dma_wait3A_258 = arith.constant 0 : i32
      %dma_wait3A_259 = tpu.memref_slice %arg9[%dma_wait3A_257, %dma_wait3A_258] : memref<100352x8xf32, #tpu.memory_space<vmem_shared>> -> memref<100352x8xf32, #tpu.memory_space<vmem_shared>>
      tpu.wait_indirect_dma semaphore(%arg19 : memref<!tpu.dma_semaphore, #tpu.memory_space<semaphore_mem>>) src(%dma_wait3A_259 : memref<100352x8xf32, #tpu.memory_space<vmem_shared>>) dst(%dma_wait3A_253 : memref<128x8xf32, #tpu.memory_space<vmem>>)
      %dma_wait3A_260 = arith.constant 0 : i32
      %dma_wait3A_261 = arith.constant 1 : i32
      %dma_wait3A_262 = arith.constant 0 : i32
      %dma_wait3A_263 = arith.constant 1 : i32
      %dma_wait3A_264 = arith.constant 0 : i32
      %dma_wait3A_265 = arith.constant 0 : i32
      %dma_wait3A_266 = tpu.memref_slice %arg15[%dma_wait3A_262, %dma_wait3A_263, %dma_wait3A_264, %dma_wait3A_265] : memref<1x8x128x8xf32, #tpu.memory_space<vmem>> -> memref<1x1x128x8xf32, #tpu.memory_space<vmem>>
      %dma_wait3A_267 = tpu.memref_squeeze %dma_wait3A_266 : memref<1x1x128x8xf32, #tpu.memory_space<vmem>> -> memref<128x8xf32, #tpu.memory_space<vmem>>
      %dma_wait3A_268 = arith.constant 0 : i32
      %dma_wait3A_269 = tpu.memref_slice %arg13[%dma_wait3A_260, %dma_wait3A_261, %dma_wait3A_268] : memref<1x8x128xi32, #tpu.memory_space<vmem>> -> memref<1x1x128xi32, #tpu.memory_space<vmem>>
      %dma_wait3A_270 = tpu.memref_squeeze %dma_wait3A_269 : memref<1x1x128xi32, #tpu.memory_space<vmem>> -> memref<128xi32, #tpu.memory_space<vmem>>
      %dma_wait3A_271 = arith.constant 0 : i32
      %dma_wait3A_272 = arith.constant 0 : i32
      %dma_wait3A_273 = tpu.memref_slice %arg9[%dma_wait3A_271, %dma_wait3A_272] : memref<100352x8xf32, #tpu.memory_space<vmem_shared>> -> memref<100352x8xf32, #tpu.memory_space<vmem_shared>>
      tpu.wait_indirect_dma semaphore(%arg19 : memref<!tpu.dma_semaphore, #tpu.memory_space<semaphore_mem>>) src(%dma_wait3A_273 : memref<100352x8xf32, #tpu.memory_space<vmem_shared>>) dst(%dma_wait3A_267 : memref<128x8xf32, #tpu.memory_space<vmem>>)
      %dma_wait3A_274 = arith.constant 0 : i32
      %dma_wait3A_275 = arith.constant 2 : i32
      %dma_wait3A_276 = arith.constant 0 : i32
      %dma_wait3A_277 = arith.constant 2 : i32
      %dma_wait3A_278 = arith.constant 0 : i32
      %dma_wait3A_279 = arith.constant 0 : i32
      %dma_wait3A_280 = tpu.memref_slice %arg15[%dma_wait3A_276, %dma_wait3A_277, %dma_wait3A_278, %dma_wait3A_279] : memref<1x8x128x8xf32, #tpu.memory_space<vmem>> -> memref<1x1x128x8xf32, #tpu.memory_space<vmem>>
      %dma_wait3A_281 = tpu.memref_squeeze %dma_wait3A_280 : memref<1x1x128x8xf32, #tpu.memory_space<vmem>> -> memref<128x8xf32, #tpu.memory_space<vmem>>
      %dma_wait3A_282 = arith.constant 0 : i32
      %dma_wait3A_283 = tpu.memref_slice %arg13[%dma_wait3A_274, %dma_wait3A_275, %dma_wait3A_282] : memref<1x8x128xi32, #tpu.memory_space<vmem>> -> memref<1x1x128xi32, #tpu.memory_space<vmem>>
      %dma_wait3A_284 = tpu.memref_squeeze %dma_wait3A_283 : memref<1x1x128xi32, #tpu.memory_space<vmem>> -> memref<128xi32, #tpu.memory_space<vmem>>
      %dma_wait3A_285 = arith.constant 0 : i32
      %dma_wait3A_286 = arith.constant 0 : i32
      %dma_wait3A_287 = tpu.memref_slice %arg9[%dma_wait3A_285, %dma_wait3A_286] : memref<100352x8xf32, #tpu.memory_space<vmem_shared>> -> memref<100352x8xf32, #tpu.memory_space<vmem_shared>>
      tpu.wait_indirect_dma semaphore(%arg19 : memref<!tpu.dma_semaphore, #tpu.memory_space<semaphore_mem>>) src(%dma_wait3A_287 : memref<100352x8xf32, #tpu.memory_space<vmem_shared>>) dst(%dma_wait3A_281 : memref<128x8xf32, #tpu.memory_space<vmem>>)
      %dma_wait3A_288 = arith.constant 0 : i32
      %dma_wait3A_289 = arith.constant 3 : i32
      %dma_wait3A_290 = arith.constant 0 : i32
      %dma_wait3A_291 = arith.constant 3 : i32
      %dma_wait3A_292 = arith.constant 0 : i32
      %dma_wait3A_293 = arith.constant 0 : i32
      %dma_wait3A_294 = tpu.memref_slice %arg15[%dma_wait3A_290, %dma_wait3A_291, %dma_wait3A_292, %dma_wait3A_293] : memref<1x8x128x8xf32, #tpu.memory_space<vmem>> -> memref<1x1x128x8xf32, #tpu.memory_space<vmem>>
      %dma_wait3A_295 = tpu.memref_squeeze %dma_wait3A_294 : memref<1x1x128x8xf32, #tpu.memory_space<vmem>> -> memref<128x8xf32, #tpu.memory_space<vmem>>
      %dma_wait3A_296 = arith.constant 0 : i32
      %dma_wait3A_297 = tpu.memref_slice %arg13[%dma_wait3A_288, %dma_wait3A_289, %dma_wait3A_296] : memref<1x8x128xi32, #tpu.memory_space<vmem>> -> memref<1x1x128xi32, #tpu.memory_space<vmem>>
      %dma_wait3A_298 = tpu.memref_squeeze %dma_wait3A_297 : memref<1x1x128xi32, #tpu.memory_space<vmem>> -> memref<128xi32, #tpu.memory_space<vmem>>
      %dma_wait3A_299 = arith.constant 0 : i32
      %dma_wait3A_300 = arith.constant 0 : i32
      %dma_wait3A_301 = tpu.memref_slice %arg9[%dma_wait3A_299, %dma_wait3A_300] : memref<100352x8xf32, #tpu.memory_space<vmem_shared>> -> memref<100352x8xf32, #tpu.memory_space<vmem_shared>>
      tpu.wait_indirect_dma semaphore(%arg19 : memref<!tpu.dma_semaphore, #tpu.memory_space<semaphore_mem>>) src(%dma_wait3A_301 : memref<100352x8xf32, #tpu.memory_space<vmem_shared>>) dst(%dma_wait3A_295 : memref<128x8xf32, #tpu.memory_space<vmem>>)
      %dma_wait3A_302 = arith.constant 0 : i32
      %dma_wait3A_303 = arith.constant 4 : i32
      %dma_wait3A_304 = arith.constant 0 : i32
      %dma_wait3A_305 = arith.constant 4 : i32
      %dma_wait3A_306 = arith.constant 0 : i32
      %dma_wait3A_307 = arith.constant 0 : i32
      %dma_wait3A_308 = tpu.memref_slice %arg15[%dma_wait3A_304, %dma_wait3A_305, %dma_wait3A_306, %dma_wait3A_307] : memref<1x8x128x8xf32, #tpu.memory_space<vmem>> -> memref<1x1x128x8xf32, #tpu.memory_space<vmem>>
      %dma_wait3A_309 = tpu.memref_squeeze %dma_wait3A_308 : memref<1x1x128x8xf32, #tpu.memory_space<vmem>> -> memref<128x8xf32, #tpu.memory_space<vmem>>
      %dma_wait3A_310 = arith.constant 0 : i32
      %dma_wait3A_311 = tpu.memref_slice %arg13[%dma_wait3A_302, %dma_wait3A_303, %dma_wait3A_310] : memref<1x8x128xi32, #tpu.memory_space<vmem>> -> memref<1x1x128xi32, #tpu.memory_space<vmem>>
      %dma_wait3A_312 = tpu.memref_squeeze %dma_wait3A_311 : memref<1x1x128xi32, #tpu.memory_space<vmem>> -> memref<128xi32, #tpu.memory_space<vmem>>
      %dma_wait3A_313 = arith.constant 0 : i32
      %dma_wait3A_314 = arith.constant 0 : i32
      %dma_wait3A_315 = tpu.memref_slice %arg9[%dma_wait3A_313, %dma_wait3A_314] : memref<100352x8xf32, #tpu.memory_space<vmem_shared>> -> memref<100352x8xf32, #tpu.memory_space<vmem_shared>>
      tpu.wait_indirect_dma semaphore(%arg19 : memref<!tpu.dma_semaphore, #tpu.memory_space<semaphore_mem>>) src(%dma_wait3A_315 : memref<100352x8xf32, #tpu.memory_space<vmem_shared>>) dst(%dma_wait3A_309 : memref<128x8xf32, #tpu.memory_space<vmem>>)
      %dma_wait3A_316 = arith.constant 0 : i32
      %dma_wait3A_317 = arith.constant 5 : i32
      %dma_wait3A_318 = arith.constant 0 : i32
      %dma_wait3A_319 = arith.constant 5 : i32
      %dma_wait3A_320 = arith.constant 0 : i32
      %dma_wait3A_321 = arith.constant 0 : i32
      %dma_wait3A_322 = tpu.memref_slice %arg15[%dma_wait3A_318, %dma_wait3A_319, %dma_wait3A_320, %dma_wait3A_321] : memref<1x8x128x8xf32, #tpu.memory_space<vmem>> -> memref<1x1x128x8xf32, #tpu.memory_space<vmem>>
      %dma_wait3A_323 = tpu.memref_squeeze %dma_wait3A_322 : memref<1x1x128x8xf32, #tpu.memory_space<vmem>> -> memref<128x8xf32, #tpu.memory_space<vmem>>
      %dma_wait3A_324 = arith.constant 0 : i32
      %dma_wait3A_325 = tpu.memref_slice %arg13[%dma_wait3A_316, %dma_wait3A_317, %dma_wait3A_324] : memref<1x8x128xi32, #tpu.memory_space<vmem>> -> memref<1x1x128xi32, #tpu.memory_space<vmem>>
      %dma_wait3A_326 = tpu.memref_squeeze %dma_wait3A_325 : memref<1x1x128xi32, #tpu.memory_space<vmem>> -> memref<128xi32, #tpu.memory_space<vmem>>
      %dma_wait3A_327 = arith.constant 0 : i32
      %dma_wait3A_328 = arith.constant 0 : i32
      %dma_wait3A_329 = tpu.memref_slice %arg9[%dma_wait3A_327, %dma_wait3A_328] : memref<100352x8xf32, #tpu.memory_space<vmem_shared>> -> memref<100352x8xf32, #tpu.memory_space<vmem_shared>>
      tpu.wait_indirect_dma semaphore(%arg19 : memref<!tpu.dma_semaphore, #tpu.memory_space<semaphore_mem>>) src(%dma_wait3A_329 : memref<100352x8xf32, #tpu.memory_space<vmem_shared>>) dst(%dma_wait3A_323 : memref<128x8xf32, #tpu.memory_space<vmem>>)
      %dma_wait3A_330 = arith.constant 0 : i32
      %dma_wait3A_331 = arith.constant 6 : i32
      %dma_wait3A_332 = arith.constant 0 : i32
      %dma_wait3A_333 = arith.constant 6 : i32
      %dma_wait3A_334 = arith.constant 0 : i32
      %dma_wait3A_335 = arith.constant 0 : i32
      %dma_wait3A_336 = tpu.memref_slice %arg15[%dma_wait3A_332, %dma_wait3A_333, %dma_wait3A_334, %dma_wait3A_335] : memref<1x8x128x8xf32, #tpu.memory_space<vmem>> -> memref<1x1x128x8xf32, #tpu.memory_space<vmem>>
      %dma_wait3A_337 = tpu.memref_squeeze %dma_wait3A_336 : memref<1x1x128x8xf32, #tpu.memory_space<vmem>> -> memref<128x8xf32, #tpu.memory_space<vmem>>
      %dma_wait3A_338 = arith.constant 0 : i32
      %dma_wait3A_339 = tpu.memref_slice %arg13[%dma_wait3A_330, %dma_wait3A_331, %dma_wait3A_338] : memref<1x8x128xi32, #tpu.memory_space<vmem>> -> memref<1x1x128xi32, #tpu.memory_space<vmem>>
      %dma_wait3A_340 = tpu.memref_squeeze %dma_wait3A_339 : memref<1x1x128xi32, #tpu.memory_space<vmem>> -> memref<128xi32, #tpu.memory_space<vmem>>
      %dma_wait3A_341 = arith.constant 0 : i32
      %dma_wait3A_342 = arith.constant 0 : i32
      %dma_wait3A_343 = tpu.memref_slice %arg9[%dma_wait3A_341, %dma_wait3A_342] : memref<100352x8xf32, #tpu.memory_space<vmem_shared>> -> memref<100352x8xf32, #tpu.memory_space<vmem_shared>>
      tpu.wait_indirect_dma semaphore(%arg19 : memref<!tpu.dma_semaphore, #tpu.memory_space<semaphore_mem>>) src(%dma_wait3A_343 : memref<100352x8xf32, #tpu.memory_space<vmem_shared>>) dst(%dma_wait3A_337 : memref<128x8xf32, #tpu.memory_space<vmem>>)
      %dma_wait3A_344 = arith.constant 0 : i32
      %dma_wait3A_345 = arith.constant 7 : i32
      %dma_wait3A_346 = arith.constant 0 : i32
      %dma_wait3A_347 = arith.constant 7 : i32
      %dma_wait3A_348 = arith.constant 0 : i32
      %dma_wait3A_349 = arith.constant 0 : i32
      %dma_wait3A_350 = tpu.memref_slice %arg15[%dma_wait3A_346, %dma_wait3A_347, %dma_wait3A_348, %dma_wait3A_349] : memref<1x8x128x8xf32, #tpu.memory_space<vmem>> -> memref<1x1x128x8xf32, #tpu.memory_space<vmem>>
      %dma_wait3A_351 = tpu.memref_squeeze %dma_wait3A_350 : memref<1x1x128x8xf32, #tpu.memory_space<vmem>> -> memref<128x8xf32, #tpu.memory_space<vmem>>
      %dma_wait3A_352 = arith.constant 0 : i32
      %dma_wait3A_353 = tpu.memref_slice %arg13[%dma_wait3A_344, %dma_wait3A_345, %dma_wait3A_352] : memref<1x8x128xi32, #tpu.memory_space<vmem>> -> memref<1x1x128xi32, #tpu.memory_space<vmem>>
      %dma_wait3A_354 = tpu.memref_squeeze %dma_wait3A_353 : memref<1x1x128xi32, #tpu.memory_space<vmem>> -> memref<128xi32, #tpu.memory_space<vmem>>
      %dma_wait3A_355 = arith.constant 0 : i32
      %dma_wait3A_356 = arith.constant 0 : i32
      %dma_wait3A_357 = tpu.memref_slice %arg9[%dma_wait3A_355, %dma_wait3A_356] : memref<100352x8xf32, #tpu.memory_space<vmem_shared>> -> memref<100352x8xf32, #tpu.memory_space<vmem_shared>>
      tpu.wait_indirect_dma semaphore(%arg19 : memref<!tpu.dma_semaphore, #tpu.memory_space<semaphore_mem>>) src(%dma_wait3A_357 : memref<100352x8xf32, #tpu.memory_space<vmem_shared>>) dst(%dma_wait3A_351 : memref<128x8xf32, #tpu.memory_space<vmem>>)
      %dma_wait3A_358 = arith.constant 0 : i32
      %dma_wait3A_359 = arith.constant 0 : i32
      %dma_wait3A_360 = arith.constant 0 : i32
      %dma_wait3A_361 = arith.constant 0 : i32
      %dma_wait3A_362 = arith.constant 0 : i32
      %dma_wait3A_363 = tpu.memref_slice %arg16[%dma_wait3A_360, %dma_wait3A_361, %dma_wait3A_362] : memref<1x8x128xf32, #tpu.memory_space<vmem>> -> memref<1x1x128xf32, #tpu.memory_space<vmem>>
      %dma_wait3A_364 = tpu.memref_squeeze %dma_wait3A_363 : memref<1x1x128xf32, #tpu.memory_space<vmem>> -> memref<128xf32, #tpu.memory_space<vmem>>
      %dma_wait3A_365 = arith.constant 0 : i32
      %dma_wait3A_366 = tpu.memref_slice %arg14[%dma_wait3A_358, %dma_wait3A_359, %dma_wait3A_365] : memref<1x8x128xi32, #tpu.memory_space<vmem>> -> memref<1x1x128xi32, #tpu.memory_space<vmem>>
      %dma_wait3A_367 = tpu.memref_squeeze %dma_wait3A_366 : memref<1x1x128xi32, #tpu.memory_space<vmem>> -> memref<128xi32, #tpu.memory_space<vmem>>
      %dma_wait3A_368 = arith.constant 0 : i32
      %dma_wait3A_369 = tpu.memref_slice %arg12[%dma_wait3A_368] : memref<100352xf32, #tpu.memory_space<vmem_shared>> -> memref<100352xf32, #tpu.memory_space<vmem_shared>>
      tpu.wait_indirect_dma semaphore(%arg20 : memref<!tpu.dma_semaphore, #tpu.memory_space<semaphore_mem>>) src(%dma_wait3A_369 : memref<100352xf32, #tpu.memory_space<vmem_shared>>) dst(%dma_wait3A_364 : memref<128xf32, #tpu.memory_space<vmem>>)
      %dma_wait3A_370 = arith.constant 0 : i32
      %dma_wait3A_371 = arith.constant 1 : i32
      %dma_wait3A_372 = arith.constant 0 : i32
      %dma_wait3A_373 = arith.constant 1 : i32
      %dma_wait3A_374 = arith.constant 0 : i32
      %dma_wait3A_375 = tpu.memref_slice %arg16[%dma_wait3A_372, %dma_wait3A_373, %dma_wait3A_374] : memref<1x8x128xf32, #tpu.memory_space<vmem>> -> memref<1x1x128xf32, #tpu.memory_space<vmem>>
      %dma_wait3A_376 = tpu.memref_squeeze %dma_wait3A_375 : memref<1x1x128xf32, #tpu.memory_space<vmem>> -> memref<128xf32, #tpu.memory_space<vmem>>
      %dma_wait3A_377 = arith.constant 0 : i32
      %dma_wait3A_378 = tpu.memref_slice %arg14[%dma_wait3A_370, %dma_wait3A_371, %dma_wait3A_377] : memref<1x8x128xi32, #tpu.memory_space<vmem>> -> memref<1x1x128xi32, #tpu.memory_space<vmem>>
      %dma_wait3A_379 = tpu.memref_squeeze %dma_wait3A_378 : memref<1x1x128xi32, #tpu.memory_space<vmem>> -> memref<128xi32, #tpu.memory_space<vmem>>
      %dma_wait3A_380 = arith.constant 0 : i32
      %dma_wait3A_381 = tpu.memref_slice %arg12[%dma_wait3A_380] : memref<100352xf32, #tpu.memory_space<vmem_shared>> -> memref<100352xf32, #tpu.memory_space<vmem_shared>>
      tpu.wait_indirect_dma semaphore(%arg20 : memref<!tpu.dma_semaphore, #tpu.memory_space<semaphore_mem>>) src(%dma_wait3A_381 : memref<100352xf32, #tpu.memory_space<vmem_shared>>) dst(%dma_wait3A_376 : memref<128xf32, #tpu.memory_space<vmem>>)
      %dma_wait3A_382 = arith.constant 0 : i32
      %dma_wait3A_383 = arith.constant 2 : i32
      %dma_wait3A_384 = arith.constant 0 : i32
      %dma_wait3A_385 = arith.constant 2 : i32
      %dma_wait3A_386 = arith.constant 0 : i32
      %dma_wait3A_387 = tpu.memref_slice %arg16[%dma_wait3A_384, %dma_wait3A_385, %dma_wait3A_386] : memref<1x8x128xf32, #tpu.memory_space<vmem>> -> memref<1x1x128xf32, #tpu.memory_space<vmem>>
      %dma_wait3A_388 = tpu.memref_squeeze %dma_wait3A_387 : memref<1x1x128xf32, #tpu.memory_space<vmem>> -> memref<128xf32, #tpu.memory_space<vmem>>
      %dma_wait3A_389 = arith.constant 0 : i32
      %dma_wait3A_390 = tpu.memref_slice %arg14[%dma_wait3A_382, %dma_wait3A_383, %dma_wait3A_389] : memref<1x8x128xi32, #tpu.memory_space<vmem>> -> memref<1x1x128xi32, #tpu.memory_space<vmem>>
      %dma_wait3A_391 = tpu.memref_squeeze %dma_wait3A_390 : memref<1x1x128xi32, #tpu.memory_space<vmem>> -> memref<128xi32, #tpu.memory_space<vmem>>
      %dma_wait3A_392 = arith.constant 0 : i32
      %dma_wait3A_393 = tpu.memref_slice %arg12[%dma_wait3A_392] : memref<100352xf32, #tpu.memory_space<vmem_shared>> -> memref<100352xf32, #tpu.memory_space<vmem_shared>>
      tpu.wait_indirect_dma semaphore(%arg20 : memref<!tpu.dma_semaphore, #tpu.memory_space<semaphore_mem>>) src(%dma_wait3A_393 : memref<100352xf32, #tpu.memory_space<vmem_shared>>) dst(%dma_wait3A_388 : memref<128xf32, #tpu.memory_space<vmem>>)
      %dma_wait3A_394 = arith.constant 0 : i32
      %dma_wait3A_395 = arith.constant 3 : i32
      %dma_wait3A_396 = arith.constant 0 : i32
      %dma_wait3A_397 = arith.constant 3 : i32
      %dma_wait3A_398 = arith.constant 0 : i32
      %dma_wait3A_399 = tpu.memref_slice %arg16[%dma_wait3A_396, %dma_wait3A_397, %dma_wait3A_398] : memref<1x8x128xf32, #tpu.memory_space<vmem>> -> memref<1x1x128xf32, #tpu.memory_space<vmem>>
      %dma_wait3A_400 = tpu.memref_squeeze %dma_wait3A_399 : memref<1x1x128xf32, #tpu.memory_space<vmem>> -> memref<128xf32, #tpu.memory_space<vmem>>
      %dma_wait3A_401 = arith.constant 0 : i32
      %dma_wait3A_402 = tpu.memref_slice %arg14[%dma_wait3A_394, %dma_wait3A_395, %dma_wait3A_401] : memref<1x8x128xi32, #tpu.memory_space<vmem>> -> memref<1x1x128xi32, #tpu.memory_space<vmem>>
      %dma_wait3A_403 = tpu.memref_squeeze %dma_wait3A_402 : memref<1x1x128xi32, #tpu.memory_space<vmem>> -> memref<128xi32, #tpu.memory_space<vmem>>
      %dma_wait3A_404 = arith.constant 0 : i32
      %dma_wait3A_405 = tpu.memref_slice %arg12[%dma_wait3A_404] : memref<100352xf32, #tpu.memory_space<vmem_shared>> -> memref<100352xf32, #tpu.memory_space<vmem_shared>>
      tpu.wait_indirect_dma semaphore(%arg20 : memref<!tpu.dma_semaphore, #tpu.memory_space<semaphore_mem>>) src(%dma_wait3A_405 : memref<100352xf32, #tpu.memory_space<vmem_shared>>) dst(%dma_wait3A_400 : memref<128xf32, #tpu.memory_space<vmem>>)
      %dma_wait3A_406 = arith.constant 0 : i32
      %dma_wait3A_407 = arith.constant 4 : i32
      %dma_wait3A_408 = arith.constant 0 : i32
      %dma_wait3A_409 = arith.constant 4 : i32
      %dma_wait3A_410 = arith.constant 0 : i32
      %dma_wait3A_411 = tpu.memref_slice %arg16[%dma_wait3A_408, %dma_wait3A_409, %dma_wait3A_410] : memref<1x8x128xf32, #tpu.memory_space<vmem>> -> memref<1x1x128xf32, #tpu.memory_space<vmem>>
      %dma_wait3A_412 = tpu.memref_squeeze %dma_wait3A_411 : memref<1x1x128xf32, #tpu.memory_space<vmem>> -> memref<128xf32, #tpu.memory_space<vmem>>
      %dma_wait3A_413 = arith.constant 0 : i32
      %dma_wait3A_414 = tpu.memref_slice %arg14[%dma_wait3A_406, %dma_wait3A_407, %dma_wait3A_413] : memref<1x8x128xi32, #tpu.memory_space<vmem>> -> memref<1x1x128xi32, #tpu.memory_space<vmem>>
      %dma_wait3A_415 = tpu.memref_squeeze %dma_wait3A_414 : memref<1x1x128xi32, #tpu.memory_space<vmem>> -> memref<128xi32, #tpu.memory_space<vmem>>
      %dma_wait3A_416 = arith.constant 0 : i32
      %dma_wait3A_417 = tpu.memref_slice %arg12[%dma_wait3A_416] : memref<100352xf32, #tpu.memory_space<vmem_shared>> -> memref<100352xf32, #tpu.memory_space<vmem_shared>>
      tpu.wait_indirect_dma semaphore(%arg20 : memref<!tpu.dma_semaphore, #tpu.memory_space<semaphore_mem>>) src(%dma_wait3A_417 : memref<100352xf32, #tpu.memory_space<vmem_shared>>) dst(%dma_wait3A_412 : memref<128xf32, #tpu.memory_space<vmem>>)
      %dma_wait3A_418 = arith.constant 0 : i32
      %dma_wait3A_419 = arith.constant 5 : i32
      %dma_wait3A_420 = arith.constant 0 : i32
      %dma_wait3A_421 = arith.constant 5 : i32
      %dma_wait3A_422 = arith.constant 0 : i32
      %dma_wait3A_423 = tpu.memref_slice %arg16[%dma_wait3A_420, %dma_wait3A_421, %dma_wait3A_422] : memref<1x8x128xf32, #tpu.memory_space<vmem>> -> memref<1x1x128xf32, #tpu.memory_space<vmem>>
      %dma_wait3A_424 = tpu.memref_squeeze %dma_wait3A_423 : memref<1x1x128xf32, #tpu.memory_space<vmem>> -> memref<128xf32, #tpu.memory_space<vmem>>
      %dma_wait3A_425 = arith.constant 0 : i32
      %dma_wait3A_426 = tpu.memref_slice %arg14[%dma_wait3A_418, %dma_wait3A_419, %dma_wait3A_425] : memref<1x8x128xi32, #tpu.memory_space<vmem>> -> memref<1x1x128xi32, #tpu.memory_space<vmem>>
      %dma_wait3A_427 = tpu.memref_squeeze %dma_wait3A_426 : memref<1x1x128xi32, #tpu.memory_space<vmem>> -> memref<128xi32, #tpu.memory_space<vmem>>
      %dma_wait3A_428 = arith.constant 0 : i32
      %dma_wait3A_429 = tpu.memref_slice %arg12[%dma_wait3A_428] : memref<100352xf32, #tpu.memory_space<vmem_shared>> -> memref<100352xf32, #tpu.memory_space<vmem_shared>>
      tpu.wait_indirect_dma semaphore(%arg20 : memref<!tpu.dma_semaphore, #tpu.memory_space<semaphore_mem>>) src(%dma_wait3A_429 : memref<100352xf32, #tpu.memory_space<vmem_shared>>) dst(%dma_wait3A_424 : memref<128xf32, #tpu.memory_space<vmem>>)
      %dma_wait3A_430 = arith.constant 0 : i32
      %dma_wait3A_431 = arith.constant 6 : i32
      %dma_wait3A_432 = arith.constant 0 : i32
      %dma_wait3A_433 = arith.constant 6 : i32
      %dma_wait3A_434 = arith.constant 0 : i32
      %dma_wait3A_435 = tpu.memref_slice %arg16[%dma_wait3A_432, %dma_wait3A_433, %dma_wait3A_434] : memref<1x8x128xf32, #tpu.memory_space<vmem>> -> memref<1x1x128xf32, #tpu.memory_space<vmem>>
      %dma_wait3A_436 = tpu.memref_squeeze %dma_wait3A_435 : memref<1x1x128xf32, #tpu.memory_space<vmem>> -> memref<128xf32, #tpu.memory_space<vmem>>
      %dma_wait3A_437 = arith.constant 0 : i32
      %dma_wait3A_438 = tpu.memref_slice %arg14[%dma_wait3A_430, %dma_wait3A_431, %dma_wait3A_437] : memref<1x8x128xi32, #tpu.memory_space<vmem>> -> memref<1x1x128xi32, #tpu.memory_space<vmem>>
      %dma_wait3A_439 = tpu.memref_squeeze %dma_wait3A_438 : memref<1x1x128xi32, #tpu.memory_space<vmem>> -> memref<128xi32, #tpu.memory_space<vmem>>
      %dma_wait3A_440 = arith.constant 0 : i32
      %dma_wait3A_441 = tpu.memref_slice %arg12[%dma_wait3A_440] : memref<100352xf32, #tpu.memory_space<vmem_shared>> -> memref<100352xf32, #tpu.memory_space<vmem_shared>>
      tpu.wait_indirect_dma semaphore(%arg20 : memref<!tpu.dma_semaphore, #tpu.memory_space<semaphore_mem>>) src(%dma_wait3A_441 : memref<100352xf32, #tpu.memory_space<vmem_shared>>) dst(%dma_wait3A_436 : memref<128xf32, #tpu.memory_space<vmem>>)
      %dma_wait3A_442 = arith.constant 0 : i32
      %dma_wait3A_443 = arith.constant 7 : i32
      %dma_wait3A_444 = arith.constant 0 : i32
      %dma_wait3A_445 = arith.constant 7 : i32
      %dma_wait3A_446 = arith.constant 0 : i32
      %dma_wait3A_447 = tpu.memref_slice %arg16[%dma_wait3A_444, %dma_wait3A_445, %dma_wait3A_446] : memref<1x8x128xf32, #tpu.memory_space<vmem>> -> memref<1x1x128xf32, #tpu.memory_space<vmem>>
      %dma_wait3A_448 = tpu.memref_squeeze %dma_wait3A_447 : memref<1x1x128xf32, #tpu.memory_space<vmem>> -> memref<128xf32, #tpu.memory_space<vmem>>
      %dma_wait3A_449 = arith.constant 0 : i32
      %dma_wait3A_450 = tpu.memref_slice %arg14[%dma_wait3A_442, %dma_wait3A_443, %dma_wait3A_449] : memref<1x8x128xi32, #tpu.memory_space<vmem>> -> memref<1x1x128xi32, #tpu.memory_space<vmem>>
      %dma_wait3A_451 = tpu.memref_squeeze %dma_wait3A_450 : memref<1x1x128xi32, #tpu.memory_space<vmem>> -> memref<128xi32, #tpu.memory_space<vmem>>
      %dma_wait3A_452 = arith.constant 0 : i32
      %dma_wait3A_453 = tpu.memref_slice %arg12[%dma_wait3A_452] : memref<100352xf32, #tpu.memory_space<vmem_shared>> -> memref<100352xf32, #tpu.memory_space<vmem_shared>>
      tpu.wait_indirect_dma semaphore(%arg20 : memref<!tpu.dma_semaphore, #tpu.memory_space<semaphore_mem>>) src(%dma_wait3A_453 : memref<100352xf32, #tpu.memory_space<vmem_shared>>) dst(%dma_wait3A_448 : memref<128xf32, #tpu.memory_space<vmem>>)
      %dma_start3A_454 = arith.constant 0 : i32
      %dma_start3A_455 = arith.constant 0 : i32
      %dma_start3A_456 = arith.constant 0 : i32
      %dma_start3A_457 = arith.constant 0 : i32
      %dma_start3A_458 = arith.constant 0 : i32
      %dma_start3A_459 = arith.constant 0 : i32
      %dma_start3A_460 = tpu.memref_slice %arg15[%dma_start3A_454, %dma_start3A_455, %dma_start3A_458, %dma_start3A_459] : memref<1x8x128x8xf32, #tpu.memory_space<vmem>> -> memref<1x1x128x8xf32, #tpu.memory_space<vmem>>
      %dma_start3A_461 = tpu.memref_squeeze %dma_start3A_460 : memref<1x1x128x8xf32, #tpu.memory_space<vmem>> -> memref<128x8xf32, #tpu.memory_space<vmem>>
      %dma_start3A_462 = arith.constant 0 : i32
      %dma_start3A_463 = tpu.memref_slice %arg14[%dma_start3A_456, %dma_start3A_457, %dma_start3A_462] : memref<1x8x128xi32, #tpu.memory_space<vmem>> -> memref<1x1x128xi32, #tpu.memory_space<vmem>>
      %dma_start3A_464 = tpu.memref_squeeze %dma_start3A_463 : memref<1x1x128xi32, #tpu.memory_space<vmem>> -> memref<128xi32, #tpu.memory_space<vmem>>
      %dma_start3A_465 = arith.constant 0 : i32
      %dma_start3A_466 = arith.constant 0 : i32
      %dma_start3A_467 = tpu.memref_slice %arg10[%dma_start3A_465, %dma_start3A_466] : memref<100352x8xf32, #tpu.memory_space<vmem_shared>> -> memref<100352x8xf32, #tpu.memory_space<vmem_shared>>
      tpu.enqueue_indirect_dma source(%dma_start3A_461 : memref<128x8xf32, #tpu.memory_space<vmem>>) target(%dma_start3A_467 : memref<100352x8xf32, #tpu.memory_space<vmem_shared>>) offsets(%dma_start3A_464 : memref<128xi32, #tpu.memory_space<vmem>>) semaphore(%arg21 : memref<!tpu.dma_semaphore, #tpu.memory_space<semaphore_mem>>) {add = true}
      %dma_start3A_468 = arith.constant 0 : i32
      %dma_start3A_469 = arith.constant 1 : i32
      %dma_start3A_470 = arith.constant 0 : i32
      %dma_start3A_471 = arith.constant 1 : i32
      %dma_start3A_472 = arith.constant 0 : i32
      %dma_start3A_473 = arith.constant 0 : i32
      %dma_start3A_474 = tpu.memref_slice %arg15[%dma_start3A_468, %dma_start3A_469, %dma_start3A_472, %dma_start3A_473] : memref<1x8x128x8xf32, #tpu.memory_space<vmem>> -> memref<1x1x128x8xf32, #tpu.memory_space<vmem>>
      %dma_start3A_475 = tpu.memref_squeeze %dma_start3A_474 : memref<1x1x128x8xf32, #tpu.memory_space<vmem>> -> memref<128x8xf32, #tpu.memory_space<vmem>>
      %dma_start3A_476 = arith.constant 0 : i32
      %dma_start3A_477 = tpu.memref_slice %arg14[%dma_start3A_470, %dma_start3A_471, %dma_start3A_476] : memref<1x8x128xi32, #tpu.memory_space<vmem>> -> memref<1x1x128xi32, #tpu.memory_space<vmem>>
      %dma_start3A_478 = tpu.memref_squeeze %dma_start3A_477 : memref<1x1x128xi32, #tpu.memory_space<vmem>> -> memref<128xi32, #tpu.memory_space<vmem>>
      %dma_start3A_479 = arith.constant 0 : i32
      %dma_start3A_480 = arith.constant 0 : i32
      %dma_start3A_481 = tpu.memref_slice %arg10[%dma_start3A_479, %dma_start3A_480] : memref<100352x8xf32, #tpu.memory_space<vmem_shared>> -> memref<100352x8xf32, #tpu.memory_space<vmem_shared>>
      tpu.enqueue_indirect_dma source(%dma_start3A_475 : memref<128x8xf32, #tpu.memory_space<vmem>>) target(%dma_start3A_481 : memref<100352x8xf32, #tpu.memory_space<vmem_shared>>) offsets(%dma_start3A_478 : memref<128xi32, #tpu.memory_space<vmem>>) semaphore(%arg21 : memref<!tpu.dma_semaphore, #tpu.memory_space<semaphore_mem>>) {add = true}
      %dma_start3A_482 = arith.constant 0 : i32
      %dma_start3A_483 = arith.constant 2 : i32
      %dma_start3A_484 = arith.constant 0 : i32
      %dma_start3A_485 = arith.constant 2 : i32
      %dma_start3A_486 = arith.constant 0 : i32
      %dma_start3A_487 = arith.constant 0 : i32
      %dma_start3A_488 = tpu.memref_slice %arg15[%dma_start3A_482, %dma_start3A_483, %dma_start3A_486, %dma_start3A_487] : memref<1x8x128x8xf32, #tpu.memory_space<vmem>> -> memref<1x1x128x8xf32, #tpu.memory_space<vmem>>
      %dma_start3A_489 = tpu.memref_squeeze %dma_start3A_488 : memref<1x1x128x8xf32, #tpu.memory_space<vmem>> -> memref<128x8xf32, #tpu.memory_space<vmem>>
      %dma_start3A_490 = arith.constant 0 : i32
      %dma_start3A_491 = tpu.memref_slice %arg14[%dma_start3A_484, %dma_start3A_485, %dma_start3A_490] : memref<1x8x128xi32, #tpu.memory_space<vmem>> -> memref<1x1x128xi32, #tpu.memory_space<vmem>>
      %dma_start3A_492 = tpu.memref_squeeze %dma_start3A_491 : memref<1x1x128xi32, #tpu.memory_space<vmem>> -> memref<128xi32, #tpu.memory_space<vmem>>
      %dma_start3A_493 = arith.constant 0 : i32
      %dma_start3A_494 = arith.constant 0 : i32
      %dma_start3A_495 = tpu.memref_slice %arg10[%dma_start3A_493, %dma_start3A_494] : memref<100352x8xf32, #tpu.memory_space<vmem_shared>> -> memref<100352x8xf32, #tpu.memory_space<vmem_shared>>
      tpu.enqueue_indirect_dma source(%dma_start3A_489 : memref<128x8xf32, #tpu.memory_space<vmem>>) target(%dma_start3A_495 : memref<100352x8xf32, #tpu.memory_space<vmem_shared>>) offsets(%dma_start3A_492 : memref<128xi32, #tpu.memory_space<vmem>>) semaphore(%arg21 : memref<!tpu.dma_semaphore, #tpu.memory_space<semaphore_mem>>) {add = true}
      %dma_start3A_496 = arith.constant 0 : i32
      %dma_start3A_497 = arith.constant 3 : i32
      %dma_start3A_498 = arith.constant 0 : i32
      %dma_start3A_499 = arith.constant 3 : i32
      %dma_start3A_500 = arith.constant 0 : i32
      %dma_start3A_501 = arith.constant 0 : i32
      %dma_start3A_502 = tpu.memref_slice %arg15[%dma_start3A_496, %dma_start3A_497, %dma_start3A_500, %dma_start3A_501] : memref<1x8x128x8xf32, #tpu.memory_space<vmem>> -> memref<1x1x128x8xf32, #tpu.memory_space<vmem>>
      %dma_start3A_503 = tpu.memref_squeeze %dma_start3A_502 : memref<1x1x128x8xf32, #tpu.memory_space<vmem>> -> memref<128x8xf32, #tpu.memory_space<vmem>>
      %dma_start3A_504 = arith.constant 0 : i32
      %dma_start3A_505 = tpu.memref_slice %arg14[%dma_start3A_498, %dma_start3A_499, %dma_start3A_504] : memref<1x8x128xi32, #tpu.memory_space<vmem>> -> memref<1x1x128xi32, #tpu.memory_space<vmem>>
      %dma_start3A_506 = tpu.memref_squeeze %dma_start3A_505 : memref<1x1x128xi32, #tpu.memory_space<vmem>> -> memref<128xi32, #tpu.memory_space<vmem>>
      %dma_start3A_507 = arith.constant 0 : i32
      %dma_start3A_508 = arith.constant 0 : i32
      %dma_start3A_509 = tpu.memref_slice %arg10[%dma_start3A_507, %dma_start3A_508] : memref<100352x8xf32, #tpu.memory_space<vmem_shared>> -> memref<100352x8xf32, #tpu.memory_space<vmem_shared>>
      tpu.enqueue_indirect_dma source(%dma_start3A_503 : memref<128x8xf32, #tpu.memory_space<vmem>>) target(%dma_start3A_509 : memref<100352x8xf32, #tpu.memory_space<vmem_shared>>) offsets(%dma_start3A_506 : memref<128xi32, #tpu.memory_space<vmem>>) semaphore(%arg21 : memref<!tpu.dma_semaphore, #tpu.memory_space<semaphore_mem>>) {add = true}
      %dma_start3A_510 = arith.constant 0 : i32
      %dma_start3A_511 = arith.constant 4 : i32
      %dma_start3A_512 = arith.constant 0 : i32
      %dma_start3A_513 = arith.constant 4 : i32
      %dma_start3A_514 = arith.constant 0 : i32
      %dma_start3A_515 = arith.constant 0 : i32
      %dma_start3A_516 = tpu.memref_slice %arg15[%dma_start3A_510, %dma_start3A_511, %dma_start3A_514, %dma_start3A_515] : memref<1x8x128x8xf32, #tpu.memory_space<vmem>> -> memref<1x1x128x8xf32, #tpu.memory_space<vmem>>
      %dma_start3A_517 = tpu.memref_squeeze %dma_start3A_516 : memref<1x1x128x8xf32, #tpu.memory_space<vmem>> -> memref<128x8xf32, #tpu.memory_space<vmem>>
      %dma_start3A_518 = arith.constant 0 : i32
      %dma_start3A_519 = tpu.memref_slice %arg14[%dma_start3A_512, %dma_start3A_513, %dma_start3A_518] : memref<1x8x128xi32, #tpu.memory_space<vmem>> -> memref<1x1x128xi32, #tpu.memory_space<vmem>>
      %dma_start3A_520 = tpu.memref_squeeze %dma_start3A_519 : memref<1x1x128xi32, #tpu.memory_space<vmem>> -> memref<128xi32, #tpu.memory_space<vmem>>
      %dma_start3A_521 = arith.constant 0 : i32
      %dma_start3A_522 = arith.constant 0 : i32
      %dma_start3A_523 = tpu.memref_slice %arg10[%dma_start3A_521, %dma_start3A_522] : memref<100352x8xf32, #tpu.memory_space<vmem_shared>> -> memref<100352x8xf32, #tpu.memory_space<vmem_shared>>
      tpu.enqueue_indirect_dma source(%dma_start3A_517 : memref<128x8xf32, #tpu.memory_space<vmem>>) target(%dma_start3A_523 : memref<100352x8xf32, #tpu.memory_space<vmem_shared>>) offsets(%dma_start3A_520 : memref<128xi32, #tpu.memory_space<vmem>>) semaphore(%arg21 : memref<!tpu.dma_semaphore, #tpu.memory_space<semaphore_mem>>) {add = true}
      %dma_start3A_524 = arith.constant 0 : i32
      %dma_start3A_525 = arith.constant 5 : i32
      %dma_start3A_526 = arith.constant 0 : i32
      %dma_start3A_527 = arith.constant 5 : i32
      %dma_start3A_528 = arith.constant 0 : i32
      %dma_start3A_529 = arith.constant 0 : i32
      %dma_start3A_530 = tpu.memref_slice %arg15[%dma_start3A_524, %dma_start3A_525, %dma_start3A_528, %dma_start3A_529] : memref<1x8x128x8xf32, #tpu.memory_space<vmem>> -> memref<1x1x128x8xf32, #tpu.memory_space<vmem>>
      %dma_start3A_531 = tpu.memref_squeeze %dma_start3A_530 : memref<1x1x128x8xf32, #tpu.memory_space<vmem>> -> memref<128x8xf32, #tpu.memory_space<vmem>>
      %dma_start3A_532 = arith.constant 0 : i32
      %dma_start3A_533 = tpu.memref_slice %arg14[%dma_start3A_526, %dma_start3A_527, %dma_start3A_532] : memref<1x8x128xi32, #tpu.memory_space<vmem>> -> memref<1x1x128xi32, #tpu.memory_space<vmem>>
      %dma_start3A_534 = tpu.memref_squeeze %dma_start3A_533 : memref<1x1x128xi32, #tpu.memory_space<vmem>> -> memref<128xi32, #tpu.memory_space<vmem>>
      %dma_start3A_535 = arith.constant 0 : i32
      %dma_start3A_536 = arith.constant 0 : i32
      %dma_start3A_537 = tpu.memref_slice %arg10[%dma_start3A_535, %dma_start3A_536] : memref<100352x8xf32, #tpu.memory_space<vmem_shared>> -> memref<100352x8xf32, #tpu.memory_space<vmem_shared>>
      tpu.enqueue_indirect_dma source(%dma_start3A_531 : memref<128x8xf32, #tpu.memory_space<vmem>>) target(%dma_start3A_537 : memref<100352x8xf32, #tpu.memory_space<vmem_shared>>) offsets(%dma_start3A_534 : memref<128xi32, #tpu.memory_space<vmem>>) semaphore(%arg21 : memref<!tpu.dma_semaphore, #tpu.memory_space<semaphore_mem>>) {add = true}
      %dma_start3A_538 = arith.constant 0 : i32
      %dma_start3A_539 = arith.constant 6 : i32
      %dma_start3A_540 = arith.constant 0 : i32
      %dma_start3A_541 = arith.constant 6 : i32
      %dma_start3A_542 = arith.constant 0 : i32
      %dma_start3A_543 = arith.constant 0 : i32
      %dma_start3A_544 = tpu.memref_slice %arg15[%dma_start3A_538, %dma_start3A_539, %dma_start3A_542, %dma_start3A_543] : memref<1x8x128x8xf32, #tpu.memory_space<vmem>> -> memref<1x1x128x8xf32, #tpu.memory_space<vmem>>
      %dma_start3A_545 = tpu.memref_squeeze %dma_start3A_544 : memref<1x1x128x8xf32, #tpu.memory_space<vmem>> -> memref<128x8xf32, #tpu.memory_space<vmem>>
      %dma_start3A_546 = arith.constant 0 : i32
      %dma_start3A_547 = tpu.memref_slice %arg14[%dma_start3A_540, %dma_start3A_541, %dma_start3A_546] : memref<1x8x128xi32, #tpu.memory_space<vmem>> -> memref<1x1x128xi32, #tpu.memory_space<vmem>>
      %dma_start3A_548 = tpu.memref_squeeze %dma_start3A_547 : memref<1x1x128xi32, #tpu.memory_space<vmem>> -> memref<128xi32, #tpu.memory_space<vmem>>
      %dma_start3A_549 = arith.constant 0 : i32
      %dma_start3A_550 = arith.constant 0 : i32
      %dma_start3A_551 = tpu.memref_slice %arg10[%dma_start3A_549, %dma_start3A_550] : memref<100352x8xf32, #tpu.memory_space<vmem_shared>> -> memref<100352x8xf32, #tpu.memory_space<vmem_shared>>
      tpu.enqueue_indirect_dma source(%dma_start3A_545 : memref<128x8xf32, #tpu.memory_space<vmem>>) target(%dma_start3A_551 : memref<100352x8xf32, #tpu.memory_space<vmem_shared>>) offsets(%dma_start3A_548 : memref<128xi32, #tpu.memory_space<vmem>>) semaphore(%arg21 : memref<!tpu.dma_semaphore, #tpu.memory_space<semaphore_mem>>) {add = true}
      %dma_start3A_552 = arith.constant 0 : i32
      %dma_start3A_553 = arith.constant 7 : i32
      %dma_start3A_554 = arith.constant 0 : i32
      %dma_start3A_555 = arith.constant 7 : i32
      %dma_start3A_556 = arith.constant 0 : i32
      %dma_start3A_557 = arith.constant 0 : i32
      %dma_start3A_558 = tpu.memref_slice %arg15[%dma_start3A_552, %dma_start3A_553, %dma_start3A_556, %dma_start3A_557] : memref<1x8x128x8xf32, #tpu.memory_space<vmem>> -> memref<1x1x128x8xf32, #tpu.memory_space<vmem>>
      %dma_start3A_559 = tpu.memref_squeeze %dma_start3A_558 : memref<1x1x128x8xf32, #tpu.memory_space<vmem>> -> memref<128x8xf32, #tpu.memory_space<vmem>>
      %dma_start3A_560 = arith.constant 0 : i32
      %dma_start3A_561 = tpu.memref_slice %arg14[%dma_start3A_554, %dma_start3A_555, %dma_start3A_560] : memref<1x8x128xi32, #tpu.memory_space<vmem>> -> memref<1x1x128xi32, #tpu.memory_space<vmem>>
      %dma_start3A_562 = tpu.memref_squeeze %dma_start3A_561 : memref<1x1x128xi32, #tpu.memory_space<vmem>> -> memref<128xi32, #tpu.memory_space<vmem>>
      %dma_start3A_563 = arith.constant 0 : i32
      %dma_start3A_564 = arith.constant 0 : i32
      %dma_start3A_565 = tpu.memref_slice %arg10[%dma_start3A_563, %dma_start3A_564] : memref<100352x8xf32, #tpu.memory_space<vmem_shared>> -> memref<100352x8xf32, #tpu.memory_space<vmem_shared>>
      tpu.enqueue_indirect_dma source(%dma_start3A_559 : memref<128x8xf32, #tpu.memory_space<vmem>>) target(%dma_start3A_565 : memref<100352x8xf32, #tpu.memory_space<vmem_shared>>) offsets(%dma_start3A_562 : memref<128xi32, #tpu.memory_space<vmem>>) semaphore(%arg21 : memref<!tpu.dma_semaphore, #tpu.memory_space<semaphore_mem>>) {add = true}
      %dma_start3A_566 = arith.constant 0 : i32
      %dma_start3A_567 = arith.constant 0 : i32
      %dma_start3A_568 = arith.constant 0 : i32
      %dma_start3A_569 = arith.constant 0 : i32
      %dma_start3A_570 = arith.constant 0 : i32
      %dma_start3A_571 = tpu.memref_slice %arg16[%dma_start3A_566, %dma_start3A_567, %dma_start3A_570] : memref<1x8x128xf32, #tpu.memory_space<vmem>> -> memref<1x1x128xf32, #tpu.memory_space<vmem>>
      %dma_start3A_572 = tpu.memref_squeeze %dma_start3A_571 : memref<1x1x128xf32, #tpu.memory_space<vmem>> -> memref<128xf32, #tpu.memory_space<vmem>>
      %dma_start3A_573 = arith.constant 0 : i32
      %dma_start3A_574 = tpu.memref_slice %arg13[%dma_start3A_568, %dma_start3A_569, %dma_start3A_573] : memref<1x8x128xi32, #tpu.memory_space<vmem>> -> memref<1x1x128xi32, #tpu.memory_space<vmem>>
      %dma_start3A_575 = tpu.memref_squeeze %dma_start3A_574 : memref<1x1x128xi32, #tpu.memory_space<vmem>> -> memref<128xi32, #tpu.memory_space<vmem>>
      %dma_start3A_576 = arith.constant 0 : i32
      %dma_start3A_577 = tpu.memref_slice %arg11[%dma_start3A_576] : memref<100352xf32, #tpu.memory_space<vmem_shared>> -> memref<100352xf32, #tpu.memory_space<vmem_shared>>
      tpu.enqueue_indirect_dma source(%dma_start3A_572 : memref<128xf32, #tpu.memory_space<vmem>>) target(%dma_start3A_577 : memref<100352xf32, #tpu.memory_space<vmem_shared>>) offsets(%dma_start3A_575 : memref<128xi32, #tpu.memory_space<vmem>>) semaphore(%arg22 : memref<!tpu.dma_semaphore, #tpu.memory_space<semaphore_mem>>) {add = true}
      %dma_start3A_578 = arith.constant 0 : i32
      %dma_start3A_579 = arith.constant 1 : i32
      %dma_start3A_580 = arith.constant 0 : i32
      %dma_start3A_581 = arith.constant 1 : i32
      %dma_start3A_582 = arith.constant 0 : i32
      %dma_start3A_583 = tpu.memref_slice %arg16[%dma_start3A_578, %dma_start3A_579, %dma_start3A_582] : memref<1x8x128xf32, #tpu.memory_space<vmem>> -> memref<1x1x128xf32, #tpu.memory_space<vmem>>
      %dma_start3A_584 = tpu.memref_squeeze %dma_start3A_583 : memref<1x1x128xf32, #tpu.memory_space<vmem>> -> memref<128xf32, #tpu.memory_space<vmem>>
      %dma_start3A_585 = arith.constant 0 : i32
      %dma_start3A_586 = tpu.memref_slice %arg13[%dma_start3A_580, %dma_start3A_581, %dma_start3A_585] : memref<1x8x128xi32, #tpu.memory_space<vmem>> -> memref<1x1x128xi32, #tpu.memory_space<vmem>>
      %dma_start3A_587 = tpu.memref_squeeze %dma_start3A_586 : memref<1x1x128xi32, #tpu.memory_space<vmem>> -> memref<128xi32, #tpu.memory_space<vmem>>
      %dma_start3A_588 = arith.constant 0 : i32
      %dma_start3A_589 = tpu.memref_slice %arg11[%dma_start3A_588] : memref<100352xf32, #tpu.memory_space<vmem_shared>> -> memref<100352xf32, #tpu.memory_space<vmem_shared>>
      tpu.enqueue_indirect_dma source(%dma_start3A_584 : memref<128xf32, #tpu.memory_space<vmem>>) target(%dma_start3A_589 : memref<100352xf32, #tpu.memory_space<vmem_shared>>) offsets(%dma_start3A_587 : memref<128xi32, #tpu.memory_space<vmem>>) semaphore(%arg22 : memref<!tpu.dma_semaphore, #tpu.memory_space<semaphore_mem>>) {add = true}
      %dma_start3A_590 = arith.constant 0 : i32
      %dma_start3A_591 = arith.constant 2 : i32
      %dma_start3A_592 = arith.constant 0 : i32
      %dma_start3A_593 = arith.constant 2 : i32
      %dma_start3A_594 = arith.constant 0 : i32
      %dma_start3A_595 = tpu.memref_slice %arg16[%dma_start3A_590, %dma_start3A_591, %dma_start3A_594] : memref<1x8x128xf32, #tpu.memory_space<vmem>> -> memref<1x1x128xf32, #tpu.memory_space<vmem>>
      %dma_start3A_596 = tpu.memref_squeeze %dma_start3A_595 : memref<1x1x128xf32, #tpu.memory_space<vmem>> -> memref<128xf32, #tpu.memory_space<vmem>>
      %dma_start3A_597 = arith.constant 0 : i32
      %dma_start3A_598 = tpu.memref_slice %arg13[%dma_start3A_592, %dma_start3A_593, %dma_start3A_597] : memref<1x8x128xi32, #tpu.memory_space<vmem>> -> memref<1x1x128xi32, #tpu.memory_space<vmem>>
      %dma_start3A_599 = tpu.memref_squeeze %dma_start3A_598 : memref<1x1x128xi32, #tpu.memory_space<vmem>> -> memref<128xi32, #tpu.memory_space<vmem>>
      %dma_start3A_600 = arith.constant 0 : i32
      %dma_start3A_601 = tpu.memref_slice %arg11[%dma_start3A_600] : memref<100352xf32, #tpu.memory_space<vmem_shared>> -> memref<100352xf32, #tpu.memory_space<vmem_shared>>
      tpu.enqueue_indirect_dma source(%dma_start3A_596 : memref<128xf32, #tpu.memory_space<vmem>>) target(%dma_start3A_601 : memref<100352xf32, #tpu.memory_space<vmem_shared>>) offsets(%dma_start3A_599 : memref<128xi32, #tpu.memory_space<vmem>>) semaphore(%arg22 : memref<!tpu.dma_semaphore, #tpu.memory_space<semaphore_mem>>) {add = true}
      %dma_start3A_602 = arith.constant 0 : i32
      %dma_start3A_603 = arith.constant 3 : i32
      %dma_start3A_604 = arith.constant 0 : i32
      %dma_start3A_605 = arith.constant 3 : i32
      %dma_start3A_606 = arith.constant 0 : i32
      %dma_start3A_607 = tpu.memref_slice %arg16[%dma_start3A_602, %dma_start3A_603, %dma_start3A_606] : memref<1x8x128xf32, #tpu.memory_space<vmem>> -> memref<1x1x128xf32, #tpu.memory_space<vmem>>
      %dma_start3A_608 = tpu.memref_squeeze %dma_start3A_607 : memref<1x1x128xf32, #tpu.memory_space<vmem>> -> memref<128xf32, #tpu.memory_space<vmem>>
      %dma_start3A_609 = arith.constant 0 : i32
      %dma_start3A_610 = tpu.memref_slice %arg13[%dma_start3A_604, %dma_start3A_605, %dma_start3A_609] : memref<1x8x128xi32, #tpu.memory_space<vmem>> -> memref<1x1x128xi32, #tpu.memory_space<vmem>>
      %dma_start3A_611 = tpu.memref_squeeze %dma_start3A_610 : memref<1x1x128xi32, #tpu.memory_space<vmem>> -> memref<128xi32, #tpu.memory_space<vmem>>
      %dma_start3A_612 = arith.constant 0 : i32
      %dma_start3A_613 = tpu.memref_slice %arg11[%dma_start3A_612] : memref<100352xf32, #tpu.memory_space<vmem_shared>> -> memref<100352xf32, #tpu.memory_space<vmem_shared>>
      tpu.enqueue_indirect_dma source(%dma_start3A_608 : memref<128xf32, #tpu.memory_space<vmem>>) target(%dma_start3A_613 : memref<100352xf32, #tpu.memory_space<vmem_shared>>) offsets(%dma_start3A_611 : memref<128xi32, #tpu.memory_space<vmem>>) semaphore(%arg22 : memref<!tpu.dma_semaphore, #tpu.memory_space<semaphore_mem>>) {add = true}
      %dma_start3A_614 = arith.constant 0 : i32
      %dma_start3A_615 = arith.constant 4 : i32
      %dma_start3A_616 = arith.constant 0 : i32
      %dma_start3A_617 = arith.constant 4 : i32
      %dma_start3A_618 = arith.constant 0 : i32
      %dma_start3A_619 = tpu.memref_slice %arg16[%dma_start3A_614, %dma_start3A_615, %dma_start3A_618] : memref<1x8x128xf32, #tpu.memory_space<vmem>> -> memref<1x1x128xf32, #tpu.memory_space<vmem>>
      %dma_start3A_620 = tpu.memref_squeeze %dma_start3A_619 : memref<1x1x128xf32, #tpu.memory_space<vmem>> -> memref<128xf32, #tpu.memory_space<vmem>>
      %dma_start3A_621 = arith.constant 0 : i32
      %dma_start3A_622 = tpu.memref_slice %arg13[%dma_start3A_616, %dma_start3A_617, %dma_start3A_621] : memref<1x8x128xi32, #tpu.memory_space<vmem>> -> memref<1x1x128xi32, #tpu.memory_space<vmem>>
      %dma_start3A_623 = tpu.memref_squeeze %dma_start3A_622 : memref<1x1x128xi32, #tpu.memory_space<vmem>> -> memref<128xi32, #tpu.memory_space<vmem>>
      %dma_start3A_624 = arith.constant 0 : i32
      %dma_start3A_625 = tpu.memref_slice %arg11[%dma_start3A_624] : memref<100352xf32, #tpu.memory_space<vmem_shared>> -> memref<100352xf32, #tpu.memory_space<vmem_shared>>
      tpu.enqueue_indirect_dma source(%dma_start3A_620 : memref<128xf32, #tpu.memory_space<vmem>>) target(%dma_start3A_625 : memref<100352xf32, #tpu.memory_space<vmem_shared>>) offsets(%dma_start3A_623 : memref<128xi32, #tpu.memory_space<vmem>>) semaphore(%arg22 : memref<!tpu.dma_semaphore, #tpu.memory_space<semaphore_mem>>) {add = true}
      %dma_start3A_626 = arith.constant 0 : i32
      %dma_start3A_627 = arith.constant 5 : i32
      %dma_start3A_628 = arith.constant 0 : i32
      %dma_start3A_629 = arith.constant 5 : i32
      %dma_start3A_630 = arith.constant 0 : i32
      %dma_start3A_631 = tpu.memref_slice %arg16[%dma_start3A_626, %dma_start3A_627, %dma_start3A_630] : memref<1x8x128xf32, #tpu.memory_space<vmem>> -> memref<1x1x128xf32, #tpu.memory_space<vmem>>
      %dma_start3A_632 = tpu.memref_squeeze %dma_start3A_631 : memref<1x1x128xf32, #tpu.memory_space<vmem>> -> memref<128xf32, #tpu.memory_space<vmem>>
      %dma_start3A_633 = arith.constant 0 : i32
      %dma_start3A_634 = tpu.memref_slice %arg13[%dma_start3A_628, %dma_start3A_629, %dma_start3A_633] : memref<1x8x128xi32, #tpu.memory_space<vmem>> -> memref<1x1x128xi32, #tpu.memory_space<vmem>>
      %dma_start3A_635 = tpu.memref_squeeze %dma_start3A_634 : memref<1x1x128xi32, #tpu.memory_space<vmem>> -> memref<128xi32, #tpu.memory_space<vmem>>
      %dma_start3A_636 = arith.constant 0 : i32
      %dma_start3A_637 = tpu.memref_slice %arg11[%dma_start3A_636] : memref<100352xf32, #tpu.memory_space<vmem_shared>> -> memref<100352xf32, #tpu.memory_space<vmem_shared>>
      tpu.enqueue_indirect_dma source(%dma_start3A_632 : memref<128xf32, #tpu.memory_space<vmem>>) target(%dma_start3A_637 : memref<100352xf32, #tpu.memory_space<vmem_shared>>) offsets(%dma_start3A_635 : memref<128xi32, #tpu.memory_space<vmem>>) semaphore(%arg22 : memref<!tpu.dma_semaphore, #tpu.memory_space<semaphore_mem>>) {add = true}
      %dma_start3A_638 = arith.constant 0 : i32
      %dma_start3A_639 = arith.constant 6 : i32
      %dma_start3A_640 = arith.constant 0 : i32
      %dma_start3A_641 = arith.constant 6 : i32
      %dma_start3A_642 = arith.constant 0 : i32
      %dma_start3A_643 = tpu.memref_slice %arg16[%dma_start3A_638, %dma_start3A_639, %dma_start3A_642] : memref<1x8x128xf32, #tpu.memory_space<vmem>> -> memref<1x1x128xf32, #tpu.memory_space<vmem>>
      %dma_start3A_644 = tpu.memref_squeeze %dma_start3A_643 : memref<1x1x128xf32, #tpu.memory_space<vmem>> -> memref<128xf32, #tpu.memory_space<vmem>>
      %dma_start3A_645 = arith.constant 0 : i32
      %dma_start3A_646 = tpu.memref_slice %arg13[%dma_start3A_640, %dma_start3A_641, %dma_start3A_645] : memref<1x8x128xi32, #tpu.memory_space<vmem>> -> memref<1x1x128xi32, #tpu.memory_space<vmem>>
      %dma_start3A_647 = tpu.memref_squeeze %dma_start3A_646 : memref<1x1x128xi32, #tpu.memory_space<vmem>> -> memref<128xi32, #tpu.memory_space<vmem>>
      %dma_start3A_648 = arith.constant 0 : i32
      %dma_start3A_649 = tpu.memref_slice %arg11[%dma_start3A_648] : memref<100352xf32, #tpu.memory_space<vmem_shared>> -> memref<100352xf32, #tpu.memory_space<vmem_shared>>
      tpu.enqueue_indirect_dma source(%dma_start3A_644 : memref<128xf32, #tpu.memory_space<vmem>>) target(%dma_start3A_649 : memref<100352xf32, #tpu.memory_space<vmem_shared>>) offsets(%dma_start3A_647 : memref<128xi32, #tpu.memory_space<vmem>>) semaphore(%arg22 : memref<!tpu.dma_semaphore, #tpu.memory_space<semaphore_mem>>) {add = true}
      %dma_start3A_650 = arith.constant 0 : i32
      %dma_start3A_651 = arith.constant 7 : i32
      %dma_start3A_652 = arith.constant 0 : i32
      %dma_start3A_653 = arith.constant 7 : i32
      %dma_start3A_654 = arith.constant 0 : i32
      %dma_start3A_655 = tpu.memref_slice %arg16[%dma_start3A_650, %dma_start3A_651, %dma_start3A_654] : memref<1x8x128xf32, #tpu.memory_space<vmem>> -> memref<1x1x128xf32, #tpu.memory_space<vmem>>
      %dma_start3A_656 = tpu.memref_squeeze %dma_start3A_655 : memref<1x1x128xf32, #tpu.memory_space<vmem>> -> memref<128xf32, #tpu.memory_space<vmem>>
      %dma_start3A_657 = arith.constant 0 : i32
      %dma_start3A_658 = tpu.memref_slice %arg13[%dma_start3A_652, %dma_start3A_653, %dma_start3A_657] : memref<1x8x128xi32, #tpu.memory_space<vmem>> -> memref<1x1x128xi32, #tpu.memory_space<vmem>>
      %dma_start3A_659 = tpu.memref_squeeze %dma_start3A_658 : memref<1x1x128xi32, #tpu.memory_space<vmem>> -> memref<128xi32, #tpu.memory_space<vmem>>
      %dma_start3A_660 = arith.constant 0 : i32
      %dma_start3A_661 = tpu.memref_slice %arg11[%dma_start3A_660] : memref<100352xf32, #tpu.memory_space<vmem_shared>> -> memref<100352xf32, #tpu.memory_space<vmem_shared>>
      tpu.enqueue_indirect_dma source(%dma_start3A_656 : memref<128xf32, #tpu.memory_space<vmem>>) target(%dma_start3A_661 : memref<100352xf32, #tpu.memory_space<vmem_shared>>) offsets(%dma_start3A_659 : memref<128xi32, #tpu.memory_space<vmem>>) semaphore(%arg22 : memref<!tpu.dma_semaphore, #tpu.memory_space<semaphore_mem>>) {add = true}
      %dma_wait3A_662 = arith.constant 0 : i32
      %dma_wait3A_663 = arith.constant 0 : i32
      %dma_wait3A_664 = arith.constant 0 : i32
      %dma_wait3A_665 = arith.constant 0 : i32
      %dma_wait3A_666 = arith.constant 0 : i32
      %dma_wait3A_667 = arith.constant 0 : i32
      %dma_wait3A_668 = tpu.memref_slice %arg15[%dma_wait3A_662, %dma_wait3A_663, %dma_wait3A_666, %dma_wait3A_667] : memref<1x8x128x8xf32, #tpu.memory_space<vmem>> -> memref<1x1x128x8xf32, #tpu.memory_space<vmem>>
      %dma_wait3A_669 = tpu.memref_squeeze %dma_wait3A_668 : memref<1x1x128x8xf32, #tpu.memory_space<vmem>> -> memref<128x8xf32, #tpu.memory_space<vmem>>
      %dma_wait3A_670 = arith.constant 0 : i32
      %dma_wait3A_671 = tpu.memref_slice %arg14[%dma_wait3A_664, %dma_wait3A_665, %dma_wait3A_670] : memref<1x8x128xi32, #tpu.memory_space<vmem>> -> memref<1x1x128xi32, #tpu.memory_space<vmem>>
      %dma_wait3A_672 = tpu.memref_squeeze %dma_wait3A_671 : memref<1x1x128xi32, #tpu.memory_space<vmem>> -> memref<128xi32, #tpu.memory_space<vmem>>
      %dma_wait3A_673 = arith.constant 0 : i32
      %dma_wait3A_674 = arith.constant 0 : i32
      %dma_wait3A_675 = tpu.memref_slice %arg10[%dma_wait3A_673, %dma_wait3A_674] : memref<100352x8xf32, #tpu.memory_space<vmem_shared>> -> memref<100352x8xf32, #tpu.memory_space<vmem_shared>>
      tpu.wait_indirect_dma semaphore(%arg21 : memref<!tpu.dma_semaphore, #tpu.memory_space<semaphore_mem>>) src(%dma_wait3A_669 : memref<128x8xf32, #tpu.memory_space<vmem>>) dst(%dma_wait3A_675 : memref<100352x8xf32, #tpu.memory_space<vmem_shared>>)
      %dma_wait3A_676 = arith.constant 0 : i32
      %dma_wait3A_677 = arith.constant 1 : i32
      %dma_wait3A_678 = arith.constant 0 : i32
      %dma_wait3A_679 = arith.constant 1 : i32
      %dma_wait3A_680 = arith.constant 0 : i32
      %dma_wait3A_681 = arith.constant 0 : i32
      %dma_wait3A_682 = tpu.memref_slice %arg15[%dma_wait3A_676, %dma_wait3A_677, %dma_wait3A_680, %dma_wait3A_681] : memref<1x8x128x8xf32, #tpu.memory_space<vmem>> -> memref<1x1x128x8xf32, #tpu.memory_space<vmem>>
      %dma_wait3A_683 = tpu.memref_squeeze %dma_wait3A_682 : memref<1x1x128x8xf32, #tpu.memory_space<vmem>> -> memref<128x8xf32, #tpu.memory_space<vmem>>
      %dma_wait3A_684 = arith.constant 0 : i32
      %dma_wait3A_685 = tpu.memref_slice %arg14[%dma_wait3A_678, %dma_wait3A_679, %dma_wait3A_684] : memref<1x8x128xi32, #tpu.memory_space<vmem>> -> memref<1x1x128xi32, #tpu.memory_space<vmem>>
      %dma_wait3A_686 = tpu.memref_squeeze %dma_wait3A_685 : memref<1x1x128xi32, #tpu.memory_space<vmem>> -> memref<128xi32, #tpu.memory_space<vmem>>
      %dma_wait3A_687 = arith.constant 0 : i32
      %dma_wait3A_688 = arith.constant 0 : i32
      %dma_wait3A_689 = tpu.memref_slice %arg10[%dma_wait3A_687, %dma_wait3A_688] : memref<100352x8xf32, #tpu.memory_space<vmem_shared>> -> memref<100352x8xf32, #tpu.memory_space<vmem_shared>>
      tpu.wait_indirect_dma semaphore(%arg21 : memref<!tpu.dma_semaphore, #tpu.memory_space<semaphore_mem>>) src(%dma_wait3A_683 : memref<128x8xf32, #tpu.memory_space<vmem>>) dst(%dma_wait3A_689 : memref<100352x8xf32, #tpu.memory_space<vmem_shared>>)
      %dma_wait3A_690 = arith.constant 0 : i32
      %dma_wait3A_691 = arith.constant 2 : i32
      %dma_wait3A_692 = arith.constant 0 : i32
      %dma_wait3A_693 = arith.constant 2 : i32
      %dma_wait3A_694 = arith.constant 0 : i32
      %dma_wait3A_695 = arith.constant 0 : i32
      %dma_wait3A_696 = tpu.memref_slice %arg15[%dma_wait3A_690, %dma_wait3A_691, %dma_wait3A_694, %dma_wait3A_695] : memref<1x8x128x8xf32, #tpu.memory_space<vmem>> -> memref<1x1x128x8xf32, #tpu.memory_space<vmem>>
      %dma_wait3A_697 = tpu.memref_squeeze %dma_wait3A_696 : memref<1x1x128x8xf32, #tpu.memory_space<vmem>> -> memref<128x8xf32, #tpu.memory_space<vmem>>
      %dma_wait3A_698 = arith.constant 0 : i32
      %dma_wait3A_699 = tpu.memref_slice %arg14[%dma_wait3A_692, %dma_wait3A_693, %dma_wait3A_698] : memref<1x8x128xi32, #tpu.memory_space<vmem>> -> memref<1x1x128xi32, #tpu.memory_space<vmem>>
      %dma_wait3A_700 = tpu.memref_squeeze %dma_wait3A_699 : memref<1x1x128xi32, #tpu.memory_space<vmem>> -> memref<128xi32, #tpu.memory_space<vmem>>
      %dma_wait3A_701 = arith.constant 0 : i32
      %dma_wait3A_702 = arith.constant 0 : i32
      %dma_wait3A_703 = tpu.memref_slice %arg10[%dma_wait3A_701, %dma_wait3A_702] : memref<100352x8xf32, #tpu.memory_space<vmem_shared>> -> memref<100352x8xf32, #tpu.memory_space<vmem_shared>>
      tpu.wait_indirect_dma semaphore(%arg21 : memref<!tpu.dma_semaphore, #tpu.memory_space<semaphore_mem>>) src(%dma_wait3A_697 : memref<128x8xf32, #tpu.memory_space<vmem>>) dst(%dma_wait3A_703 : memref<100352x8xf32, #tpu.memory_space<vmem_shared>>)
      %dma_wait3A_704 = arith.constant 0 : i32
      %dma_wait3A_705 = arith.constant 3 : i32
      %dma_wait3A_706 = arith.constant 0 : i32
      %dma_wait3A_707 = arith.constant 3 : i32
      %dma_wait3A_708 = arith.constant 0 : i32
      %dma_wait3A_709 = arith.constant 0 : i32
      %dma_wait3A_710 = tpu.memref_slice %arg15[%dma_wait3A_704, %dma_wait3A_705, %dma_wait3A_708, %dma_wait3A_709] : memref<1x8x128x8xf32, #tpu.memory_space<vmem>> -> memref<1x1x128x8xf32, #tpu.memory_space<vmem>>
      %dma_wait3A_711 = tpu.memref_squeeze %dma_wait3A_710 : memref<1x1x128x8xf32, #tpu.memory_space<vmem>> -> memref<128x8xf32, #tpu.memory_space<vmem>>
      %dma_wait3A_712 = arith.constant 0 : i32
      %dma_wait3A_713 = tpu.memref_slice %arg14[%dma_wait3A_706, %dma_wait3A_707, %dma_wait3A_712] : memref<1x8x128xi32, #tpu.memory_space<vmem>> -> memref<1x1x128xi32, #tpu.memory_space<vmem>>
      %dma_wait3A_714 = tpu.memref_squeeze %dma_wait3A_713 : memref<1x1x128xi32, #tpu.memory_space<vmem>> -> memref<128xi32, #tpu.memory_space<vmem>>
      %dma_wait3A_715 = arith.constant 0 : i32
      %dma_wait3A_716 = arith.constant 0 : i32
      %dma_wait3A_717 = tpu.memref_slice %arg10[%dma_wait3A_715, %dma_wait3A_716] : memref<100352x8xf32, #tpu.memory_space<vmem_shared>> -> memref<100352x8xf32, #tpu.memory_space<vmem_shared>>
      tpu.wait_indirect_dma semaphore(%arg21 : memref<!tpu.dma_semaphore, #tpu.memory_space<semaphore_mem>>) src(%dma_wait3A_711 : memref<128x8xf32, #tpu.memory_space<vmem>>) dst(%dma_wait3A_717 : memref<100352x8xf32, #tpu.memory_space<vmem_shared>>)
      %dma_wait3A_718 = arith.constant 0 : i32
      %dma_wait3A_719 = arith.constant 4 : i32
      %dma_wait3A_720 = arith.constant 0 : i32
      %dma_wait3A_721 = arith.constant 4 : i32
      %dma_wait3A_722 = arith.constant 0 : i32
      %dma_wait3A_723 = arith.constant 0 : i32
      %dma_wait3A_724 = tpu.memref_slice %arg15[%dma_wait3A_718, %dma_wait3A_719, %dma_wait3A_722, %dma_wait3A_723] : memref<1x8x128x8xf32, #tpu.memory_space<vmem>> -> memref<1x1x128x8xf32, #tpu.memory_space<vmem>>
      %dma_wait3A_725 = tpu.memref_squeeze %dma_wait3A_724 : memref<1x1x128x8xf32, #tpu.memory_space<vmem>> -> memref<128x8xf32, #tpu.memory_space<vmem>>
      %dma_wait3A_726 = arith.constant 0 : i32
      %dma_wait3A_727 = tpu.memref_slice %arg14[%dma_wait3A_720, %dma_wait3A_721, %dma_wait3A_726] : memref<1x8x128xi32, #tpu.memory_space<vmem>> -> memref<1x1x128xi32, #tpu.memory_space<vmem>>
      %dma_wait3A_728 = tpu.memref_squeeze %dma_wait3A_727 : memref<1x1x128xi32, #tpu.memory_space<vmem>> -> memref<128xi32, #tpu.memory_space<vmem>>
      %dma_wait3A_729 = arith.constant 0 : i32
      %dma_wait3A_730 = arith.constant 0 : i32
      %dma_wait3A_731 = tpu.memref_slice %arg10[%dma_wait3A_729, %dma_wait3A_730] : memref<100352x8xf32, #tpu.memory_space<vmem_shared>> -> memref<100352x8xf32, #tpu.memory_space<vmem_shared>>
      tpu.wait_indirect_dma semaphore(%arg21 : memref<!tpu.dma_semaphore, #tpu.memory_space<semaphore_mem>>) src(%dma_wait3A_725 : memref<128x8xf32, #tpu.memory_space<vmem>>) dst(%dma_wait3A_731 : memref<100352x8xf32, #tpu.memory_space<vmem_shared>>)
      %dma_wait3A_732 = arith.constant 0 : i32
      %dma_wait3A_733 = arith.constant 5 : i32
      %dma_wait3A_734 = arith.constant 0 : i32
      %dma_wait3A_735 = arith.constant 5 : i32
      %dma_wait3A_736 = arith.constant 0 : i32
      %dma_wait3A_737 = arith.constant 0 : i32
      %dma_wait3A_738 = tpu.memref_slice %arg15[%dma_wait3A_732, %dma_wait3A_733, %dma_wait3A_736, %dma_wait3A_737] : memref<1x8x128x8xf32, #tpu.memory_space<vmem>> -> memref<1x1x128x8xf32, #tpu.memory_space<vmem>>
      %dma_wait3A_739 = tpu.memref_squeeze %dma_wait3A_738 : memref<1x1x128x8xf32, #tpu.memory_space<vmem>> -> memref<128x8xf32, #tpu.memory_space<vmem>>
      %dma_wait3A_740 = arith.constant 0 : i32
      %dma_wait3A_741 = tpu.memref_slice %arg14[%dma_wait3A_734, %dma_wait3A_735, %dma_wait3A_740] : memref<1x8x128xi32, #tpu.memory_space<vmem>> -> memref<1x1x128xi32, #tpu.memory_space<vmem>>
      %dma_wait3A_742 = tpu.memref_squeeze %dma_wait3A_741 : memref<1x1x128xi32, #tpu.memory_space<vmem>> -> memref<128xi32, #tpu.memory_space<vmem>>
      %dma_wait3A_743 = arith.constant 0 : i32
      %dma_wait3A_744 = arith.constant 0 : i32
      %dma_wait3A_745 = tpu.memref_slice %arg10[%dma_wait3A_743, %dma_wait3A_744] : memref<100352x8xf32, #tpu.memory_space<vmem_shared>> -> memref<100352x8xf32, #tpu.memory_space<vmem_shared>>
      tpu.wait_indirect_dma semaphore(%arg21 : memref<!tpu.dma_semaphore, #tpu.memory_space<semaphore_mem>>) src(%dma_wait3A_739 : memref<128x8xf32, #tpu.memory_space<vmem>>) dst(%dma_wait3A_745 : memref<100352x8xf32, #tpu.memory_space<vmem_shared>>)
      %dma_wait3A_746 = arith.constant 0 : i32
      %dma_wait3A_747 = arith.constant 6 : i32
      %dma_wait3A_748 = arith.constant 0 : i32
      %dma_wait3A_749 = arith.constant 6 : i32
      %dma_wait3A_750 = arith.constant 0 : i32
      %dma_wait3A_751 = arith.constant 0 : i32
      %dma_wait3A_752 = tpu.memref_slice %arg15[%dma_wait3A_746, %dma_wait3A_747, %dma_wait3A_750, %dma_wait3A_751] : memref<1x8x128x8xf32, #tpu.memory_space<vmem>> -> memref<1x1x128x8xf32, #tpu.memory_space<vmem>>
      %dma_wait3A_753 = tpu.memref_squeeze %dma_wait3A_752 : memref<1x1x128x8xf32, #tpu.memory_space<vmem>> -> memref<128x8xf32, #tpu.memory_space<vmem>>
      %dma_wait3A_754 = arith.constant 0 : i32
      %dma_wait3A_755 = tpu.memref_slice %arg14[%dma_wait3A_748, %dma_wait3A_749, %dma_wait3A_754] : memref<1x8x128xi32, #tpu.memory_space<vmem>> -> memref<1x1x128xi32, #tpu.memory_space<vmem>>
      %dma_wait3A_756 = tpu.memref_squeeze %dma_wait3A_755 : memref<1x1x128xi32, #tpu.memory_space<vmem>> -> memref<128xi32, #tpu.memory_space<vmem>>
      %dma_wait3A_757 = arith.constant 0 : i32
      %dma_wait3A_758 = arith.constant 0 : i32
      %dma_wait3A_759 = tpu.memref_slice %arg10[%dma_wait3A_757, %dma_wait3A_758] : memref<100352x8xf32, #tpu.memory_space<vmem_shared>> -> memref<100352x8xf32, #tpu.memory_space<vmem_shared>>
      tpu.wait_indirect_dma semaphore(%arg21 : memref<!tpu.dma_semaphore, #tpu.memory_space<semaphore_mem>>) src(%dma_wait3A_753 : memref<128x8xf32, #tpu.memory_space<vmem>>) dst(%dma_wait3A_759 : memref<100352x8xf32, #tpu.memory_space<vmem_shared>>)
      %dma_wait3A_760 = arith.constant 0 : i32
      %dma_wait3A_761 = arith.constant 7 : i32
      %dma_wait3A_762 = arith.constant 0 : i32
      %dma_wait3A_763 = arith.constant 7 : i32
      %dma_wait3A_764 = arith.constant 0 : i32
      %dma_wait3A_765 = arith.constant 0 : i32
      %dma_wait3A_766 = tpu.memref_slice %arg15[%dma_wait3A_760, %dma_wait3A_761, %dma_wait3A_764, %dma_wait3A_765] : memref<1x8x128x8xf32, #tpu.memory_space<vmem>> -> memref<1x1x128x8xf32, #tpu.memory_space<vmem>>
      %dma_wait3A_767 = tpu.memref_squeeze %dma_wait3A_766 : memref<1x1x128x8xf32, #tpu.memory_space<vmem>> -> memref<128x8xf32, #tpu.memory_space<vmem>>
      %dma_wait3A_768 = arith.constant 0 : i32
      %dma_wait3A_769 = tpu.memref_slice %arg14[%dma_wait3A_762, %dma_wait3A_763, %dma_wait3A_768] : memref<1x8x128xi32, #tpu.memory_space<vmem>> -> memref<1x1x128xi32, #tpu.memory_space<vmem>>
      %dma_wait3A_770 = tpu.memref_squeeze %dma_wait3A_769 : memref<1x1x128xi32, #tpu.memory_space<vmem>> -> memref<128xi32, #tpu.memory_space<vmem>>
      %dma_wait3A_771 = arith.constant 0 : i32
      %dma_wait3A_772 = arith.constant 0 : i32
      %dma_wait3A_773 = tpu.memref_slice %arg10[%dma_wait3A_771, %dma_wait3A_772] : memref<100352x8xf32, #tpu.memory_space<vmem_shared>> -> memref<100352x8xf32, #tpu.memory_space<vmem_shared>>
      tpu.wait_indirect_dma semaphore(%arg21 : memref<!tpu.dma_semaphore, #tpu.memory_space<semaphore_mem>>) src(%dma_wait3A_767 : memref<128x8xf32, #tpu.memory_space<vmem>>) dst(%dma_wait3A_773 : memref<100352x8xf32, #tpu.memory_space<vmem_shared>>)
      %dma_wait3A_774 = arith.constant 0 : i32
      %dma_wait3A_775 = arith.constant 0 : i32
      %dma_wait3A_776 = arith.constant 0 : i32
      %dma_wait3A_777 = arith.constant 0 : i32
      %dma_wait3A_778 = arith.constant 0 : i32
      %dma_wait3A_779 = tpu.memref_slice %arg16[%dma_wait3A_774, %dma_wait3A_775, %dma_wait3A_778] : memref<1x8x128xf32, #tpu.memory_space<vmem>> -> memref<1x1x128xf32, #tpu.memory_space<vmem>>
      %dma_wait3A_780 = tpu.memref_squeeze %dma_wait3A_779 : memref<1x1x128xf32, #tpu.memory_space<vmem>> -> memref<128xf32, #tpu.memory_space<vmem>>
      %dma_wait3A_781 = arith.constant 0 : i32
      %dma_wait3A_782 = tpu.memref_slice %arg13[%dma_wait3A_776, %dma_wait3A_777, %dma_wait3A_781] : memref<1x8x128xi32, #tpu.memory_space<vmem>> -> memref<1x1x128xi32, #tpu.memory_space<vmem>>
      %dma_wait3A_783 = tpu.memref_squeeze %dma_wait3A_782 : memref<1x1x128xi32, #tpu.memory_space<vmem>> -> memref<128xi32, #tpu.memory_space<vmem>>
      %dma_wait3A_784 = arith.constant 0 : i32
      %dma_wait3A_785 = tpu.memref_slice %arg11[%dma_wait3A_784] : memref<100352xf32, #tpu.memory_space<vmem_shared>> -> memref<100352xf32, #tpu.memory_space<vmem_shared>>
      tpu.wait_indirect_dma semaphore(%arg22 : memref<!tpu.dma_semaphore, #tpu.memory_space<semaphore_mem>>) src(%dma_wait3A_780 : memref<128xf32, #tpu.memory_space<vmem>>) dst(%dma_wait3A_785 : memref<100352xf32, #tpu.memory_space<vmem_shared>>)
      %dma_wait3A_786 = arith.constant 0 : i32
      %dma_wait3A_787 = arith.constant 1 : i32
      %dma_wait3A_788 = arith.constant 0 : i32
      %dma_wait3A_789 = arith.constant 1 : i32
      %dma_wait3A_790 = arith.constant 0 : i32
      %dma_wait3A_791 = tpu.memref_slice %arg16[%dma_wait3A_786, %dma_wait3A_787, %dma_wait3A_790] : memref<1x8x128xf32, #tpu.memory_space<vmem>> -> memref<1x1x128xf32, #tpu.memory_space<vmem>>
      %dma_wait3A_792 = tpu.memref_squeeze %dma_wait3A_791 : memref<1x1x128xf32, #tpu.memory_space<vmem>> -> memref<128xf32, #tpu.memory_space<vmem>>
      %dma_wait3A_793 = arith.constant 0 : i32
      %dma_wait3A_794 = tpu.memref_slice %arg13[%dma_wait3A_788, %dma_wait3A_789, %dma_wait3A_793] : memref<1x8x128xi32, #tpu.memory_space<vmem>> -> memref<1x1x128xi32, #tpu.memory_space<vmem>>
      %dma_wait3A_795 = tpu.memref_squeeze %dma_wait3A_794 : memref<1x1x128xi32, #tpu.memory_space<vmem>> -> memref<128xi32, #tpu.memory_space<vmem>>
      %dma_wait3A_796 = arith.constant 0 : i32
      %dma_wait3A_797 = tpu.memref_slice %arg11[%dma_wait3A_796] : memref<100352xf32, #tpu.memory_space<vmem_shared>> -> memref<100352xf32, #tpu.memory_space<vmem_shared>>
      tpu.wait_indirect_dma semaphore(%arg22 : memref<!tpu.dma_semaphore, #tpu.memory_space<semaphore_mem>>) src(%dma_wait3A_792 : memref<128xf32, #tpu.memory_space<vmem>>) dst(%dma_wait3A_797 : memref<100352xf32, #tpu.memory_space<vmem_shared>>)
      %dma_wait3A_798 = arith.constant 0 : i32
      %dma_wait3A_799 = arith.constant 2 : i32
      %dma_wait3A_800 = arith.constant 0 : i32
      %dma_wait3A_801 = arith.constant 2 : i32
      %dma_wait3A_802 = arith.constant 0 : i32
      %dma_wait3A_803 = tpu.memref_slice %arg16[%dma_wait3A_798, %dma_wait3A_799, %dma_wait3A_802] : memref<1x8x128xf32, #tpu.memory_space<vmem>> -> memref<1x1x128xf32, #tpu.memory_space<vmem>>
      %dma_wait3A_804 = tpu.memref_squeeze %dma_wait3A_803 : memref<1x1x128xf32, #tpu.memory_space<vmem>> -> memref<128xf32, #tpu.memory_space<vmem>>
      %dma_wait3A_805 = arith.constant 0 : i32
      %dma_wait3A_806 = tpu.memref_slice %arg13[%dma_wait3A_800, %dma_wait3A_801, %dma_wait3A_805] : memref<1x8x128xi32, #tpu.memory_space<vmem>> -> memref<1x1x128xi32, #tpu.memory_space<vmem>>
      %dma_wait3A_807 = tpu.memref_squeeze %dma_wait3A_806 : memref<1x1x128xi32, #tpu.memory_space<vmem>> -> memref<128xi32, #tpu.memory_space<vmem>>
      %dma_wait3A_808 = arith.constant 0 : i32
      %dma_wait3A_809 = tpu.memref_slice %arg11[%dma_wait3A_808] : memref<100352xf32, #tpu.memory_space<vmem_shared>> -> memref<100352xf32, #tpu.memory_space<vmem_shared>>
      tpu.wait_indirect_dma semaphore(%arg22 : memref<!tpu.dma_semaphore, #tpu.memory_space<semaphore_mem>>) src(%dma_wait3A_804 : memref<128xf32, #tpu.memory_space<vmem>>) dst(%dma_wait3A_809 : memref<100352xf32, #tpu.memory_space<vmem_shared>>)
      %dma_wait3A_810 = arith.constant 0 : i32
      %dma_wait3A_811 = arith.constant 3 : i32
      %dma_wait3A_812 = arith.constant 0 : i32
      %dma_wait3A_813 = arith.constant 3 : i32
      %dma_wait3A_814 = arith.constant 0 : i32
      %dma_wait3A_815 = tpu.memref_slice %arg16[%dma_wait3A_810, %dma_wait3A_811, %dma_wait3A_814] : memref<1x8x128xf32, #tpu.memory_space<vmem>> -> memref<1x1x128xf32, #tpu.memory_space<vmem>>
      %dma_wait3A_816 = tpu.memref_squeeze %dma_wait3A_815 : memref<1x1x128xf32, #tpu.memory_space<vmem>> -> memref<128xf32, #tpu.memory_space<vmem>>
      %dma_wait3A_817 = arith.constant 0 : i32
      %dma_wait3A_818 = tpu.memref_slice %arg13[%dma_wait3A_812, %dma_wait3A_813, %dma_wait3A_817] : memref<1x8x128xi32, #tpu.memory_space<vmem>> -> memref<1x1x128xi32, #tpu.memory_space<vmem>>
      %dma_wait3A_819 = tpu.memref_squeeze %dma_wait3A_818 : memref<1x1x128xi32, #tpu.memory_space<vmem>> -> memref<128xi32, #tpu.memory_space<vmem>>
      %dma_wait3A_820 = arith.constant 0 : i32
      %dma_wait3A_821 = tpu.memref_slice %arg11[%dma_wait3A_820] : memref<100352xf32, #tpu.memory_space<vmem_shared>> -> memref<100352xf32, #tpu.memory_space<vmem_shared>>
      tpu.wait_indirect_dma semaphore(%arg22 : memref<!tpu.dma_semaphore, #tpu.memory_space<semaphore_mem>>) src(%dma_wait3A_816 : memref<128xf32, #tpu.memory_space<vmem>>) dst(%dma_wait3A_821 : memref<100352xf32, #tpu.memory_space<vmem_shared>>)
      %dma_wait3A_822 = arith.constant 0 : i32
      %dma_wait3A_823 = arith.constant 4 : i32
      %dma_wait3A_824 = arith.constant 0 : i32
      %dma_wait3A_825 = arith.constant 4 : i32
      %dma_wait3A_826 = arith.constant 0 : i32
      %dma_wait3A_827 = tpu.memref_slice %arg16[%dma_wait3A_822, %dma_wait3A_823, %dma_wait3A_826] : memref<1x8x128xf32, #tpu.memory_space<vmem>> -> memref<1x1x128xf32, #tpu.memory_space<vmem>>
      %dma_wait3A_828 = tpu.memref_squeeze %dma_wait3A_827 : memref<1x1x128xf32, #tpu.memory_space<vmem>> -> memref<128xf32, #tpu.memory_space<vmem>>
      %dma_wait3A_829 = arith.constant 0 : i32
      %dma_wait3A_830 = tpu.memref_slice %arg13[%dma_wait3A_824, %dma_wait3A_825, %dma_wait3A_829] : memref<1x8x128xi32, #tpu.memory_space<vmem>> -> memref<1x1x128xi32, #tpu.memory_space<vmem>>
      %dma_wait3A_831 = tpu.memref_squeeze %dma_wait3A_830 : memref<1x1x128xi32, #tpu.memory_space<vmem>> -> memref<128xi32, #tpu.memory_space<vmem>>
      %dma_wait3A_832 = arith.constant 0 : i32
      %dma_wait3A_833 = tpu.memref_slice %arg11[%dma_wait3A_832] : memref<100352xf32, #tpu.memory_space<vmem_shared>> -> memref<100352xf32, #tpu.memory_space<vmem_shared>>
      tpu.wait_indirect_dma semaphore(%arg22 : memref<!tpu.dma_semaphore, #tpu.memory_space<semaphore_mem>>) src(%dma_wait3A_828 : memref<128xf32, #tpu.memory_space<vmem>>) dst(%dma_wait3A_833 : memref<100352xf32, #tpu.memory_space<vmem_shared>>)
      %dma_wait3A_834 = arith.constant 0 : i32
      %dma_wait3A_835 = arith.constant 5 : i32
      %dma_wait3A_836 = arith.constant 0 : i32
      %dma_wait3A_837 = arith.constant 5 : i32
      %dma_wait3A_838 = arith.constant 0 : i32
      %dma_wait3A_839 = tpu.memref_slice %arg16[%dma_wait3A_834, %dma_wait3A_835, %dma_wait3A_838] : memref<1x8x128xf32, #tpu.memory_space<vmem>> -> memref<1x1x128xf32, #tpu.memory_space<vmem>>
      %dma_wait3A_840 = tpu.memref_squeeze %dma_wait3A_839 : memref<1x1x128xf32, #tpu.memory_space<vmem>> -> memref<128xf32, #tpu.memory_space<vmem>>
      %dma_wait3A_841 = arith.constant 0 : i32
      %dma_wait3A_842 = tpu.memref_slice %arg13[%dma_wait3A_836, %dma_wait3A_837, %dma_wait3A_841] : memref<1x8x128xi32, #tpu.memory_space<vmem>> -> memref<1x1x128xi32, #tpu.memory_space<vmem>>
      %dma_wait3A_843 = tpu.memref_squeeze %dma_wait3A_842 : memref<1x1x128xi32, #tpu.memory_space<vmem>> -> memref<128xi32, #tpu.memory_space<vmem>>
      %dma_wait3A_844 = arith.constant 0 : i32
      %dma_wait3A_845 = tpu.memref_slice %arg11[%dma_wait3A_844] : memref<100352xf32, #tpu.memory_space<vmem_shared>> -> memref<100352xf32, #tpu.memory_space<vmem_shared>>
      tpu.wait_indirect_dma semaphore(%arg22 : memref<!tpu.dma_semaphore, #tpu.memory_space<semaphore_mem>>) src(%dma_wait3A_840 : memref<128xf32, #tpu.memory_space<vmem>>) dst(%dma_wait3A_845 : memref<100352xf32, #tpu.memory_space<vmem_shared>>)
      %dma_wait3A_846 = arith.constant 0 : i32
      %dma_wait3A_847 = arith.constant 6 : i32
      %dma_wait3A_848 = arith.constant 0 : i32
      %dma_wait3A_849 = arith.constant 6 : i32
      %dma_wait3A_850 = arith.constant 0 : i32
      %dma_wait3A_851 = tpu.memref_slice %arg16[%dma_wait3A_846, %dma_wait3A_847, %dma_wait3A_850] : memref<1x8x128xf32, #tpu.memory_space<vmem>> -> memref<1x1x128xf32, #tpu.memory_space<vmem>>
      %dma_wait3A_852 = tpu.memref_squeeze %dma_wait3A_851 : memref<1x1x128xf32, #tpu.memory_space<vmem>> -> memref<128xf32, #tpu.memory_space<vmem>>
      %dma_wait3A_853 = arith.constant 0 : i32
      %dma_wait3A_854 = tpu.memref_slice %arg13[%dma_wait3A_848, %dma_wait3A_849, %dma_wait3A_853] : memref<1x8x128xi32, #tpu.memory_space<vmem>> -> memref<1x1x128xi32, #tpu.memory_space<vmem>>
      %dma_wait3A_855 = tpu.memref_squeeze %dma_wait3A_854 : memref<1x1x128xi32, #tpu.memory_space<vmem>> -> memref<128xi32, #tpu.memory_space<vmem>>
      %dma_wait3A_856 = arith.constant 0 : i32
      %dma_wait3A_857 = tpu.memref_slice %arg11[%dma_wait3A_856] : memref<100352xf32, #tpu.memory_space<vmem_shared>> -> memref<100352xf32, #tpu.memory_space<vmem_shared>>
      tpu.wait_indirect_dma semaphore(%arg22 : memref<!tpu.dma_semaphore, #tpu.memory_space<semaphore_mem>>) src(%dma_wait3A_852 : memref<128xf32, #tpu.memory_space<vmem>>) dst(%dma_wait3A_857 : memref<100352xf32, #tpu.memory_space<vmem_shared>>)
      %dma_wait3A_858 = arith.constant 0 : i32
      %dma_wait3A_859 = arith.constant 7 : i32
      %dma_wait3A_860 = arith.constant 0 : i32
      %dma_wait3A_861 = arith.constant 7 : i32
      %dma_wait3A_862 = arith.constant 0 : i32
      %dma_wait3A_863 = tpu.memref_slice %arg16[%dma_wait3A_858, %dma_wait3A_859, %dma_wait3A_862] : memref<1x8x128xf32, #tpu.memory_space<vmem>> -> memref<1x1x128xf32, #tpu.memory_space<vmem>>
      %dma_wait3A_864 = tpu.memref_squeeze %dma_wait3A_863 : memref<1x1x128xf32, #tpu.memory_space<vmem>> -> memref<128xf32, #tpu.memory_space<vmem>>
      %dma_wait3A_865 = arith.constant 0 : i32
      %dma_wait3A_866 = tpu.memref_slice %arg13[%dma_wait3A_860, %dma_wait3A_861, %dma_wait3A_865] : memref<1x8x128xi32, #tpu.memory_space<vmem>> -> memref<1x1x128xi32, #tpu.memory_space<vmem>>
      %dma_wait3A_867 = tpu.memref_squeeze %dma_wait3A_866 : memref<1x1x128xi32, #tpu.memory_space<vmem>> -> memref<128xi32, #tpu.memory_space<vmem>>
      %dma_wait3A_868 = arith.constant 0 : i32
      %dma_wait3A_869 = tpu.memref_slice %arg11[%dma_wait3A_868] : memref<100352xf32, #tpu.memory_space<vmem_shared>> -> memref<100352xf32, #tpu.memory_space<vmem_shared>>
      tpu.wait_indirect_dma semaphore(%arg22 : memref<!tpu.dma_semaphore, #tpu.memory_space<semaphore_mem>>) src(%dma_wait3A_864 : memref<128xf32, #tpu.memory_space<vmem>>) dst(%dma_wait3A_869 : memref<100352xf32, #tpu.memory_space<vmem_shared>>)
    }
    %scan3A_23 = arith.constant 98 : i32
    %barrier3A_24 = arith.constant 0 : index
    tpu.barrier barrier_id(%barrier3A_24)
    %scan3A_25 = arith.constant 0 : i32
    %scan3A_26 = arith.constant 14 : i32
    %scan3A_27 = arith.addi %scan3A_25, %scan3A_26 : i32
    %scan3A_28 = arith.constant 1 : i32
    scf.for %scan3A_30 = %scan3A_25 to %scan3A_27 step %scan3A_28  : i32 {
      %mul3A_31 = arith.constant 1 : i32
      %mul3A_32 = arith.muli %scan3A_30, %mul3A_31 : i32
      %add3A_33 = arith.constant 0 : i32
      %add3A_34 = arith.addi %add3A_33, %mul3A_32 : i32
      %mul3A_35 = arith.constant 448 : i32
      %mul3A_36 = arith.muli %add3A_34, %mul3A_35 : i32
      %add3A_37 = arith.addi %mul3A_2, %mul3A_36 : i32
      "tpu.region"() ({
        %run_scoped3A = tpu.sem_alloc : memref<!tpu.dma_semaphore, #tpu.memory_space<semaphore_mem>>
        %dma_start3A = arith.constant 0 : i32
        %dma_start3A_53 = tpu.memref_slice %arg10[%add3A_37, %dma_start3A] : memref<100352x8xf32, #tpu.memory_space<vmem_shared>> -> memref<448x8xf32, #tpu.memory_space<vmem_shared>>
        %dma_start3A_54 = arith.constant 0 : i32
        %dma_start3A_55 = tpu.memref_slice %arg10[%add3A_37, %dma_start3A_54] : memref<100352x8xf32, #tpu.memory_space<vmem_shared>> -> memref<448x8xf32, #tpu.memory_space<vmem_shared>>
        tpu.enqueue_dma source(%dma_start3A_55 : memref<448x8xf32, #tpu.memory_space<vmem_shared>>) target(%arg17 : memref<448x8xf32, #tpu.memory_space<vmem>>) target_semaphore(%run_scoped3A : memref<!tpu.dma_semaphore, #tpu.memory_space<semaphore_mem>>)
        %dma_wait3A = arith.constant 0 : i32
        %dma_wait3A_56 = tpu.memref_slice %arg10[%add3A_37, %dma_wait3A] : memref<100352x8xf32, #tpu.memory_space<vmem_shared>> -> memref<448x8xf32, #tpu.memory_space<vmem_shared>>
        %dma_wait3A_57 = arith.constant 0 : i32
        %dma_wait3A_58 = tpu.memref_slice %arg10[%add3A_37, %dma_wait3A_57] : memref<100352x8xf32, #tpu.memory_space<vmem_shared>> -> memref<448x8xf32, #tpu.memory_space<vmem_shared>>
        tpu.wait_dma2 semaphore(%run_scoped3A : memref<!tpu.dma_semaphore, #tpu.memory_space<semaphore_mem>>) src(%dma_wait3A_58 : memref<448x8xf32, #tpu.memory_space<vmem_shared>>) dst(%arg17 : memref<448x8xf32, #tpu.memory_space<vmem>>)
        tpu.yield
      }) : () -> ()
      %mul3A_38 = arith.constant 100352 : i32
      %mul3A_39 = arith.muli %arg0, %mul3A_38 : i32
      %add3A_40 = arith.addi %mul3A_39, %mul3A_2 : i32
      %mul3A_41 = arith.constant 448 : i32
      %mul3A_42 = arith.muli %add3A_34, %mul3A_41 : i32
      %add3A_43 = arith.addi %add3A_40, %mul3A_42 : i32
      "tpu.region"() ({
        %run_scoped3A = tpu.sem_alloc : memref<!tpu.dma_semaphore, #tpu.memory_space<semaphore_mem>>
        %dma_start3A = arith.constant 0 : i32
        %dma_start3A_53 = tpu.memref_slice %arg7[%add3A_43, %dma_start3A] : memref<200704x8xf32, #tpu.memory_space<hbm>> -> memref<448x8xf32, #tpu.memory_space<hbm>>
        %dma_start3A_54 = arith.constant 0 : i32
        %dma_start3A_55 = tpu.memref_slice %arg7[%add3A_43, %dma_start3A_54] : memref<200704x8xf32, #tpu.memory_space<hbm>> -> memref<448x8xf32, #tpu.memory_space<hbm>>
        tpu.enqueue_dma source(%arg17 : memref<448x8xf32, #tpu.memory_space<vmem>>) target(%dma_start3A_55 : memref<448x8xf32, #tpu.memory_space<hbm>>) target_semaphore(%run_scoped3A : memref<!tpu.dma_semaphore, #tpu.memory_space<semaphore_mem>>)
        %dma_wait3A = arith.constant 0 : i32
        %dma_wait3A_56 = tpu.memref_slice %arg7[%add3A_43, %dma_wait3A] : memref<200704x8xf32, #tpu.memory_space<hbm>> -> memref<448x8xf32, #tpu.memory_space<hbm>>
        %dma_wait3A_57 = arith.constant 0 : i32
        %dma_wait3A_58 = tpu.memref_slice %arg7[%add3A_43, %dma_wait3A_57] : memref<200704x8xf32, #tpu.memory_space<hbm>> -> memref<448x8xf32, #tpu.memory_space<hbm>>
        tpu.wait_dma2 semaphore(%run_scoped3A : memref<!tpu.dma_semaphore, #tpu.memory_space<semaphore_mem>>) src(%arg17 : memref<448x8xf32, #tpu.memory_space<vmem>>) dst(%dma_wait3A_58 : memref<448x8xf32, #tpu.memory_space<hbm>>)
        tpu.yield
      }) : () -> ()
      %mul3A_44 = arith.constant 448 : i32
      %mul3A_45 = arith.muli %add3A_34, %mul3A_44 : i32
      %add3A_46 = arith.addi %mul3A_2, %mul3A_45 : i32
      "tpu.region"() ({
        %run_scoped3A = tpu.sem_alloc : memref<!tpu.dma_semaphore, #tpu.memory_space<semaphore_mem>>
        %dma_start3A = tpu.memref_slice %arg11[%add3A_46] : memref<100352xf32, #tpu.memory_space<vmem_shared>> -> memref<448xf32, #tpu.memory_space<vmem_shared>>
        %dma_start3A_53 = tpu.memref_slice %arg11[%add3A_46] : memref<100352xf32, #tpu.memory_space<vmem_shared>> -> memref<448xf32, #tpu.memory_space<vmem_shared>>
        tpu.enqueue_dma source(%dma_start3A_53 : memref<448xf32, #tpu.memory_space<vmem_shared>>) target(%arg18 : memref<448xf32, #tpu.memory_space<vmem>>) target_semaphore(%run_scoped3A : memref<!tpu.dma_semaphore, #tpu.memory_space<semaphore_mem>>)
        %dma_wait3A = tpu.memref_slice %arg11[%add3A_46] : memref<100352xf32, #tpu.memory_space<vmem_shared>> -> memref<448xf32, #tpu.memory_space<vmem_shared>>
        %dma_wait3A_54 = tpu.memref_slice %arg11[%add3A_46] : memref<100352xf32, #tpu.memory_space<vmem_shared>> -> memref<448xf32, #tpu.memory_space<vmem_shared>>
        tpu.wait_dma2 semaphore(%run_scoped3A : memref<!tpu.dma_semaphore, #tpu.memory_space<semaphore_mem>>) src(%dma_wait3A_54 : memref<448xf32, #tpu.memory_space<vmem_shared>>) dst(%arg18 : memref<448xf32, #tpu.memory_space<vmem>>)
        tpu.yield
      }) : () -> ()
      %mul3A_47 = arith.constant 100352 : i32
      %mul3A_48 = arith.muli %arg0, %mul3A_47 : i32
      %add3A_49 = arith.addi %mul3A_48, %mul3A_2 : i32
      %mul3A_50 = arith.constant 448 : i32
      %mul3A_51 = arith.muli %add3A_34, %mul3A_50 : i32
      %add3A_52 = arith.addi %add3A_49, %mul3A_51 : i32
      "tpu.region"() ({
        %run_scoped3A = tpu.sem_alloc : memref<!tpu.dma_semaphore, #tpu.memory_space<semaphore_mem>>
        %dma_start3A = tpu.memref_slice %arg8[%add3A_52] : memref<200704xf32, #tpu.memory_space<hbm>> -> memref<448xf32, #tpu.memory_space<hbm>>
        %dma_start3A_53 = tpu.memref_slice %arg8[%add3A_52] : memref<200704xf32, #tpu.memory_space<hbm>> -> memref<448xf32, #tpu.memory_space<hbm>>
        tpu.enqueue_dma source(%arg18 : memref<448xf32, #tpu.memory_space<vmem>>) target(%dma_start3A_53 : memref<448xf32, #tpu.memory_space<hbm>>) target_semaphore(%run_scoped3A : memref<!tpu.dma_semaphore, #tpu.memory_space<semaphore_mem>>)
        %dma_wait3A = tpu.memref_slice %arg8[%add3A_52] : memref<200704xf32, #tpu.memory_space<hbm>> -> memref<448xf32, #tpu.memory_space<hbm>>
        %dma_wait3A_54 = tpu.memref_slice %arg8[%add3A_52] : memref<200704xf32, #tpu.memory_space<hbm>> -> memref<448xf32, #tpu.memory_space<hbm>>
        tpu.wait_dma2 semaphore(%run_scoped3A : memref<!tpu.dma_semaphore, #tpu.memory_space<semaphore_mem>>) src(%arg18 : memref<448xf32, #tpu.memory_space<vmem>>) dst(%dma_wait3A_54 : memref<448xf32, #tpu.memory_space<hbm>>)
        tpu.yield
      }) : () -> ()
    }
    %scan3A_29 = arith.constant 14 : i32
    return
  }
}

#map = affine_map<(d0, d1) -> (0, 0)>
#map1 = affine_map<(d0, d1) -> (0)>
module attributes {stable_mosaic.version = 14 : i64} {
  func.func @k(%arg0: i32, %arg1: i32, %arg2: memref<25088x128xi32, #tpu.memory_space<hbm>>, %arg3: memref<200704xf32, #tpu.memory_space<hbm>>, %arg4: memref<100352xf32, #tpu.memory_space<vmem_shared>>, %arg5: memref<2x16x128xi32, #tpu.memory_space<vmem>>, %arg6: memref<128xf32, #tpu.memory_space<vmem>>, %arg7: memref<448xf32, #tpu.memory_space<vmem>>, %arg8: memref<!tpu.dma_semaphore, #tpu.memory_space<semaphore_mem>>) attributes {dimension_semantics = [#tpu.dimension_semantics<core_parallel>, #tpu.dimension_semantics<subcore_parallel>], iteration_bounds = array<i64: 2, 16>, scalar_prefetch = 0 : i64, scratch_operands = 5 : i64, tpu.core_type = #tpu.core_type<sc_vector_subcore>, window_params = [{transform_indices = #map}, {transform_indices = #map1}]} {
    %mul3A = arith.constant 16 : i32
    %mul3A_0 = arith.muli %arg0, %mul3A : i32
    %add3A = arith.addi %mul3A_0, %arg1 : i32
    %mul3A_1 = arith.constant 6272 : i32
    %mul3A_2 = arith.muli %arg1, %mul3A_1 : i32
    %scan3A = arith.constant 0 : i32
    %scan3A_3 = arith.constant 28 : i32
    %scan3A_4 = arith.addi %scan3A, %scan3A_3 : i32
    %scan3A_5 = arith.constant 1 : i32
    scf.for %scan3A_296 = %scan3A to %scan3A_4 step %scan3A_5  : i32 {
      %mul3A_297 = arith.constant 1 : i32
      %mul3A_298 = arith.muli %scan3A_296, %mul3A_297 : i32
      %add3A_299 = arith.constant 0 : i32
      %add3A_300 = arith.addi %add3A_299, %mul3A_298 : i32
      %broadcast_in_dim3A_301 = arith.constant 0.000000e+00 : f32
      %broadcast_in_dim3A_302 = vector.broadcast %broadcast_in_dim3A_301 : f32 to vector<16xf32>
      %mul3A_303 = arith.constant 16 : i32
      %mul3A_304 = arith.muli %add3A_300, %mul3A_303 : i32
      %swap3A_305 = arith.index_cast %mul3A_304 : i32 to index
      %swap3A_306 = tpu.vector_load %arg7[%swap3A_305] {strides = array<i32>} : memref<448xf32, #tpu.memory_space<vmem>>, vector<16xf32>,
      %swap3A_307 = vector.shape_cast %swap3A_306 : vector<16xf32> to vector<16xf32>
      %swap3A_308 = vector.shape_cast %broadcast_in_dim3A_302 : vector<16xf32> to vector<16xf32>
      tpu.vector_store %arg7[%swap3A_305], %swap3A_308 {strides = array<i32>} : memref<448xf32, #tpu.memory_space<vmem>>, vector<16xf32>,
    }
    %scan3A_6 = arith.constant 28 : i32
    %scan3A_7 = arith.constant 0 : i32
    %scan3A_8 = arith.constant 14 : i32
    %scan3A_9 = arith.addi %scan3A_7, %scan3A_8 : i32
    %scan3A_10 = arith.constant 1 : i32
    scf.for %scan3A_296 = %scan3A_7 to %scan3A_9 step %scan3A_10  : i32 {
      %mul3A_297 = arith.constant 1 : i32
      %mul3A_298 = arith.muli %scan3A_296, %mul3A_297 : i32
      %add3A_299 = arith.constant 0 : i32
      %add3A_300 = arith.addi %add3A_299, %mul3A_298 : i32
      %mul3A_301 = arith.constant 448 : i32
      %mul3A_302 = arith.muli %add3A_300, %mul3A_301 : i32
      %add3A_303 = arith.addi %mul3A_2, %mul3A_302 : i32
      "tpu.region"() ({
        %run_scoped3A_304 = tpu.sem_alloc : memref<!tpu.dma_semaphore, #tpu.memory_space<semaphore_mem>>
        %dma_start3A_305 = tpu.memref_slice %arg4[%add3A_303] : memref<100352xf32, #tpu.memory_space<vmem_shared>> -> memref<448xf32, #tpu.memory_space<vmem_shared>>
        %dma_start3A_306 = tpu.memref_slice %arg4[%add3A_303] : memref<100352xf32, #tpu.memory_space<vmem_shared>> -> memref<448xf32, #tpu.memory_space<vmem_shared>>
        tpu.enqueue_dma source(%arg7 : memref<448xf32, #tpu.memory_space<vmem>>) target(%dma_start3A_306 : memref<448xf32, #tpu.memory_space<vmem_shared>>) target_semaphore(%run_scoped3A_304 : memref<!tpu.dma_semaphore, #tpu.memory_space<semaphore_mem>>)
        %dma_wait3A_307 = tpu.memref_slice %arg4[%add3A_303] : memref<100352xf32, #tpu.memory_space<vmem_shared>> -> memref<448xf32, #tpu.memory_space<vmem_shared>>
        %dma_wait3A_308 = tpu.memref_slice %arg4[%add3A_303] : memref<100352xf32, #tpu.memory_space<vmem_shared>> -> memref<448xf32, #tpu.memory_space<vmem_shared>>
        tpu.wait_dma2 semaphore(%run_scoped3A_304 : memref<!tpu.dma_semaphore, #tpu.memory_space<semaphore_mem>>) src(%arg7 : memref<448xf32, #tpu.memory_space<vmem>>) dst(%dma_wait3A_308 : memref<448xf32, #tpu.memory_space<vmem_shared>>)
        tpu.yield
      }) : () -> ()
    }
    %scan3A_11 = arith.constant 14 : i32
    %broadcast_in_dim3A = arith.constant 1.000000e+00 : f32
    %broadcast_in_dim3A_12 = vector.broadcast %broadcast_in_dim3A : f32 to vector<16xf32>
    %swap3A = arith.constant 0 : index
    %swap3A_13 = tpu.vector_load %arg6[%swap3A] {strides = array<i32>} : memref<128xf32, #tpu.memory_space<vmem>>, vector<16xf32>,
    %swap3A_14 = vector.shape_cast %swap3A_13 : vector<16xf32> to vector<16xf32>
    %swap3A_15 = vector.shape_cast %broadcast_in_dim3A_12 : vector<16xf32> to vector<16xf32>
    tpu.vector_store %arg6[%swap3A], %swap3A_15 {strides = array<i32>} : memref<128xf32, #tpu.memory_space<vmem>>, vector<16xf32>,
    %broadcast_in_dim3A_16 = arith.constant 1.000000e+00 : f32
    %broadcast_in_dim3A_17 = vector.broadcast %broadcast_in_dim3A_16 : f32 to vector<16xf32>
    %swap3A_18 = arith.constant 16 : index
    %swap3A_19 = tpu.vector_load %arg6[%swap3A_18] {strides = array<i32>} : memref<128xf32, #tpu.memory_space<vmem>>, vector<16xf32>,
    %swap3A_20 = vector.shape_cast %swap3A_19 : vector<16xf32> to vector<16xf32>
    %swap3A_21 = vector.shape_cast %broadcast_in_dim3A_17 : vector<16xf32> to vector<16xf32>
    tpu.vector_store %arg6[%swap3A_18], %swap3A_21 {strides = array<i32>} : memref<128xf32, #tpu.memory_space<vmem>>, vector<16xf32>,
    %broadcast_in_dim3A_22 = arith.constant 1.000000e+00 : f32
    %broadcast_in_dim3A_23 = vector.broadcast %broadcast_in_dim3A_22 : f32 to vector<16xf32>
    %swap3A_24 = arith.constant 32 : index
    %swap3A_25 = tpu.vector_load %arg6[%swap3A_24] {strides = array<i32>} : memref<128xf32, #tpu.memory_space<vmem>>, vector<16xf32>,
    %swap3A_26 = vector.shape_cast %swap3A_25 : vector<16xf32> to vector<16xf32>
    %swap3A_27 = vector.shape_cast %broadcast_in_dim3A_23 : vector<16xf32> to vector<16xf32>
    tpu.vector_store %arg6[%swap3A_24], %swap3A_27 {strides = array<i32>} : memref<128xf32, #tpu.memory_space<vmem>>, vector<16xf32>,
    %broadcast_in_dim3A_28 = arith.constant 1.000000e+00 : f32
    %broadcast_in_dim3A_29 = vector.broadcast %broadcast_in_dim3A_28 : f32 to vector<16xf32>
    %swap3A_30 = arith.constant 48 : index
    %swap3A_31 = tpu.vector_load %arg6[%swap3A_30] {strides = array<i32>} : memref<128xf32, #tpu.memory_space<vmem>>, vector<16xf32>,
    %swap3A_32 = vector.shape_cast %swap3A_31 : vector<16xf32> to vector<16xf32>
    %swap3A_33 = vector.shape_cast %broadcast_in_dim3A_29 : vector<16xf32> to vector<16xf32>
    tpu.vector_store %arg6[%swap3A_30], %swap3A_33 {strides = array<i32>} : memref<128xf32, #tpu.memory_space<vmem>>, vector<16xf32>,
    %broadcast_in_dim3A_34 = arith.constant 1.000000e+00 : f32
    %broadcast_in_dim3A_35 = vector.broadcast %broadcast_in_dim3A_34 : f32 to vector<16xf32>
    %swap3A_36 = arith.constant 64 : index
    %swap3A_37 = tpu.vector_load %arg6[%swap3A_36] {strides = array<i32>} : memref<128xf32, #tpu.memory_space<vmem>>, vector<16xf32>,
    %swap3A_38 = vector.shape_cast %swap3A_37 : vector<16xf32> to vector<16xf32>
    %swap3A_39 = vector.shape_cast %broadcast_in_dim3A_35 : vector<16xf32> to vector<16xf32>
    tpu.vector_store %arg6[%swap3A_36], %swap3A_39 {strides = array<i32>} : memref<128xf32, #tpu.memory_space<vmem>>, vector<16xf32>,
    %broadcast_in_dim3A_40 = arith.constant 1.000000e+00 : f32
    %broadcast_in_dim3A_41 = vector.broadcast %broadcast_in_dim3A_40 : f32 to vector<16xf32>
    %swap3A_42 = arith.constant 80 : index
    %swap3A_43 = tpu.vector_load %arg6[%swap3A_42] {strides = array<i32>} : memref<128xf32, #tpu.memory_space<vmem>>, vector<16xf32>,
    %swap3A_44 = vector.shape_cast %swap3A_43 : vector<16xf32> to vector<16xf32>
    %swap3A_45 = vector.shape_cast %broadcast_in_dim3A_41 : vector<16xf32> to vector<16xf32>
    tpu.vector_store %arg6[%swap3A_42], %swap3A_45 {strides = array<i32>} : memref<128xf32, #tpu.memory_space<vmem>>, vector<16xf32>,
    %broadcast_in_dim3A_46 = arith.constant 1.000000e+00 : f32
    %broadcast_in_dim3A_47 = vector.broadcast %broadcast_in_dim3A_46 : f32 to vector<16xf32>
    %swap3A_48 = arith.constant 96 : index
    %swap3A_49 = tpu.vector_load %arg6[%swap3A_48] {strides = array<i32>} : memref<128xf32, #tpu.memory_space<vmem>>, vector<16xf32>,
    %swap3A_50 = vector.shape_cast %swap3A_49 : vector<16xf32> to vector<16xf32>
    %swap3A_51 = vector.shape_cast %broadcast_in_dim3A_47 : vector<16xf32> to vector<16xf32>
    tpu.vector_store %arg6[%swap3A_48], %swap3A_51 {strides = array<i32>} : memref<128xf32, #tpu.memory_space<vmem>>, vector<16xf32>,
    %broadcast_in_dim3A_52 = arith.constant 1.000000e+00 : f32
    %broadcast_in_dim3A_53 = vector.broadcast %broadcast_in_dim3A_52 : f32 to vector<16xf32>
    %swap3A_54 = arith.constant 112 : index
    %swap3A_55 = tpu.vector_load %arg6[%swap3A_54] {strides = array<i32>} : memref<128xf32, #tpu.memory_space<vmem>>, vector<16xf32>,
    %swap3A_56 = vector.shape_cast %swap3A_55 : vector<16xf32> to vector<16xf32>
    %swap3A_57 = vector.shape_cast %broadcast_in_dim3A_53 : vector<16xf32> to vector<16xf32>
    tpu.vector_store %arg6[%swap3A_54], %swap3A_57 {strides = array<i32>} : memref<128xf32, #tpu.memory_space<vmem>>, vector<16xf32>,
    %barrier3A = arith.constant 0 : index
    tpu.barrier barrier_id(%barrier3A)
    %mul3A_58 = arith.constant 784 : i32
    %mul3A_59 = arith.muli %add3A, %mul3A_58 : i32
    %add3A_60 = arith.constant 0 : i32
    %add3A_61 = arith.addi %mul3A_59, %add3A_60 : i32
    %min3A = arith.constant 25072 : i32
    %min3A_62 = arith.minsi %add3A_61, %min3A : i32
    %run_scoped3A = arith.constant 0 : i32
    "tpu.region"() ({
      %run_scoped3A_296 = tpu.sem_alloc : memref<!tpu.dma_semaphore, #tpu.memory_space<semaphore_mem>>
      %dma_start3A_297 = arith.constant 0 : i32
      %dma_start3A_298 = arith.constant 0 : i32
      %dma_start3A_299 = tpu.memref_slice %arg5[%run_scoped3A, %dma_start3A_297, %dma_start3A_298] : memref<2x16x128xi32, #tpu.memory_space<vmem>> -> memref<1x16x128xi32, #tpu.memory_space<vmem>>
      %dma_start3A_300 = tpu.memref_squeeze %dma_start3A_299 : memref<1x16x128xi32, #tpu.memory_space<vmem>> -> memref<16x128xi32, #tpu.memory_space<vmem>>
      %dma_start3A_301 = arith.constant 0 : i32
      %dma_start3A_302 = tpu.memref_slice %arg2[%min3A_62, %dma_start3A_301] : memref<25088x128xi32, #tpu.memory_space<hbm>> -> memref<16x128xi32, #tpu.memory_space<hbm>>
      %dma_start3A_303 = arith.constant 0 : i32
      %dma_start3A_304 = arith.constant 0 : i32
      %dma_start3A_305 = tpu.memref_slice %arg5[%run_scoped3A, %dma_start3A_303, %dma_start3A_304] : memref<2x16x128xi32, #tpu.memory_space<vmem>> -> memref<1x16x128xi32, #tpu.memory_space<vmem>>
      %dma_start3A_306 = tpu.memref_squeeze %dma_start3A_305 : memref<1x16x128xi32, #tpu.memory_space<vmem>> -> memref<16x128xi32, #tpu.memory_space<vmem>>
      %dma_start3A_307 = arith.constant 0 : i32
      %dma_start3A_308 = tpu.memref_slice %arg2[%min3A_62, %dma_start3A_307] : memref<25088x128xi32, #tpu.memory_space<hbm>> -> memref<16x128xi32, #tpu.memory_space<hbm>>
      tpu.enqueue_dma source(%dma_start3A_308 : memref<16x128xi32, #tpu.memory_space<hbm>>) target(%dma_start3A_306 : memref<16x128xi32, #tpu.memory_space<vmem>>) target_semaphore(%run_scoped3A_296 : memref<!tpu.dma_semaphore, #tpu.memory_space<semaphore_mem>>)
      %dma_wait3A_309 = arith.constant 0 : i32
      %dma_wait3A_310 = arith.constant 0 : i32
      %dma_wait3A_311 = tpu.memref_slice %arg5[%run_scoped3A, %dma_wait3A_309, %dma_wait3A_310] : memref<2x16x128xi32, #tpu.memory_space<vmem>> -> memref<1x16x128xi32, #tpu.memory_space<vmem>>
      %dma_wait3A_312 = tpu.memref_squeeze %dma_wait3A_311 : memref<1x16x128xi32, #tpu.memory_space<vmem>> -> memref<16x128xi32, #tpu.memory_space<vmem>>
      %dma_wait3A_313 = arith.constant 0 : i32
      %dma_wait3A_314 = tpu.memref_slice %arg2[%min3A_62, %dma_wait3A_313] : memref<25088x128xi32, #tpu.memory_space<hbm>> -> memref<16x128xi32, #tpu.memory_space<hbm>>
      %dma_wait3A_315 = arith.constant 0 : i32
      %dma_wait3A_316 = arith.constant 0 : i32
      %dma_wait3A_317 = tpu.memref_slice %arg5[%run_scoped3A, %dma_wait3A_315, %dma_wait3A_316] : memref<2x16x128xi32, #tpu.memory_space<vmem>> -> memref<1x16x128xi32, #tpu.memory_space<vmem>>
      %dma_wait3A_318 = tpu.memref_squeeze %dma_wait3A_317 : memref<1x16x128xi32, #tpu.memory_space<vmem>> -> memref<16x128xi32, #tpu.memory_space<vmem>>
      %dma_wait3A_319 = arith.constant 0 : i32
      %dma_wait3A_320 = tpu.memref_slice %arg2[%min3A_62, %dma_wait3A_319] : memref<25088x128xi32, #tpu.memory_space<hbm>> -> memref<16x128xi32, #tpu.memory_space<hbm>>
      tpu.wait_dma2 semaphore(%run_scoped3A_296 : memref<!tpu.dma_semaphore, #tpu.memory_space<semaphore_mem>>) src(%dma_wait3A_320 : memref<16x128xi32, #tpu.memory_space<hbm>>) dst(%dma_wait3A_318 : memref<16x128xi32, #tpu.memory_space<vmem>>)
      tpu.yield
    }) : () -> ()
    %scan3A_63 = arith.constant 0 : i32
    %scan3A_64 = arith.constant 24 : i32
    %scan3A_65 = arith.addi %scan3A_63, %scan3A_64 : i32
    %scan3A_66 = arith.constant 1 : i32
    scf.for %scan3A_296 = %scan3A_63 to %scan3A_65 step %scan3A_66  : i32 {
      %mul3A_297 = arith.constant 1 : i32
      %mul3A_298 = arith.muli %scan3A_296, %mul3A_297 : i32
      %add3A_299 = arith.constant 0 : i32
      %add3A_300 = arith.addi %add3A_299, %mul3A_298 : i32
      %mul3A_301 = arith.constant 2 : i32
      %mul3A_302 = arith.muli %mul3A_301, %add3A_300 : i32
      %dma_start3A_303 = arith.constant 0 : i32
      %dma_start3A_304 = arith.constant 0 : i32
      %dma_start3A_305 = arith.constant 0 : i32
      %dma_start3A_306 = tpu.memref_slice %arg5[%dma_start3A_303, %dma_start3A_304, %dma_start3A_305] : memref<2x16x128xi32, #tpu.memory_space<vmem>> -> memref<1x1x128xi32, #tpu.memory_space<vmem>>
      %dma_start3A_307 = tpu.memref_squeeze %dma_start3A_306 : memref<1x1x128xi32, #tpu.memory_space<vmem>> -> memref<128xi32, #tpu.memory_space<vmem>>
      %dma_start3A_308 = arith.constant 0 : i32
      %dma_start3A_309 = tpu.memref_slice %arg4[%dma_start3A_308] : memref<100352xf32, #tpu.memory_space<vmem_shared>> -> memref<100352xf32, #tpu.memory_space<vmem_shared>>
      tpu.enqueue_indirect_dma source(%arg6 : memref<128xf32, #tpu.memory_space<vmem>>) target(%dma_start3A_309 : memref<100352xf32, #tpu.memory_space<vmem_shared>>) offsets(%dma_start3A_307 : memref<128xi32, #tpu.memory_space<vmem>>) semaphore(%arg8 : memref<!tpu.dma_semaphore, #tpu.memory_space<semaphore_mem>>) {add = true}
      %dma_start3A_310 = arith.constant 0 : i32
      %dma_start3A_311 = arith.constant 1 : i32
      %dma_start3A_312 = arith.constant 0 : i32
      %dma_start3A_313 = tpu.memref_slice %arg5[%dma_start3A_310, %dma_start3A_311, %dma_start3A_312] : memref<2x16x128xi32, #tpu.memory_space<vmem>> -> memref<1x1x128xi32, #tpu.memory_space<vmem>>
      %dma_start3A_314 = tpu.memref_squeeze %dma_start3A_313 : memref<1x1x128xi32, #tpu.memory_space<vmem>> -> memref<128xi32, #tpu.memory_space<vmem>>
      %dma_start3A_315 = arith.constant 0 : i32
      %dma_start3A_316 = tpu.memref_slice %arg4[%dma_start3A_315] : memref<100352xf32, #tpu.memory_space<vmem_shared>> -> memref<100352xf32, #tpu.memory_space<vmem_shared>>
      tpu.enqueue_indirect_dma source(%arg6 : memref<128xf32, #tpu.memory_space<vmem>>) target(%dma_start3A_316 : memref<100352xf32, #tpu.memory_space<vmem_shared>>) offsets(%dma_start3A_314 : memref<128xi32, #tpu.memory_space<vmem>>) semaphore(%arg8 : memref<!tpu.dma_semaphore, #tpu.memory_space<semaphore_mem>>) {add = true}
      %dma_start3A_317 = arith.constant 0 : i32
      %dma_start3A_318 = arith.constant 2 : i32
      %dma_start3A_319 = arith.constant 0 : i32
      %dma_start3A_320 = tpu.memref_slice %arg5[%dma_start3A_317, %dma_start3A_318, %dma_start3A_319] : memref<2x16x128xi32, #tpu.memory_space<vmem>> -> memref<1x1x128xi32, #tpu.memory_space<vmem>>
      %dma_start3A_321 = tpu.memref_squeeze %dma_start3A_320 : memref<1x1x128xi32, #tpu.memory_space<vmem>> -> memref<128xi32, #tpu.memory_space<vmem>>
      %dma_start3A_322 = arith.constant 0 : i32
      %dma_start3A_323 = tpu.memref_slice %arg4[%dma_start3A_322] : memref<100352xf32, #tpu.memory_space<vmem_shared>> -> memref<100352xf32, #tpu.memory_space<vmem_shared>>
      tpu.enqueue_indirect_dma source(%arg6 : memref<128xf32, #tpu.memory_space<vmem>>) target(%dma_start3A_323 : memref<100352xf32, #tpu.memory_space<vmem_shared>>) offsets(%dma_start3A_321 : memref<128xi32, #tpu.memory_space<vmem>>) semaphore(%arg8 : memref<!tpu.dma_semaphore, #tpu.memory_space<semaphore_mem>>) {add = true}
      %dma_start3A_324 = arith.constant 0 : i32
      %dma_start3A_325 = arith.constant 3 : i32
      %dma_start3A_326 = arith.constant 0 : i32
      %dma_start3A_327 = tpu.memref_slice %arg5[%dma_start3A_324, %dma_start3A_325, %dma_start3A_326] : memref<2x16x128xi32, #tpu.memory_space<vmem>> -> memref<1x1x128xi32, #tpu.memory_space<vmem>>
      %dma_start3A_328 = tpu.memref_squeeze %dma_start3A_327 : memref<1x1x128xi32, #tpu.memory_space<vmem>> -> memref<128xi32, #tpu.memory_space<vmem>>
      %dma_start3A_329 = arith.constant 0 : i32
      %dma_start3A_330 = tpu.memref_slice %arg4[%dma_start3A_329] : memref<100352xf32, #tpu.memory_space<vmem_shared>> -> memref<100352xf32, #tpu.memory_space<vmem_shared>>
      tpu.enqueue_indirect_dma source(%arg6 : memref<128xf32, #tpu.memory_space<vmem>>) target(%dma_start3A_330 : memref<100352xf32, #tpu.memory_space<vmem_shared>>) offsets(%dma_start3A_328 : memref<128xi32, #tpu.memory_space<vmem>>) semaphore(%arg8 : memref<!tpu.dma_semaphore, #tpu.memory_space<semaphore_mem>>) {add = true}
      %dma_start3A_331 = arith.constant 0 : i32
      %dma_start3A_332 = arith.constant 4 : i32
      %dma_start3A_333 = arith.constant 0 : i32
      %dma_start3A_334 = tpu.memref_slice %arg5[%dma_start3A_331, %dma_start3A_332, %dma_start3A_333] : memref<2x16x128xi32, #tpu.memory_space<vmem>> -> memref<1x1x128xi32, #tpu.memory_space<vmem>>
      %dma_start3A_335 = tpu.memref_squeeze %dma_start3A_334 : memref<1x1x128xi32, #tpu.memory_space<vmem>> -> memref<128xi32, #tpu.memory_space<vmem>>
      %dma_start3A_336 = arith.constant 0 : i32
      %dma_start3A_337 = tpu.memref_slice %arg4[%dma_start3A_336] : memref<100352xf32, #tpu.memory_space<vmem_shared>> -> memref<100352xf32, #tpu.memory_space<vmem_shared>>
      tpu.enqueue_indirect_dma source(%arg6 : memref<128xf32, #tpu.memory_space<vmem>>) target(%dma_start3A_337 : memref<100352xf32, #tpu.memory_space<vmem_shared>>) offsets(%dma_start3A_335 : memref<128xi32, #tpu.memory_space<vmem>>) semaphore(%arg8 : memref<!tpu.dma_semaphore, #tpu.memory_space<semaphore_mem>>) {add = true}
      %dma_start3A_338 = arith.constant 0 : i32
      %dma_start3A_339 = arith.constant 5 : i32
      %dma_start3A_340 = arith.constant 0 : i32
      %dma_start3A_341 = tpu.memref_slice %arg5[%dma_start3A_338, %dma_start3A_339, %dma_start3A_340] : memref<2x16x128xi32, #tpu.memory_space<vmem>> -> memref<1x1x128xi32, #tpu.memory_space<vmem>>
      %dma_start3A_342 = tpu.memref_squeeze %dma_start3A_341 : memref<1x1x128xi32, #tpu.memory_space<vmem>> -> memref<128xi32, #tpu.memory_space<vmem>>
      %dma_start3A_343 = arith.constant 0 : i32
      %dma_start3A_344 = tpu.memref_slice %arg4[%dma_start3A_343] : memref<100352xf32, #tpu.memory_space<vmem_shared>> -> memref<100352xf32, #tpu.memory_space<vmem_shared>>
      tpu.enqueue_indirect_dma source(%arg6 : memref<128xf32, #tpu.memory_space<vmem>>) target(%dma_start3A_344 : memref<100352xf32, #tpu.memory_space<vmem_shared>>) offsets(%dma_start3A_342 : memref<128xi32, #tpu.memory_space<vmem>>) semaphore(%arg8 : memref<!tpu.dma_semaphore, #tpu.memory_space<semaphore_mem>>) {add = true}
      %dma_start3A_345 = arith.constant 0 : i32
      %dma_start3A_346 = arith.constant 6 : i32
      %dma_start3A_347 = arith.constant 0 : i32
      %dma_start3A_348 = tpu.memref_slice %arg5[%dma_start3A_345, %dma_start3A_346, %dma_start3A_347] : memref<2x16x128xi32, #tpu.memory_space<vmem>> -> memref<1x1x128xi32, #tpu.memory_space<vmem>>
      %dma_start3A_349 = tpu.memref_squeeze %dma_start3A_348 : memref<1x1x128xi32, #tpu.memory_space<vmem>> -> memref<128xi32, #tpu.memory_space<vmem>>
      %dma_start3A_350 = arith.constant 0 : i32
      %dma_start3A_351 = tpu.memref_slice %arg4[%dma_start3A_350] : memref<100352xf32, #tpu.memory_space<vmem_shared>> -> memref<100352xf32, #tpu.memory_space<vmem_shared>>
      tpu.enqueue_indirect_dma source(%arg6 : memref<128xf32, #tpu.memory_space<vmem>>) target(%dma_start3A_351 : memref<100352xf32, #tpu.memory_space<vmem_shared>>) offsets(%dma_start3A_349 : memref<128xi32, #tpu.memory_space<vmem>>) semaphore(%arg8 : memref<!tpu.dma_semaphore, #tpu.memory_space<semaphore_mem>>) {add = true}
      %dma_start3A_352 = arith.constant 0 : i32
      %dma_start3A_353 = arith.constant 7 : i32
      %dma_start3A_354 = arith.constant 0 : i32
      %dma_start3A_355 = tpu.memref_slice %arg5[%dma_start3A_352, %dma_start3A_353, %dma_start3A_354] : memref<2x16x128xi32, #tpu.memory_space<vmem>> -> memref<1x1x128xi32, #tpu.memory_space<vmem>>
      %dma_start3A_356 = tpu.memref_squeeze %dma_start3A_355 : memref<1x1x128xi32, #tpu.memory_space<vmem>> -> memref<128xi32, #tpu.memory_space<vmem>>
      %dma_start3A_357 = arith.constant 0 : i32
      %dma_start3A_358 = tpu.memref_slice %arg4[%dma_start3A_357] : memref<100352xf32, #tpu.memory_space<vmem_shared>> -> memref<100352xf32, #tpu.memory_space<vmem_shared>>
      tpu.enqueue_indirect_dma source(%arg6 : memref<128xf32, #tpu.memory_space<vmem>>) target(%dma_start3A_358 : memref<100352xf32, #tpu.memory_space<vmem_shared>>) offsets(%dma_start3A_356 : memref<128xi32, #tpu.memory_space<vmem>>) semaphore(%arg8 : memref<!tpu.dma_semaphore, #tpu.memory_space<semaphore_mem>>) {add = true}
      %dma_start3A_359 = arith.constant 0 : i32
      %dma_start3A_360 = arith.constant 8 : i32
      %dma_start3A_361 = arith.constant 0 : i32
      %dma_start3A_362 = tpu.memref_slice %arg5[%dma_start3A_359, %dma_start3A_360, %dma_start3A_361] : memref<2x16x128xi32, #tpu.memory_space<vmem>> -> memref<1x1x128xi32, #tpu.memory_space<vmem>>
      %dma_start3A_363 = tpu.memref_squeeze %dma_start3A_362 : memref<1x1x128xi32, #tpu.memory_space<vmem>> -> memref<128xi32, #tpu.memory_space<vmem>>
      %dma_start3A_364 = arith.constant 0 : i32
      %dma_start3A_365 = tpu.memref_slice %arg4[%dma_start3A_364] : memref<100352xf32, #tpu.memory_space<vmem_shared>> -> memref<100352xf32, #tpu.memory_space<vmem_shared>>
      tpu.enqueue_indirect_dma source(%arg6 : memref<128xf32, #tpu.memory_space<vmem>>) target(%dma_start3A_365 : memref<100352xf32, #tpu.memory_space<vmem_shared>>) offsets(%dma_start3A_363 : memref<128xi32, #tpu.memory_space<vmem>>) semaphore(%arg8 : memref<!tpu.dma_semaphore, #tpu.memory_space<semaphore_mem>>) {add = true}
      %dma_start3A_366 = arith.constant 0 : i32
      %dma_start3A_367 = arith.constant 9 : i32
      %dma_start3A_368 = arith.constant 0 : i32
      %dma_start3A_369 = tpu.memref_slice %arg5[%dma_start3A_366, %dma_start3A_367, %dma_start3A_368] : memref<2x16x128xi32, #tpu.memory_space<vmem>> -> memref<1x1x128xi32, #tpu.memory_space<vmem>>
      %dma_start3A_370 = tpu.memref_squeeze %dma_start3A_369 : memref<1x1x128xi32, #tpu.memory_space<vmem>> -> memref<128xi32, #tpu.memory_space<vmem>>
      %dma_start3A_371 = arith.constant 0 : i32
      %dma_start3A_372 = tpu.memref_slice %arg4[%dma_start3A_371] : memref<100352xf32, #tpu.memory_space<vmem_shared>> -> memref<100352xf32, #tpu.memory_space<vmem_shared>>
      tpu.enqueue_indirect_dma source(%arg6 : memref<128xf32, #tpu.memory_space<vmem>>) target(%dma_start3A_372 : memref<100352xf32, #tpu.memory_space<vmem_shared>>) offsets(%dma_start3A_370 : memref<128xi32, #tpu.memory_space<vmem>>) semaphore(%arg8 : memref<!tpu.dma_semaphore, #tpu.memory_space<semaphore_mem>>) {add = true}
      %dma_start3A_373 = arith.constant 0 : i32
      %dma_start3A_374 = arith.constant 10 : i32
      %dma_start3A_375 = arith.constant 0 : i32
      %dma_start3A_376 = tpu.memref_slice %arg5[%dma_start3A_373, %dma_start3A_374, %dma_start3A_375] : memref<2x16x128xi32, #tpu.memory_space<vmem>> -> memref<1x1x128xi32, #tpu.memory_space<vmem>>
      %dma_start3A_377 = tpu.memref_squeeze %dma_start3A_376 : memref<1x1x128xi32, #tpu.memory_space<vmem>> -> memref<128xi32, #tpu.memory_space<vmem>>
      %dma_start3A_378 = arith.constant 0 : i32
      %dma_start3A_379 = tpu.memref_slice %arg4[%dma_start3A_378] : memref<100352xf32, #tpu.memory_space<vmem_shared>> -> memref<100352xf32, #tpu.memory_space<vmem_shared>>
      tpu.enqueue_indirect_dma source(%arg6 : memref<128xf32, #tpu.memory_space<vmem>>) target(%dma_start3A_379 : memref<100352xf32, #tpu.memory_space<vmem_shared>>) offsets(%dma_start3A_377 : memref<128xi32, #tpu.memory_space<vmem>>) semaphore(%arg8 : memref<!tpu.dma_semaphore, #tpu.memory_space<semaphore_mem>>) {add = true}
      %dma_start3A_380 = arith.constant 0 : i32
      %dma_start3A_381 = arith.constant 11 : i32
      %dma_start3A_382 = arith.constant 0 : i32
      %dma_start3A_383 = tpu.memref_slice %arg5[%dma_start3A_380, %dma_start3A_381, %dma_start3A_382] : memref<2x16x128xi32, #tpu.memory_space<vmem>> -> memref<1x1x128xi32, #tpu.memory_space<vmem>>
      %dma_start3A_384 = tpu.memref_squeeze %dma_start3A_383 : memref<1x1x128xi32, #tpu.memory_space<vmem>> -> memref<128xi32, #tpu.memory_space<vmem>>
      %dma_start3A_385 = arith.constant 0 : i32
      %dma_start3A_386 = tpu.memref_slice %arg4[%dma_start3A_385] : memref<100352xf32, #tpu.memory_space<vmem_shared>> -> memref<100352xf32, #tpu.memory_space<vmem_shared>>
      tpu.enqueue_indirect_dma source(%arg6 : memref<128xf32, #tpu.memory_space<vmem>>) target(%dma_start3A_386 : memref<100352xf32, #tpu.memory_space<vmem_shared>>) offsets(%dma_start3A_384 : memref<128xi32, #tpu.memory_space<vmem>>) semaphore(%arg8 : memref<!tpu.dma_semaphore, #tpu.memory_space<semaphore_mem>>) {add = true}
      %dma_start3A_387 = arith.constant 0 : i32
      %dma_start3A_388 = arith.constant 12 : i32
      %dma_start3A_389 = arith.constant 0 : i32
      %dma_start3A_390 = tpu.memref_slice %arg5[%dma_start3A_387, %dma_start3A_388, %dma_start3A_389] : memref<2x16x128xi32, #tpu.memory_space<vmem>> -> memref<1x1x128xi32, #tpu.memory_space<vmem>>
      %dma_start3A_391 = tpu.memref_squeeze %dma_start3A_390 : memref<1x1x128xi32, #tpu.memory_space<vmem>> -> memref<128xi32, #tpu.memory_space<vmem>>
      %dma_start3A_392 = arith.constant 0 : i32
      %dma_start3A_393 = tpu.memref_slice %arg4[%dma_start3A_392] : memref<100352xf32, #tpu.memory_space<vmem_shared>> -> memref<100352xf32, #tpu.memory_space<vmem_shared>>
      tpu.enqueue_indirect_dma source(%arg6 : memref<128xf32, #tpu.memory_space<vmem>>) target(%dma_start3A_393 : memref<100352xf32, #tpu.memory_space<vmem_shared>>) offsets(%dma_start3A_391 : memref<128xi32, #tpu.memory_space<vmem>>) semaphore(%arg8 : memref<!tpu.dma_semaphore, #tpu.memory_space<semaphore_mem>>) {add = true}
      %dma_start3A_394 = arith.constant 0 : i32
      %dma_start3A_395 = arith.constant 13 : i32
      %dma_start3A_396 = arith.constant 0 : i32
      %dma_start3A_397 = tpu.memref_slice %arg5[%dma_start3A_394, %dma_start3A_395, %dma_start3A_396] : memref<2x16x128xi32, #tpu.memory_space<vmem>> -> memref<1x1x128xi32, #tpu.memory_space<vmem>>
      %dma_start3A_398 = tpu.memref_squeeze %dma_start3A_397 : memref<1x1x128xi32, #tpu.memory_space<vmem>> -> memref<128xi32, #tpu.memory_space<vmem>>
      %dma_start3A_399 = arith.constant 0 : i32
      %dma_start3A_400 = tpu.memref_slice %arg4[%dma_start3A_399] : memref<100352xf32, #tpu.memory_space<vmem_shared>> -> memref<100352xf32, #tpu.memory_space<vmem_shared>>
      tpu.enqueue_indirect_dma source(%arg6 : memref<128xf32, #tpu.memory_space<vmem>>) target(%dma_start3A_400 : memref<100352xf32, #tpu.memory_space<vmem_shared>>) offsets(%dma_start3A_398 : memref<128xi32, #tpu.memory_space<vmem>>) semaphore(%arg8 : memref<!tpu.dma_semaphore, #tpu.memory_space<semaphore_mem>>) {add = true}
      %dma_start3A_401 = arith.constant 0 : i32
      %dma_start3A_402 = arith.constant 14 : i32
      %dma_start3A_403 = arith.constant 0 : i32
      %dma_start3A_404 = tpu.memref_slice %arg5[%dma_start3A_401, %dma_start3A_402, %dma_start3A_403] : memref<2x16x128xi32, #tpu.memory_space<vmem>> -> memref<1x1x128xi32, #tpu.memory_space<vmem>>
      %dma_start3A_405 = tpu.memref_squeeze %dma_start3A_404 : memref<1x1x128xi32, #tpu.memory_space<vmem>> -> memref<128xi32, #tpu.memory_space<vmem>>
      %dma_start3A_406 = arith.constant 0 : i32
      %dma_start3A_407 = tpu.memref_slice %arg4[%dma_start3A_406] : memref<100352xf32, #tpu.memory_space<vmem_shared>> -> memref<100352xf32, #tpu.memory_space<vmem_shared>>
      tpu.enqueue_indirect_dma source(%arg6 : memref<128xf32, #tpu.memory_space<vmem>>) target(%dma_start3A_407 : memref<100352xf32, #tpu.memory_space<vmem_shared>>) offsets(%dma_start3A_405 : memref<128xi32, #tpu.memory_space<vmem>>) semaphore(%arg8 : memref<!tpu.dma_semaphore, #tpu.memory_space<semaphore_mem>>) {add = true}
      %dma_start3A_408 = arith.constant 0 : i32
      %dma_start3A_409 = arith.constant 15 : i32
      %dma_start3A_410 = arith.constant 0 : i32
      %dma_start3A_411 = tpu.memref_slice %arg5[%dma_start3A_408, %dma_start3A_409, %dma_start3A_410] : memref<2x16x128xi32, #tpu.memory_space<vmem>> -> memref<1x1x128xi32, #tpu.memory_space<vmem>>
      %dma_start3A_412 = tpu.memref_squeeze %dma_start3A_411 : memref<1x1x128xi32, #tpu.memory_space<vmem>> -> memref<128xi32, #tpu.memory_space<vmem>>
      %dma_start3A_413 = arith.constant 0 : i32
      %dma_start3A_414 = tpu.memref_slice %arg4[%dma_start3A_413] : memref<100352xf32, #tpu.memory_space<vmem_shared>> -> memref<100352xf32, #tpu.memory_space<vmem_shared>>
      tpu.enqueue_indirect_dma source(%arg6 : memref<128xf32, #tpu.memory_space<vmem>>) target(%dma_start3A_414 : memref<100352xf32, #tpu.memory_space<vmem_shared>>) offsets(%dma_start3A_412 : memref<128xi32, #tpu.memory_space<vmem>>) semaphore(%arg8 : memref<!tpu.dma_semaphore, #tpu.memory_space<semaphore_mem>>) {add = true}
      %add3A_415 = arith.constant 1 : i32
      %add3A_416 = arith.addi %mul3A_302, %add3A_415 : i32
      %mul3A_417 = arith.constant 16 : i32
      %mul3A_418 = arith.muli %add3A_416, %mul3A_417 : i32
      %add3A_419 = arith.addi %mul3A_59, %mul3A_418 : i32
      %min3A_420 = arith.constant 25072 : i32
      %min3A_421 = arith.minsi %add3A_419, %min3A_420 : i32
      %run_scoped3A_422 = arith.constant 1 : i32
      "tpu.region"() ({
        %run_scoped3A_767 = tpu.sem_alloc : memref<!tpu.dma_semaphore, #tpu.memory_space<semaphore_mem>>
        %dma_start3A_768 = arith.constant 0 : i32
        %dma_start3A_769 = arith.constant 0 : i32
        %dma_start3A_770 = tpu.memref_slice %arg5[%run_scoped3A_422, %dma_start3A_768, %dma_start3A_769] : memref<2x16x128xi32, #tpu.memory_space<vmem>> -> memref<1x16x128xi32, #tpu.memory_space<vmem>>
        %dma_start3A_771 = tpu.memref_squeeze %dma_start3A_770 : memref<1x16x128xi32, #tpu.memory_space<vmem>> -> memref<16x128xi32, #tpu.memory_space<vmem>>
        %dma_start3A_772 = arith.constant 0 : i32
        %dma_start3A_773 = tpu.memref_slice %arg2[%min3A_421, %dma_start3A_772] : memref<25088x128xi32, #tpu.memory_space<hbm>> -> memref<16x128xi32, #tpu.memory_space<hbm>>
        %dma_start3A_774 = arith.constant 0 : i32
        %dma_start3A_775 = arith.constant 0 : i32
        %dma_start3A_776 = tpu.memref_slice %arg5[%run_scoped3A_422, %dma_start3A_774, %dma_start3A_775] : memref<2x16x128xi32, #tpu.memory_space<vmem>> -> memref<1x16x128xi32, #tpu.memory_space<vmem>>
        %dma_start3A_777 = tpu.memref_squeeze %dma_start3A_776 : memref<1x16x128xi32, #tpu.memory_space<vmem>> -> memref<16x128xi32, #tpu.memory_space<vmem>>
        %dma_start3A_778 = arith.constant 0 : i32
        %dma_start3A_779 = tpu.memref_slice %arg2[%min3A_421, %dma_start3A_778] : memref<25088x128xi32, #tpu.memory_space<hbm>> -> memref<16x128xi32, #tpu.memory_space<hbm>>
        tpu.enqueue_dma source(%dma_start3A_779 : memref<16x128xi32, #tpu.memory_space<hbm>>) target(%dma_start3A_777 : memref<16x128xi32, #tpu.memory_space<vmem>>) target_semaphore(%run_scoped3A_767 : memref<!tpu.dma_semaphore, #tpu.memory_space<semaphore_mem>>)
        %dma_wait3A_780 = arith.constant 0 : i32
        %dma_wait3A_781 = arith.constant 0 : i32
        %dma_wait3A_782 = tpu.memref_slice %arg5[%run_scoped3A_422, %dma_wait3A_780, %dma_wait3A_781] : memref<2x16x128xi32, #tpu.memory_space<vmem>> -> memref<1x16x128xi32, #tpu.memory_space<vmem>>
        %dma_wait3A_783 = tpu.memref_squeeze %dma_wait3A_782 : memref<1x16x128xi32, #tpu.memory_space<vmem>> -> memref<16x128xi32, #tpu.memory_space<vmem>>
        %dma_wait3A_784 = arith.constant 0 : i32
        %dma_wait3A_785 = tpu.memref_slice %arg2[%min3A_421, %dma_wait3A_784] : memref<25088x128xi32, #tpu.memory_space<hbm>> -> memref<16x128xi32, #tpu.memory_space<hbm>>
        %dma_wait3A_786 = arith.constant 0 : i32
        %dma_wait3A_787 = arith.constant 0 : i32
        %dma_wait3A_788 = tpu.memref_slice %arg5[%run_scoped3A_422, %dma_wait3A_786, %dma_wait3A_787] : memref<2x16x128xi32, #tpu.memory_space<vmem>> -> memref<1x16x128xi32, #tpu.memory_space<vmem>>
        %dma_wait3A_789 = tpu.memref_squeeze %dma_wait3A_788 : memref<1x16x128xi32, #tpu.memory_space<vmem>> -> memref<16x128xi32, #tpu.memory_space<vmem>>
        %dma_wait3A_790 = arith.constant 0 : i32
        %dma_wait3A_791 = tpu.memref_slice %arg2[%min3A_421, %dma_wait3A_790] : memref<25088x128xi32, #tpu.memory_space<hbm>> -> memref<16x128xi32, #tpu.memory_space<hbm>>
        tpu.wait_dma2 semaphore(%run_scoped3A_767 : memref<!tpu.dma_semaphore, #tpu.memory_space<semaphore_mem>>) src(%dma_wait3A_791 : memref<16x128xi32, #tpu.memory_space<hbm>>) dst(%dma_wait3A_789 : memref<16x128xi32, #tpu.memory_space<vmem>>)
        tpu.yield
      }) : () -> ()
      %dma_start3A_423 = arith.constant 1 : i32
      %dma_start3A_424 = arith.constant 0 : i32
      %dma_start3A_425 = arith.constant 0 : i32
      %dma_start3A_426 = tpu.memref_slice %arg5[%dma_start3A_423, %dma_start3A_424, %dma_start3A_425] : memref<2x16x128xi32, #tpu.memory_space<vmem>> -> memref<1x1x128xi32, #tpu.memory_space<vmem>>
      %dma_start3A_427 = tpu.memref_squeeze %dma_start3A_426 : memref<1x1x128xi32, #tpu.memory_space<vmem>> -> memref<128xi32, #tpu.memory_space<vmem>>
      %dma_start3A_428 = arith.constant 0 : i32
      %dma_start3A_429 = tpu.memref_slice %arg4[%dma_start3A_428] : memref<100352xf32, #tpu.memory_space<vmem_shared>> -> memref<100352xf32, #tpu.memory_space<vmem_shared>>
      tpu.enqueue_indirect_dma source(%arg6 : memref<128xf32, #tpu.memory_space<vmem>>) target(%dma_start3A_429 : memref<100352xf32, #tpu.memory_space<vmem_shared>>) offsets(%dma_start3A_427 : memref<128xi32, #tpu.memory_space<vmem>>) semaphore(%arg8 : memref<!tpu.dma_semaphore, #tpu.memory_space<semaphore_mem>>) {add = true}
      %dma_start3A_430 = arith.constant 1 : i32
      %dma_start3A_431 = arith.constant 1 : i32
      %dma_start3A_432 = arith.constant 0 : i32
      %dma_start3A_433 = tpu.memref_slice %arg5[%dma_start3A_430, %dma_start3A_431, %dma_start3A_432] : memref<2x16x128xi32, #tpu.memory_space<vmem>> -> memref<1x1x128xi32, #tpu.memory_space<vmem>>
      %dma_start3A_434 = tpu.memref_squeeze %dma_start3A_433 : memref<1x1x128xi32, #tpu.memory_space<vmem>> -> memref<128xi32, #tpu.memory_space<vmem>>
      %dma_start3A_435 = arith.constant 0 : i32
      %dma_start3A_436 = tpu.memref_slice %arg4[%dma_start3A_435] : memref<100352xf32, #tpu.memory_space<vmem_shared>> -> memref<100352xf32, #tpu.memory_space<vmem_shared>>
      tpu.enqueue_indirect_dma source(%arg6 : memref<128xf32, #tpu.memory_space<vmem>>) target(%dma_start3A_436 : memref<100352xf32, #tpu.memory_space<vmem_shared>>) offsets(%dma_start3A_434 : memref<128xi32, #tpu.memory_space<vmem>>) semaphore(%arg8 : memref<!tpu.dma_semaphore, #tpu.memory_space<semaphore_mem>>) {add = true}
      %dma_start3A_437 = arith.constant 1 : i32
      %dma_start3A_438 = arith.constant 2 : i32
      %dma_start3A_439 = arith.constant 0 : i32
      %dma_start3A_440 = tpu.memref_slice %arg5[%dma_start3A_437, %dma_start3A_438, %dma_start3A_439] : memref<2x16x128xi32, #tpu.memory_space<vmem>> -> memref<1x1x128xi32, #tpu.memory_space<vmem>>
      %dma_start3A_441 = tpu.memref_squeeze %dma_start3A_440 : memref<1x1x128xi32, #tpu.memory_space<vmem>> -> memref<128xi32, #tpu.memory_space<vmem>>
      %dma_start3A_442 = arith.constant 0 : i32
      %dma_start3A_443 = tpu.memref_slice %arg4[%dma_start3A_442] : memref<100352xf32, #tpu.memory_space<vmem_shared>> -> memref<100352xf32, #tpu.memory_space<vmem_shared>>
      tpu.enqueue_indirect_dma source(%arg6 : memref<128xf32, #tpu.memory_space<vmem>>) target(%dma_start3A_443 : memref<100352xf32, #tpu.memory_space<vmem_shared>>) offsets(%dma_start3A_441 : memref<128xi32, #tpu.memory_space<vmem>>) semaphore(%arg8 : memref<!tpu.dma_semaphore, #tpu.memory_space<semaphore_mem>>) {add = true}
      %dma_start3A_444 = arith.constant 1 : i32
      %dma_start3A_445 = arith.constant 3 : i32
      %dma_start3A_446 = arith.constant 0 : i32
      %dma_start3A_447 = tpu.memref_slice %arg5[%dma_start3A_444, %dma_start3A_445, %dma_start3A_446] : memref<2x16x128xi32, #tpu.memory_space<vmem>> -> memref<1x1x128xi32, #tpu.memory_space<vmem>>
      %dma_start3A_448 = tpu.memref_squeeze %dma_start3A_447 : memref<1x1x128xi32, #tpu.memory_space<vmem>> -> memref<128xi32, #tpu.memory_space<vmem>>
      %dma_start3A_449 = arith.constant 0 : i32
      %dma_start3A_450 = tpu.memref_slice %arg4[%dma_start3A_449] : memref<100352xf32, #tpu.memory_space<vmem_shared>> -> memref<100352xf32, #tpu.memory_space<vmem_shared>>
      tpu.enqueue_indirect_dma source(%arg6 : memref<128xf32, #tpu.memory_space<vmem>>) target(%dma_start3A_450 : memref<100352xf32, #tpu.memory_space<vmem_shared>>) offsets(%dma_start3A_448 : memref<128xi32, #tpu.memory_space<vmem>>) semaphore(%arg8 : memref<!tpu.dma_semaphore, #tpu.memory_space<semaphore_mem>>) {add = true}
      %dma_start3A_451 = arith.constant 1 : i32
      %dma_start3A_452 = arith.constant 4 : i32
      %dma_start3A_453 = arith.constant 0 : i32
      %dma_start3A_454 = tpu.memref_slice %arg5[%dma_start3A_451, %dma_start3A_452, %dma_start3A_453] : memref<2x16x128xi32, #tpu.memory_space<vmem>> -> memref<1x1x128xi32, #tpu.memory_space<vmem>>
      %dma_start3A_455 = tpu.memref_squeeze %dma_start3A_454 : memref<1x1x128xi32, #tpu.memory_space<vmem>> -> memref<128xi32, #tpu.memory_space<vmem>>
      %dma_start3A_456 = arith.constant 0 : i32
      %dma_start3A_457 = tpu.memref_slice %arg4[%dma_start3A_456] : memref<100352xf32, #tpu.memory_space<vmem_shared>> -> memref<100352xf32, #tpu.memory_space<vmem_shared>>
      tpu.enqueue_indirect_dma source(%arg6 : memref<128xf32, #tpu.memory_space<vmem>>) target(%dma_start3A_457 : memref<100352xf32, #tpu.memory_space<vmem_shared>>) offsets(%dma_start3A_455 : memref<128xi32, #tpu.memory_space<vmem>>) semaphore(%arg8 : memref<!tpu.dma_semaphore, #tpu.memory_space<semaphore_mem>>) {add = true}
      %dma_start3A_458 = arith.constant 1 : i32
      %dma_start3A_459 = arith.constant 5 : i32
      %dma_start3A_460 = arith.constant 0 : i32
      %dma_start3A_461 = tpu.memref_slice %arg5[%dma_start3A_458, %dma_start3A_459, %dma_start3A_460] : memref<2x16x128xi32, #tpu.memory_space<vmem>> -> memref<1x1x128xi32, #tpu.memory_space<vmem>>
      %dma_start3A_462 = tpu.memref_squeeze %dma_start3A_461 : memref<1x1x128xi32, #tpu.memory_space<vmem>> -> memref<128xi32, #tpu.memory_space<vmem>>
      %dma_start3A_463 = arith.constant 0 : i32
      %dma_start3A_464 = tpu.memref_slice %arg4[%dma_start3A_463] : memref<100352xf32, #tpu.memory_space<vmem_shared>> -> memref<100352xf32, #tpu.memory_space<vmem_shared>>
      tpu.enqueue_indirect_dma source(%arg6 : memref<128xf32, #tpu.memory_space<vmem>>) target(%dma_start3A_464 : memref<100352xf32, #tpu.memory_space<vmem_shared>>) offsets(%dma_start3A_462 : memref<128xi32, #tpu.memory_space<vmem>>) semaphore(%arg8 : memref<!tpu.dma_semaphore, #tpu.memory_space<semaphore_mem>>) {add = true}
      %dma_start3A_465 = arith.constant 1 : i32
      %dma_start3A_466 = arith.constant 6 : i32
      %dma_start3A_467 = arith.constant 0 : i32
      %dma_start3A_468 = tpu.memref_slice %arg5[%dma_start3A_465, %dma_start3A_466, %dma_start3A_467] : memref<2x16x128xi32, #tpu.memory_space<vmem>> -> memref<1x1x128xi32, #tpu.memory_space<vmem>>
      %dma_start3A_469 = tpu.memref_squeeze %dma_start3A_468 : memref<1x1x128xi32, #tpu.memory_space<vmem>> -> memref<128xi32, #tpu.memory_space<vmem>>
      %dma_start3A_470 = arith.constant 0 : i32
      %dma_start3A_471 = tpu.memref_slice %arg4[%dma_start3A_470] : memref<100352xf32, #tpu.memory_space<vmem_shared>> -> memref<100352xf32, #tpu.memory_space<vmem_shared>>
      tpu.enqueue_indirect_dma source(%arg6 : memref<128xf32, #tpu.memory_space<vmem>>) target(%dma_start3A_471 : memref<100352xf32, #tpu.memory_space<vmem_shared>>) offsets(%dma_start3A_469 : memref<128xi32, #tpu.memory_space<vmem>>) semaphore(%arg8 : memref<!tpu.dma_semaphore, #tpu.memory_space<semaphore_mem>>) {add = true}
      %dma_start3A_472 = arith.constant 1 : i32
      %dma_start3A_473 = arith.constant 7 : i32
      %dma_start3A_474 = arith.constant 0 : i32
      %dma_start3A_475 = tpu.memref_slice %arg5[%dma_start3A_472, %dma_start3A_473, %dma_start3A_474] : memref<2x16x128xi32, #tpu.memory_space<vmem>> -> memref<1x1x128xi32, #tpu.memory_space<vmem>>
      %dma_start3A_476 = tpu.memref_squeeze %dma_start3A_475 : memref<1x1x128xi32, #tpu.memory_space<vmem>> -> memref<128xi32, #tpu.memory_space<vmem>>
      %dma_start3A_477 = arith.constant 0 : i32
      %dma_start3A_478 = tpu.memref_slice %arg4[%dma_start3A_477] : memref<100352xf32, #tpu.memory_space<vmem_shared>> -> memref<100352xf32, #tpu.memory_space<vmem_shared>>
      tpu.enqueue_indirect_dma source(%arg6 : memref<128xf32, #tpu.memory_space<vmem>>) target(%dma_start3A_478 : memref<100352xf32, #tpu.memory_space<vmem_shared>>) offsets(%dma_start3A_476 : memref<128xi32, #tpu.memory_space<vmem>>) semaphore(%arg8 : memref<!tpu.dma_semaphore, #tpu.memory_space<semaphore_mem>>) {add = true}
      %dma_start3A_479 = arith.constant 1 : i32
      %dma_start3A_480 = arith.constant 8 : i32
      %dma_start3A_481 = arith.constant 0 : i32
      %dma_start3A_482 = tpu.memref_slice %arg5[%dma_start3A_479, %dma_start3A_480, %dma_start3A_481] : memref<2x16x128xi32, #tpu.memory_space<vmem>> -> memref<1x1x128xi32, #tpu.memory_space<vmem>>
      %dma_start3A_483 = tpu.memref_squeeze %dma_start3A_482 : memref<1x1x128xi32, #tpu.memory_space<vmem>> -> memref<128xi32, #tpu.memory_space<vmem>>
      %dma_start3A_484 = arith.constant 0 : i32
      %dma_start3A_485 = tpu.memref_slice %arg4[%dma_start3A_484] : memref<100352xf32, #tpu.memory_space<vmem_shared>> -> memref<100352xf32, #tpu.memory_space<vmem_shared>>
      tpu.enqueue_indirect_dma source(%arg6 : memref<128xf32, #tpu.memory_space<vmem>>) target(%dma_start3A_485 : memref<100352xf32, #tpu.memory_space<vmem_shared>>) offsets(%dma_start3A_483 : memref<128xi32, #tpu.memory_space<vmem>>) semaphore(%arg8 : memref<!tpu.dma_semaphore, #tpu.memory_space<semaphore_mem>>) {add = true}
      %dma_start3A_486 = arith.constant 1 : i32
      %dma_start3A_487 = arith.constant 9 : i32
      %dma_start3A_488 = arith.constant 0 : i32
      %dma_start3A_489 = tpu.memref_slice %arg5[%dma_start3A_486, %dma_start3A_487, %dma_start3A_488] : memref<2x16x128xi32, #tpu.memory_space<vmem>> -> memref<1x1x128xi32, #tpu.memory_space<vmem>>
      %dma_start3A_490 = tpu.memref_squeeze %dma_start3A_489 : memref<1x1x128xi32, #tpu.memory_space<vmem>> -> memref<128xi32, #tpu.memory_space<vmem>>
      %dma_start3A_491 = arith.constant 0 : i32
      %dma_start3A_492 = tpu.memref_slice %arg4[%dma_start3A_491] : memref<100352xf32, #tpu.memory_space<vmem_shared>> -> memref<100352xf32, #tpu.memory_space<vmem_shared>>
      tpu.enqueue_indirect_dma source(%arg6 : memref<128xf32, #tpu.memory_space<vmem>>) target(%dma_start3A_492 : memref<100352xf32, #tpu.memory_space<vmem_shared>>) offsets(%dma_start3A_490 : memref<128xi32, #tpu.memory_space<vmem>>) semaphore(%arg8 : memref<!tpu.dma_semaphore, #tpu.memory_space<semaphore_mem>>) {add = true}
      %dma_start3A_493 = arith.constant 1 : i32
      %dma_start3A_494 = arith.constant 10 : i32
      %dma_start3A_495 = arith.constant 0 : i32
      %dma_start3A_496 = tpu.memref_slice %arg5[%dma_start3A_493, %dma_start3A_494, %dma_start3A_495] : memref<2x16x128xi32, #tpu.memory_space<vmem>> -> memref<1x1x128xi32, #tpu.memory_space<vmem>>
      %dma_start3A_497 = tpu.memref_squeeze %dma_start3A_496 : memref<1x1x128xi32, #tpu.memory_space<vmem>> -> memref<128xi32, #tpu.memory_space<vmem>>
      %dma_start3A_498 = arith.constant 0 : i32
      %dma_start3A_499 = tpu.memref_slice %arg4[%dma_start3A_498] : memref<100352xf32, #tpu.memory_space<vmem_shared>> -> memref<100352xf32, #tpu.memory_space<vmem_shared>>
      tpu.enqueue_indirect_dma source(%arg6 : memref<128xf32, #tpu.memory_space<vmem>>) target(%dma_start3A_499 : memref<100352xf32, #tpu.memory_space<vmem_shared>>) offsets(%dma_start3A_497 : memref<128xi32, #tpu.memory_space<vmem>>) semaphore(%arg8 : memref<!tpu.dma_semaphore, #tpu.memory_space<semaphore_mem>>) {add = true}
      %dma_start3A_500 = arith.constant 1 : i32
      %dma_start3A_501 = arith.constant 11 : i32
      %dma_start3A_502 = arith.constant 0 : i32
      %dma_start3A_503 = tpu.memref_slice %arg5[%dma_start3A_500, %dma_start3A_501, %dma_start3A_502] : memref<2x16x128xi32, #tpu.memory_space<vmem>> -> memref<1x1x128xi32, #tpu.memory_space<vmem>>
      %dma_start3A_504 = tpu.memref_squeeze %dma_start3A_503 : memref<1x1x128xi32, #tpu.memory_space<vmem>> -> memref<128xi32, #tpu.memory_space<vmem>>
      %dma_start3A_505 = arith.constant 0 : i32
      %dma_start3A_506 = tpu.memref_slice %arg4[%dma_start3A_505] : memref<100352xf32, #tpu.memory_space<vmem_shared>> -> memref<100352xf32, #tpu.memory_space<vmem_shared>>
      tpu.enqueue_indirect_dma source(%arg6 : memref<128xf32, #tpu.memory_space<vmem>>) target(%dma_start3A_506 : memref<100352xf32, #tpu.memory_space<vmem_shared>>) offsets(%dma_start3A_504 : memref<128xi32, #tpu.memory_space<vmem>>) semaphore(%arg8 : memref<!tpu.dma_semaphore, #tpu.memory_space<semaphore_mem>>) {add = true}
      %dma_start3A_507 = arith.constant 1 : i32
      %dma_start3A_508 = arith.constant 12 : i32
      %dma_start3A_509 = arith.constant 0 : i32
      %dma_start3A_510 = tpu.memref_slice %arg5[%dma_start3A_507, %dma_start3A_508, %dma_start3A_509] : memref<2x16x128xi32, #tpu.memory_space<vmem>> -> memref<1x1x128xi32, #tpu.memory_space<vmem>>
      %dma_start3A_511 = tpu.memref_squeeze %dma_start3A_510 : memref<1x1x128xi32, #tpu.memory_space<vmem>> -> memref<128xi32, #tpu.memory_space<vmem>>
      %dma_start3A_512 = arith.constant 0 : i32
      %dma_start3A_513 = tpu.memref_slice %arg4[%dma_start3A_512] : memref<100352xf32, #tpu.memory_space<vmem_shared>> -> memref<100352xf32, #tpu.memory_space<vmem_shared>>
      tpu.enqueue_indirect_dma source(%arg6 : memref<128xf32, #tpu.memory_space<vmem>>) target(%dma_start3A_513 : memref<100352xf32, #tpu.memory_space<vmem_shared>>) offsets(%dma_start3A_511 : memref<128xi32, #tpu.memory_space<vmem>>) semaphore(%arg8 : memref<!tpu.dma_semaphore, #tpu.memory_space<semaphore_mem>>) {add = true}
      %dma_start3A_514 = arith.constant 1 : i32
      %dma_start3A_515 = arith.constant 13 : i32
      %dma_start3A_516 = arith.constant 0 : i32
      %dma_start3A_517 = tpu.memref_slice %arg5[%dma_start3A_514, %dma_start3A_515, %dma_start3A_516] : memref<2x16x128xi32, #tpu.memory_space<vmem>> -> memref<1x1x128xi32, #tpu.memory_space<vmem>>
      %dma_start3A_518 = tpu.memref_squeeze %dma_start3A_517 : memref<1x1x128xi32, #tpu.memory_space<vmem>> -> memref<128xi32, #tpu.memory_space<vmem>>
      %dma_start3A_519 = arith.constant 0 : i32
      %dma_start3A_520 = tpu.memref_slice %arg4[%dma_start3A_519] : memref<100352xf32, #tpu.memory_space<vmem_shared>> -> memref<100352xf32, #tpu.memory_space<vmem_shared>>
      tpu.enqueue_indirect_dma source(%arg6 : memref<128xf32, #tpu.memory_space<vmem>>) target(%dma_start3A_520 : memref<100352xf32, #tpu.memory_space<vmem_shared>>) offsets(%dma_start3A_518 : memref<128xi32, #tpu.memory_space<vmem>>) semaphore(%arg8 : memref<!tpu.dma_semaphore, #tpu.memory_space<semaphore_mem>>) {add = true}
      %dma_start3A_521 = arith.constant 1 : i32
      %dma_start3A_522 = arith.constant 14 : i32
      %dma_start3A_523 = arith.constant 0 : i32
      %dma_start3A_524 = tpu.memref_slice %arg5[%dma_start3A_521, %dma_start3A_522, %dma_start3A_523] : memref<2x16x128xi32, #tpu.memory_space<vmem>> -> memref<1x1x128xi32, #tpu.memory_space<vmem>>
      %dma_start3A_525 = tpu.memref_squeeze %dma_start3A_524 : memref<1x1x128xi32, #tpu.memory_space<vmem>> -> memref<128xi32, #tpu.memory_space<vmem>>
      %dma_start3A_526 = arith.constant 0 : i32
      %dma_start3A_527 = tpu.memref_slice %arg4[%dma_start3A_526] : memref<100352xf32, #tpu.memory_space<vmem_shared>> -> memref<100352xf32, #tpu.memory_space<vmem_shared>>
      tpu.enqueue_indirect_dma source(%arg6 : memref<128xf32, #tpu.memory_space<vmem>>) target(%dma_start3A_527 : memref<100352xf32, #tpu.memory_space<vmem_shared>>) offsets(%dma_start3A_525 : memref<128xi32, #tpu.memory_space<vmem>>) semaphore(%arg8 : memref<!tpu.dma_semaphore, #tpu.memory_space<semaphore_mem>>) {add = true}
      %dma_start3A_528 = arith.constant 1 : i32
      %dma_start3A_529 = arith.constant 15 : i32
      %dma_start3A_530 = arith.constant 0 : i32
      %dma_start3A_531 = tpu.memref_slice %arg5[%dma_start3A_528, %dma_start3A_529, %dma_start3A_530] : memref<2x16x128xi32, #tpu.memory_space<vmem>> -> memref<1x1x128xi32, #tpu.memory_space<vmem>>
      %dma_start3A_532 = tpu.memref_squeeze %dma_start3A_531 : memref<1x1x128xi32, #tpu.memory_space<vmem>> -> memref<128xi32, #tpu.memory_space<vmem>>
      %dma_start3A_533 = arith.constant 0 : i32
      %dma_start3A_534 = tpu.memref_slice %arg4[%dma_start3A_533] : memref<100352xf32, #tpu.memory_space<vmem_shared>> -> memref<100352xf32, #tpu.memory_space<vmem_shared>>
      tpu.enqueue_indirect_dma source(%arg6 : memref<128xf32, #tpu.memory_space<vmem>>) target(%dma_start3A_534 : memref<100352xf32, #tpu.memory_space<vmem_shared>>) offsets(%dma_start3A_532 : memref<128xi32, #tpu.memory_space<vmem>>) semaphore(%arg8 : memref<!tpu.dma_semaphore, #tpu.memory_space<semaphore_mem>>) {add = true}
      %dma_wait3A_535 = arith.constant 0 : i32
      %dma_wait3A_536 = arith.constant 0 : i32
      %dma_wait3A_537 = arith.constant 0 : i32
      %dma_wait3A_538 = tpu.memref_slice %arg5[%dma_wait3A_535, %dma_wait3A_536, %dma_wait3A_537] : memref<2x16x128xi32, #tpu.memory_space<vmem>> -> memref<1x1x128xi32, #tpu.memory_space<vmem>>
      %dma_wait3A_539 = tpu.memref_squeeze %dma_wait3A_538 : memref<1x1x128xi32, #tpu.memory_space<vmem>> -> memref<128xi32, #tpu.memory_space<vmem>>
      %dma_wait3A_540 = arith.constant 0 : i32
      %dma_wait3A_541 = tpu.memref_slice %arg4[%dma_wait3A_540] : memref<100352xf32, #tpu.memory_space<vmem_shared>> -> memref<100352xf32, #tpu.memory_space<vmem_shared>>
      tpu.wait_indirect_dma semaphore(%arg8 : memref<!tpu.dma_semaphore, #tpu.memory_space<semaphore_mem>>) src(%arg6 : memref<128xf32, #tpu.memory_space<vmem>>) dst(%dma_wait3A_541 : memref<100352xf32, #tpu.memory_space<vmem_shared>>)
      %dma_wait3A_542 = arith.constant 0 : i32
      %dma_wait3A_543 = arith.constant 1 : i32
      %dma_wait3A_544 = arith.constant 0 : i32
      %dma_wait3A_545 = tpu.memref_slice %arg5[%dma_wait3A_542, %dma_wait3A_543, %dma_wait3A_544] : memref<2x16x128xi32, #tpu.memory_space<vmem>> -> memref<1x1x128xi32, #tpu.memory_space<vmem>>
      %dma_wait3A_546 = tpu.memref_squeeze %dma_wait3A_545 : memref<1x1x128xi32, #tpu.memory_space<vmem>> -> memref<128xi32, #tpu.memory_space<vmem>>
      %dma_wait3A_547 = arith.constant 0 : i32
      %dma_wait3A_548 = tpu.memref_slice %arg4[%dma_wait3A_547] : memref<100352xf32, #tpu.memory_space<vmem_shared>> -> memref<100352xf32, #tpu.memory_space<vmem_shared>>
      tpu.wait_indirect_dma semaphore(%arg8 : memref<!tpu.dma_semaphore, #tpu.memory_space<semaphore_mem>>) src(%arg6 : memref<128xf32, #tpu.memory_space<vmem>>) dst(%dma_wait3A_548 : memref<100352xf32, #tpu.memory_space<vmem_shared>>)
      %dma_wait3A_549 = arith.constant 0 : i32
      %dma_wait3A_550 = arith.constant 2 : i32
      %dma_wait3A_551 = arith.constant 0 : i32
      %dma_wait3A_552 = tpu.memref_slice %arg5[%dma_wait3A_549, %dma_wait3A_550, %dma_wait3A_551] : memref<2x16x128xi32, #tpu.memory_space<vmem>> -> memref<1x1x128xi32, #tpu.memory_space<vmem>>
      %dma_wait3A_553 = tpu.memref_squeeze %dma_wait3A_552 : memref<1x1x128xi32, #tpu.memory_space<vmem>> -> memref<128xi32, #tpu.memory_space<vmem>>
      %dma_wait3A_554 = arith.constant 0 : i32
      %dma_wait3A_555 = tpu.memref_slice %arg4[%dma_wait3A_554] : memref<100352xf32, #tpu.memory_space<vmem_shared>> -> memref<100352xf32, #tpu.memory_space<vmem_shared>>
      tpu.wait_indirect_dma semaphore(%arg8 : memref<!tpu.dma_semaphore, #tpu.memory_space<semaphore_mem>>) src(%arg6 : memref<128xf32, #tpu.memory_space<vmem>>) dst(%dma_wait3A_555 : memref<100352xf32, #tpu.memory_space<vmem_shared>>)
      %dma_wait3A_556 = arith.constant 0 : i32
      %dma_wait3A_557 = arith.constant 3 : i32
      %dma_wait3A_558 = arith.constant 0 : i32
      %dma_wait3A_559 = tpu.memref_slice %arg5[%dma_wait3A_556, %dma_wait3A_557, %dma_wait3A_558] : memref<2x16x128xi32, #tpu.memory_space<vmem>> -> memref<1x1x128xi32, #tpu.memory_space<vmem>>
      %dma_wait3A_560 = tpu.memref_squeeze %dma_wait3A_559 : memref<1x1x128xi32, #tpu.memory_space<vmem>> -> memref<128xi32, #tpu.memory_space<vmem>>
      %dma_wait3A_561 = arith.constant 0 : i32
      %dma_wait3A_562 = tpu.memref_slice %arg4[%dma_wait3A_561] : memref<100352xf32, #tpu.memory_space<vmem_shared>> -> memref<100352xf32, #tpu.memory_space<vmem_shared>>
      tpu.wait_indirect_dma semaphore(%arg8 : memref<!tpu.dma_semaphore, #tpu.memory_space<semaphore_mem>>) src(%arg6 : memref<128xf32, #tpu.memory_space<vmem>>) dst(%dma_wait3A_562 : memref<100352xf32, #tpu.memory_space<vmem_shared>>)
      %dma_wait3A_563 = arith.constant 0 : i32
      %dma_wait3A_564 = arith.constant 4 : i32
      %dma_wait3A_565 = arith.constant 0 : i32
      %dma_wait3A_566 = tpu.memref_slice %arg5[%dma_wait3A_563, %dma_wait3A_564, %dma_wait3A_565] : memref<2x16x128xi32, #tpu.memory_space<vmem>> -> memref<1x1x128xi32, #tpu.memory_space<vmem>>
      %dma_wait3A_567 = tpu.memref_squeeze %dma_wait3A_566 : memref<1x1x128xi32, #tpu.memory_space<vmem>> -> memref<128xi32, #tpu.memory_space<vmem>>
      %dma_wait3A_568 = arith.constant 0 : i32
      %dma_wait3A_569 = tpu.memref_slice %arg4[%dma_wait3A_568] : memref<100352xf32, #tpu.memory_space<vmem_shared>> -> memref<100352xf32, #tpu.memory_space<vmem_shared>>
      tpu.wait_indirect_dma semaphore(%arg8 : memref<!tpu.dma_semaphore, #tpu.memory_space<semaphore_mem>>) src(%arg6 : memref<128xf32, #tpu.memory_space<vmem>>) dst(%dma_wait3A_569 : memref<100352xf32, #tpu.memory_space<vmem_shared>>)
      %dma_wait3A_570 = arith.constant 0 : i32
      %dma_wait3A_571 = arith.constant 5 : i32
      %dma_wait3A_572 = arith.constant 0 : i32
      %dma_wait3A_573 = tpu.memref_slice %arg5[%dma_wait3A_570, %dma_wait3A_571, %dma_wait3A_572] : memref<2x16x128xi32, #tpu.memory_space<vmem>> -> memref<1x1x128xi32, #tpu.memory_space<vmem>>
      %dma_wait3A_574 = tpu.memref_squeeze %dma_wait3A_573 : memref<1x1x128xi32, #tpu.memory_space<vmem>> -> memref<128xi32, #tpu.memory_space<vmem>>
      %dma_wait3A_575 = arith.constant 0 : i32
      %dma_wait3A_576 = tpu.memref_slice %arg4[%dma_wait3A_575] : memref<100352xf32, #tpu.memory_space<vmem_shared>> -> memref<100352xf32, #tpu.memory_space<vmem_shared>>
      tpu.wait_indirect_dma semaphore(%arg8 : memref<!tpu.dma_semaphore, #tpu.memory_space<semaphore_mem>>) src(%arg6 : memref<128xf32, #tpu.memory_space<vmem>>) dst(%dma_wait3A_576 : memref<100352xf32, #tpu.memory_space<vmem_shared>>)
      %dma_wait3A_577 = arith.constant 0 : i32
      %dma_wait3A_578 = arith.constant 6 : i32
      %dma_wait3A_579 = arith.constant 0 : i32
      %dma_wait3A_580 = tpu.memref_slice %arg5[%dma_wait3A_577, %dma_wait3A_578, %dma_wait3A_579] : memref<2x16x128xi32, #tpu.memory_space<vmem>> -> memref<1x1x128xi32, #tpu.memory_space<vmem>>
      %dma_wait3A_581 = tpu.memref_squeeze %dma_wait3A_580 : memref<1x1x128xi32, #tpu.memory_space<vmem>> -> memref<128xi32, #tpu.memory_space<vmem>>
      %dma_wait3A_582 = arith.constant 0 : i32
      %dma_wait3A_583 = tpu.memref_slice %arg4[%dma_wait3A_582] : memref<100352xf32, #tpu.memory_space<vmem_shared>> -> memref<100352xf32, #tpu.memory_space<vmem_shared>>
      tpu.wait_indirect_dma semaphore(%arg8 : memref<!tpu.dma_semaphore, #tpu.memory_space<semaphore_mem>>) src(%arg6 : memref<128xf32, #tpu.memory_space<vmem>>) dst(%dma_wait3A_583 : memref<100352xf32, #tpu.memory_space<vmem_shared>>)
      %dma_wait3A_584 = arith.constant 0 : i32
      %dma_wait3A_585 = arith.constant 7 : i32
      %dma_wait3A_586 = arith.constant 0 : i32
      %dma_wait3A_587 = tpu.memref_slice %arg5[%dma_wait3A_584, %dma_wait3A_585, %dma_wait3A_586] : memref<2x16x128xi32, #tpu.memory_space<vmem>> -> memref<1x1x128xi32, #tpu.memory_space<vmem>>
      %dma_wait3A_588 = tpu.memref_squeeze %dma_wait3A_587 : memref<1x1x128xi32, #tpu.memory_space<vmem>> -> memref<128xi32, #tpu.memory_space<vmem>>
      %dma_wait3A_589 = arith.constant 0 : i32
      %dma_wait3A_590 = tpu.memref_slice %arg4[%dma_wait3A_589] : memref<100352xf32, #tpu.memory_space<vmem_shared>> -> memref<100352xf32, #tpu.memory_space<vmem_shared>>
      tpu.wait_indirect_dma semaphore(%arg8 : memref<!tpu.dma_semaphore, #tpu.memory_space<semaphore_mem>>) src(%arg6 : memref<128xf32, #tpu.memory_space<vmem>>) dst(%dma_wait3A_590 : memref<100352xf32, #tpu.memory_space<vmem_shared>>)
      %dma_wait3A_591 = arith.constant 0 : i32
      %dma_wait3A_592 = arith.constant 8 : i32
      %dma_wait3A_593 = arith.constant 0 : i32
      %dma_wait3A_594 = tpu.memref_slice %arg5[%dma_wait3A_591, %dma_wait3A_592, %dma_wait3A_593] : memref<2x16x128xi32, #tpu.memory_space<vmem>> -> memref<1x1x128xi32, #tpu.memory_space<vmem>>
      %dma_wait3A_595 = tpu.memref_squeeze %dma_wait3A_594 : memref<1x1x128xi32, #tpu.memory_space<vmem>> -> memref<128xi32, #tpu.memory_space<vmem>>
      %dma_wait3A_596 = arith.constant 0 : i32
      %dma_wait3A_597 = tpu.memref_slice %arg4[%dma_wait3A_596] : memref<100352xf32, #tpu.memory_space<vmem_shared>> -> memref<100352xf32, #tpu.memory_space<vmem_shared>>
      tpu.wait_indirect_dma semaphore(%arg8 : memref<!tpu.dma_semaphore, #tpu.memory_space<semaphore_mem>>) src(%arg6 : memref<128xf32, #tpu.memory_space<vmem>>) dst(%dma_wait3A_597 : memref<100352xf32, #tpu.memory_space<vmem_shared>>)
      %dma_wait3A_598 = arith.constant 0 : i32
      %dma_wait3A_599 = arith.constant 9 : i32
      %dma_wait3A_600 = arith.constant 0 : i32
      %dma_wait3A_601 = tpu.memref_slice %arg5[%dma_wait3A_598, %dma_wait3A_599, %dma_wait3A_600] : memref<2x16x128xi32, #tpu.memory_space<vmem>> -> memref<1x1x128xi32, #tpu.memory_space<vmem>>
      %dma_wait3A_602 = tpu.memref_squeeze %dma_wait3A_601 : memref<1x1x128xi32, #tpu.memory_space<vmem>> -> memref<128xi32, #tpu.memory_space<vmem>>
      %dma_wait3A_603 = arith.constant 0 : i32
      %dma_wait3A_604 = tpu.memref_slice %arg4[%dma_wait3A_603] : memref<100352xf32, #tpu.memory_space<vmem_shared>> -> memref<100352xf32, #tpu.memory_space<vmem_shared>>
      tpu.wait_indirect_dma semaphore(%arg8 : memref<!tpu.dma_semaphore, #tpu.memory_space<semaphore_mem>>) src(%arg6 : memref<128xf32, #tpu.memory_space<vmem>>) dst(%dma_wait3A_604 : memref<100352xf32, #tpu.memory_space<vmem_shared>>)
      %dma_wait3A_605 = arith.constant 0 : i32
      %dma_wait3A_606 = arith.constant 10 : i32
      %dma_wait3A_607 = arith.constant 0 : i32
      %dma_wait3A_608 = tpu.memref_slice %arg5[%dma_wait3A_605, %dma_wait3A_606, %dma_wait3A_607] : memref<2x16x128xi32, #tpu.memory_space<vmem>> -> memref<1x1x128xi32, #tpu.memory_space<vmem>>
      %dma_wait3A_609 = tpu.memref_squeeze %dma_wait3A_608 : memref<1x1x128xi32, #tpu.memory_space<vmem>> -> memref<128xi32, #tpu.memory_space<vmem>>
      %dma_wait3A_610 = arith.constant 0 : i32
      %dma_wait3A_611 = tpu.memref_slice %arg4[%dma_wait3A_610] : memref<100352xf32, #tpu.memory_space<vmem_shared>> -> memref<100352xf32, #tpu.memory_space<vmem_shared>>
      tpu.wait_indirect_dma semaphore(%arg8 : memref<!tpu.dma_semaphore, #tpu.memory_space<semaphore_mem>>) src(%arg6 : memref<128xf32, #tpu.memory_space<vmem>>) dst(%dma_wait3A_611 : memref<100352xf32, #tpu.memory_space<vmem_shared>>)
      %dma_wait3A_612 = arith.constant 0 : i32
      %dma_wait3A_613 = arith.constant 11 : i32
      %dma_wait3A_614 = arith.constant 0 : i32
      %dma_wait3A_615 = tpu.memref_slice %arg5[%dma_wait3A_612, %dma_wait3A_613, %dma_wait3A_614] : memref<2x16x128xi32, #tpu.memory_space<vmem>> -> memref<1x1x128xi32, #tpu.memory_space<vmem>>
      %dma_wait3A_616 = tpu.memref_squeeze %dma_wait3A_615 : memref<1x1x128xi32, #tpu.memory_space<vmem>> -> memref<128xi32, #tpu.memory_space<vmem>>
      %dma_wait3A_617 = arith.constant 0 : i32
      %dma_wait3A_618 = tpu.memref_slice %arg4[%dma_wait3A_617] : memref<100352xf32, #tpu.memory_space<vmem_shared>> -> memref<100352xf32, #tpu.memory_space<vmem_shared>>
      tpu.wait_indirect_dma semaphore(%arg8 : memref<!tpu.dma_semaphore, #tpu.memory_space<semaphore_mem>>) src(%arg6 : memref<128xf32, #tpu.memory_space<vmem>>) dst(%dma_wait3A_618 : memref<100352xf32, #tpu.memory_space<vmem_shared>>)
      %dma_wait3A_619 = arith.constant 0 : i32
      %dma_wait3A_620 = arith.constant 12 : i32
      %dma_wait3A_621 = arith.constant 0 : i32
      %dma_wait3A_622 = tpu.memref_slice %arg5[%dma_wait3A_619, %dma_wait3A_620, %dma_wait3A_621] : memref<2x16x128xi32, #tpu.memory_space<vmem>> -> memref<1x1x128xi32, #tpu.memory_space<vmem>>
      %dma_wait3A_623 = tpu.memref_squeeze %dma_wait3A_622 : memref<1x1x128xi32, #tpu.memory_space<vmem>> -> memref<128xi32, #tpu.memory_space<vmem>>
      %dma_wait3A_624 = arith.constant 0 : i32
      %dma_wait3A_625 = tpu.memref_slice %arg4[%dma_wait3A_624] : memref<100352xf32, #tpu.memory_space<vmem_shared>> -> memref<100352xf32, #tpu.memory_space<vmem_shared>>
      tpu.wait_indirect_dma semaphore(%arg8 : memref<!tpu.dma_semaphore, #tpu.memory_space<semaphore_mem>>) src(%arg6 : memref<128xf32, #tpu.memory_space<vmem>>) dst(%dma_wait3A_625 : memref<100352xf32, #tpu.memory_space<vmem_shared>>)
      %dma_wait3A_626 = arith.constant 0 : i32
      %dma_wait3A_627 = arith.constant 13 : i32
      %dma_wait3A_628 = arith.constant 0 : i32
      %dma_wait3A_629 = tpu.memref_slice %arg5[%dma_wait3A_626, %dma_wait3A_627, %dma_wait3A_628] : memref<2x16x128xi32, #tpu.memory_space<vmem>> -> memref<1x1x128xi32, #tpu.memory_space<vmem>>
      %dma_wait3A_630 = tpu.memref_squeeze %dma_wait3A_629 : memref<1x1x128xi32, #tpu.memory_space<vmem>> -> memref<128xi32, #tpu.memory_space<vmem>>
      %dma_wait3A_631 = arith.constant 0 : i32
      %dma_wait3A_632 = tpu.memref_slice %arg4[%dma_wait3A_631] : memref<100352xf32, #tpu.memory_space<vmem_shared>> -> memref<100352xf32, #tpu.memory_space<vmem_shared>>
      tpu.wait_indirect_dma semaphore(%arg8 : memref<!tpu.dma_semaphore, #tpu.memory_space<semaphore_mem>>) src(%arg6 : memref<128xf32, #tpu.memory_space<vmem>>) dst(%dma_wait3A_632 : memref<100352xf32, #tpu.memory_space<vmem_shared>>)
      %dma_wait3A_633 = arith.constant 0 : i32
      %dma_wait3A_634 = arith.constant 14 : i32
      %dma_wait3A_635 = arith.constant 0 : i32
      %dma_wait3A_636 = tpu.memref_slice %arg5[%dma_wait3A_633, %dma_wait3A_634, %dma_wait3A_635] : memref<2x16x128xi32, #tpu.memory_space<vmem>> -> memref<1x1x128xi32, #tpu.memory_space<vmem>>
      %dma_wait3A_637 = tpu.memref_squeeze %dma_wait3A_636 : memref<1x1x128xi32, #tpu.memory_space<vmem>> -> memref<128xi32, #tpu.memory_space<vmem>>
      %dma_wait3A_638 = arith.constant 0 : i32
      %dma_wait3A_639 = tpu.memref_slice %arg4[%dma_wait3A_638] : memref<100352xf32, #tpu.memory_space<vmem_shared>> -> memref<100352xf32, #tpu.memory_space<vmem_shared>>
      tpu.wait_indirect_dma semaphore(%arg8 : memref<!tpu.dma_semaphore, #tpu.memory_space<semaphore_mem>>) src(%arg6 : memref<128xf32, #tpu.memory_space<vmem>>) dst(%dma_wait3A_639 : memref<100352xf32, #tpu.memory_space<vmem_shared>>)
      %dma_wait3A_640 = arith.constant 0 : i32
      %dma_wait3A_641 = arith.constant 15 : i32
      %dma_wait3A_642 = arith.constant 0 : i32
      %dma_wait3A_643 = tpu.memref_slice %arg5[%dma_wait3A_640, %dma_wait3A_641, %dma_wait3A_642] : memref<2x16x128xi32, #tpu.memory_space<vmem>> -> memref<1x1x128xi32, #tpu.memory_space<vmem>>
      %dma_wait3A_644 = tpu.memref_squeeze %dma_wait3A_643 : memref<1x1x128xi32, #tpu.memory_space<vmem>> -> memref<128xi32, #tpu.memory_space<vmem>>
      %dma_wait3A_645 = arith.constant 0 : i32
      %dma_wait3A_646 = tpu.memref_slice %arg4[%dma_wait3A_645] : memref<100352xf32, #tpu.memory_space<vmem_shared>> -> memref<100352xf32, #tpu.memory_space<vmem_shared>>
      tpu.wait_indirect_dma semaphore(%arg8 : memref<!tpu.dma_semaphore, #tpu.memory_space<semaphore_mem>>) src(%arg6 : memref<128xf32, #tpu.memory_space<vmem>>) dst(%dma_wait3A_646 : memref<100352xf32, #tpu.memory_space<vmem_shared>>)
      %add3A_647 = arith.constant 2 : i32
      %add3A_648 = arith.addi %mul3A_302, %add3A_647 : i32
      %mul3A_649 = arith.constant 16 : i32
      %mul3A_650 = arith.muli %add3A_648, %mul3A_649 : i32
      %add3A_651 = arith.addi %mul3A_59, %mul3A_650 : i32
      %min3A_652 = arith.constant 25072 : i32
      %min3A_653 = arith.minsi %add3A_651, %min3A_652 : i32
      %run_scoped3A_654 = arith.constant 0 : i32
      "tpu.region"() ({
        %run_scoped3A_767 = tpu.sem_alloc : memref<!tpu.dma_semaphore, #tpu.memory_space<semaphore_mem>>
        %dma_start3A_768 = arith.constant 0 : i32
        %dma_start3A_769 = arith.constant 0 : i32
        %dma_start3A_770 = tpu.memref_slice %arg5[%run_scoped3A_654, %dma_start3A_768, %dma_start3A_769] : memref<2x16x128xi32, #tpu.memory_space<vmem>> -> memref<1x16x128xi32, #tpu.memory_space<vmem>>
        %dma_start3A_771 = tpu.memref_squeeze %dma_start3A_770 : memref<1x16x128xi32, #tpu.memory_space<vmem>> -> memref<16x128xi32, #tpu.memory_space<vmem>>
        %dma_start3A_772 = arith.constant 0 : i32
        %dma_start3A_773 = tpu.memref_slice %arg2[%min3A_653, %dma_start3A_772] : memref<25088x128xi32, #tpu.memory_space<hbm>> -> memref<16x128xi32, #tpu.memory_space<hbm>>
        %dma_start3A_774 = arith.constant 0 : i32
        %dma_start3A_775 = arith.constant 0 : i32
        %dma_start3A_776 = tpu.memref_slice %arg5[%run_scoped3A_654, %dma_start3A_774, %dma_start3A_775] : memref<2x16x128xi32, #tpu.memory_space<vmem>> -> memref<1x16x128xi32, #tpu.memory_space<vmem>>
        %dma_start3A_777 = tpu.memref_squeeze %dma_start3A_776 : memref<1x16x128xi32, #tpu.memory_space<vmem>> -> memref<16x128xi32, #tpu.memory_space<vmem>>
        %dma_start3A_778 = arith.constant 0 : i32
        %dma_start3A_779 = tpu.memref_slice %arg2[%min3A_653, %dma_start3A_778] : memref<25088x128xi32, #tpu.memory_space<hbm>> -> memref<16x128xi32, #tpu.memory_space<hbm>>
        tpu.enqueue_dma source(%dma_start3A_779 : memref<16x128xi32, #tpu.memory_space<hbm>>) target(%dma_start3A_777 : memref<16x128xi32, #tpu.memory_space<vmem>>) target_semaphore(%run_scoped3A_767 : memref<!tpu.dma_semaphore, #tpu.memory_space<semaphore_mem>>)
        %dma_wait3A_780 = arith.constant 0 : i32
        %dma_wait3A_781 = arith.constant 0 : i32
        %dma_wait3A_782 = tpu.memref_slice %arg5[%run_scoped3A_654, %dma_wait3A_780, %dma_wait3A_781] : memref<2x16x128xi32, #tpu.memory_space<vmem>> -> memref<1x16x128xi32, #tpu.memory_space<vmem>>
        %dma_wait3A_783 = tpu.memref_squeeze %dma_wait3A_782 : memref<1x16x128xi32, #tpu.memory_space<vmem>> -> memref<16x128xi32, #tpu.memory_space<vmem>>
        %dma_wait3A_784 = arith.constant 0 : i32
        %dma_wait3A_785 = tpu.memref_slice %arg2[%min3A_653, %dma_wait3A_784] : memref<25088x128xi32, #tpu.memory_space<hbm>> -> memref<16x128xi32, #tpu.memory_space<hbm>>
        %dma_wait3A_786 = arith.constant 0 : i32
        %dma_wait3A_787 = arith.constant 0 : i32
        %dma_wait3A_788 = tpu.memref_slice %arg5[%run_scoped3A_654, %dma_wait3A_786, %dma_wait3A_787] : memref<2x16x128xi32, #tpu.memory_space<vmem>> -> memref<1x16x128xi32, #tpu.memory_space<vmem>>
        %dma_wait3A_789 = tpu.memref_squeeze %dma_wait3A_788 : memref<1x16x128xi32, #tpu.memory_space<vmem>> -> memref<16x128xi32, #tpu.memory_space<vmem>>
        %dma_wait3A_790 = arith.constant 0 : i32
        %dma_wait3A_791 = tpu.memref_slice %arg2[%min3A_653, %dma_wait3A_790] : memref<25088x128xi32, #tpu.memory_space<hbm>> -> memref<16x128xi32, #tpu.memory_space<hbm>>
        tpu.wait_dma2 semaphore(%run_scoped3A_767 : memref<!tpu.dma_semaphore, #tpu.memory_space<semaphore_mem>>) src(%dma_wait3A_791 : memref<16x128xi32, #tpu.memory_space<hbm>>) dst(%dma_wait3A_789 : memref<16x128xi32, #tpu.memory_space<vmem>>)
        tpu.yield
      }) : () -> ()
      %dma_wait3A_655 = arith.constant 1 : i32
      %dma_wait3A_656 = arith.constant 0 : i32
      %dma_wait3A_657 = arith.constant 0 : i32
      %dma_wait3A_658 = tpu.memref_slice %arg5[%dma_wait3A_655, %dma_wait3A_656, %dma_wait3A_657] : memref<2x16x128xi32, #tpu.memory_space<vmem>> -> memref<1x1x128xi32, #tpu.memory_space<vmem>>
      %dma_wait3A_659 = tpu.memref_squeeze %dma_wait3A_658 : memref<1x1x128xi32, #tpu.memory_space<vmem>> -> memref<128xi32, #tpu.memory_space<vmem>>
      %dma_wait3A_660 = arith.constant 0 : i32
      %dma_wait3A_661 = tpu.memref_slice %arg4[%dma_wait3A_660] : memref<100352xf32, #tpu.memory_space<vmem_shared>> -> memref<100352xf32, #tpu.memory_space<vmem_shared>>
      tpu.wait_indirect_dma semaphore(%arg8 : memref<!tpu.dma_semaphore, #tpu.memory_space<semaphore_mem>>) src(%arg6 : memref<128xf32, #tpu.memory_space<vmem>>) dst(%dma_wait3A_661 : memref<100352xf32, #tpu.memory_space<vmem_shared>>)
      %dma_wait3A_662 = arith.constant 1 : i32
      %dma_wait3A_663 = arith.constant 1 : i32
      %dma_wait3A_664 = arith.constant 0 : i32
      %dma_wait3A_665 = tpu.memref_slice %arg5[%dma_wait3A_662, %dma_wait3A_663, %dma_wait3A_664] : memref<2x16x128xi32, #tpu.memory_space<vmem>> -> memref<1x1x128xi32, #tpu.memory_space<vmem>>
      %dma_wait3A_666 = tpu.memref_squeeze %dma_wait3A_665 : memref<1x1x128xi32, #tpu.memory_space<vmem>> -> memref<128xi32, #tpu.memory_space<vmem>>
      %dma_wait3A_667 = arith.constant 0 : i32
      %dma_wait3A_668 = tpu.memref_slice %arg4[%dma_wait3A_667] : memref<100352xf32, #tpu.memory_space<vmem_shared>> -> memref<100352xf32, #tpu.memory_space<vmem_shared>>
      tpu.wait_indirect_dma semaphore(%arg8 : memref<!tpu.dma_semaphore, #tpu.memory_space<semaphore_mem>>) src(%arg6 : memref<128xf32, #tpu.memory_space<vmem>>) dst(%dma_wait3A_668 : memref<100352xf32, #tpu.memory_space<vmem_shared>>)
      %dma_wait3A_669 = arith.constant 1 : i32
      %dma_wait3A_670 = arith.constant 2 : i32
      %dma_wait3A_671 = arith.constant 0 : i32
      %dma_wait3A_672 = tpu.memref_slice %arg5[%dma_wait3A_669, %dma_wait3A_670, %dma_wait3A_671] : memref<2x16x128xi32, #tpu.memory_space<vmem>> -> memref<1x1x128xi32, #tpu.memory_space<vmem>>
      %dma_wait3A_673 = tpu.memref_squeeze %dma_wait3A_672 : memref<1x1x128xi32, #tpu.memory_space<vmem>> -> memref<128xi32, #tpu.memory_space<vmem>>
      %dma_wait3A_674 = arith.constant 0 : i32
      %dma_wait3A_675 = tpu.memref_slice %arg4[%dma_wait3A_674] : memref<100352xf32, #tpu.memory_space<vmem_shared>> -> memref<100352xf32, #tpu.memory_space<vmem_shared>>
      tpu.wait_indirect_dma semaphore(%arg8 : memref<!tpu.dma_semaphore, #tpu.memory_space<semaphore_mem>>) src(%arg6 : memref<128xf32, #tpu.memory_space<vmem>>) dst(%dma_wait3A_675 : memref<100352xf32, #tpu.memory_space<vmem_shared>>)
      %dma_wait3A_676 = arith.constant 1 : i32
      %dma_wait3A_677 = arith.constant 3 : i32
      %dma_wait3A_678 = arith.constant 0 : i32
      %dma_wait3A_679 = tpu.memref_slice %arg5[%dma_wait3A_676, %dma_wait3A_677, %dma_wait3A_678] : memref<2x16x128xi32, #tpu.memory_space<vmem>> -> memref<1x1x128xi32, #tpu.memory_space<vmem>>
      %dma_wait3A_680 = tpu.memref_squeeze %dma_wait3A_679 : memref<1x1x128xi32, #tpu.memory_space<vmem>> -> memref<128xi32, #tpu.memory_space<vmem>>
      %dma_wait3A_681 = arith.constant 0 : i32
      %dma_wait3A_682 = tpu.memref_slice %arg4[%dma_wait3A_681] : memref<100352xf32, #tpu.memory_space<vmem_shared>> -> memref<100352xf32, #tpu.memory_space<vmem_shared>>
      tpu.wait_indirect_dma semaphore(%arg8 : memref<!tpu.dma_semaphore, #tpu.memory_space<semaphore_mem>>) src(%arg6 : memref<128xf32, #tpu.memory_space<vmem>>) dst(%dma_wait3A_682 : memref<100352xf32, #tpu.memory_space<vmem_shared>>)
      %dma_wait3A_683 = arith.constant 1 : i32
      %dma_wait3A_684 = arith.constant 4 : i32
      %dma_wait3A_685 = arith.constant 0 : i32
      %dma_wait3A_686 = tpu.memref_slice %arg5[%dma_wait3A_683, %dma_wait3A_684, %dma_wait3A_685] : memref<2x16x128xi32, #tpu.memory_space<vmem>> -> memref<1x1x128xi32, #tpu.memory_space<vmem>>
      %dma_wait3A_687 = tpu.memref_squeeze %dma_wait3A_686 : memref<1x1x128xi32, #tpu.memory_space<vmem>> -> memref<128xi32, #tpu.memory_space<vmem>>
      %dma_wait3A_688 = arith.constant 0 : i32
      %dma_wait3A_689 = tpu.memref_slice %arg4[%dma_wait3A_688] : memref<100352xf32, #tpu.memory_space<vmem_shared>> -> memref<100352xf32, #tpu.memory_space<vmem_shared>>
      tpu.wait_indirect_dma semaphore(%arg8 : memref<!tpu.dma_semaphore, #tpu.memory_space<semaphore_mem>>) src(%arg6 : memref<128xf32, #tpu.memory_space<vmem>>) dst(%dma_wait3A_689 : memref<100352xf32, #tpu.memory_space<vmem_shared>>)
      %dma_wait3A_690 = arith.constant 1 : i32
      %dma_wait3A_691 = arith.constant 5 : i32
      %dma_wait3A_692 = arith.constant 0 : i32
      %dma_wait3A_693 = tpu.memref_slice %arg5[%dma_wait3A_690, %dma_wait3A_691, %dma_wait3A_692] : memref<2x16x128xi32, #tpu.memory_space<vmem>> -> memref<1x1x128xi32, #tpu.memory_space<vmem>>
      %dma_wait3A_694 = tpu.memref_squeeze %dma_wait3A_693 : memref<1x1x128xi32, #tpu.memory_space<vmem>> -> memref<128xi32, #tpu.memory_space<vmem>>
      %dma_wait3A_695 = arith.constant 0 : i32
      %dma_wait3A_696 = tpu.memref_slice %arg4[%dma_wait3A_695] : memref<100352xf32, #tpu.memory_space<vmem_shared>> -> memref<100352xf32, #tpu.memory_space<vmem_shared>>
      tpu.wait_indirect_dma semaphore(%arg8 : memref<!tpu.dma_semaphore, #tpu.memory_space<semaphore_mem>>) src(%arg6 : memref<128xf32, #tpu.memory_space<vmem>>) dst(%dma_wait3A_696 : memref<100352xf32, #tpu.memory_space<vmem_shared>>)
      %dma_wait3A_697 = arith.constant 1 : i32
      %dma_wait3A_698 = arith.constant 6 : i32
      %dma_wait3A_699 = arith.constant 0 : i32
      %dma_wait3A_700 = tpu.memref_slice %arg5[%dma_wait3A_697, %dma_wait3A_698, %dma_wait3A_699] : memref<2x16x128xi32, #tpu.memory_space<vmem>> -> memref<1x1x128xi32, #tpu.memory_space<vmem>>
      %dma_wait3A_701 = tpu.memref_squeeze %dma_wait3A_700 : memref<1x1x128xi32, #tpu.memory_space<vmem>> -> memref<128xi32, #tpu.memory_space<vmem>>
      %dma_wait3A_702 = arith.constant 0 : i32
      %dma_wait3A_703 = tpu.memref_slice %arg4[%dma_wait3A_702] : memref<100352xf32, #tpu.memory_space<vmem_shared>> -> memref<100352xf32, #tpu.memory_space<vmem_shared>>
      tpu.wait_indirect_dma semaphore(%arg8 : memref<!tpu.dma_semaphore, #tpu.memory_space<semaphore_mem>>) src(%arg6 : memref<128xf32, #tpu.memory_space<vmem>>) dst(%dma_wait3A_703 : memref<100352xf32, #tpu.memory_space<vmem_shared>>)
      %dma_wait3A_704 = arith.constant 1 : i32
      %dma_wait3A_705 = arith.constant 7 : i32
      %dma_wait3A_706 = arith.constant 0 : i32
      %dma_wait3A_707 = tpu.memref_slice %arg5[%dma_wait3A_704, %dma_wait3A_705, %dma_wait3A_706] : memref<2x16x128xi32, #tpu.memory_space<vmem>> -> memref<1x1x128xi32, #tpu.memory_space<vmem>>
      %dma_wait3A_708 = tpu.memref_squeeze %dma_wait3A_707 : memref<1x1x128xi32, #tpu.memory_space<vmem>> -> memref<128xi32, #tpu.memory_space<vmem>>
      %dma_wait3A_709 = arith.constant 0 : i32
      %dma_wait3A_710 = tpu.memref_slice %arg4[%dma_wait3A_709] : memref<100352xf32, #tpu.memory_space<vmem_shared>> -> memref<100352xf32, #tpu.memory_space<vmem_shared>>
      tpu.wait_indirect_dma semaphore(%arg8 : memref<!tpu.dma_semaphore, #tpu.memory_space<semaphore_mem>>) src(%arg6 : memref<128xf32, #tpu.memory_space<vmem>>) dst(%dma_wait3A_710 : memref<100352xf32, #tpu.memory_space<vmem_shared>>)
      %dma_wait3A_711 = arith.constant 1 : i32
      %dma_wait3A_712 = arith.constant 8 : i32
      %dma_wait3A_713 = arith.constant 0 : i32
      %dma_wait3A_714 = tpu.memref_slice %arg5[%dma_wait3A_711, %dma_wait3A_712, %dma_wait3A_713] : memref<2x16x128xi32, #tpu.memory_space<vmem>> -> memref<1x1x128xi32, #tpu.memory_space<vmem>>
      %dma_wait3A_715 = tpu.memref_squeeze %dma_wait3A_714 : memref<1x1x128xi32, #tpu.memory_space<vmem>> -> memref<128xi32, #tpu.memory_space<vmem>>
      %dma_wait3A_716 = arith.constant 0 : i32
      %dma_wait3A_717 = tpu.memref_slice %arg4[%dma_wait3A_716] : memref<100352xf32, #tpu.memory_space<vmem_shared>> -> memref<100352xf32, #tpu.memory_space<vmem_shared>>
      tpu.wait_indirect_dma semaphore(%arg8 : memref<!tpu.dma_semaphore, #tpu.memory_space<semaphore_mem>>) src(%arg6 : memref<128xf32, #tpu.memory_space<vmem>>) dst(%dma_wait3A_717 : memref<100352xf32, #tpu.memory_space<vmem_shared>>)
      %dma_wait3A_718 = arith.constant 1 : i32
      %dma_wait3A_719 = arith.constant 9 : i32
      %dma_wait3A_720 = arith.constant 0 : i32
      %dma_wait3A_721 = tpu.memref_slice %arg5[%dma_wait3A_718, %dma_wait3A_719, %dma_wait3A_720] : memref<2x16x128xi32, #tpu.memory_space<vmem>> -> memref<1x1x128xi32, #tpu.memory_space<vmem>>
      %dma_wait3A_722 = tpu.memref_squeeze %dma_wait3A_721 : memref<1x1x128xi32, #tpu.memory_space<vmem>> -> memref<128xi32, #tpu.memory_space<vmem>>
      %dma_wait3A_723 = arith.constant 0 : i32
      %dma_wait3A_724 = tpu.memref_slice %arg4[%dma_wait3A_723] : memref<100352xf32, #tpu.memory_space<vmem_shared>> -> memref<100352xf32, #tpu.memory_space<vmem_shared>>
      tpu.wait_indirect_dma semaphore(%arg8 : memref<!tpu.dma_semaphore, #tpu.memory_space<semaphore_mem>>) src(%arg6 : memref<128xf32, #tpu.memory_space<vmem>>) dst(%dma_wait3A_724 : memref<100352xf32, #tpu.memory_space<vmem_shared>>)
      %dma_wait3A_725 = arith.constant 1 : i32
      %dma_wait3A_726 = arith.constant 10 : i32
      %dma_wait3A_727 = arith.constant 0 : i32
      %dma_wait3A_728 = tpu.memref_slice %arg5[%dma_wait3A_725, %dma_wait3A_726, %dma_wait3A_727] : memref<2x16x128xi32, #tpu.memory_space<vmem>> -> memref<1x1x128xi32, #tpu.memory_space<vmem>>
      %dma_wait3A_729 = tpu.memref_squeeze %dma_wait3A_728 : memref<1x1x128xi32, #tpu.memory_space<vmem>> -> memref<128xi32, #tpu.memory_space<vmem>>
      %dma_wait3A_730 = arith.constant 0 : i32
      %dma_wait3A_731 = tpu.memref_slice %arg4[%dma_wait3A_730] : memref<100352xf32, #tpu.memory_space<vmem_shared>> -> memref<100352xf32, #tpu.memory_space<vmem_shared>>
      tpu.wait_indirect_dma semaphore(%arg8 : memref<!tpu.dma_semaphore, #tpu.memory_space<semaphore_mem>>) src(%arg6 : memref<128xf32, #tpu.memory_space<vmem>>) dst(%dma_wait3A_731 : memref<100352xf32, #tpu.memory_space<vmem_shared>>)
      %dma_wait3A_732 = arith.constant 1 : i32
      %dma_wait3A_733 = arith.constant 11 : i32
      %dma_wait3A_734 = arith.constant 0 : i32
      %dma_wait3A_735 = tpu.memref_slice %arg5[%dma_wait3A_732, %dma_wait3A_733, %dma_wait3A_734] : memref<2x16x128xi32, #tpu.memory_space<vmem>> -> memref<1x1x128xi32, #tpu.memory_space<vmem>>
      %dma_wait3A_736 = tpu.memref_squeeze %dma_wait3A_735 : memref<1x1x128xi32, #tpu.memory_space<vmem>> -> memref<128xi32, #tpu.memory_space<vmem>>
      %dma_wait3A_737 = arith.constant 0 : i32
      %dma_wait3A_738 = tpu.memref_slice %arg4[%dma_wait3A_737] : memref<100352xf32, #tpu.memory_space<vmem_shared>> -> memref<100352xf32, #tpu.memory_space<vmem_shared>>
      tpu.wait_indirect_dma semaphore(%arg8 : memref<!tpu.dma_semaphore, #tpu.memory_space<semaphore_mem>>) src(%arg6 : memref<128xf32, #tpu.memory_space<vmem>>) dst(%dma_wait3A_738 : memref<100352xf32, #tpu.memory_space<vmem_shared>>)
      %dma_wait3A_739 = arith.constant 1 : i32
      %dma_wait3A_740 = arith.constant 12 : i32
      %dma_wait3A_741 = arith.constant 0 : i32
      %dma_wait3A_742 = tpu.memref_slice %arg5[%dma_wait3A_739, %dma_wait3A_740, %dma_wait3A_741] : memref<2x16x128xi32, #tpu.memory_space<vmem>> -> memref<1x1x128xi32, #tpu.memory_space<vmem>>
      %dma_wait3A_743 = tpu.memref_squeeze %dma_wait3A_742 : memref<1x1x128xi32, #tpu.memory_space<vmem>> -> memref<128xi32, #tpu.memory_space<vmem>>
      %dma_wait3A_744 = arith.constant 0 : i32
      %dma_wait3A_745 = tpu.memref_slice %arg4[%dma_wait3A_744] : memref<100352xf32, #tpu.memory_space<vmem_shared>> -> memref<100352xf32, #tpu.memory_space<vmem_shared>>
      tpu.wait_indirect_dma semaphore(%arg8 : memref<!tpu.dma_semaphore, #tpu.memory_space<semaphore_mem>>) src(%arg6 : memref<128xf32, #tpu.memory_space<vmem>>) dst(%dma_wait3A_745 : memref<100352xf32, #tpu.memory_space<vmem_shared>>)
      %dma_wait3A_746 = arith.constant 1 : i32
      %dma_wait3A_747 = arith.constant 13 : i32
      %dma_wait3A_748 = arith.constant 0 : i32
      %dma_wait3A_749 = tpu.memref_slice %arg5[%dma_wait3A_746, %dma_wait3A_747, %dma_wait3A_748] : memref<2x16x128xi32, #tpu.memory_space<vmem>> -> memref<1x1x128xi32, #tpu.memory_space<vmem>>
      %dma_wait3A_750 = tpu.memref_squeeze %dma_wait3A_749 : memref<1x1x128xi32, #tpu.memory_space<vmem>> -> memref<128xi32, #tpu.memory_space<vmem>>
      %dma_wait3A_751 = arith.constant 0 : i32
      %dma_wait3A_752 = tpu.memref_slice %arg4[%dma_wait3A_751] : memref<100352xf32, #tpu.memory_space<vmem_shared>> -> memref<100352xf32, #tpu.memory_space<vmem_shared>>
      tpu.wait_indirect_dma semaphore(%arg8 : memref<!tpu.dma_semaphore, #tpu.memory_space<semaphore_mem>>) src(%arg6 : memref<128xf32, #tpu.memory_space<vmem>>) dst(%dma_wait3A_752 : memref<100352xf32, #tpu.memory_space<vmem_shared>>)
      %dma_wait3A_753 = arith.constant 1 : i32
      %dma_wait3A_754 = arith.constant 14 : i32
      %dma_wait3A_755 = arith.constant 0 : i32
      %dma_wait3A_756 = tpu.memref_slice %arg5[%dma_wait3A_753, %dma_wait3A_754, %dma_wait3A_755] : memref<2x16x128xi32, #tpu.memory_space<vmem>> -> memref<1x1x128xi32, #tpu.memory_space<vmem>>
      %dma_wait3A_757 = tpu.memref_squeeze %dma_wait3A_756 : memref<1x1x128xi32, #tpu.memory_space<vmem>> -> memref<128xi32, #tpu.memory_space<vmem>>
      %dma_wait3A_758 = arith.constant 0 : i32
      %dma_wait3A_759 = tpu.memref_slice %arg4[%dma_wait3A_758] : memref<100352xf32, #tpu.memory_space<vmem_shared>> -> memref<100352xf32, #tpu.memory_space<vmem_shared>>
      tpu.wait_indirect_dma semaphore(%arg8 : memref<!tpu.dma_semaphore, #tpu.memory_space<semaphore_mem>>) src(%arg6 : memref<128xf32, #tpu.memory_space<vmem>>) dst(%dma_wait3A_759 : memref<100352xf32, #tpu.memory_space<vmem_shared>>)
      %dma_wait3A_760 = arith.constant 1 : i32
      %dma_wait3A_761 = arith.constant 15 : i32
      %dma_wait3A_762 = arith.constant 0 : i32
      %dma_wait3A_763 = tpu.memref_slice %arg5[%dma_wait3A_760, %dma_wait3A_761, %dma_wait3A_762] : memref<2x16x128xi32, #tpu.memory_space<vmem>> -> memref<1x1x128xi32, #tpu.memory_space<vmem>>
      %dma_wait3A_764 = tpu.memref_squeeze %dma_wait3A_763 : memref<1x1x128xi32, #tpu.memory_space<vmem>> -> memref<128xi32, #tpu.memory_space<vmem>>
      %dma_wait3A_765 = arith.constant 0 : i32
      %dma_wait3A_766 = tpu.memref_slice %arg4[%dma_wait3A_765] : memref<100352xf32, #tpu.memory_space<vmem_shared>> -> memref<100352xf32, #tpu.memory_space<vmem_shared>>
      tpu.wait_indirect_dma semaphore(%arg8 : memref<!tpu.dma_semaphore, #tpu.memory_space<semaphore_mem>>) src(%arg6 : memref<128xf32, #tpu.memory_space<vmem>>) dst(%dma_wait3A_766 : memref<100352xf32, #tpu.memory_space<vmem_shared>>)
    }
    %scan3A_67 = arith.constant 24 : i32
    %dma_start3A = arith.constant 0 : i32
    %dma_start3A_68 = arith.constant 0 : i32
    %dma_start3A_69 = arith.constant 0 : i32
    %dma_start3A_70 = tpu.memref_slice %arg5[%dma_start3A, %dma_start3A_68, %dma_start3A_69] : memref<2x16x128xi32, #tpu.memory_space<vmem>> -> memref<1x1x128xi32, #tpu.memory_space<vmem>>
    %dma_start3A_71 = tpu.memref_squeeze %dma_start3A_70 : memref<1x1x128xi32, #tpu.memory_space<vmem>> -> memref<128xi32, #tpu.memory_space<vmem>>
    %dma_start3A_72 = arith.constant 0 : i32
    %dma_start3A_73 = tpu.memref_slice %arg4[%dma_start3A_72] : memref<100352xf32, #tpu.memory_space<vmem_shared>> -> memref<100352xf32, #tpu.memory_space<vmem_shared>>
    tpu.enqueue_indirect_dma source(%arg6 : memref<128xf32, #tpu.memory_space<vmem>>) target(%dma_start3A_73 : memref<100352xf32, #tpu.memory_space<vmem_shared>>) offsets(%dma_start3A_71 : memref<128xi32, #tpu.memory_space<vmem>>) semaphore(%arg8 : memref<!tpu.dma_semaphore, #tpu.memory_space<semaphore_mem>>) {add = true}
    %dma_start3A_74 = arith.constant 0 : i32
    %dma_start3A_75 = arith.constant 1 : i32
    %dma_start3A_76 = arith.constant 0 : i32
    %dma_start3A_77 = tpu.memref_slice %arg5[%dma_start3A_74, %dma_start3A_75, %dma_start3A_76] : memref<2x16x128xi32, #tpu.memory_space<vmem>> -> memref<1x1x128xi32, #tpu.memory_space<vmem>>
    %dma_start3A_78 = tpu.memref_squeeze %dma_start3A_77 : memref<1x1x128xi32, #tpu.memory_space<vmem>> -> memref<128xi32, #tpu.memory_space<vmem>>
    %dma_start3A_79 = arith.constant 0 : i32
    %dma_start3A_80 = tpu.memref_slice %arg4[%dma_start3A_79] : memref<100352xf32, #tpu.memory_space<vmem_shared>> -> memref<100352xf32, #tpu.memory_space<vmem_shared>>
    tpu.enqueue_indirect_dma source(%arg6 : memref<128xf32, #tpu.memory_space<vmem>>) target(%dma_start3A_80 : memref<100352xf32, #tpu.memory_space<vmem_shared>>) offsets(%dma_start3A_78 : memref<128xi32, #tpu.memory_space<vmem>>) semaphore(%arg8 : memref<!tpu.dma_semaphore, #tpu.memory_space<semaphore_mem>>) {add = true}
    %dma_start3A_81 = arith.constant 0 : i32
    %dma_start3A_82 = arith.constant 2 : i32
    %dma_start3A_83 = arith.constant 0 : i32
    %dma_start3A_84 = tpu.memref_slice %arg5[%dma_start3A_81, %dma_start3A_82, %dma_start3A_83] : memref<2x16x128xi32, #tpu.memory_space<vmem>> -> memref<1x1x128xi32, #tpu.memory_space<vmem>>
    %dma_start3A_85 = tpu.memref_squeeze %dma_start3A_84 : memref<1x1x128xi32, #tpu.memory_space<vmem>> -> memref<128xi32, #tpu.memory_space<vmem>>
    %dma_start3A_86 = arith.constant 0 : i32
    %dma_start3A_87 = tpu.memref_slice %arg4[%dma_start3A_86] : memref<100352xf32, #tpu.memory_space<vmem_shared>> -> memref<100352xf32, #tpu.memory_space<vmem_shared>>
    tpu.enqueue_indirect_dma source(%arg6 : memref<128xf32, #tpu.memory_space<vmem>>) target(%dma_start3A_87 : memref<100352xf32, #tpu.memory_space<vmem_shared>>) offsets(%dma_start3A_85 : memref<128xi32, #tpu.memory_space<vmem>>) semaphore(%arg8 : memref<!tpu.dma_semaphore, #tpu.memory_space<semaphore_mem>>) {add = true}
    %dma_start3A_88 = arith.constant 0 : i32
    %dma_start3A_89 = arith.constant 3 : i32
    %dma_start3A_90 = arith.constant 0 : i32
    %dma_start3A_91 = tpu.memref_slice %arg5[%dma_start3A_88, %dma_start3A_89, %dma_start3A_90] : memref<2x16x128xi32, #tpu.memory_space<vmem>> -> memref<1x1x128xi32, #tpu.memory_space<vmem>>
    %dma_start3A_92 = tpu.memref_squeeze %dma_start3A_91 : memref<1x1x128xi32, #tpu.memory_space<vmem>> -> memref<128xi32, #tpu.memory_space<vmem>>
    %dma_start3A_93 = arith.constant 0 : i32
    %dma_start3A_94 = tpu.memref_slice %arg4[%dma_start3A_93] : memref<100352xf32, #tpu.memory_space<vmem_shared>> -> memref<100352xf32, #tpu.memory_space<vmem_shared>>
    tpu.enqueue_indirect_dma source(%arg6 : memref<128xf32, #tpu.memory_space<vmem>>) target(%dma_start3A_94 : memref<100352xf32, #tpu.memory_space<vmem_shared>>) offsets(%dma_start3A_92 : memref<128xi32, #tpu.memory_space<vmem>>) semaphore(%arg8 : memref<!tpu.dma_semaphore, #tpu.memory_space<semaphore_mem>>) {add = true}
    %dma_start3A_95 = arith.constant 0 : i32
    %dma_start3A_96 = arith.constant 4 : i32
    %dma_start3A_97 = arith.constant 0 : i32
    %dma_start3A_98 = tpu.memref_slice %arg5[%dma_start3A_95, %dma_start3A_96, %dma_start3A_97] : memref<2x16x128xi32, #tpu.memory_space<vmem>> -> memref<1x1x128xi32, #tpu.memory_space<vmem>>
    %dma_start3A_99 = tpu.memref_squeeze %dma_start3A_98 : memref<1x1x128xi32, #tpu.memory_space<vmem>> -> memref<128xi32, #tpu.memory_space<vmem>>
    %dma_start3A_100 = arith.constant 0 : i32
    %dma_start3A_101 = tpu.memref_slice %arg4[%dma_start3A_100] : memref<100352xf32, #tpu.memory_space<vmem_shared>> -> memref<100352xf32, #tpu.memory_space<vmem_shared>>
    tpu.enqueue_indirect_dma source(%arg6 : memref<128xf32, #tpu.memory_space<vmem>>) target(%dma_start3A_101 : memref<100352xf32, #tpu.memory_space<vmem_shared>>) offsets(%dma_start3A_99 : memref<128xi32, #tpu.memory_space<vmem>>) semaphore(%arg8 : memref<!tpu.dma_semaphore, #tpu.memory_space<semaphore_mem>>) {add = true}
    %dma_start3A_102 = arith.constant 0 : i32
    %dma_start3A_103 = arith.constant 5 : i32
    %dma_start3A_104 = arith.constant 0 : i32
    %dma_start3A_105 = tpu.memref_slice %arg5[%dma_start3A_102, %dma_start3A_103, %dma_start3A_104] : memref<2x16x128xi32, #tpu.memory_space<vmem>> -> memref<1x1x128xi32, #tpu.memory_space<vmem>>
    %dma_start3A_106 = tpu.memref_squeeze %dma_start3A_105 : memref<1x1x128xi32, #tpu.memory_space<vmem>> -> memref<128xi32, #tpu.memory_space<vmem>>
    %dma_start3A_107 = arith.constant 0 : i32
    %dma_start3A_108 = tpu.memref_slice %arg4[%dma_start3A_107] : memref<100352xf32, #tpu.memory_space<vmem_shared>> -> memref<100352xf32, #tpu.memory_space<vmem_shared>>
    tpu.enqueue_indirect_dma source(%arg6 : memref<128xf32, #tpu.memory_space<vmem>>) target(%dma_start3A_108 : memref<100352xf32, #tpu.memory_space<vmem_shared>>) offsets(%dma_start3A_106 : memref<128xi32, #tpu.memory_space<vmem>>) semaphore(%arg8 : memref<!tpu.dma_semaphore, #tpu.memory_space<semaphore_mem>>) {add = true}
    %dma_start3A_109 = arith.constant 0 : i32
    %dma_start3A_110 = arith.constant 6 : i32
    %dma_start3A_111 = arith.constant 0 : i32
    %dma_start3A_112 = tpu.memref_slice %arg5[%dma_start3A_109, %dma_start3A_110, %dma_start3A_111] : memref<2x16x128xi32, #tpu.memory_space<vmem>> -> memref<1x1x128xi32, #tpu.memory_space<vmem>>
    %dma_start3A_113 = tpu.memref_squeeze %dma_start3A_112 : memref<1x1x128xi32, #tpu.memory_space<vmem>> -> memref<128xi32, #tpu.memory_space<vmem>>
    %dma_start3A_114 = arith.constant 0 : i32
    %dma_start3A_115 = tpu.memref_slice %arg4[%dma_start3A_114] : memref<100352xf32, #tpu.memory_space<vmem_shared>> -> memref<100352xf32, #tpu.memory_space<vmem_shared>>
    tpu.enqueue_indirect_dma source(%arg6 : memref<128xf32, #tpu.memory_space<vmem>>) target(%dma_start3A_115 : memref<100352xf32, #tpu.memory_space<vmem_shared>>) offsets(%dma_start3A_113 : memref<128xi32, #tpu.memory_space<vmem>>) semaphore(%arg8 : memref<!tpu.dma_semaphore, #tpu.memory_space<semaphore_mem>>) {add = true}
    %dma_start3A_116 = arith.constant 0 : i32
    %dma_start3A_117 = arith.constant 7 : i32
    %dma_start3A_118 = arith.constant 0 : i32
    %dma_start3A_119 = tpu.memref_slice %arg5[%dma_start3A_116, %dma_start3A_117, %dma_start3A_118] : memref<2x16x128xi32, #tpu.memory_space<vmem>> -> memref<1x1x128xi32, #tpu.memory_space<vmem>>
    %dma_start3A_120 = tpu.memref_squeeze %dma_start3A_119 : memref<1x1x128xi32, #tpu.memory_space<vmem>> -> memref<128xi32, #tpu.memory_space<vmem>>
    %dma_start3A_121 = arith.constant 0 : i32
    %dma_start3A_122 = tpu.memref_slice %arg4[%dma_start3A_121] : memref<100352xf32, #tpu.memory_space<vmem_shared>> -> memref<100352xf32, #tpu.memory_space<vmem_shared>>
    tpu.enqueue_indirect_dma source(%arg6 : memref<128xf32, #tpu.memory_space<vmem>>) target(%dma_start3A_122 : memref<100352xf32, #tpu.memory_space<vmem_shared>>) offsets(%dma_start3A_120 : memref<128xi32, #tpu.memory_space<vmem>>) semaphore(%arg8 : memref<!tpu.dma_semaphore, #tpu.memory_space<semaphore_mem>>) {add = true}
    %dma_start3A_123 = arith.constant 0 : i32
    %dma_start3A_124 = arith.constant 8 : i32
    %dma_start3A_125 = arith.constant 0 : i32
    %dma_start3A_126 = tpu.memref_slice %arg5[%dma_start3A_123, %dma_start3A_124, %dma_start3A_125] : memref<2x16x128xi32, #tpu.memory_space<vmem>> -> memref<1x1x128xi32, #tpu.memory_space<vmem>>
    %dma_start3A_127 = tpu.memref_squeeze %dma_start3A_126 : memref<1x1x128xi32, #tpu.memory_space<vmem>> -> memref<128xi32, #tpu.memory_space<vmem>>
    %dma_start3A_128 = arith.constant 0 : i32
    %dma_start3A_129 = tpu.memref_slice %arg4[%dma_start3A_128] : memref<100352xf32, #tpu.memory_space<vmem_shared>> -> memref<100352xf32, #tpu.memory_space<vmem_shared>>
    tpu.enqueue_indirect_dma source(%arg6 : memref<128xf32, #tpu.memory_space<vmem>>) target(%dma_start3A_129 : memref<100352xf32, #tpu.memory_space<vmem_shared>>) offsets(%dma_start3A_127 : memref<128xi32, #tpu.memory_space<vmem>>) semaphore(%arg8 : memref<!tpu.dma_semaphore, #tpu.memory_space<semaphore_mem>>) {add = true}
    %dma_start3A_130 = arith.constant 0 : i32
    %dma_start3A_131 = arith.constant 9 : i32
    %dma_start3A_132 = arith.constant 0 : i32
    %dma_start3A_133 = tpu.memref_slice %arg5[%dma_start3A_130, %dma_start3A_131, %dma_start3A_132] : memref<2x16x128xi32, #tpu.memory_space<vmem>> -> memref<1x1x128xi32, #tpu.memory_space<vmem>>
    %dma_start3A_134 = tpu.memref_squeeze %dma_start3A_133 : memref<1x1x128xi32, #tpu.memory_space<vmem>> -> memref<128xi32, #tpu.memory_space<vmem>>
    %dma_start3A_135 = arith.constant 0 : i32
    %dma_start3A_136 = tpu.memref_slice %arg4[%dma_start3A_135] : memref<100352xf32, #tpu.memory_space<vmem_shared>> -> memref<100352xf32, #tpu.memory_space<vmem_shared>>
    tpu.enqueue_indirect_dma source(%arg6 : memref<128xf32, #tpu.memory_space<vmem>>) target(%dma_start3A_136 : memref<100352xf32, #tpu.memory_space<vmem_shared>>) offsets(%dma_start3A_134 : memref<128xi32, #tpu.memory_space<vmem>>) semaphore(%arg8 : memref<!tpu.dma_semaphore, #tpu.memory_space<semaphore_mem>>) {add = true}
    %dma_start3A_137 = arith.constant 0 : i32
    %dma_start3A_138 = arith.constant 10 : i32
    %dma_start3A_139 = arith.constant 0 : i32
    %dma_start3A_140 = tpu.memref_slice %arg5[%dma_start3A_137, %dma_start3A_138, %dma_start3A_139] : memref<2x16x128xi32, #tpu.memory_space<vmem>> -> memref<1x1x128xi32, #tpu.memory_space<vmem>>
    %dma_start3A_141 = tpu.memref_squeeze %dma_start3A_140 : memref<1x1x128xi32, #tpu.memory_space<vmem>> -> memref<128xi32, #tpu.memory_space<vmem>>
    %dma_start3A_142 = arith.constant 0 : i32
    %dma_start3A_143 = tpu.memref_slice %arg4[%dma_start3A_142] : memref<100352xf32, #tpu.memory_space<vmem_shared>> -> memref<100352xf32, #tpu.memory_space<vmem_shared>>
    tpu.enqueue_indirect_dma source(%arg6 : memref<128xf32, #tpu.memory_space<vmem>>) target(%dma_start3A_143 : memref<100352xf32, #tpu.memory_space<vmem_shared>>) offsets(%dma_start3A_141 : memref<128xi32, #tpu.memory_space<vmem>>) semaphore(%arg8 : memref<!tpu.dma_semaphore, #tpu.memory_space<semaphore_mem>>) {add = true}
    %dma_start3A_144 = arith.constant 0 : i32
    %dma_start3A_145 = arith.constant 11 : i32
    %dma_start3A_146 = arith.constant 0 : i32
    %dma_start3A_147 = tpu.memref_slice %arg5[%dma_start3A_144, %dma_start3A_145, %dma_start3A_146] : memref<2x16x128xi32, #tpu.memory_space<vmem>> -> memref<1x1x128xi32, #tpu.memory_space<vmem>>
    %dma_start3A_148 = tpu.memref_squeeze %dma_start3A_147 : memref<1x1x128xi32, #tpu.memory_space<vmem>> -> memref<128xi32, #tpu.memory_space<vmem>>
    %dma_start3A_149 = arith.constant 0 : i32
    %dma_start3A_150 = tpu.memref_slice %arg4[%dma_start3A_149] : memref<100352xf32, #tpu.memory_space<vmem_shared>> -> memref<100352xf32, #tpu.memory_space<vmem_shared>>
    tpu.enqueue_indirect_dma source(%arg6 : memref<128xf32, #tpu.memory_space<vmem>>) target(%dma_start3A_150 : memref<100352xf32, #tpu.memory_space<vmem_shared>>) offsets(%dma_start3A_148 : memref<128xi32, #tpu.memory_space<vmem>>) semaphore(%arg8 : memref<!tpu.dma_semaphore, #tpu.memory_space<semaphore_mem>>) {add = true}
    %dma_start3A_151 = arith.constant 0 : i32
    %dma_start3A_152 = arith.constant 12 : i32
    %dma_start3A_153 = arith.constant 0 : i32
    %dma_start3A_154 = tpu.memref_slice %arg5[%dma_start3A_151, %dma_start3A_152, %dma_start3A_153] : memref<2x16x128xi32, #tpu.memory_space<vmem>> -> memref<1x1x128xi32, #tpu.memory_space<vmem>>
    %dma_start3A_155 = tpu.memref_squeeze %dma_start3A_154 : memref<1x1x128xi32, #tpu.memory_space<vmem>> -> memref<128xi32, #tpu.memory_space<vmem>>
    %dma_start3A_156 = arith.constant 0 : i32
    %dma_start3A_157 = tpu.memref_slice %arg4[%dma_start3A_156] : memref<100352xf32, #tpu.memory_space<vmem_shared>> -> memref<100352xf32, #tpu.memory_space<vmem_shared>>
    tpu.enqueue_indirect_dma source(%arg6 : memref<128xf32, #tpu.memory_space<vmem>>) target(%dma_start3A_157 : memref<100352xf32, #tpu.memory_space<vmem_shared>>) offsets(%dma_start3A_155 : memref<128xi32, #tpu.memory_space<vmem>>) semaphore(%arg8 : memref<!tpu.dma_semaphore, #tpu.memory_space<semaphore_mem>>) {add = true}
    %dma_start3A_158 = arith.constant 0 : i32
    %dma_start3A_159 = arith.constant 13 : i32
    %dma_start3A_160 = arith.constant 0 : i32
    %dma_start3A_161 = tpu.memref_slice %arg5[%dma_start3A_158, %dma_start3A_159, %dma_start3A_160] : memref<2x16x128xi32, #tpu.memory_space<vmem>> -> memref<1x1x128xi32, #tpu.memory_space<vmem>>
    %dma_start3A_162 = tpu.memref_squeeze %dma_start3A_161 : memref<1x1x128xi32, #tpu.memory_space<vmem>> -> memref<128xi32, #tpu.memory_space<vmem>>
    %dma_start3A_163 = arith.constant 0 : i32
    %dma_start3A_164 = tpu.memref_slice %arg4[%dma_start3A_163] : memref<100352xf32, #tpu.memory_space<vmem_shared>> -> memref<100352xf32, #tpu.memory_space<vmem_shared>>
    tpu.enqueue_indirect_dma source(%arg6 : memref<128xf32, #tpu.memory_space<vmem>>) target(%dma_start3A_164 : memref<100352xf32, #tpu.memory_space<vmem_shared>>) offsets(%dma_start3A_162 : memref<128xi32, #tpu.memory_space<vmem>>) semaphore(%arg8 : memref<!tpu.dma_semaphore, #tpu.memory_space<semaphore_mem>>) {add = true}
    %dma_start3A_165 = arith.constant 0 : i32
    %dma_start3A_166 = arith.constant 14 : i32
    %dma_start3A_167 = arith.constant 0 : i32
    %dma_start3A_168 = tpu.memref_slice %arg5[%dma_start3A_165, %dma_start3A_166, %dma_start3A_167] : memref<2x16x128xi32, #tpu.memory_space<vmem>> -> memref<1x1x128xi32, #tpu.memory_space<vmem>>
    %dma_start3A_169 = tpu.memref_squeeze %dma_start3A_168 : memref<1x1x128xi32, #tpu.memory_space<vmem>> -> memref<128xi32, #tpu.memory_space<vmem>>
    %dma_start3A_170 = arith.constant 0 : i32
    %dma_start3A_171 = tpu.memref_slice %arg4[%dma_start3A_170] : memref<100352xf32, #tpu.memory_space<vmem_shared>> -> memref<100352xf32, #tpu.memory_space<vmem_shared>>
    tpu.enqueue_indirect_dma source(%arg6 : memref<128xf32, #tpu.memory_space<vmem>>) target(%dma_start3A_171 : memref<100352xf32, #tpu.memory_space<vmem_shared>>) offsets(%dma_start3A_169 : memref<128xi32, #tpu.memory_space<vmem>>) semaphore(%arg8 : memref<!tpu.dma_semaphore, #tpu.memory_space<semaphore_mem>>) {add = true}
    %dma_start3A_172 = arith.constant 0 : i32
    %dma_start3A_173 = arith.constant 15 : i32
    %dma_start3A_174 = arith.constant 0 : i32
    %dma_start3A_175 = tpu.memref_slice %arg5[%dma_start3A_172, %dma_start3A_173, %dma_start3A_174] : memref<2x16x128xi32, #tpu.memory_space<vmem>> -> memref<1x1x128xi32, #tpu.memory_space<vmem>>
    %dma_start3A_176 = tpu.memref_squeeze %dma_start3A_175 : memref<1x1x128xi32, #tpu.memory_space<vmem>> -> memref<128xi32, #tpu.memory_space<vmem>>
    %dma_start3A_177 = arith.constant 0 : i32
    %dma_start3A_178 = tpu.memref_slice %arg4[%dma_start3A_177] : memref<100352xf32, #tpu.memory_space<vmem_shared>> -> memref<100352xf32, #tpu.memory_space<vmem_shared>>
    tpu.enqueue_indirect_dma source(%arg6 : memref<128xf32, #tpu.memory_space<vmem>>) target(%dma_start3A_178 : memref<100352xf32, #tpu.memory_space<vmem_shared>>) offsets(%dma_start3A_176 : memref<128xi32, #tpu.memory_space<vmem>>) semaphore(%arg8 : memref<!tpu.dma_semaphore, #tpu.memory_space<semaphore_mem>>) {add = true}
    %dma_wait3A = arith.constant 0 : i32
    %dma_wait3A_179 = arith.constant 0 : i32
    %dma_wait3A_180 = arith.constant 0 : i32
    %dma_wait3A_181 = tpu.memref_slice %arg5[%dma_wait3A, %dma_wait3A_179, %dma_wait3A_180] : memref<2x16x128xi32, #tpu.memory_space<vmem>> -> memref<1x1x128xi32, #tpu.memory_space<vmem>>
    %dma_wait3A_182 = tpu.memref_squeeze %dma_wait3A_181 : memref<1x1x128xi32, #tpu.memory_space<vmem>> -> memref<128xi32, #tpu.memory_space<vmem>>
    %dma_wait3A_183 = arith.constant 0 : i32
    %dma_wait3A_184 = tpu.memref_slice %arg4[%dma_wait3A_183] : memref<100352xf32, #tpu.memory_space<vmem_shared>> -> memref<100352xf32, #tpu.memory_space<vmem_shared>>
    tpu.wait_indirect_dma semaphore(%arg8 : memref<!tpu.dma_semaphore, #tpu.memory_space<semaphore_mem>>) src(%arg6 : memref<128xf32, #tpu.memory_space<vmem>>) dst(%dma_wait3A_184 : memref<100352xf32, #tpu.memory_space<vmem_shared>>)
    %dma_wait3A_185 = arith.constant 0 : i32
    %dma_wait3A_186 = arith.constant 1 : i32
    %dma_wait3A_187 = arith.constant 0 : i32
    %dma_wait3A_188 = tpu.memref_slice %arg5[%dma_wait3A_185, %dma_wait3A_186, %dma_wait3A_187] : memref<2x16x128xi32, #tpu.memory_space<vmem>> -> memref<1x1x128xi32, #tpu.memory_space<vmem>>
    %dma_wait3A_189 = tpu.memref_squeeze %dma_wait3A_188 : memref<1x1x128xi32, #tpu.memory_space<vmem>> -> memref<128xi32, #tpu.memory_space<vmem>>
    %dma_wait3A_190 = arith.constant 0 : i32
    %dma_wait3A_191 = tpu.memref_slice %arg4[%dma_wait3A_190] : memref<100352xf32, #tpu.memory_space<vmem_shared>> -> memref<100352xf32, #tpu.memory_space<vmem_shared>>
    tpu.wait_indirect_dma semaphore(%arg8 : memref<!tpu.dma_semaphore, #tpu.memory_space<semaphore_mem>>) src(%arg6 : memref<128xf32, #tpu.memory_space<vmem>>) dst(%dma_wait3A_191 : memref<100352xf32, #tpu.memory_space<vmem_shared>>)
    %dma_wait3A_192 = arith.constant 0 : i32
    %dma_wait3A_193 = arith.constant 2 : i32
    %dma_wait3A_194 = arith.constant 0 : i32
    %dma_wait3A_195 = tpu.memref_slice %arg5[%dma_wait3A_192, %dma_wait3A_193, %dma_wait3A_194] : memref<2x16x128xi32, #tpu.memory_space<vmem>> -> memref<1x1x128xi32, #tpu.memory_space<vmem>>
    %dma_wait3A_196 = tpu.memref_squeeze %dma_wait3A_195 : memref<1x1x128xi32, #tpu.memory_space<vmem>> -> memref<128xi32, #tpu.memory_space<vmem>>
    %dma_wait3A_197 = arith.constant 0 : i32
    %dma_wait3A_198 = tpu.memref_slice %arg4[%dma_wait3A_197] : memref<100352xf32, #tpu.memory_space<vmem_shared>> -> memref<100352xf32, #tpu.memory_space<vmem_shared>>
    tpu.wait_indirect_dma semaphore(%arg8 : memref<!tpu.dma_semaphore, #tpu.memory_space<semaphore_mem>>) src(%arg6 : memref<128xf32, #tpu.memory_space<vmem>>) dst(%dma_wait3A_198 : memref<100352xf32, #tpu.memory_space<vmem_shared>>)
    %dma_wait3A_199 = arith.constant 0 : i32
    %dma_wait3A_200 = arith.constant 3 : i32
    %dma_wait3A_201 = arith.constant 0 : i32
    %dma_wait3A_202 = tpu.memref_slice %arg5[%dma_wait3A_199, %dma_wait3A_200, %dma_wait3A_201] : memref<2x16x128xi32, #tpu.memory_space<vmem>> -> memref<1x1x128xi32, #tpu.memory_space<vmem>>
    %dma_wait3A_203 = tpu.memref_squeeze %dma_wait3A_202 : memref<1x1x128xi32, #tpu.memory_space<vmem>> -> memref<128xi32, #tpu.memory_space<vmem>>
    %dma_wait3A_204 = arith.constant 0 : i32
    %dma_wait3A_205 = tpu.memref_slice %arg4[%dma_wait3A_204] : memref<100352xf32, #tpu.memory_space<vmem_shared>> -> memref<100352xf32, #tpu.memory_space<vmem_shared>>
    tpu.wait_indirect_dma semaphore(%arg8 : memref<!tpu.dma_semaphore, #tpu.memory_space<semaphore_mem>>) src(%arg6 : memref<128xf32, #tpu.memory_space<vmem>>) dst(%dma_wait3A_205 : memref<100352xf32, #tpu.memory_space<vmem_shared>>)
    %dma_wait3A_206 = arith.constant 0 : i32
    %dma_wait3A_207 = arith.constant 4 : i32
    %dma_wait3A_208 = arith.constant 0 : i32
    %dma_wait3A_209 = tpu.memref_slice %arg5[%dma_wait3A_206, %dma_wait3A_207, %dma_wait3A_208] : memref<2x16x128xi32, #tpu.memory_space<vmem>> -> memref<1x1x128xi32, #tpu.memory_space<vmem>>
    %dma_wait3A_210 = tpu.memref_squeeze %dma_wait3A_209 : memref<1x1x128xi32, #tpu.memory_space<vmem>> -> memref<128xi32, #tpu.memory_space<vmem>>
    %dma_wait3A_211 = arith.constant 0 : i32
    %dma_wait3A_212 = tpu.memref_slice %arg4[%dma_wait3A_211] : memref<100352xf32, #tpu.memory_space<vmem_shared>> -> memref<100352xf32, #tpu.memory_space<vmem_shared>>
    tpu.wait_indirect_dma semaphore(%arg8 : memref<!tpu.dma_semaphore, #tpu.memory_space<semaphore_mem>>) src(%arg6 : memref<128xf32, #tpu.memory_space<vmem>>) dst(%dma_wait3A_212 : memref<100352xf32, #tpu.memory_space<vmem_shared>>)
    %dma_wait3A_213 = arith.constant 0 : i32
    %dma_wait3A_214 = arith.constant 5 : i32
    %dma_wait3A_215 = arith.constant 0 : i32
    %dma_wait3A_216 = tpu.memref_slice %arg5[%dma_wait3A_213, %dma_wait3A_214, %dma_wait3A_215] : memref<2x16x128xi32, #tpu.memory_space<vmem>> -> memref<1x1x128xi32, #tpu.memory_space<vmem>>
    %dma_wait3A_217 = tpu.memref_squeeze %dma_wait3A_216 : memref<1x1x128xi32, #tpu.memory_space<vmem>> -> memref<128xi32, #tpu.memory_space<vmem>>
    %dma_wait3A_218 = arith.constant 0 : i32
    %dma_wait3A_219 = tpu.memref_slice %arg4[%dma_wait3A_218] : memref<100352xf32, #tpu.memory_space<vmem_shared>> -> memref<100352xf32, #tpu.memory_space<vmem_shared>>
    tpu.wait_indirect_dma semaphore(%arg8 : memref<!tpu.dma_semaphore, #tpu.memory_space<semaphore_mem>>) src(%arg6 : memref<128xf32, #tpu.memory_space<vmem>>) dst(%dma_wait3A_219 : memref<100352xf32, #tpu.memory_space<vmem_shared>>)
    %dma_wait3A_220 = arith.constant 0 : i32
    %dma_wait3A_221 = arith.constant 6 : i32
    %dma_wait3A_222 = arith.constant 0 : i32
    %dma_wait3A_223 = tpu.memref_slice %arg5[%dma_wait3A_220, %dma_wait3A_221, %dma_wait3A_222] : memref<2x16x128xi32, #tpu.memory_space<vmem>> -> memref<1x1x128xi32, #tpu.memory_space<vmem>>
    %dma_wait3A_224 = tpu.memref_squeeze %dma_wait3A_223 : memref<1x1x128xi32, #tpu.memory_space<vmem>> -> memref<128xi32, #tpu.memory_space<vmem>>
    %dma_wait3A_225 = arith.constant 0 : i32
    %dma_wait3A_226 = tpu.memref_slice %arg4[%dma_wait3A_225] : memref<100352xf32, #tpu.memory_space<vmem_shared>> -> memref<100352xf32, #tpu.memory_space<vmem_shared>>
    tpu.wait_indirect_dma semaphore(%arg8 : memref<!tpu.dma_semaphore, #tpu.memory_space<semaphore_mem>>) src(%arg6 : memref<128xf32, #tpu.memory_space<vmem>>) dst(%dma_wait3A_226 : memref<100352xf32, #tpu.memory_space<vmem_shared>>)
    %dma_wait3A_227 = arith.constant 0 : i32
    %dma_wait3A_228 = arith.constant 7 : i32
    %dma_wait3A_229 = arith.constant 0 : i32
    %dma_wait3A_230 = tpu.memref_slice %arg5[%dma_wait3A_227, %dma_wait3A_228, %dma_wait3A_229] : memref<2x16x128xi32, #tpu.memory_space<vmem>> -> memref<1x1x128xi32, #tpu.memory_space<vmem>>
    %dma_wait3A_231 = tpu.memref_squeeze %dma_wait3A_230 : memref<1x1x128xi32, #tpu.memory_space<vmem>> -> memref<128xi32, #tpu.memory_space<vmem>>
    %dma_wait3A_232 = arith.constant 0 : i32
    %dma_wait3A_233 = tpu.memref_slice %arg4[%dma_wait3A_232] : memref<100352xf32, #tpu.memory_space<vmem_shared>> -> memref<100352xf32, #tpu.memory_space<vmem_shared>>
    tpu.wait_indirect_dma semaphore(%arg8 : memref<!tpu.dma_semaphore, #tpu.memory_space<semaphore_mem>>) src(%arg6 : memref<128xf32, #tpu.memory_space<vmem>>) dst(%dma_wait3A_233 : memref<100352xf32, #tpu.memory_space<vmem_shared>>)
    %dma_wait3A_234 = arith.constant 0 : i32
    %dma_wait3A_235 = arith.constant 8 : i32
    %dma_wait3A_236 = arith.constant 0 : i32
    %dma_wait3A_237 = tpu.memref_slice %arg5[%dma_wait3A_234, %dma_wait3A_235, %dma_wait3A_236] : memref<2x16x128xi32, #tpu.memory_space<vmem>> -> memref<1x1x128xi32, #tpu.memory_space<vmem>>
    %dma_wait3A_238 = tpu.memref_squeeze %dma_wait3A_237 : memref<1x1x128xi32, #tpu.memory_space<vmem>> -> memref<128xi32, #tpu.memory_space<vmem>>
    %dma_wait3A_239 = arith.constant 0 : i32
    %dma_wait3A_240 = tpu.memref_slice %arg4[%dma_wait3A_239] : memref<100352xf32, #tpu.memory_space<vmem_shared>> -> memref<100352xf32, #tpu.memory_space<vmem_shared>>
    tpu.wait_indirect_dma semaphore(%arg8 : memref<!tpu.dma_semaphore, #tpu.memory_space<semaphore_mem>>) src(%arg6 : memref<128xf32, #tpu.memory_space<vmem>>) dst(%dma_wait3A_240 : memref<100352xf32, #tpu.memory_space<vmem_shared>>)
    %dma_wait3A_241 = arith.constant 0 : i32
    %dma_wait3A_242 = arith.constant 9 : i32
    %dma_wait3A_243 = arith.constant 0 : i32
    %dma_wait3A_244 = tpu.memref_slice %arg5[%dma_wait3A_241, %dma_wait3A_242, %dma_wait3A_243] : memref<2x16x128xi32, #tpu.memory_space<vmem>> -> memref<1x1x128xi32, #tpu.memory_space<vmem>>
    %dma_wait3A_245 = tpu.memref_squeeze %dma_wait3A_244 : memref<1x1x128xi32, #tpu.memory_space<vmem>> -> memref<128xi32, #tpu.memory_space<vmem>>
    %dma_wait3A_246 = arith.constant 0 : i32
    %dma_wait3A_247 = tpu.memref_slice %arg4[%dma_wait3A_246] : memref<100352xf32, #tpu.memory_space<vmem_shared>> -> memref<100352xf32, #tpu.memory_space<vmem_shared>>
    tpu.wait_indirect_dma semaphore(%arg8 : memref<!tpu.dma_semaphore, #tpu.memory_space<semaphore_mem>>) src(%arg6 : memref<128xf32, #tpu.memory_space<vmem>>) dst(%dma_wait3A_247 : memref<100352xf32, #tpu.memory_space<vmem_shared>>)
    %dma_wait3A_248 = arith.constant 0 : i32
    %dma_wait3A_249 = arith.constant 10 : i32
    %dma_wait3A_250 = arith.constant 0 : i32
    %dma_wait3A_251 = tpu.memref_slice %arg5[%dma_wait3A_248, %dma_wait3A_249, %dma_wait3A_250] : memref<2x16x128xi32, #tpu.memory_space<vmem>> -> memref<1x1x128xi32, #tpu.memory_space<vmem>>
    %dma_wait3A_252 = tpu.memref_squeeze %dma_wait3A_251 : memref<1x1x128xi32, #tpu.memory_space<vmem>> -> memref<128xi32, #tpu.memory_space<vmem>>
    %dma_wait3A_253 = arith.constant 0 : i32
    %dma_wait3A_254 = tpu.memref_slice %arg4[%dma_wait3A_253] : memref<100352xf32, #tpu.memory_space<vmem_shared>> -> memref<100352xf32, #tpu.memory_space<vmem_shared>>
    tpu.wait_indirect_dma semaphore(%arg8 : memref<!tpu.dma_semaphore, #tpu.memory_space<semaphore_mem>>) src(%arg6 : memref<128xf32, #tpu.memory_space<vmem>>) dst(%dma_wait3A_254 : memref<100352xf32, #tpu.memory_space<vmem_shared>>)
    %dma_wait3A_255 = arith.constant 0 : i32
    %dma_wait3A_256 = arith.constant 11 : i32
    %dma_wait3A_257 = arith.constant 0 : i32
    %dma_wait3A_258 = tpu.memref_slice %arg5[%dma_wait3A_255, %dma_wait3A_256, %dma_wait3A_257] : memref<2x16x128xi32, #tpu.memory_space<vmem>> -> memref<1x1x128xi32, #tpu.memory_space<vmem>>
    %dma_wait3A_259 = tpu.memref_squeeze %dma_wait3A_258 : memref<1x1x128xi32, #tpu.memory_space<vmem>> -> memref<128xi32, #tpu.memory_space<vmem>>
    %dma_wait3A_260 = arith.constant 0 : i32
    %dma_wait3A_261 = tpu.memref_slice %arg4[%dma_wait3A_260] : memref<100352xf32, #tpu.memory_space<vmem_shared>> -> memref<100352xf32, #tpu.memory_space<vmem_shared>>
    tpu.wait_indirect_dma semaphore(%arg8 : memref<!tpu.dma_semaphore, #tpu.memory_space<semaphore_mem>>) src(%arg6 : memref<128xf32, #tpu.memory_space<vmem>>) dst(%dma_wait3A_261 : memref<100352xf32, #tpu.memory_space<vmem_shared>>)
    %dma_wait3A_262 = arith.constant 0 : i32
    %dma_wait3A_263 = arith.constant 12 : i32
    %dma_wait3A_264 = arith.constant 0 : i32
    %dma_wait3A_265 = tpu.memref_slice %arg5[%dma_wait3A_262, %dma_wait3A_263, %dma_wait3A_264] : memref<2x16x128xi32, #tpu.memory_space<vmem>> -> memref<1x1x128xi32, #tpu.memory_space<vmem>>
    %dma_wait3A_266 = tpu.memref_squeeze %dma_wait3A_265 : memref<1x1x128xi32, #tpu.memory_space<vmem>> -> memref<128xi32, #tpu.memory_space<vmem>>
    %dma_wait3A_267 = arith.constant 0 : i32
    %dma_wait3A_268 = tpu.memref_slice %arg4[%dma_wait3A_267] : memref<100352xf32, #tpu.memory_space<vmem_shared>> -> memref<100352xf32, #tpu.memory_space<vmem_shared>>
    tpu.wait_indirect_dma semaphore(%arg8 : memref<!tpu.dma_semaphore, #tpu.memory_space<semaphore_mem>>) src(%arg6 : memref<128xf32, #tpu.memory_space<vmem>>) dst(%dma_wait3A_268 : memref<100352xf32, #tpu.memory_space<vmem_shared>>)
    %dma_wait3A_269 = arith.constant 0 : i32
    %dma_wait3A_270 = arith.constant 13 : i32
    %dma_wait3A_271 = arith.constant 0 : i32
    %dma_wait3A_272 = tpu.memref_slice %arg5[%dma_wait3A_269, %dma_wait3A_270, %dma_wait3A_271] : memref<2x16x128xi32, #tpu.memory_space<vmem>> -> memref<1x1x128xi32, #tpu.memory_space<vmem>>
    %dma_wait3A_273 = tpu.memref_squeeze %dma_wait3A_272 : memref<1x1x128xi32, #tpu.memory_space<vmem>> -> memref<128xi32, #tpu.memory_space<vmem>>
    %dma_wait3A_274 = arith.constant 0 : i32
    %dma_wait3A_275 = tpu.memref_slice %arg4[%dma_wait3A_274] : memref<100352xf32, #tpu.memory_space<vmem_shared>> -> memref<100352xf32, #tpu.memory_space<vmem_shared>>
    tpu.wait_indirect_dma semaphore(%arg8 : memref<!tpu.dma_semaphore, #tpu.memory_space<semaphore_mem>>) src(%arg6 : memref<128xf32, #tpu.memory_space<vmem>>) dst(%dma_wait3A_275 : memref<100352xf32, #tpu.memory_space<vmem_shared>>)
    %dma_wait3A_276 = arith.constant 0 : i32
    %dma_wait3A_277 = arith.constant 14 : i32
    %dma_wait3A_278 = arith.constant 0 : i32
    %dma_wait3A_279 = tpu.memref_slice %arg5[%dma_wait3A_276, %dma_wait3A_277, %dma_wait3A_278] : memref<2x16x128xi32, #tpu.memory_space<vmem>> -> memref<1x1x128xi32, #tpu.memory_space<vmem>>
    %dma_wait3A_280 = tpu.memref_squeeze %dma_wait3A_279 : memref<1x1x128xi32, #tpu.memory_space<vmem>> -> memref<128xi32, #tpu.memory_space<vmem>>
    %dma_wait3A_281 = arith.constant 0 : i32
    %dma_wait3A_282 = tpu.memref_slice %arg4[%dma_wait3A_281] : memref<100352xf32, #tpu.memory_space<vmem_shared>> -> memref<100352xf32, #tpu.memory_space<vmem_shared>>
    tpu.wait_indirect_dma semaphore(%arg8 : memref<!tpu.dma_semaphore, #tpu.memory_space<semaphore_mem>>) src(%arg6 : memref<128xf32, #tpu.memory_space<vmem>>) dst(%dma_wait3A_282 : memref<100352xf32, #tpu.memory_space<vmem_shared>>)
    %dma_wait3A_283 = arith.constant 0 : i32
    %dma_wait3A_284 = arith.constant 15 : i32
    %dma_wait3A_285 = arith.constant 0 : i32
    %dma_wait3A_286 = tpu.memref_slice %arg5[%dma_wait3A_283, %dma_wait3A_284, %dma_wait3A_285] : memref<2x16x128xi32, #tpu.memory_space<vmem>> -> memref<1x1x128xi32, #tpu.memory_space<vmem>>
    %dma_wait3A_287 = tpu.memref_squeeze %dma_wait3A_286 : memref<1x1x128xi32, #tpu.memory_space<vmem>> -> memref<128xi32, #tpu.memory_space<vmem>>
    %dma_wait3A_288 = arith.constant 0 : i32
    %dma_wait3A_289 = tpu.memref_slice %arg4[%dma_wait3A_288] : memref<100352xf32, #tpu.memory_space<vmem_shared>> -> memref<100352xf32, #tpu.memory_space<vmem_shared>>
    tpu.wait_indirect_dma semaphore(%arg8 : memref<!tpu.dma_semaphore, #tpu.memory_space<semaphore_mem>>) src(%arg6 : memref<128xf32, #tpu.memory_space<vmem>>) dst(%dma_wait3A_289 : memref<100352xf32, #tpu.memory_space<vmem_shared>>)
    %barrier3A_290 = arith.constant 0 : index
    tpu.barrier barrier_id(%barrier3A_290)
    %scan3A_291 = arith.constant 0 : i32
    %scan3A_292 = arith.constant 14 : i32
    %scan3A_293 = arith.addi %scan3A_291, %scan3A_292 : i32
    %scan3A_294 = arith.constant 1 : i32
    scf.for %scan3A_296 = %scan3A_291 to %scan3A_293 step %scan3A_294  : i32 {
      %mul3A_297 = arith.constant 1 : i32
      %mul3A_298 = arith.muli %scan3A_296, %mul3A_297 : i32
      %add3A_299 = arith.constant 0 : i32
      %add3A_300 = arith.addi %add3A_299, %mul3A_298 : i32
      %mul3A_301 = arith.constant 448 : i32
      %mul3A_302 = arith.muli %add3A_300, %mul3A_301 : i32
      %add3A_303 = arith.addi %mul3A_2, %mul3A_302 : i32
      "tpu.region"() ({
        %run_scoped3A_310 = tpu.sem_alloc : memref<!tpu.dma_semaphore, #tpu.memory_space<semaphore_mem>>
        %dma_start3A_311 = tpu.memref_slice %arg4[%add3A_303] : memref<100352xf32, #tpu.memory_space<vmem_shared>> -> memref<448xf32, #tpu.memory_space<vmem_shared>>
        %dma_start3A_312 = tpu.memref_slice %arg4[%add3A_303] : memref<100352xf32, #tpu.memory_space<vmem_shared>> -> memref<448xf32, #tpu.memory_space<vmem_shared>>
        tpu.enqueue_dma source(%dma_start3A_312 : memref<448xf32, #tpu.memory_space<vmem_shared>>) target(%arg7 : memref<448xf32, #tpu.memory_space<vmem>>) target_semaphore(%run_scoped3A_310 : memref<!tpu.dma_semaphore, #tpu.memory_space<semaphore_mem>>)
        %dma_wait3A_313 = tpu.memref_slice %arg4[%add3A_303] : memref<100352xf32, #tpu.memory_space<vmem_shared>> -> memref<448xf32, #tpu.memory_space<vmem_shared>>
        %dma_wait3A_314 = tpu.memref_slice %arg4[%add3A_303] : memref<100352xf32, #tpu.memory_space<vmem_shared>> -> memref<448xf32, #tpu.memory_space<vmem_shared>>
        tpu.wait_dma2 semaphore(%run_scoped3A_310 : memref<!tpu.dma_semaphore, #tpu.memory_space<semaphore_mem>>) src(%dma_wait3A_314 : memref<448xf32, #tpu.memory_space<vmem_shared>>) dst(%arg7 : memref<448xf32, #tpu.memory_space<vmem>>)
        tpu.yield
      }) : () -> ()
      %mul3A_304 = arith.constant 100352 : i32
      %mul3A_305 = arith.muli %arg0, %mul3A_304 : i32
      %add3A_306 = arith.addi %mul3A_305, %mul3A_2 : i32
      %mul3A_307 = arith.constant 448 : i32
      %mul3A_308 = arith.muli %add3A_300, %mul3A_307 : i32
      %add3A_309 = arith.addi %add3A_306, %mul3A_308 : i32
      "tpu.region"() ({
        %run_scoped3A_310 = tpu.sem_alloc : memref<!tpu.dma_semaphore, #tpu.memory_space<semaphore_mem>>
        %dma_start3A_311 = tpu.memref_slice %arg3[%add3A_309] : memref<200704xf32, #tpu.memory_space<hbm>> -> memref<448xf32, #tpu.memory_space<hbm>>
        %dma_start3A_312 = tpu.memref_slice %arg3[%add3A_309] : memref<200704xf32, #tpu.memory_space<hbm>> -> memref<448xf32, #tpu.memory_space<hbm>>
        tpu.enqueue_dma source(%arg7 : memref<448xf32, #tpu.memory_space<vmem>>) target(%dma_start3A_312 : memref<448xf32, #tpu.memory_space<hbm>>) target_semaphore(%run_scoped3A_310 : memref<!tpu.dma_semaphore, #tpu.memory_space<semaphore_mem>>)
        %dma_wait3A_313 = tpu.memref_slice %arg3[%add3A_309] : memref<200704xf32, #tpu.memory_space<hbm>> -> memref<448xf32, #tpu.memory_space<hbm>>
        %dma_wait3A_314 = tpu.memref_slice %arg3[%add3A_309] : memref<200704xf32, #tpu.memory_space<hbm>> -> memref<448xf32, #tpu.memory_space<hbm>>
        tpu.wait_dma2 semaphore(%run_scoped3A_310 : memref<!tpu.dma_semaphore, #tpu.memory_space<semaphore_mem>>) src(%arg7 : memref<448xf32, #tpu.memory_space<vmem>>) dst(%dma_wait3A_314 : memref<448xf32, #tpu.memory_space<hbm>>)
        tpu.yield
      }) : () -> ()
    }
    %scan3A_295 = arith.constant 14 : i32
    return
  }
}

module attributes {stable_mosaic.version = 14 : i64} {
  func.func @body(%arg0: i32, %arg1: memref<7168xf32, #tpu.memory_space<vmem>>, %arg2: memref<7168xf32, #tpu.memory_space<vmem>>, %arg3: memref<7168x8xf32, #tpu.memory_space<vmem>>, %arg4: memref<7168xf32, #tpu.memory_space<vmem>>, %arg5: memref<7168x8xf32, #tpu.memory_space<vmem>>) attributes {dimension_semantics = [#tpu.dimension_semantics<arbitrary>], iteration_bounds = array<i64: 14>, scalar_prefetch = 0 : i64, scratch_operands = 0 : i64, tpu.core_type = #tpu.core_type<tc>, window_params = [{transform_indices = @transform_0, window_bounds = array<i64: 7168>}, {transform_indices = @transform_1, window_bounds = array<i64: 7168>}, {transform_indices = @transform_2, window_bounds = array<i64: 7168, 8>}, {transform_indices = @transform_3, window_bounds = array<i64: 7168>}, {transform_indices = @transform_4, window_bounds = array<i64: 7168, 8>}]} {
    %get3A = arith.constant 0 : index
    %get3A_0 = vector.load %arg1[%get3A] : memref<7168xf32, #tpu.memory_space<vmem>>, vector<7168xf32>
    %get3A_1 = arith.constant 0 : index
    %get3A_2 = vector.load %arg2[%get3A_1] : memref<7168xf32, #tpu.memory_space<vmem>>, vector<7168xf32>
    %add3A = arith.addf %get3A_0, %get3A_2 : vector<7168xf32>
    %add3A_3 = arith.constant 1.000000e+00 : f32
    %add3A_4 = vector.broadcast %add3A_3 : f32 to vector<7168xf32>
    %add3A_5 = arith.addf %add3A, %add3A_4 : vector<7168xf32>
    %rsqrt3A = math.rsqrt %add3A_5 : vector<7168xf32>
    %iota3A = tpu.iota {dimensions = array<i32: 1>} : vector<1x7168xi32>
    %iota3A_6 = vector.shape_cast %iota3A : vector<1x7168xi32> to vector<7168xi32>
    %mul3A = arith.constant 7168 : i32
    %mul3A_7 = arith.muli %arg0, %mul3A : i32
    %add3A_8 = vector.broadcast %mul3A_7 : i32 to vector<7168xi32>
    %add3A_9 = arith.addi %iota3A_6, %add3A_8 : vector<7168xi32>
    %lt3A = arith.constant 100000 : i32
    %lt3A_10 = vector.broadcast %lt3A : i32 to vector<7168xi32>
    %lt3A_11 = arith.cmpi slt, %add3A_9, %lt3A_10 : vector<7168xi32>
    %jit3A = arith.constant 0.000000e+00 : f32
    %broadcast_in_dim3A = vector.broadcast %jit3A : f32 to vector<7168xf32>
    %select_n3A = arith.select %lt3A_11, %rsqrt3A, %broadcast_in_dim3A : vector<7168xi1>, vector<7168xf32>
    %swap3A = arith.constant 0 : index
    %swap3A_12 = vector.load %arg4[%swap3A] : memref<7168xf32, #tpu.memory_space<vmem>>, vector<7168xf32>
    tpu.vector_store %arg4[%swap3A], %select_n3A {strides = array<i32>} : memref<7168xf32, #tpu.memory_space<vmem>>, vector<7168xf32>,
    %reshape3A = vector.shape_cast %select_n3A : vector<7168xf32> to vector<7168x1xf32>
    %get3A_13 = arith.constant 0 : index
    %get3A_14 = arith.constant 0 : index
    %get3A_15 = vector.load %arg3[%get3A_13, %get3A_14] : memref<7168x8xf32, #tpu.memory_space<vmem>>, vector<7168x8xf32>
    %mul3A_16 = vector.broadcast %reshape3A : vector<7168x1xf32> to vector<7168x8xf32>
    %mul3A_17 = arith.mulf %mul3A_16, %get3A_15 : vector<7168x8xf32>
    %swap3A_18 = arith.constant 0 : index
    %swap3A_19 = arith.constant 0 : index
    %swap3A_20 = vector.load %arg5[%swap3A_18, %swap3A_19] : memref<7168x8xf32, #tpu.memory_space<vmem>>, vector<7168x8xf32>
    tpu.vector_store %arg5[%swap3A_18, %swap3A_19], %mul3A_17 {strides = array<i32>} : memref<7168x8xf32, #tpu.memory_space<vmem>>, vector<7168x8xf32>,
    return
  }
  func.func @transform_0(%arg0: i32) -> i32 {
    %c0_i32 = arith.constant 0 : i32
    return %arg0 : i32
  }
  func.func @transform_1(%arg0: i32) -> i32 {
    %add3A = arith.constant 14 : i32
    %add3A_0 = arith.addi %arg0, %add3A : i32
    %c0_i32 = arith.constant 0 : i32
    return %add3A_0 : i32
  }
  func.func @transform_2(%arg0: i32) -> (i32, i32) {
    %c0_i32 = arith.constant 0 : i32
    %c0_i32_0 = arith.constant 0 : i32
    return %arg0, %c0_i32 : i32, i32
  }
  func.func @transform_3(%arg0: i32) -> i32 {
    %c0_i32 = arith.constant 0 : i32
    return %arg0 : i32
  }
  func.func @transform_4(%arg0: i32) -> (i32, i32) {
    %c0_i32 = arith.constant 0 : i32
    %c0_i32_0 = arith.constant 0 : i32
    return %arg0, %c0_i32 : i32, i32
  }
}

module attributes {stable_mosaic.version = 14 : i64} {
  func.func @body(%arg0: i32, %arg1: memref<7168x8xf32, #tpu.memory_space<vmem>>, %arg2: memref<7168x8xf32, #tpu.memory_space<vmem>>, %arg3: memref<7168x8xf32, #tpu.memory_space<vmem>>, %arg4: memref<7168xf32, #tpu.memory_space<vmem>>, %arg5: memref<7168xf32, #tpu.memory_space<vmem>>, %arg6: memref<7168xf32, #tpu.memory_space<vmem>>, %arg7: memref<8x64xf32, #tpu.memory_space<vmem>>, %arg8: memref<1x64xf32, #tpu.memory_space<vmem>>, %arg9: memref<64x64xf32, #tpu.memory_space<vmem>>, %arg10: memref<1x64xf32, #tpu.memory_space<vmem>>, %arg11: memref<1x8xf32, #tpu.memory_space<vmem>>, %arg12: memref<8x64xf32, #tpu.memory_space<vmem>>, %arg13: memref<1x64xf32, #tpu.memory_space<vmem>>, %arg14: memref<64x2xf32, #tpu.memory_space<vmem>>, %arg15: memref<64x2xf32, #tpu.memory_space<vmem>>, %arg16: memref<1x2xf32, #tpu.memory_space<vmem>>, %arg17: memref<1x2xf32, #tpu.memory_space<vmem>>, %arg18: memref<1x64xf32, #tpu.memory_space<vmem>>) attributes {dimension_semantics = [#tpu.dimension_semantics<arbitrary>], iteration_bounds = array<i64: 14>, scalar_prefetch = 0 : i64, scratch_operands = 1 : i64, tpu.core_type = #tpu.core_type<tc>, window_params = [{transform_indices = @transform_0, window_bounds = array<i64: 7168, 8>}, {transform_indices = @transform_1, window_bounds = array<i64: 7168, 8>}, {transform_indices = @transform_2, window_bounds = array<i64: 7168, 8>}, {transform_indices = @transform_3, window_bounds = array<i64: 7168>}, {transform_indices = @transform_4, window_bounds = array<i64: 7168>}, {transform_indices = @transform_5, window_bounds = array<i64: 7168>}, {pipeline_mode = #tpu.pipeline_mode<synchronous>, transform_indices = @transform_6, window_bounds = array<i64: 8, 64>}, {pipeline_mode = #tpu.pipeline_mode<synchronous>, transform_indices = @transform_7, window_bounds = array<i64: 1, 64>}, {pipeline_mode = #tpu.pipeline_mode<synchronous>, transform_indices = @transform_8, window_bounds = array<i64: 64, 64>}, {pipeline_mode = #tpu.pipeline_mode<synchronous>, transform_indices = @transform_9, window_bounds = array<i64: 1, 64>}, {pipeline_mode = #tpu.pipeline_mode<synchronous>, transform_indices = @transform_10, window_bounds = array<i64: 1, 8>}, {pipeline_mode = #tpu.pipeline_mode<synchronous>, transform_indices = @transform_11, window_bounds = array<i64: 8, 64>}, {pipeline_mode = #tpu.pipeline_mode<synchronous>, transform_indices = @transform_12, window_bounds = array<i64: 1, 64>}, {pipeline_mode = #tpu.pipeline_mode<synchronous>, transform_indices = @transform_13, window_bounds = array<i64: 64, 2>}, {pipeline_mode = #tpu.pipeline_mode<synchronous>, transform_indices = @transform_14, window_bounds = array<i64: 64, 2>}, {pipeline_mode = #tpu.pipeline_mode<synchronous>, transform_indices = @transform_15, window_bounds = array<i64: 1, 2>}, {pipeline_mode = #tpu.pipeline_mode<synchronous>, transform_indices = @transform_16, window_bounds = array<i64: 1, 2>}]} {
    %eq3A = arith.constant 0 : i32
    %eq3A_0 = arith.cmpi eq, %arg0, %eq3A : i32
    %convert_element_type3A = arith.extui %eq3A_0 : i1 to i32
    %cond3A = arith.constant 0 : i32
    %cond3A_1 = arith.cmpi ne, %convert_element_type3A, %cond3A : i32
    scf.if %cond3A_1 {
      %broadcast_in_dim3A = arith.constant 0.000000e+00 : f32
      %broadcast_in_dim3A_51 = vector.broadcast %broadcast_in_dim3A : f32 to vector<1x64xf32>
      %swap3A_52 = arith.constant 0 : index
      %swap3A_53 = arith.constant 0 : index
      %swap3A_54 = vector.load %arg18[%swap3A_52, %swap3A_53] : memref<1x64xf32, #tpu.memory_space<vmem>>, vector<1x64xf32>
      tpu.vector_store %arg18[%swap3A_52, %swap3A_53], %broadcast_in_dim3A_51 {strides = array<i32>} : memref<1x64xf32, #tpu.memory_space<vmem>>, vector<1x64xf32>,
    } else {
    }
    %get3A = arith.constant 0 : index
    %get3A_2 = vector.load %arg4[%get3A] : memref<7168xf32, #tpu.memory_space<vmem>>, vector<7168xf32>
    %reshape3A = vector.shape_cast %get3A_2 : vector<7168xf32> to vector<7168x1xf32>
    %get3A_3 = arith.constant 0 : index
    %get3A_4 = arith.constant 0 : index
    %get3A_5 = vector.load %arg1[%get3A_3, %get3A_4] : memref<7168x8xf32, #tpu.memory_space<vmem>>, vector<7168x8xf32>
    %get3A_6 = arith.constant 0 : index
    %get3A_7 = arith.constant 0 : index
    %get3A_8 = vector.load %arg2[%get3A_6, %get3A_7] : memref<7168x8xf32, #tpu.memory_space<vmem>>, vector<7168x8xf32>
    %add3A = arith.addf %get3A_5, %get3A_8 : vector<7168x8xf32>
    %get3A_9 = arith.constant 0 : index
    %get3A_10 = arith.constant 0 : index
    %get3A_11 = vector.load %arg3[%get3A_9, %get3A_10] : memref<7168x8xf32, #tpu.memory_space<vmem>>, vector<7168x8xf32>
    %mul3A = vector.broadcast %reshape3A : vector<7168x1xf32> to vector<7168x8xf32>
    %mul3A_12 = arith.mulf %mul3A, %get3A_11 : vector<7168x8xf32>
    %add3A_13 = arith.addf %add3A, %mul3A_12 : vector<7168x8xf32>
    %mul3A_14 = vector.broadcast %reshape3A : vector<7168x1xf32> to vector<7168x8xf32>
    %mul3A_15 = arith.mulf %mul3A_14, %add3A_13 : vector<7168x8xf32>
    %get3A_16 = arith.constant 0 : index
    %get3A_17 = arith.constant 0 : index
    %get3A_18 = vector.load %arg7[%get3A_16, %get3A_17] : memref<8x64xf32, #tpu.memory_space<vmem>>, vector<8x64xf32>
    %dot_general3A = arith.constant dense<0.000000e+00> : vector<7168x64xf32>
    %dot_general3A_19 = tpu.matmul %mul3A_15, %get3A_18, %dot_general3A {dimension_numbers = #tpu.dot_dimension_numbers<[1], [0], [0], [1], [0, 0, 1, 1], [], []>, transpose_lhs_hint = false} : vector<7168x8xf32>, vector<8x64xf32>, vector<7168x64xf32> -> vector<7168x64xf32>
    %get3A_20 = arith.constant 0 : index
    %get3A_21 = arith.constant 0 : index
    %get3A_22 = vector.load %arg8[%get3A_20, %get3A_21] : memref<1x64xf32, #tpu.memory_space<vmem>>, vector<1x64xf32>
    %add3A_23 = vector.broadcast %get3A_22 : vector<1x64xf32> to vector<7168x64xf32>
    %add3A_24 = arith.addf %dot_general3A_19, %add3A_23 : vector<7168x64xf32>
    %max3A = arith.constant 0.000000e+00 : f32
    %max3A_25 = vector.broadcast %max3A : f32 to vector<7168x64xf32>
    %max3A_26 = arith.maximumf %add3A_24, %max3A_25 : vector<7168x64xf32>
    %get3A_27 = arith.constant 0 : index
    %get3A_28 = vector.load %arg5[%get3A_27] : memref<7168xf32, #tpu.memory_space<vmem>>, vector<7168xf32>
    %get3A_29 = arith.constant 0 : index
    %get3A_30 = vector.load %arg6[%get3A_29] : memref<7168xf32, #tpu.memory_space<vmem>>, vector<7168xf32>
    %add3A_31 = arith.addf %get3A_28, %get3A_30 : vector<7168xf32>
    %add3A_32 = arith.addf %add3A_31, %get3A_2 : vector<7168xf32>
    %mul3A_33 = arith.mulf %get3A_2, %add3A_32 : vector<7168xf32>
    %mul3A_34 = arith.constant 9.99999974E-6 : f32
    %mul3A_35 = vector.broadcast %mul3A_34 : f32 to vector<7168xf32>
    %mul3A_36 = arith.mulf %mul3A_33, %mul3A_35 : vector<7168xf32>
    %get3A_37 = arith.constant 0 : index
    %get3A_38 = arith.constant 0 : index
    %get3A_39 = vector.load %arg18[%get3A_37, %get3A_38] : memref<1x64xf32, #tpu.memory_space<vmem>>, vector<1x64xf32>
    %reshape3A_40 = vector.shape_cast %mul3A_36 : vector<7168xf32> to vector<1x7168xf32>
    %dot_general3A_41 = arith.constant dense<0.000000e+00> : vector<1x64xf32>
    %dot_general3A_42 = tpu.matmul %reshape3A_40, %max3A_26, %dot_general3A_41 {dimension_numbers = #tpu.dot_dimension_numbers<[1], [0], [0], [1], [0, 0, 1, 1], [], []>, transpose_lhs_hint = false} : vector<1x7168xf32>, vector<7168x64xf32>, vector<1x64xf32> -> vector<1x64xf32>
    %add3A_43 = arith.addf %get3A_39, %dot_general3A_42 : vector<1x64xf32>
    %swap3A = arith.constant 0 : index
    %swap3A_44 = arith.constant 0 : index
    %swap3A_45 = vector.load %arg18[%swap3A, %swap3A_44] : memref<1x64xf32, #tpu.memory_space<vmem>>, vector<1x64xf32>
    tpu.vector_store %arg18[%swap3A, %swap3A_44], %add3A_43 {strides = array<i32>} : memref<1x64xf32, #tpu.memory_space<vmem>>, vector<1x64xf32>,
    %eq3A_46 = arith.constant 13 : i32
    %eq3A_47 = arith.cmpi eq, %arg0, %eq3A_46 : i32
    %convert_element_type3A_48 = arith.extui %eq3A_47 : i1 to i32
    %cond3A_49 = arith.constant 0 : i32
    %cond3A_50 = arith.cmpi ne, %convert_element_type3A_48, %cond3A_49 : i32
    scf.if %cond3A_50 {
      %get3A_51 = arith.constant 0 : index
      %get3A_52 = arith.constant 0 : index
      %get3A_53 = vector.load %arg18[%get3A_51, %get3A_52] : memref<1x64xf32, #tpu.memory_space<vmem>>, vector<1x64xf32>
      %get3A_54 = arith.constant 0 : index
      %get3A_55 = arith.constant 0 : index
      %get3A_56 = vector.load %arg9[%get3A_54, %get3A_55] : memref<64x64xf32, #tpu.memory_space<vmem>>, vector<64x64xf32>
      %dot_general3A_57 = arith.constant dense<0.000000e+00> : vector<1x64xf32>
      %dot_general3A_58 = tpu.matmul %get3A_53, %get3A_56, %dot_general3A_57 {dimension_numbers = #tpu.dot_dimension_numbers<[1], [0], [0], [1], [0, 0, 1, 1], [], []>, transpose_lhs_hint = false} : vector<1x64xf32>, vector<64x64xf32>, vector<1x64xf32> -> vector<1x64xf32>
      %get3A_59 = arith.constant 0 : index
      %get3A_60 = arith.constant 0 : index
      %get3A_61 = vector.load %arg10[%get3A_59, %get3A_60] : memref<1x64xf32, #tpu.memory_space<vmem>>, vector<1x64xf32>
      %add3A_62 = arith.addf %dot_general3A_58, %get3A_61 : vector<1x64xf32>
      %get3A_63 = arith.constant 0 : index
      %get3A_64 = arith.constant 0 : index
      %get3A_65 = vector.load %arg11[%get3A_63, %get3A_64] : memref<1x8xf32, #tpu.memory_space<vmem>>, vector<1x8xf32>
      %get3A_66 = arith.constant 0 : index
      %get3A_67 = arith.constant 0 : index
      %get3A_68 = vector.load %arg12[%get3A_66, %get3A_67] : memref<8x64xf32, #tpu.memory_space<vmem>>, vector<8x64xf32>
      %dot_general3A_69 = arith.constant dense<0.000000e+00> : vector<1x64xf32>
      %dot_general3A_70 = tpu.matmul %get3A_65, %get3A_68, %dot_general3A_69 {dimension_numbers = #tpu.dot_dimension_numbers<[1], [0], [0], [1], [0, 0, 1, 1], [], []>, transpose_lhs_hint = false} : vector<1x8xf32>, vector<8x64xf32>, vector<1x64xf32> -> vector<1x64xf32>
      %get3A_71 = arith.constant 0 : index
      %get3A_72 = arith.constant 0 : index
      %get3A_73 = vector.load %arg13[%get3A_71, %get3A_72] : memref<1x64xf32, #tpu.memory_space<vmem>>, vector<1x64xf32>
      %add3A_74 = arith.addf %dot_general3A_70, %get3A_73 : vector<1x64xf32>
      %max3A_75 = arith.constant 0.000000e+00 : f32
      %max3A_76 = vector.broadcast %max3A_75 : f32 to vector<1x64xf32>
      %max3A_77 = arith.maximumf %add3A_74, %max3A_76 : vector<1x64xf32>
      %get3A_78 = arith.constant 0 : index
      %get3A_79 = arith.constant 0 : index
      %get3A_80 = vector.load %arg14[%get3A_78, %get3A_79] : memref<64x2xf32, #tpu.memory_space<vmem>>, vector<64x2xf32>
      %dot_general3A_81 = arith.constant dense<0.000000e+00> : vector<1x2xf32>
      %dot_general3A_82 = tpu.matmul %add3A_62, %get3A_80, %dot_general3A_81 {dimension_numbers = #tpu.dot_dimension_numbers<[1], [0], [0], [1], [0, 0, 1, 1], [], []>, transpose_lhs_hint = false} : vector<1x64xf32>, vector<64x2xf32>, vector<1x2xf32> -> vector<1x2xf32>
      %get3A_83 = arith.constant 0 : index
      %get3A_84 = arith.constant 0 : index
      %get3A_85 = vector.load %arg15[%get3A_83, %get3A_84] : memref<64x2xf32, #tpu.memory_space<vmem>>, vector<64x2xf32>
      %dot_general3A_86 = arith.constant dense<0.000000e+00> : vector<1x2xf32>
      %dot_general3A_87 = tpu.matmul %max3A_77, %get3A_85, %dot_general3A_86 {dimension_numbers = #tpu.dot_dimension_numbers<[1], [0], [0], [1], [0, 0, 1, 1], [], []>, transpose_lhs_hint = false} : vector<1x64xf32>, vector<64x2xf32>, vector<1x2xf32> -> vector<1x2xf32>
      %add3A_88 = arith.addf %dot_general3A_82, %dot_general3A_87 : vector<1x2xf32>
      %get3A_89 = arith.constant 0 : index
      %get3A_90 = arith.constant 0 : index
      %get3A_91 = vector.load %arg16[%get3A_89, %get3A_90] : memref<1x2xf32, #tpu.memory_space<vmem>>, vector<1x2xf32>
      %add3A_92 = arith.addf %add3A_88, %get3A_91 : vector<1x2xf32>
      %swap3A_93 = arith.constant 0 : index
      %swap3A_94 = arith.constant 0 : index
      %swap3A_95 = vector.load %arg17[%swap3A_93, %swap3A_94] : memref<1x2xf32, #tpu.memory_space<vmem>>, vector<1x2xf32>
      tpu.vector_store %arg17[%swap3A_93, %swap3A_94], %add3A_92 {strides = array<i32>} : memref<1x2xf32, #tpu.memory_space<vmem>>, vector<1x2xf32>,
    } else {
    }
    return
  }
  func.func @transform_0(%arg0: i32) -> (i32, i32) {
    %c0_i32 = arith.constant 0 : i32
    %c0_i32_0 = arith.constant 0 : i32
    return %arg0, %c0_i32 : i32, i32
  }
  func.func @transform_1(%arg0: i32) -> (i32, i32) {
    %add3A = arith.constant 14 : i32
    %add3A_0 = arith.addi %arg0, %add3A : i32
    %c0_i32 = arith.constant 0 : i32
    %c0_i32_1 = arith.constant 0 : i32
    return %add3A_0, %c0_i32 : i32, i32
  }
  func.func @transform_2(%arg0: i32) -> (i32, i32) {
    %c0_i32 = arith.constant 0 : i32
    %c0_i32_0 = arith.constant 0 : i32
    return %arg0, %c0_i32 : i32, i32
  }
  func.func @transform_3(%arg0: i32) -> i32 {
    %c0_i32 = arith.constant 0 : i32
    return %arg0 : i32
  }
  func.func @transform_4(%arg0: i32) -> i32 {
    %c0_i32 = arith.constant 0 : i32
    return %arg0 : i32
  }
  func.func @transform_5(%arg0: i32) -> i32 {
    %add3A = arith.constant 14 : i32
    %add3A_0 = arith.addi %arg0, %add3A : i32
    %c0_i32 = arith.constant 0 : i32
    return %add3A_0 : i32
  }
  func.func @transform_6(%arg0: i32) -> (i32, i32) {
    %c0_i32 = arith.constant 0 : i32
    %c0_i32_0 = arith.constant 0 : i32
    %c0_i32_1 = arith.constant 0 : i32
    return %c0_i32, %c0_i32_0 : i32, i32
  }
  func.func @transform_7(%arg0: i32) -> (i32, i32) {
    %c0_i32 = arith.constant 0 : i32
    %c0_i32_0 = arith.constant 0 : i32
    %c0_i32_1 = arith.constant 0 : i32
    return %c0_i32, %c0_i32_0 : i32, i32
  }
  func.func @transform_8(%arg0: i32) -> (i32, i32) {
    %c0_i32 = arith.constant 0 : i32
    %c0_i32_0 = arith.constant 0 : i32
    %c0_i32_1 = arith.constant 0 : i32
    return %c0_i32, %c0_i32_0 : i32, i32
  }
  func.func @transform_9(%arg0: i32) -> (i32, i32) {
    %c0_i32 = arith.constant 0 : i32
    %c0_i32_0 = arith.constant 0 : i32
    %c0_i32_1 = arith.constant 0 : i32
    return %c0_i32, %c0_i32_0 : i32, i32
  }
  func.func @transform_10(%arg0: i32) -> (i32, i32) {
    %c0_i32 = arith.constant 0 : i32
    %c0_i32_0 = arith.constant 0 : i32
    %c0_i32_1 = arith.constant 0 : i32
    return %c0_i32, %c0_i32_0 : i32, i32
  }
  func.func @transform_11(%arg0: i32) -> (i32, i32) {
    %c0_i32 = arith.constant 0 : i32
    %c0_i32_0 = arith.constant 0 : i32
    %c0_i32_1 = arith.constant 0 : i32
    return %c0_i32, %c0_i32_0 : i32, i32
  }
  func.func @transform_12(%arg0: i32) -> (i32, i32) {
    %c0_i32 = arith.constant 0 : i32
    %c0_i32_0 = arith.constant 0 : i32
    %c0_i32_1 = arith.constant 0 : i32
    return %c0_i32, %c0_i32_0 : i32, i32
  }
  func.func @transform_13(%arg0: i32) -> (i32, i32) {
    %c0_i32 = arith.constant 0 : i32
    %c0_i32_0 = arith.constant 0 : i32
    %c0_i32_1 = arith.constant 0 : i32
    return %c0_i32, %c0_i32_0 : i32, i32
  }
  func.func @transform_14(%arg0: i32) -> (i32, i32) {
    %c0_i32 = arith.constant 0 : i32
    %c0_i32_0 = arith.constant 0 : i32
    %c0_i32_1 = arith.constant 0 : i32
    return %c0_i32, %c0_i32_0 : i32, i32
  }
  func.func @transform_15(%arg0: i32) -> (i32, i32) {
    %c0_i32 = arith.constant 0 : i32
    %c0_i32_0 = arith.constant 0 : i32
    %c0_i32_1 = arith.constant 0 : i32
    return %c0_i32, %c0_i32_0 : i32, i32
  }
  func.func @transform_16(%arg0: i32) -> (i32, i32) {
    %c0_i32 = arith.constant 0 : i32
    %c0_i32_0 = arith.constant 0 : i32
    %c0_i32_1 = arith.constant 0 : i32
    return %c0_i32, %c0_i32_0 : i32, i32
  }
}

</mosaic_0001>

<sc_bundles>
// kernel: kernel.6.cloned.1.call-start
scs
__scs_entry_jumppad:
0x0: {  	(pc) =	sbr.rel $0x88, $3  }
0x1: {  	(tag) =	ssettag $0x0;
	lr =	simm.s32 $0x1  }
0x2: {  	[smem:$0x3F96] =	sst lr;
	_ =	strace $0xD0000000  }
0x3: {  	_ = 	snop  }
0x4: {  	_ = 	snop  }
0x5: {  	_ = 	snop  }
0x6: {  	_ = 	snop  }
0x7: {  	_ = 	snop  }
__scs_overlays_trampoline_lowered:
0x8: {  	[smem:$0x3FA5] =	sst s0  }
0x9: {  	[smem:$0x3FA6] =	sst s1  }
0xa: {  	[smem:$0x3FA7] =	sst s2  }
0xb: {  	[smem:$0x3FA8] =	sst s3  }
0xc: {  	[smem:$0x3FA9] =	sst s4  }
0xd: {  	[smem:$0x3FAA] =	sst s5  }
0xe: {  	[smem:$0x3FAB] =	sst s6  }
0xf: {  	[smem:$0x3FAC] =	sst s7  }
0x10: {  	[smem:$0x3FAD] =	sst s8  }
0x11: {  	[smem:$0x3FAE] =	sst s9;
	s0 =	simm.s32 @!p0 $0x0  }
0x12: {  	s1 =	sld [smem:$0x3F94];
	s0 =	simm.s32 @p0 $0x1  }
0x13: {  	[smem:$0x3FAF] =	sst s0;
	s0 =	simm.s32 @!p1 $0x0  }
0x14: {  	s2 =	sld [smem:$0x3F93];
	s0 =	simm.s32 @p1 $0x1  }
0x15: {  	[smem:$0x3FB0] =	sst s0;
	s0 =	simm.s32 @!p2 $0x0  }
0x16: {  	s3 =	sld [smem:$0x3FDB];
	s0 =	simm.s32 @p2 $0x1  }
0x17: {  	s4 =	simm.s32 $0x1BF5;
	[smem:$0x3FB2] =	sst s0  }
0x18: {  	s0 =	sld [smem:$0x3F95];
	_ =	swait.ge [sflag:s4], $0x0  }
0x19: {  	s7 =	sld [smem:$0x3F96]  }
0x1a: {  	s8 =	sadd.s32 $0xFFFFE003, lr  }
0x1b: {  	s9 =	sadd.s32 $0xFFFFFEF7, lr;
	s5 =	simm.s32 $0xFFFFFFFF;
	p2 =	slt.u32 s8, $0xFFFFF086  }
0x1c: {  	p1 =	slt.u32 s9, $0xF7A;
	s5 =	simm.s32 @!p2 $0x0  }
0x1d: {  	s5 =	simm.s32 @p1 $0x1;
	p0 =	seq.s32 s7, s2  }
0x1e: {  	s7 =	smul.u32 @!p0 $0xF7A, s2;
	p2 =	seq.s32 @!p0 s5, $0x0  }
0x1f: {  	s9 =	smul.u32 $0xF7A, s1;
	s8 =	simm.s32 @!p0 $0x1BF5;
	p2 =	por !p2, p0  }
0x20: {  	[sflag:s8] =	ssyncset.s32 @!p0 $0xFFFFF086;
	s6 =	sadd.s32 @!p0 s3, s7;
	s7 =	simm.s32 @!p0 $0x108  }
0x21: {  	s3 =	sadd.s32 s3, s9;
	s6 =	sadd.s32 @!p0 $0x88, s6;
	s7 =	simm.s32 @p2 $0x1082  }
0x22: {  	[simem:s7], [sflag:s8] =	dma.local @!p0 [hbm:s6], $0xF7A  }
0x23: {  	s9 =	sor.u32 $0xD0000000, s2;
	s6 =	simm.s32 $0x108;
	_ =	swait.ge @!p0 [sflag:s8], $0x0  }
0x24: {  	s3 =	sadd.s32 $0x88, s3;
	s6 =	simm.s32 @!p1 $0x1082;
	[sflag:s4] =	ssyncset.s32 $0xFFFFF086  }
0x25: {  	[simem:s6], [sflag:s4] =	dma.local [hbm:s3], $0xF7A  }
0x26: {  	[smem:$0x3F96] =	sst s1;
	(tag) =	ssettag s2;
	_ =	strace s9  }
0x27: {  	s1 =	sld [smem:$0x3FA6]  }
0x28: {  	s2 =	sld [smem:$0x3FA7]  }
0x29: {  	s4 =	sld [smem:$0x3FA9]  }
0x2a: {  	p0 =	seq.s32 s5, $0x0;
	s5 =	sld [smem:$0x3FAA]  }
0x2b: {  	s6 =	sld [smem:$0x3FAB]  }
0x2c: {  	s7 =	sld [smem:$0x3FAC]  }
0x2d: {  	s3 =	simm.s32 $0x108;
	s8 =	sld [smem:$0x3FAD]  }
0x2e: {  	s3 =	simm.s32 @!p0 $0x1082;
	s9 =	sld [smem:$0x3FAE]  }
0x2f: {  	lr =	sadd.s32 s0, s3;
	s0 =	sld [smem:$0x3FA5]  }
0x30: {  	s3 =	sld [smem:$0x3FA8]  }
0x31: {  	[smem:$0x3FB1] =	sst s10  }
0x32: {  	s10 =	sld [smem:$0x3FAF];
	_ =	sdelay $0x3  }
0x33: {  	p0 =	seq.s32 s10, $0x1;
	s10 =	sld [smem:$0x3FB1];
	_ =	sdelay $0x3  }
0x34: {  	[smem:$0x3FB1] =	sst s10  }
0x35: {  	s10 =	sld [smem:$0x3FB0];
	_ =	sdelay $0x3  }
0x36: {  	p1 =	seq.s32 s10, $0x1;
	s10 =	sld [smem:$0x3FB1];
	_ =	sdelay $0x3  }
0x37: {  	[smem:$0x3FB1] =	sst s10  }
0x38: {  	s10 =	sld [smem:$0x3FB2]  }
0x39: {  	_ = 	snop;
	(pc) =	sbr.ind lr, $3  }
0x3a: {  	_ = 	snop  }
0x3b: {  	_ = 	snop  }
0x3c: {  	p2 =	seq.s32 s10, $0x1;
	s10 =	sld [smem:$0x3FB1]  }
0x3d: {  	_ =	shalt  }
0x3e: {  	_ =	shalt  }
0x3f: {  	_ =	shalt  }
0x40: {  	_ =	shalt  }
0x41: {  	_ =	shalt  }
0x42: {  	_ =	shalt  }
0x43: {  	_ =	shalt  }
0x44: {  	_ =	shalt  }
0x45: {  	_ =	shalt  }
0x46: {  	_ =	shalt  }
0x47: {  	_ =	shalt  }
0x48: {  	_ =	shalt  }
0x49: {  	_ =	shalt  }
0x4a: {  	_ =	shalt  }
0x4b: {  	_ =	shalt  }
0x4c: {  	_ =	shalt  }
0x4d: {  	_ =	shalt  }
0x4e: {  	_ =	shalt  }
0x4f: {  	_ =	shalt  }
0x50: {  	_ =	shalt  }
0x51: {  	_ =	shalt  }
0x52: {  	_ =	shalt  }
0x53: {  	_ =	shalt  }
0x54: {  	_ =	shalt  }
0x55: {  	_ =	shalt  }
0x56: {  	_ =	shalt  }
0x57: {  	_ =	shalt  }
0x58: {  	_ =	shalt  }
0x59: {  	_ =	shalt  }
0x5a: {  	_ =	shalt  }
0x5b: {  	_ =	shalt  }
0x5c: {  	_ =	shalt  }
0x5d: {  	_ =	shalt  }
0x5e: {  	_ =	shalt  }
0x5f: {  	_ =	shalt  }
0x60: {  	_ =	shalt  }
0x61: {  	_ =	shalt  }
0x62: {  	_ =	shalt  }
0x63: {  	_ =	shalt  }
0x64: {  	_ =	shalt  }
0x65: {  	_ =	shalt  }
0x66: {  	_ =	shalt  }
0x67: {  	_ =	shalt  }
0x68: {  	_ =	shalt  }
0x69: {  	_ =	shalt  }
0x6a: {  	_ =	shalt  }
0x6b: {  	_ =	shalt  }
0x6c: {  	_ =	shalt  }
0x6d: {  	_ =	shalt  }
0x6e: {  	_ =	shalt  }
0x6f: {  	_ =	shalt  }
0x70: {  	_ =	shalt  }
0x71: {  	_ =	shalt  }
0x72: {  	_ =	shalt  }
0x73: {  	_ =	shalt  }
0x74: {  	_ =	shalt  }
0x75: {  	_ =	shalt  }
0x76: {  	_ =	shalt  }
0x77: {  	_ =	shalt  }
0x78: {  	_ =	shalt  }
0x79: {  	_ =	shalt  }
0x7a: {  	_ =	shalt  }
0x7b: {  	_ =	shalt  }
0x7c: {  	_ =	shalt  }
0x7d: {  	_ =	shalt  }
0x7e: {  	_ =	shalt  }
0x7f: {  	_ =	shalt  }
0x80: {  	_ =	shalt  }
0x81: {  	_ =	shalt  }
0x82: {  	_ =	shalt  }
0x83: {  	_ =	shalt  }
0x84: {  	_ =	shalt  }
0x85: {  	_ =	shalt  }
0x86: {  	_ =	shalt  }
0x87: {  	_ =	shalt  }
.Lfunc_end0:
.L_simem_size_0:
called_computation_lowered:
.L_overlay_start_0:
0x88: {  	s2 =	sld [smem:$0x3FD9]  }
0x89: {  	s3 =	sld [smem:$0x3FFE];
	_ =	sdelay $0x1  }
0x8a: {  	s1 =	srdreg.scid  }
0x8b: {  	s0 =	sand.u32 $0x1, s1  }
0x8c: {  	s16 =	sshll.u32 s0, $0xA;
	s2 =	sadd.s32 s3, s2  }
0x8d: {  	s2 =	sadd.s32 s2, s16  }
0x8e: {  	[smem:$0x3FBD] =	sst s2  }
0x8f: {  	_ = 	snop  }
0x90: {  	(tm) =	ssettm $0x1  }
0x91: {  	s17 =	sld [smem:$0x3FFB];
	_ =	sdelay $0x3  }
0x92: {  	_ =	strace s17  }
0x93: {  	s2 =	sld [smem:$0x3FFC];
	_ =	sdelay $0x3  }
0x94: {  	_ =	strace s2  }
0x95: {  	s2 =	sld [smem:$0x3FFD];
	_ =	sdelay $0x3  }
0x96: {  	_ =	strace s2  }
0x97: {  	_ =	strace $0x8FFFFFFF  }
0x98: {  	s18 =	sld [smem:$0x3FDB];
	_ =	sdelay $0x1  }
0x99: {  	s19 =	simm.s32 $_scs_section_size  }
0x9a: {  	s4 =	simm.s32 $_size__tile_overlayer_lowered;
	s5 =	simm.s32 $_tile_overlayer_lowered  }
0x9b: {  	s22 =	simm.s32 $0x1BFF;
	s21 =	sshll.u32 s5, $0x1;
	s2 =	sadd.s32 s19, s18  }
0x9c: {  	s6 =	simm.s32 $0x0;
	s20 =	sshll.u32 s4, $0x1;
	s4 =	sadd.s32 s21, s2  }
0x9d: {  	[timem:s6], [sflag:s22] =	dma.local [hbm:s4], s20  }
0x9e: {  	_ =	swait.ge [sflag:s22], s20  }
0x9f: {  	s3 =	ssub.s32 $0x0, s20;
	[sflag:s22] =	ssyncset.done $0x0  }
0xa0: {  	[sflag:s22] =	ssyncadd.s32 s3;
	_ =	sdelay $0x1  }
0xa1: {  	s23 =	simm.s32 $0x1B8B  }
0xa2: {  	_ =	swait.ge [sflag:s23], $0x1  }
0xa3: {  	[sflag:s23] =	ssyncset.done $0x0  }
0xa4: {  	s25 =	simm.s32 $0x1B8E;
	s24 =	sld [smem:$0x3FFE];
	[sflag:s23] =	ssyncadd.s32 $0xFFFFFFFF  }
0xa5: {  	s26 =	simm.s32 $execute0_lowered;
	[smem:$0x3FD2] =	sst s25  }
0xa6: {  	s4 =	sshll.u32 s26, $0x1;
	_ =	strace $0x80000046;
	[dreg:$0x1] =	wrdreg $0xFFFFFFFF  }
0xa7: {  	s28 =	simm.s32 $_size_execute0_lowered;
	s2 =	sadd.s32 s2, s4;
	[dreg:$0x0] =	wrdreg $0x0  }
0xa8: {  	s4 =	sshll.u32 s28, $0x1;
	[dreg:$0x2] =	wrdreg s2  }
0xa9: {  	[dreg:$0x3] =	wrdreg s4  }
0xaa: {  	[dreg:$0x4] =	wrdreg $0xC0  }
0xab: {  	_ =	task [dreg:s6], $0x5FFFF  }
0xac: {  	[dreg:$0x1] =	wrdreg $0xFFFFFFFF  }
0xad: {  	[dreg:$0x0] =	wrdreg $0x60  }
0xae: {  	[dreg:$0x2] =	wrdreg s24  }
0xaf: {  	[dreg:$0x3] =	wrdreg $0x0  }
0xb0: {  	[dreg:$0x4] =	wrdreg $0x9  }
0xb1: {  	_ =	task.clear_ibuf [dreg:s6], $0x5FFFF;
	_ =	strace $0x90000046  }
0xb2: {  	s29 =	simm.s32 $0x9;
	_ =	strace $0x80000048  }
0xb3: {  	_ =	swait.ge [sflag:s29], $0x1  }
0xb4: {  	[sflag:s29] =	ssyncadd.s32 $0xFFFFFFFF  }
0xb5: {  	_ =	strace $0x90000048  }
0xb6: {  	_ =	sfence  }
0xb7: {  	s30 =	sld [smem:$0x0];
	_ =	sdelay $0x2  }
0xb8: {  	s31 =	sshll.u32 s1, $0xD;
	s1 =	sshrl.u32 s1, $0x2  }
0xb9: {  	s3 =	sand.u32 $0x4000, s31;
	s1 =	sadd.s32 s1, s30  }
0xba: {  	s0 =	sor.u32 s3, s0;
	s1 =	sshll.u32 s1, $0x11  }
0xbb: {  	s0 =	sor.u32 s1, s0  }
0xbc: {  	s0 =	sadd.s32 $0x8F2B, s0  }
0xbd: {  	[sflag:s0] =	ssyncadd.remote.s32 $0x1  }
0xbe: {  	_ =	sfence.sel $0xFFFF  }
0xbf: {  	[dreg:$0x0] =	wrdreg $0xFFFFFFFF;
	(pc) =	sbr.abs _section_cstart, $3  }
0xc0: {  	[dreg:$0x1] =	wrdreg $0xFFFFFFFF  }
0xc1: {  	_ =	task.clear_ibuf [dreg:s6], $0x2FFFF;
	_ =	strace $0x9FFFFFFF  }
0xc2: {  	(tm) =	ssettm $0x7FFFFFFF  }
0xc3: {  	_ =	shalt  }
tec
execute0_lowered:
.L_overlay_start_1:
0x0: {  	(tag) =	ssettag $0x1  }
0x1: {  	s0 =	rddreg [dreg:$0x0]  }
0x2: {  	s2 =	rddreg [dreg:$0x1]  }
0x3: {  	s1 =	srdreg.scid;
	s10 =	stileid.u32;
	s3 =	simm.s32 $0x0  }
0x4: {  	s11 =	simm.s32 $0x2200;
	s13 =	simm.s32 $0x2280;
	s15 =	simm.s32 $0x2300  }
0x5: {  	s28 =	simm.s32 $0x1900;
	s29 =	simm.s32 $0x1A00;
	s30 =	simm.s32 $0x1A80  }
0x6: {  	s31 =	simm.s32 $0x1B00;
	s1 =	sand.u32 $0x1, s1;
	s4 =	smul.u32 $0x1880, s10  }
0x7: {  	[smem:$0x7FF] =	sst s3;
	s9 =	sadd.s32 $0x3000, s0;
	s21 =	smul.u32 $0x3100, s10  }
0x8: {  	s5 =	smul.u32 $0x18800, s1;
	_ =	strace $0x80000047;
	[dreg:$0x6] =	wrdreg s11  }
0x9: {  	s6 =	sshll.u32 s1, $0x4;
	s7 =	ssub.s32 $0x2, s1;
	[dreg:$0x7] =	wrdreg s13  }
0xa: {  	s1 =	smul.u32 $0x31000, s1;
	[dreg:$0x8] =	wrdreg s15;
	s26 =	sadd.s32 s4, s2  }
0xb: {  	s11 =	simm.s32 $0x1F80;
	s20 =	sadd.s32 $0x1C0, s26;
	[dreg:$0x10] =	wrdreg s26  }
0xc: {  	s13 =	simm.s32 $0x2080;
	s22 =	sadd.s32 $0x380, s26;
	[dreg:$0x13] =	wrdreg s20  }
0xd: {  	s15 =	simm.s32 $0x2780;
	s23 =	sadd.s32 $0x540, s26;
	[dreg:$0x14] =	wrdreg s22  }
0xe: {  	s6 =	sor.u32 s10, s6;
	s24 =	sadd.s32 $0x700, s26;
	[dreg:$0x15] =	wrdreg s23  }
0xf: {  	s8 =	sshrl.u32 s7, $0x1;
	s25 =	sadd.s32 $0x8C0, s26;
	[dreg:$0x16] =	wrdreg s24  }
0x10: {  	s17 =	ssub.s32 s7, s8;
	s8 =	sadd.s32 $0xC40, s26;
	[dreg:$0x17] =	wrdreg s25  }
0x11: {  	s5 =	sadd.s32 s4, s5;
	s7 =	simm.s32 $0x2100;
	[dreg:$0x19] =	wrdreg s8  }
0x12: {  	s6 =	smul.u32 $0x3100, s6;
	s10 =	sadd.s32 $0xE00, s26;
	[dreg:$0x4] =	wrdreg s7  }
0x13: {  	s1 =	sadd.s32 s1, s9;
	s12 =	sadd.s32 $0xFC0, s26;
	[dreg:$0x1a] =	wrdreg s10  }
0x14: {  	s14 =	sadd.s32 $0x1180, s26;
	s16 =	sadd.s32 $0x1340, s26;
	[dreg:$0x1b] =	wrdreg s12  }
0x15: {  	s5 =	sshrl.u32 s5, $0x3;
	s19 =	smax.u32 s17, $0x1;
	[dreg:$0x1c] =	wrdreg s14  }
0x16: {  	s1 =	sadd.s32 s21, s1;
	[dreg:$0x1d] =	wrdreg s16;
	s17 =	simm.s32 $0x2380  }
0x17: {  	s20 =	sadd.s32 $0x16C0, s26;
	s21 =	simm.s32 $0x2480;
	[dreg:$0x12] =	wrdreg s19  }
0x18: {  	s22 =	simm.s32 $0x2500;
	s23 =	simm.s32 $0x2580;
	[dreg:$0x3] =	wrdreg s1  }
0x19: {  	s24 =	simm.s32 $0x2600;
	s25 =	simm.s32 $0x2680;
	[dreg:$0x9] =	wrdreg s17  }
0x1a: {  	s7 =	simm.s32 $0x1D80;
	s8 =	simm.s32 $0x1E00;
	[dreg:$0x1f] =	wrdreg s20  }
0x1b: {  	s10 =	simm.s32 $0x1F00;
	s12 =	simm.s32 $0x2000;
	[dreg:$0xb] =	wrdreg s21  }
0x1c: {  	s14 =	simm.s32 $0x2700;
	s16 =	simm.s32 $0x2800;
	[dreg:$0xc] =	wrdreg s22  }
0x1d: {  	s0 =	sadd.s32 s5, s0;
	s18 =	sadd.s32 s9, s6;
	[dreg:$0xd] =	wrdreg s23  }
0x1e: {  	s6 =	sadd.s32 $0xA80, s26;
	s9 =	simm.s32 $0x2180;
	[dreg:$0xe] =	wrdreg s24  }
0x1f: {  	s19 =	simm.s32 $0x2400;
	s21 =	simm.s32 $0x2900;
	[dreg:$0xf] =	wrdreg s25  }
0x20: {  	s22 =	simm.s32 $0x2;
	s23 =	simm.s32 $0x1880;
	[dreg:$0x11] =	wrdreg s18  }
0x21: {  	s24 =	simm.s32 $0x80;
	s25 =	simm.s32 $0x2880;
	[dreg:$0x18] =	wrdreg s6  }
0x22: {  	s1 =	simm.s32 $0x1C00;
	s5 =	simm.s32 $0x1C80;
	[dreg:$0x5] =	wrdreg s9  }
0x23: {  	s17 =	simm.s32 $0x1;
	s18 =	sadd.s32 $0x1500, s26;
	[dreg:$0xa] =	wrdreg s19  }
0x24: {  	s20 =	sadd.s32 $0xC7000, s0;
	s0 =	simm.s32 $0x1B80;
	s6 =	simm.s32 $0x1D00  }
0x25: {  	v0 =	vimm.f32 $0.0e+00;
	v1 =	vimm.f32 $1.000000000e+00;
	s9 =	simm.s32 $0x1E80;
	[dreg:$0x1e] =	wrdreg s18;
	s18 =	simm.s32 $0x0  }
.LBB2_1:
0x26: {  	[tilespmem:$0x2900] =	vst v0  }
0x27: {  	[tilespmem:$0x2910] =	vst v0  }
0x28: {  	[tilespmem:$0x2920] =	vst v0  }
0x29: {  	[tilespmem:$0x2930] =	vst v0  }
0x2a: {  	[tilespmem:$0x2940] =	vst v0  }
0x2b: {  	[tilespmem:$0x2950] =	vst v0  }
0x2c: {  	[tilespmem:$0x2960] =	vst v0  }
0x2d: {  	[tilespmem:$0x2970] =	vst v0  }
0x2e: {  	[tilespmem:$0x2980] =	vst v0  }
0x2f: {  	[tilespmem:$0x2990] =	vst v0  }
0x30: {  	[tilespmem:$0x29A0] =	vst v0  }
0x31: {  	[tilespmem:$0x29B0] =	vst v0  }
0x32: {  	[tilespmem:$0x29C0] =	vst v0  }
0x33: {  	[tilespmem:$0x29D0] =	vst v0  }
0x34: {  	[tilespmem:$0x29E0] =	vst v0  }
0x35: {  	[tilespmem:$0x29F0] =	vst v0  }
0x36: {  	[tilespmem:$0x2A00] =	vst v0  }
0x37: {  	[tilespmem:$0x2A10] =	vst v0  }
0x38: {  	[tilespmem:$0x2A20] =	vst v0  }
0x39: {  	[tilespmem:$0x2A30] =	vst v0  }
0x3a: {  	[tilespmem:$0x2A40] =	vst v0  }
0x3b: {  	[tilespmem:$0x2A50] =	vst v0  }
0x3c: {  	[tilespmem:$0x2A60] =	vst v0  }
0x3d: {  	[tilespmem:$0x2A70] =	vst v0  }
0x3e: {  	[tilespmem:$0x2A80] =	vst v0  }
0x3f: {  	[tilespmem:$0x2A90] =	vst v0  }
0x40: {  	[tilespmem:$0x2AA0] =	vst v0  }
0x41: {  	[smem:$0x7FD] =	sst s18;
	[tilespmem:$0x2AB0] =	vst v0  }
0x42: {  	[spmem:s26] =	stream.linear.scatter [tilespmem:s21], [sflag:$0x2], $0x1C0, $0x38;
	[tilespmem:$0x2AC0] =	vst v63  }
0x43: {  	_ =	swait.ge [sflag:s22], $0x1C0  }
0x44: {  	[sflag:s22] =	ssyncset.done $0x0  }
0x45: {  	s4 =	rddreg [dreg:$0x13];
	[sflag:s22] =	ssyncadd.s32 $0xFFFFFE40  }
0x46: {  	[spmem:s4] =	stream.linear.scatter [tilespmem:s21], [sflag:$0x2], $0x1C0, $0x38;
	[tilespmem:$0x2AC0] =	vst v63  }
0x47: {  	_ =	swait.ge [sflag:s22], $0x1C0  }
0x48: {  	[sflag:s22] =	ssyncset.done $0x0  }
0x49: {  	s18 =	rddreg [dreg:$0x14];
	[sflag:s22] =	ssyncadd.s32 $0xFFFFFE40  }
0x4a: {  	[spmem:s18] =	stream.linear.scatter [tilespmem:s21], [sflag:$0x2], $0x1C0, $0x38;
	[tilespmem:$0x2AC0] =	vst v63  }
0x4b: {  	_ =	swait.ge [sflag:s22], $0x1C0  }
0x4c: {  	[sflag:s22] =	ssyncset.done $0x0  }
0x4d: {  	s19 =	rddreg [dreg:$0x15];
	[sflag:s22] =	ssyncadd.s32 $0xFFFFFE40  }
0x4e: {  	[spmem:s19] =	stream.linear.scatter [tilespmem:s21], [sflag:$0x2], $0x1C0, $0x38;
	[tilespmem:$0x2AC0] =	vst v63  }
0x4f: {  	_ =	swait.ge [sflag:s22], $0x1C0  }
0x50: {  	[sflag:s22] =	ssyncset.done $0x0  }
0x51: {  	s26 =	rddreg [dreg:$0x16];
	[sflag:s22] =	ssyncadd.s32 $0xFFFFFE40  }
0x52: {  	[spmem:s26] =	stream.linear.scatter [tilespmem:s21], [sflag:$0x2], $0x1C0, $0x38;
	[tilespmem:$0x2AC0] =	vst v63  }
0x53: {  	_ =	swait.ge [sflag:s22], $0x1C0  }
0x54: {  	[sflag:s22] =	ssyncset.done $0x0  }
0x55: {  	s18 =	rddreg [dreg:$0x17];
	[sflag:s22] =	ssyncadd.s32 $0xFFFFFE40  }
0x56: {  	[spmem:s18] =	stream.linear.scatter [tilespmem:s21], [sflag:$0x2], $0x1C0, $0x38;
	[tilespmem:$0x2AC0] =	vst v63  }
0x57: {  	_ =	swait.ge [sflag:s22], $0x1C0  }
0x58: {  	[sflag:s22] =	ssyncset.done $0x0  }
0x59: {  	s19 =	rddreg [dreg:$0x18];
	[sflag:s22] =	ssyncadd.s32 $0xFFFFFE40  }
0x5a: {  	[spmem:s19] =	stream.linear.scatter [tilespmem:s21], [sflag:$0x2], $0x1C0, $0x38;
	[tilespmem:$0x2AC0] =	vst v63  }
0x5b: {  	_ =	swait.ge [sflag:s22], $0x1C0  }
0x5c: {  	[sflag:s22] =	ssyncset.done $0x0  }
0x5d: {  	s26 =	rddreg [dreg:$0x19];
	[sflag:s22] =	ssyncadd.s32 $0xFFFFFE40  }
0x5e: {  	[spmem:s26] =	stream.linear.scatter [tilespmem:s21], [sflag:$0x2], $0x1C0, $0x38;
	[tilespmem:$0x2AC0] =	vst v63  }
0x5f: {  	_ =	swait.ge [sflag:s22], $0x1C0  }
0x60: {  	[sflag:s22] =	ssyncset.done $0x0  }
0x61: {  	s18 =	rddreg [dreg:$0x1a];
	[sflag:s22] =	ssyncadd.s32 $0xFFFFFE40  }
0x62: {  	[spmem:s18] =	stream.linear.scatter [tilespmem:s21], [sflag:$0x2], $0x1C0, $0x38;
	[tilespmem:$0x2AC0] =	vst v63  }
0x63: {  	_ =	swait.ge [sflag:s22], $0x1C0  }
0x64: {  	[sflag:s22] =	ssyncset.done $0x0  }
0x65: {  	s19 =	rddreg [dreg:$0x1b];
	[sflag:s22] =	ssyncadd.s32 $0xFFFFFE40  }
0x66: {  	[spmem:s19] =	stream.linear.scatter [tilespmem:s21], [sflag:$0x2], $0x1C0, $0x38;
	[tilespmem:$0x2AC0] =	vst v63  }
0x67: {  	_ =	swait.ge [sflag:s22], $0x1C0  }
0x68: {  	[sflag:s22] =	ssyncset.done $0x0  }
0x69: {  	s26 =	rddreg [dreg:$0x1c];
	[sflag:s22] =	ssyncadd.s32 $0xFFFFFE40  }
0x6a: {  	[spmem:s26] =	stream.linear.scatter [tilespmem:s21], [sflag:$0x2], $0x1C0, $0x38;
	[tilespmem:$0x2AC0] =	vst v63  }
0x6b: {  	_ =	swait.ge [sflag:s22], $0x1C0  }
0x6c: {  	[sflag:s22] =	ssyncset.done $0x0  }
0x6d: {  	s18 =	rddreg [dreg:$0x1d];
	[sflag:s22] =	ssyncadd.s32 $0xFFFFFE40  }
0x6e: {  	[spmem:s18] =	stream.linear.scatter [tilespmem:s21], [sflag:$0x2], $0x1C0, $0x38;
	[tilespmem:$0x2AC0] =	vst v63  }
0x6f: {  	_ =	swait.ge [sflag:s22], $0x1C0  }
0x70: {  	[sflag:s22] =	ssyncset.done $0x0  }
0x71: {  	s19 =	rddreg [dreg:$0x1e];
	[sflag:s22] =	ssyncadd.s32 $0xFFFFFE40  }
0x72: {  	[spmem:s19] =	stream.linear.scatter [tilespmem:s21], [sflag:$0x2], $0x1C0, $0x38;
	[tilespmem:$0x2AC0] =	vst v63  }
0x73: {  	_ =	swait.ge [sflag:s22], $0x1C0  }
0x74: {  	[sflag:s22] =	ssyncset.done $0x0  }
0x75: {  	s26 =	rddreg [dreg:$0x1f];
	[sflag:s22] =	ssyncadd.s32 $0xFFFFFE40  }
0x76: {  	[spmem:s26] =	stream.linear.scatter [tilespmem:s21], [sflag:$0x2], $0x1C0, $0x38;
	[tilespmem:$0x2AC0] =	vst v63  }
0x77: {  	_ =	swait.ge [sflag:s22], $0x1C0  }
0x78: {  	[sflag:s22] =	ssyncset.done $0x0  }
0x79: {  	[sflag:s22] =	ssyncadd.s32 $0xFFFFFE40  }
0x7a: {  	[tilespmem:$0x2880] =	vst v1  }
0x7b: {  	[tilespmem:$0x2890] =	vst v1  }
0x7c: {  	[tilespmem:$0x28A0] =	vst v1  }
0x7d: {  	[tilespmem:$0x28B0] =	vst v1  }
0x7e: {  	[tilespmem:$0x28C0] =	vst v1  }
0x7f: {  	[tilespmem:$0x28D0] =	vst v1  }
0x80: {  	[tilespmem:$0x28E0] =	vst v1  }
0x81: {  	[tilespmem:$0x28F0] =	vst v1  }
0x82: {  	[bflag:$0x0] =	sbarrier.arrive $0xFFFF  }
0x83: {  	s18 =	rddreg [dreg:$0x11]  }
0x84: {  	[tilespmem:s23], [sflag:$0x2] =	stream.linear.gather [hbm4b:s18+s3], $0x800, $0x38;
	[tilespmem:$0x2AC0] =	vst v63  }
0x85: {  	_ =	swait.ge [sflag:s22], $0x800  }
0x86: {  	[sflag:s22] =	ssyncset.done $0x0  }
0x87: {  	[sflag:s22] =	ssyncadd.s32 $0xFFFFF800  }
0x88: {  	[spmem:s2] =	stream.indirect.scatter.add.f32 [tilespmem:s25], [sflag:$0x1], $0x1, s23, s24, $0xb8;
	[tilespmem:$0x2AC0] =	vst v63  }
0x89: {  	_ = 	snop  }
0x8a: {  	[spmem:s2] =	stream.indirect.scatter.add.f32 [tilespmem:s25], [sflag:$0x1], $0x1, s28, s24, $0xb8;
	[tilespmem:$0x2AC0] =	vst v63  }
0x8b: {  	s26 =	simm.s32 $0x1980  }
0x8c: {  	[spmem:s2] =	stream.indirect.scatter.add.f32 [tilespmem:s25], [sflag:$0x1], $0x1, s26, s24, $0xb8;
	[tilespmem:$0x2AC0] =	vst v63  }
0x8d: {  	_ = 	snop  }
0x8e: {  	[spmem:s2] =	stream.indirect.scatter.add.f32 [tilespmem:s25], [sflag:$0x1], $0x1, s29, s24, $0xb8;
	[tilespmem:$0x2AC0] =	vst v63  }
0x8f: {  	_ = 	snop  }
0x90: {  	[spmem:s2] =	stream.indirect.scatter.add.f32 [tilespmem:s25], [sflag:$0x1], $0x1, s30, s24, $0xb8;
	[tilespmem:$0x2AC0] =	vst v63  }
0x91: {  	_ = 	snop  }
0x92: {  	[spmem:s2] =	stream.indirect.scatter.add.f32 [tilespmem:s25], [sflag:$0x1], $0x1, s31, s24, $0xb8;
	[tilespmem:$0x2AC0] =	vst v63  }
0x93: {  	_ = 	snop  }
0x94: {  	[spmem:s2] =	stream.indirect.scatter.add.f32 [tilespmem:s25], [sflag:$0x1], $0x1, s0, s24, $0xb8;
	[tilespmem:$0x2AC0] =	vst v63  }
0x95: {  	_ = 	snop  }
0x96: {  	[spmem:s2] =	stream.indirect.scatter.add.f32 [tilespmem:s25], [sflag:$0x1], $0x1, s1, s24, $0xb8;
	[tilespmem:$0x2AC0] =	vst v63  }
0x97: {  	_ = 	snop  }
0x98: {  	[spmem:s2] =	stream.indirect.scatter.add.f32 [tilespmem:s25], [sflag:$0x1], $0x1, s5, s24, $0xb8;
	[tilespmem:$0x2AC0] =	vst v63  }
0x99: {  	_ = 	snop  }
0x9a: {  	[spmem:s2] =	stream.indirect.scatter.add.f32 [tilespmem:s25], [sflag:$0x1], $0x1, s6, s24, $0xb8;
	[tilespmem:$0x2AC0] =	vst v63  }
0x9b: {  	_ = 	snop  }
0x9c: {  	[spmem:s2] =	stream.indirect.scatter.add.f32 [tilespmem:s25], [sflag:$0x1], $0x1, s7, s24, $0xb8;
	[tilespmem:$0x2AC0] =	vst v63  }
0x9d: {  	_ = 	snop  }
0x9e: {  	[spmem:s2] =	stream.indirect.scatter.add.f32 [tilespmem:s25], [sflag:$0x1], $0x1, s8, s24, $0xb8;
	[tilespmem:$0x2AC0] =	vst v63  }
0x9f: {  	_ = 	snop  }
0xa0: {  	[spmem:s2] =	stream.indirect.scatter.add.f32 [tilespmem:s25], [sflag:$0x1], $0x1, s9, s24, $0xb8;
	[tilespmem:$0x2AC0] =	vst v63  }
0xa1: {  	_ = 	snop  }
0xa2: {  	[spmem:s2] =	stream.indirect.scatter.add.f32 [tilespmem:s25], [sflag:$0x1], $0x1, s10, s24, $0xb8;
	[tilespmem:$0x2AC0] =	vst v63  }
0xa3: {  	s19 =	rddreg [dreg:$0x3]  }
0xa4: {  	[spmem:s2] =	stream.indirect.scatter.add.f32 [tilespmem:s25], [sflag:$0x1], $0x1, s11, s24, $0xb8;
	[tilespmem:$0x2AC0] =	vst v63  }
0xa5: {  	s4 =	sadd.s32 $0xFFFFD000, s19  }
0xa6: {  	[spmem:s2] =	stream.indirect.scatter.add.f32 [tilespmem:s25], [sflag:$0x1], $0x1, s12, s24, $0xb8;
	[tilespmem:$0x2AC0] =	vst v63  }
0xa7: {  	s19 =	sadd.s32 $0x3100, s4  }
0xa8: {  	[tilespmem:s13], [sflag:$0x2] =	stream.linear.gather [hbm4b:s19+s3], $0x800, $0x38;
	[tilespmem:$0x2AC0] =	vst v63  }
0xa9: {  	_ =	swait.ge [sflag:s22], $0x800  }
0xaa: {  	[sflag:s22] =	ssyncset.done $0x0  }
0xab: {  	[sflag:s22] =	ssyncadd.s32 $0xFFFFF800  }
0xac: {  	[spmem:s2] =	stream.indirect.scatter.add.f32 [tilespmem:s25], [sflag:$0x1], $0x1, s13, s24, $0xb8;
	[tilespmem:$0x2AC0] =	vst v63  }
0xad: {  	s19 =	rddreg [dreg:$0x4]  }
0xae: {  	[spmem:s2] =	stream.indirect.scatter.add.f32 [tilespmem:s25], [sflag:$0x1], $0x1, s19, s24, $0xb8;
	[tilespmem:$0x2AC0] =	vst v63  }
0xaf: {  	s18 =	rddreg [dreg:$0x5]  }
0xb0: {  	[spmem:s2] =	stream.indirect.scatter.add.f32 [tilespmem:s25], [sflag:$0x1], $0x1, s18, s24, $0xb8;
	[tilespmem:$0x2AC0] =	vst v63  }
0xb1: {  	s19 =	rddreg [dreg:$0x6]  }
0xb2: {  	[spmem:s2] =	stream.indirect.scatter.add.f32 [tilespmem:s25], [sflag:$0x1], $0x1, s19, s24, $0xb8;
	[tilespmem:$0x2AC0] =	vst v63  }
0xb3: {  	s18 =	rddreg [dreg:$0x7]  }
0xb4: {  	[spmem:s2] =	stream.indirect.scatter.add.f32 [tilespmem:s25], [sflag:$0x1], $0x1, s18, s24, $0xb8;
	[tilespmem:$0x2AC0] =	vst v63  }
0xb5: {  	s19 =	rddreg [dreg:$0x8]  }
0xb6: {  	[spmem:s2] =	stream.indirect.scatter.add.f32 [tilespmem:s25], [sflag:$0x1], $0x1, s19, s24, $0xb8;
	[tilespmem:$0x2AC0] =	vst v63  }
0xb7: {  	s18 =	rddreg [dreg:$0x9]  }
0xb8: {  	[spmem:s2] =	stream.indirect.scatter.add.f32 [tilespmem:s25], [sflag:$0x1], $0x1, s18, s24, $0xb8;
	[tilespmem:$0x2AC0] =	vst v63  }
0xb9: {  	s19 =	rddreg [dreg:$0xa]  }
0xba: {  	[spmem:s2] =	stream.indirect.scatter.add.f32 [tilespmem:s25], [sflag:$0x1], $0x1, s19, s24, $0xb8;
	[tilespmem:$0x2AC0] =	vst v63  }
0xbb: {  	s18 =	rddreg [dreg:$0xb]  }
0xbc: {  	[spmem:s2] =	stream.indirect.scatter.add.f32 [tilespmem:s25], [sflag:$0x1], $0x1, s18, s24, $0xb8;
	[tilespmem:$0x2AC0] =	vst v63  }
0xbd: {  	s19 =	rddreg [dreg:$0xc]  }
0xbe: {  	[spmem:s2] =	stream.indirect.scatter.add.f32 [tilespmem:s25], [sflag:$0x1], $0x1, s19, s24, $0xb8;
	[tilespmem:$0x2AC0] =	vst v63  }
0xbf: {  	s18 =	rddreg [dreg:$0xd]  }
0xc0: {  	[spmem:s2] =	stream.indirect.scatter.add.f32 [tilespmem:s25], [sflag:$0x1], $0x1, s18, s24, $0xb8;
	[tilespmem:$0x2AC0] =	vst v63  }
0xc1: {  	s19 =	rddreg [dreg:$0xe]  }
0xc2: {  	[spmem:s2] =	stream.indirect.scatter.add.f32 [tilespmem:s25], [sflag:$0x1], $0x1, s19, s24, $0xb8;
	[tilespmem:$0x2AC0] =	vst v63  }
0xc3: {  	s18 =	rddreg [dreg:$0xf]  }
0xc4: {  	[spmem:s2] =	stream.indirect.scatter.add.f32 [tilespmem:s25], [sflag:$0x1], $0x1, s18, s24, $0xb8;
	[tilespmem:$0x2AC0] =	vst v63  }
0xc5: {  	_ = 	snop  }
0xc6: {  	[spmem:s2] =	stream.indirect.scatter.add.f32 [tilespmem:s25], [sflag:$0x1], $0x1, s14, s24, $0xb8;
	[tilespmem:$0x2AC0] =	vst v63  }
0xc7: {  	_ = 	snop  }
0xc8: {  	[spmem:s2] =	stream.indirect.scatter.add.f32 [tilespmem:s25], [sflag:$0x1], $0x1, s15, s24, $0xb8;
	[tilespmem:$0x2AC0] =	vst v63  }
0xc9: {  	_ = 	snop  }
0xca: {  	[spmem:s2] =	stream.indirect.scatter.add.f32 [tilespmem:s25], [sflag:$0x1], $0x1, s16, s24, $0xb8;
	[tilespmem:$0x2AC0] =	vst v63  }
0xcb: {  	_ =	swait.ge [sflag:s17], $0x80  }
0xcc: {  	[sflag:s17] =	ssyncset.done $0x0  }
0xcd: {  	[sflag:s17] =	ssyncadd.s32 $0xFFFFFF80  }
0xce: {  	_ =	swait.ge [sflag:s17], $0x80  }
0xcf: {  	[sflag:s17] =	ssyncset.done $0x0  }
0xd0: {  	[sflag:s17] =	ssyncadd.s32 $0xFFFFFF80  }
0xd1: {  	_ =	swait.ge [sflag:s17], $0x80  }
0xd2: {  	[sflag:s17] =	ssyncset.done $0x0  }
0xd3: {  	[sflag:s17] =	ssyncadd.s32 $0xFFFFFF80  }
0xd4: {  	_ =	swait.ge [sflag:s17], $0x80  }
0xd5: {  	[sflag:s17] =	ssyncset.done $0x0  }
0xd6: {  	[sflag:s17] =	ssyncadd.s32 $0xFFFFFF80  }
0xd7: {  	_ =	swait.ge [sflag:s17], $0x80  }
0xd8: {  	[sflag:s17] =	ssyncset.done $0x0  }
0xd9: {  	[sflag:s17] =	ssyncadd.s32 $0xFFFFFF80  }
0xda: {  	_ =	swait.ge [sflag:s17], $0x80  }
0xdb: {  	[sflag:s17] =	ssyncset.done $0x0  }
0xdc: {  	[sflag:s17] =	ssyncadd.s32 $0xFFFFFF80  }
0xdd: {  	_ =	swait.ge [sflag:s17], $0x80  }
0xde: {  	[sflag:s17] =	ssyncset.done $0x0  }
0xdf: {  	[sflag:s17] =	ssyncadd.s32 $0xFFFFFF80  }
0xe0: {  	_ =	swait.ge [sflag:s17], $0x80  }
0xe1: {  	[sflag:s17] =	ssyncset.done $0x0  }
0xe2: {  	[sflag:s17] =	ssyncadd.s32 $0xFFFFFF80  }
0xe3: {  	_ =	swait.ge [sflag:s17], $0x80  }
0xe4: {  	[sflag:s17] =	ssyncset.done $0x0  }
0xe5: {  	[sflag:s17] =	ssyncadd.s32 $0xFFFFFF80  }
0xe6: {  	_ =	swait.ge [sflag:s17], $0x80  }
0xe7: {  	[sflag:s17] =	ssyncset.done $0x0  }
0xe8: {  	[sflag:s17] =	ssyncadd.s32 $0xFFFFFF80  }
0xe9: {  	_ =	swait.ge [sflag:s17], $0x80  }
0xea: {  	[sflag:s17] =	ssyncset.done $0x0  }
0xeb: {  	[sflag:s17] =	ssyncadd.s32 $0xFFFFFF80  }
0xec: {  	_ =	swait.ge [sflag:s17], $0x80  }
0xed: {  	[sflag:s17] =	ssyncset.done $0x0  }
0xee: {  	[sflag:s17] =	ssyncadd.s32 $0xFFFFFF80  }
0xef: {  	_ =	swait.ge [sflag:s17], $0x80  }
0xf0: {  	[sflag:s17] =	ssyncset.done $0x0  }
0xf1: {  	[sflag:s17] =	ssyncadd.s32 $0xFFFFFF80  }
0xf2: {  	_ =	swait.ge [sflag:s17], $0x80  }
0xf3: {  	[sflag:s17] =	ssyncset.done $0x0  }
0xf4: {  	[sflag:s17] =	ssyncadd.s32 $0xFFFFFF80  }
0xf5: {  	_ =	swait.ge [sflag:s17], $0x80  }
0xf6: {  	[sflag:s17] =	ssyncset.done $0x0  }
0xf7: {  	[sflag:s17] =	ssyncadd.s32 $0xFFFFFF80  }
0xf8: {  	_ =	swait.ge [sflag:s17], $0x80  }
0xf9: {  	[sflag:s17] =	ssyncset.done $0x0  }
0xfa: {  	s4 =	sadd.s32 $0x3200, s4;
	[sflag:s17] =	ssyncadd.s32 $0xFFFFFF80  }
0xfb: {  	[tilespmem:s23], [sflag:$0x2] =	stream.linear.gather [hbm4b:s4+s3], $0x800, $0x38;
	[tilespmem:$0x2AC0] =	vst v63  }
0xfc: {  	_ =	swait.ge [sflag:s22], $0x800  }
0xfd: {  	[sflag:s22] =	ssyncset.done $0x0  }
0xfe: {  	[sflag:s22] =	ssyncadd.s32 $0xFFFFF800  }
0xff: {  	_ =	swait.ge [sflag:s17], $0x80  }
0x100: {  	[sflag:s17] =	ssyncset.done $0x0  }
0x101: {  	[sflag:s17] =	ssyncadd.s32 $0xFFFFFF80  }
0x102: {  	_ =	swait.ge [sflag:s17], $0x80  }
0x103: {  	[sflag:s17] =	ssyncset.done $0x0  }
0x104: {  	[sflag:s17] =	ssyncadd.s32 $0xFFFFFF80  }
0x105: {  	_ =	swait.ge [sflag:s17], $0x80  }
0x106: {  	[sflag:s17] =	ssyncset.done $0x0  }
0x107: {  	[sflag:s17] =	ssyncadd.s32 $0xFFFFFF80  }
0x108: {  	_ =	swait.ge [sflag:s17], $0x80  }
0x109: {  	[sflag:s17] =	ssyncset.done $0x0  }
0x10a: {  	[sflag:s17] =	ssyncadd.s32 $0xFFFFFF80  }
0x10b: {  	_ =	swait.ge [sflag:s17], $0x80  }
0x10c: {  	[sflag:s17] =	ssyncset.done $0x0  }
0x10d: {  	[sflag:s17] =	ssyncadd.s32 $0xFFFFFF80  }
0x10e: {  	_ =	swait.ge [sflag:s17], $0x80  }
0x10f: {  	[sflag:s17] =	ssyncset.done $0x0  }
0x110: {  	[sflag:s17] =	ssyncadd.s32 $0xFFFFFF80  }
0x111: {  	_ =	swait.ge [sflag:s17], $0x80  }
0x112: {  	[sflag:s17] =	ssyncset.done $0x0  }
0x113: {  	[sflag:s17] =	ssyncadd.s32 $0xFFFFFF80  }
0x114: {  	_ =	swait.ge [sflag:s17], $0x80  }
0x115: {  	[sflag:s17] =	ssyncset.done $0x0  }
0x116: {  	[sflag:s17] =	ssyncadd.s32 $0xFFFFFF80  }
0x117: {  	_ =	swait.ge [sflag:s17], $0x80  }
0x118: {  	[sflag:s17] =	ssyncset.done $0x0  }
0x119: {  	[sflag:s17] =	ssyncadd.s32 $0xFFFFFF80  }
0x11a: {  	_ =	swait.ge [sflag:s17], $0x80  }
0x11b: {  	[sflag:s17] =	ssyncset.done $0x0  }
0x11c: {  	[sflag:s17] =	ssyncadd.s32 $0xFFFFFF80  }
0x11d: {  	_ =	swait.ge [sflag:s17], $0x80  }
0x11e: {  	[sflag:s17] =	ssyncset.done $0x0  }
0x11f: {  	[sflag:s17] =	ssyncadd.s32 $0xFFFFFF80  }
0x120: {  	_ =	swait.ge [sflag:s17], $0x80  }
0x121: {  	[sflag:s17] =	ssyncset.done $0x0  }
0x122: {  	[sflag:s17] =	ssyncadd.s32 $0xFFFFFF80  }
0x123: {  	_ =	swait.ge [sflag:s17], $0x80  }
0x124: {  	[sflag:s17] =	ssyncset.done $0x0  }
0x125: {  	[sflag:s17] =	ssyncadd.s32 $0xFFFFFF80  }
0x126: {  	_ =	swait.ge [sflag:s17], $0x80  }
0x127: {  	[sflag:s17] =	ssyncset.done $0x0  }
0x128: {  	[sflag:s17] =	ssyncadd.s32 $0xFFFFFF80  }
0x129: {  	_ =	swait.ge [sflag:s17], $0x80  }
0x12a: {  	[sflag:s17] =	ssyncset.done $0x0  }
0x12b: {  	[sflag:s17] =	ssyncadd.s32 $0xFFFFFF80  }
0x12c: {  	s19 =	simm.s32 $0xFFFFD200;
	_ =	swait.ge [sflag:s17], $0x80  }
.LBB2_2:
0x12d: {  	[sflag:s17] =	ssyncset.done $0x0  }
0x12e: {  	[sflag:s17] =	ssyncadd.s32 $0xFFFFFF80  }
0x12f: {  	[spmem:s2] =	stream.indirect.scatter.add.f32 [tilespmem:s25], [sflag:$0x1], $0x1, s23, s24, $0xb8;
	[tilespmem:$0x2AC0] =	vst v63  }
0x130: {  	_ = 	snop  }
0x131: {  	[spmem:s2] =	stream.indirect.scatter.add.f32 [tilespmem:s25], [sflag:$0x1], $0x1, s28, s24, $0xb8;
	[tilespmem:$0x2AC0] =	vst v63  }
0x132: {  	_ = 	snop  }
0x133: {  	[spmem:s2] =	stream.indirect.scatter.add.f32 [tilespmem:s25], [sflag:$0x1], $0x1, s26, s24, $0xb8;
	[tilespmem:$0x2AC0] =	vst v63  }
0x134: {  	_ = 	snop  }
0x135: {  	[spmem:s2] =	stream.indirect.scatter.add.f32 [tilespmem:s25], [sflag:$0x1], $0x1, s29, s24, $0xb8;
	[tilespmem:$0x2AC0] =	vst v63  }
0x136: {  	_ = 	snop  }
0x137: {  	[spmem:s2] =	stream.indirect.scatter.add.f32 [tilespmem:s25], [sflag:$0x1], $0x1, s30, s24, $0xb8;
	[tilespmem:$0x2AC0] =	vst v63  }
0x138: {  	_ = 	snop  }
0x139: {  	[spmem:s2] =	stream.indirect.scatter.add.f32 [tilespmem:s25], [sflag:$0x1], $0x1, s31, s24, $0xb8;
	[tilespmem:$0x2AC0] =	vst v63  }
0x13a: {  	_ = 	snop  }
0x13b: {  	[spmem:s2] =	stream.indirect.scatter.add.f32 [tilespmem:s25], [sflag:$0x1], $0x1, s0, s24, $0xb8;
	[tilespmem:$0x2AC0] =	vst v63  }
0x13c: {  	_ = 	snop  }
0x13d: {  	[spmem:s2] =	stream.indirect.scatter.add.f32 [tilespmem:s25], [sflag:$0x1], $0x1, s1, s24, $0xb8;
	[tilespmem:$0x2AC0] =	vst v63  }
0x13e: {  	_ = 	snop  }
0x13f: {  	[spmem:s2] =	stream.indirect.scatter.add.f32 [tilespmem:s25], [sflag:$0x1], $0x1, s5, s24, $0xb8;
	[tilespmem:$0x2AC0] =	vst v63  }
0x140: {  	_ = 	snop  }
0x141: {  	[spmem:s2] =	stream.indirect.scatter.add.f32 [tilespmem:s25], [sflag:$0x1], $0x1, s6, s24, $0xb8;
	[tilespmem:$0x2AC0] =	vst v63  }
0x142: {  	_ = 	snop  }
0x143: {  	[spmem:s2] =	stream.indirect.scatter.add.f32 [tilespmem:s25], [sflag:$0x1], $0x1, s7, s24, $0xb8;
	[tilespmem:$0x2AC0] =	vst v63  }
0x144: {  	_ = 	snop  }
0x145: {  	[spmem:s2] =	stream.indirect.scatter.add.f32 [tilespmem:s25], [sflag:$0x1], $0x1, s8, s24, $0xb8;
	[tilespmem:$0x2AC0] =	vst v63  }
0x146: {  	_ = 	snop  }
0x147: {  	[spmem:s2] =	stream.indirect.scatter.add.f32 [tilespmem:s25], [sflag:$0x1], $0x1, s9, s24, $0xb8;
	[tilespmem:$0x2AC0] =	vst v63  }
0x148: {  	_ = 	snop  }
0x149: {  	[spmem:s2] =	stream.indirect.scatter.add.f32 [tilespmem:s25], [sflag:$0x1], $0x1, s10, s24, $0xb8;
	[tilespmem:$0x2AC0] =	vst v63  }
0x14a: {  	s4 =	smov.u32 s19;
	s18 =	rddreg [dreg:$0x3]  }
0x14b: {  	[spmem:s2] =	stream.indirect.scatter.add.f32 [tilespmem:s25], [sflag:$0x1], $0x1, s11, s24, $0xb8;
	[tilespmem:$0x2AC0] =	vst v63  }
0x14c: {  	s4 =	sadd.s32 s4, s18  }
0x14d: {  	[spmem:s2] =	stream.indirect.scatter.add.f32 [tilespmem:s25], [sflag:$0x1], $0x1, s12, s24, $0xb8;
	[tilespmem:$0x2AC0] =	vst v63  }
0x14e: {  	s18 =	sadd.s32 $0x3100, s4  }
0x14f: {  	[tilespmem:s13], [sflag:$0x2] =	stream.linear.gather [hbm4b:s18+s3], $0x800, $0x38;
	[tilespmem:$0x2AC0] =	vst v63  }
0x150: {  	_ =	swait.ge [sflag:s22], $0x800  }
0x151: {  	[sflag:s22] =	ssyncset.done $0x0  }
0x152: {  	[sflag:s22] =	ssyncadd.s32 $0xFFFFF800  }
0x153: {  	[spmem:s2] =	stream.indirect.scatter.add.f32 [tilespmem:s25], [sflag:$0x1], $0x1, s13, s24, $0xb8;
	[tilespmem:$0x2AC0] =	vst v63  }
0x154: {  	s18 =	rddreg [dreg:$0x4]  }
0x155: {  	[spmem:s2] =	stream.indirect.scatter.add.f32 [tilespmem:s25], [sflag:$0x1], $0x1, s18, s24, $0xb8;
	[tilespmem:$0x2AC0] =	vst v63  }
0x156: {  	s26 =	rddreg [dreg:$0x5]  }
0x157: {  	[spmem:s2] =	stream.indirect.scatter.add.f32 [tilespmem:s25], [sflag:$0x1], $0x1, s26, s24, $0xb8;
	[tilespmem:$0x2AC0] =	vst v63  }
0x158: {  	s28 =	rddreg [dreg:$0x6]  }
0x159: {  	[spmem:s2] =	stream.indirect.scatter.add.f32 [tilespmem:s25], [sflag:$0x1], $0x1, s28, s24, $0xb8;
	[tilespmem:$0x2AC0] =	vst v63  }
0x15a: {  	s18 =	rddreg [dreg:$0x7]  }
0x15b: {  	[spmem:s2] =	stream.indirect.scatter.add.f32 [tilespmem:s25], [sflag:$0x1], $0x1, s18, s24, $0xb8;
	[tilespmem:$0x2AC0] =	vst v63  }
0x15c: {  	s26 =	rddreg [dreg:$0x8]  }
0x15d: {  	[spmem:s2] =	stream.indirect.scatter.add.f32 [tilespmem:s25], [sflag:$0x1], $0x1, s26, s24, $0xb8;
	[tilespmem:$0x2AC0] =	vst v63  }
0x15e: {  	s28 =	rddreg [dreg:$0x9]  }
0x15f: {  	[spmem:s2] =	stream.indirect.scatter.add.f32 [tilespmem:s25], [sflag:$0x1], $0x1, s28, s24, $0xb8;
	[tilespmem:$0x2AC0] =	vst v63  }
0x160: {  	s18 =	rddreg [dreg:$0xa]  }
0x161: {  	[spmem:s2] =	stream.indirect.scatter.add.f32 [tilespmem:s25], [sflag:$0x1], $0x1, s18, s24, $0xb8;
	[tilespmem:$0x2AC0] =	vst v63  }
0x162: {  	s26 =	rddreg [dreg:$0xb]  }
0x163: {  	[spmem:s2] =	stream.indirect.scatter.add.f32 [tilespmem:s25], [sflag:$0x1], $0x1, s26, s24, $0xb8;
	[tilespmem:$0x2AC0] =	vst v63  }
0x164: {  	s28 =	rddreg [dreg:$0xc]  }
0x165: {  	[spmem:s2] =	stream.indirect.scatter.add.f32 [tilespmem:s25], [sflag:$0x1], $0x1, s28, s24, $0xb8;
	[tilespmem:$0x2AC0] =	vst v63  }
0x166: {  	s18 =	rddreg [dreg:$0xd]  }
0x167: {  	[spmem:s2] =	stream.indirect.scatter.add.f32 [tilespmem:s25], [sflag:$0x1], $0x1, s18, s24, $0xb8;
	[tilespmem:$0x2AC0] =	vst v63  }
0x168: {  	s26 =	rddreg [dreg:$0xe]  }
0x169: {  	[spmem:s2] =	stream.indirect.scatter.add.f32 [tilespmem:s25], [sflag:$0x1], $0x1, s26, s24, $0xb8;
	[tilespmem:$0x2AC0] =	vst v63  }
0x16a: {  	s28 =	rddreg [dreg:$0xf]  }
0x16b: {  	[spmem:s2] =	stream.indirect.scatter.add.f32 [tilespmem:s25], [sflag:$0x1], $0x1, s28, s24, $0xb8;
	[tilespmem:$0x2AC0] =	vst v63  }
0x16c: {  	_ = 	snop  }
0x16d: {  	[spmem:s2] =	stream.indirect.scatter.add.f32 [tilespmem:s25], [sflag:$0x1], $0x1, s14, s24, $0xb8;
	[tilespmem:$0x2AC0] =	vst v63  }
0x16e: {  	_ = 	snop  }
0x16f: {  	[spmem:s2] =	stream.indirect.scatter.add.f32 [tilespmem:s25], [sflag:$0x1], $0x1, s15, s24, $0xb8;
	[tilespmem:$0x2AC0] =	vst v63  }
0x170: {  	_ = 	snop  }
0x171: {  	[spmem:s2] =	stream.indirect.scatter.add.f32 [tilespmem:s25], [sflag:$0x1], $0x1, s16, s24, $0xb8;
	[tilespmem:$0x2AC0] =	vst v63  }
0x172: {  	_ =	swait.ge [sflag:s17], $0x80  }
0x173: {  	[sflag:s17] =	ssyncset.done $0x0  }
0x174: {  	[sflag:s17] =	ssyncadd.s32 $0xFFFFFF80  }
0x175: {  	_ =	swait.ge [sflag:s17], $0x80  }
0x176: {  	[sflag:s17] =	ssyncset.done $0x0  }
0x177: {  	[sflag:s17] =	ssyncadd.s32 $0xFFFFFF80  }
0x178: {  	_ =	swait.ge [sflag:s17], $0x80  }
0x179: {  	[sflag:s17] =	ssyncset.done $0x0  }
0x17a: {  	[sflag:s17] =	ssyncadd.s32 $0xFFFFFF80  }
0x17b: {  	_ =	swait.ge [sflag:s17], $0x80  }
0x17c: {  	[sflag:s17] =	ssyncset.done $0x0  }
0x17d: {  	[sflag:s17] =	ssyncadd.s32 $0xFFFFFF80  }
0x17e: {  	_ =	swait.ge [sflag:s17], $0x80  }
0x17f: {  	[sflag:s17] =	ssyncset.done $0x0  }
0x180: {  	[sflag:s17] =	ssyncadd.s32 $0xFFFFFF80  }
0x181: {  	_ =	swait.ge [sflag:s17], $0x80  }
0x182: {  	[sflag:s17] =	ssyncset.done $0x0  }
0x183: {  	[sflag:s17] =	ssyncadd.s32 $0xFFFFFF80  }
0x184: {  	_ =	swait.ge [sflag:s17], $0x80  }
0x185: {  	[sflag:s17] =	ssyncset.done $0x0  }
0x186: {  	[sflag:s17] =	ssyncadd.s32 $0xFFFFFF80  }
0x187: {  	_ =	swait.ge [sflag:s17], $0x80  }
0x188: {  	[sflag:s17] =	ssyncset.done $0x0  }
0x189: {  	[sflag:s17] =	ssyncadd.s32 $0xFFFFFF80  }
0x18a: {  	_ =	swait.ge [sflag:s17], $0x80  }
0x18b: {  	[sflag:s17] =	ssyncset.done $0x0  }
0x18c: {  	[sflag:s17] =	ssyncadd.s32 $0xFFFFFF80  }
0x18d: {  	_ =	swait.ge [sflag:s17], $0x80  }
0x18e: {  	[sflag:s17] =	ssyncset.done $0x0  }
0x18f: {  	[sflag:s17] =	ssyncadd.s32 $0xFFFFFF80  }
0x190: {  	_ =	swait.ge [sflag:s17], $0x80  }
0x191: {  	[sflag:s17] =	ssyncset.done $0x0  }
0x192: {  	[sflag:s17] =	ssyncadd.s32 $0xFFFFFF80  }
0x193: {  	_ =	swait.ge [sflag:s17], $0x80  }
0x194: {  	[sflag:s17] =	ssyncset.done $0x0  }
0x195: {  	[sflag:s17] =	ssyncadd.s32 $0xFFFFFF80  }
0x196: {  	_ =	swait.ge [sflag:s17], $0x80  }
0x197: {  	[sflag:s17] =	ssyncset.done $0x0  }
0x198: {  	[sflag:s17] =	ssyncadd.s32 $0xFFFFFF80  }
0x199: {  	_ =	swait.ge [sflag:s17], $0x80  }
0x19a: {  	[sflag:s17] =	ssyncset.done $0x0  }
0x19b: {  	[sflag:s17] =	ssyncadd.s32 $0xFFFFFF80  }
0x19c: {  	_ =	swait.ge [sflag:s17], $0x80  }
0x19d: {  	[sflag:s17] =	ssyncset.done $0x0  }
0x19e: {  	[sflag:s17] =	ssyncadd.s32 $0xFFFFFF80  }
0x19f: {  	_ =	swait.ge [sflag:s17], $0x80  }
0x1a0: {  	[sflag:s17] =	ssyncset.done $0x0  }
0x1a1: {  	s4 =	sadd.s32 $0x3200, s4;
	[sflag:s17] =	ssyncadd.s32 $0xFFFFFF80  }
0x1a2: {  	[tilespmem:s23], [sflag:$0x2] =	stream.linear.gather [hbm4b:s4+s3], $0x800, $0x38;
	[tilespmem:$0x2AC0] =	vst v63  }
0x1a3: {  	_ =	swait.ge [sflag:s22], $0x800  }
0x1a4: {  	[sflag:s22] =	ssyncset.done $0x0  }
0x1a5: {  	[sflag:s22] =	ssyncadd.s32 $0xFFFFF800  }
0x1a6: {  	_ =	swait.ge [sflag:s17], $0x80  }
0x1a7: {  	[sflag:s17] =	ssyncset.done $0x0  }
0x1a8: {  	[sflag:s17] =	ssyncadd.s32 $0xFFFFFF80  }
0x1a9: {  	_ =	swait.ge [sflag:s17], $0x80  }
0x1aa: {  	[sflag:s17] =	ssyncset.done $0x0  }
0x1ab: {  	[sflag:s17] =	ssyncadd.s32 $0xFFFFFF80  }
0x1ac: {  	_ =	swait.ge [sflag:s17], $0x80  }
0x1ad: {  	[sflag:s17] =	ssyncset.done $0x0  }
0x1ae: {  	[sflag:s17] =	ssyncadd.s32 $0xFFFFFF80  }
0x1af: {  	_ =	swait.ge [sflag:s17], $0x80  }
0x1b0: {  	[sflag:s17] =	ssyncset.done $0x0  }
0x1b1: {  	[sflag:s17] =	ssyncadd.s32 $0xFFFFFF80  }
0x1b2: {  	_ =	swait.ge [sflag:s17], $0x80  }
0x1b3: {  	[sflag:s17] =	ssyncset.done $0x0  }
0x1b4: {  	[sflag:s17] =	ssyncadd.s32 $0xFFFFFF80  }
0x1b5: {  	_ =	swait.ge [sflag:s17], $0x80  }
0x1b6: {  	[sflag:s17] =	ssyncset.done $0x0  }
0x1b7: {  	[sflag:s17] =	ssyncadd.s32 $0xFFFFFF80  }
0x1b8: {  	_ =	swait.ge [sflag:s17], $0x80  }
0x1b9: {  	[sflag:s17] =	ssyncset.done $0x0  }
0x1ba: {  	[sflag:s17] =	ssyncadd.s32 $0xFFFFFF80  }
0x1bb: {  	_ =	swait.ge [sflag:s17], $0x80  }
0x1bc: {  	[sflag:s17] =	ssyncset.done $0x0  }
0x1bd: {  	[sflag:s17] =	ssyncadd.s32 $0xFFFFFF80  }
0x1be: {  	_ =	swait.ge [sflag:s17], $0x80  }
0x1bf: {  	[sflag:s17] =	ssyncset.done $0x0  }
0x1c0: {  	[sflag:s17] =	ssyncadd.s32 $0xFFFFFF80  }
0x1c1: {  	_ =	swait.ge [sflag:s17], $0x80  }
0x1c2: {  	[sflag:s17] =	ssyncset.done $0x0  }
0x1c3: {  	[sflag:s17] =	ssyncadd.s32 $0xFFFFFF80  }
0x1c4: {  	_ =	swait.ge [sflag:s17], $0x80  }
0x1c5: {  	[sflag:s17] =	ssyncset.done $0x0  }
0x1c6: {  	[sflag:s17] =	ssyncadd.s32 $0xFFFFFF80  }
0x1c7: {  	_ =	swait.ge [sflag:s17], $0x80  }
0x1c8: {  	[sflag:s17] =	ssyncset.done $0x0  }
0x1c9: {  	[sflag:s17] =	ssyncadd.s32 $0xFFFFFF80  }
0x1ca: {  	_ =	swait.ge [sflag:s17], $0x80  }
0x1cb: {  	[sflag:s17] =	ssyncset.done $0x0  }
0x1cc: {  	[sflag:s17] =	ssyncadd.s32 $0xFFFFFF80  }
0x1cd: {  	_ =	swait.ge [sflag:s17], $0x80  }
0x1ce: {  	p0 =	sne.s32 s19, $0xFFFFFE00;
	[sflag:s17] =	ssyncset.done $0x0  }
.Ltmp0:
0x1cf: {  	[sflag:s17] =	ssyncadd.s32 $0xFFFFFF80;
	(pc) =	sbr.rel @p0 .LBB2_2-.Ltmp0, $4  }
0x1d0: {  	_ =	swait.ge [sflag:s17], $0x80  }
0x1d1: {  	[sflag:s17] =	ssyncset.done $0x0  }
0x1d2: {  	s19 =	sadd.s32 $0x200, s19;
	[sflag:s17] =	ssyncadd.s32 $0xFFFFFF80  }
0x1d3: {  	s26 =	simm.s32 $0x1980;
	s28 =	simm.s32 $0x1900;
	_ =	swait.ge [sflag:s17], $0x80  }
0x1d4: {  	[sflag:s17] =	ssyncset.done $0x0  }
0x1d5: {  	[sflag:s17] =	ssyncadd.s32 $0xFFFFFF80  }
0x1d6: {  	[spmem:s2] =	stream.indirect.scatter.add.f32 [tilespmem:s25], [sflag:$0x1], $0x1, s23, s24, $0xb8;
	[tilespmem:$0x2AC0] =	vst v63  }
0x1d7: {  	_ = 	snop  }
0x1d8: {  	[spmem:s2] =	stream.indirect.scatter.add.f32 [tilespmem:s25], [sflag:$0x1], $0x1, s28, s24, $0xb8;
	[tilespmem:$0x2AC0] =	vst v63  }
0x1d9: {  	_ = 	snop  }
0x1da: {  	[spmem:s2] =	stream.indirect.scatter.add.f32 [tilespmem:s25], [sflag:$0x1], $0x1, s26, s24, $0xb8;
	[tilespmem:$0x2AC0] =	vst v63  }
0x1db: {  	_ = 	snop  }
0x1dc: {  	[spmem:s2] =	stream.indirect.scatter.add.f32 [tilespmem:s25], [sflag:$0x1], $0x1, s29, s24, $0xb8;
	[tilespmem:$0x2AC0] =	vst v63  }
0x1dd: {  	_ = 	snop  }
0x1de: {  	[spmem:s2] =	stream.indirect.scatter.add.f32 [tilespmem:s25], [sflag:$0x1], $0x1, s30, s24, $0xb8;
	[tilespmem:$0x2AC0] =	vst v63  }
0x1df: {  	_ = 	snop  }
0x1e0: {  	[spmem:s2] =	stream.indirect.scatter.add.f32 [tilespmem:s25], [sflag:$0x1], $0x1, s31, s24, $0xb8;
	[tilespmem:$0x2AC0] =	vst v63  }
0x1e1: {  	_ = 	snop  }
0x1e2: {  	[spmem:s2] =	stream.indirect.scatter.add.f32 [tilespmem:s25], [sflag:$0x1], $0x1, s0, s24, $0xb8;
	[tilespmem:$0x2AC0] =	vst v63  }
0x1e3: {  	_ = 	snop  }
0x1e4: {  	[spmem:s2] =	stream.indirect.scatter.add.f32 [tilespmem:s25], [sflag:$0x1], $0x1, s1, s24, $0xb8;
	[tilespmem:$0x2AC0] =	vst v63  }
0x1e5: {  	_ = 	snop  }
0x1e6: {  	[spmem:s2] =	stream.indirect.scatter.add.f32 [tilespmem:s25], [sflag:$0x1], $0x1, s5, s24, $0xb8;
	[tilespmem:$0x2AC0] =	vst v63  }
0x1e7: {  	_ = 	snop  }
0x1e8: {  	[spmem:s2] =	stream.indirect.scatter.add.f32 [tilespmem:s25], [sflag:$0x1], $0x1, s6, s24, $0xb8;
	[tilespmem:$0x2AC0] =	vst v63  }
0x1e9: {  	_ = 	snop  }
0x1ea: {  	[spmem:s2] =	stream.indirect.scatter.add.f32 [tilespmem:s25], [sflag:$0x1], $0x1, s7, s24, $0xb8;
	[tilespmem:$0x2AC0] =	vst v63  }
0x1eb: {  	_ = 	snop  }
0x1ec: {  	[spmem:s2] =	stream.indirect.scatter.add.f32 [tilespmem:s25], [sflag:$0x1], $0x1, s8, s24, $0xb8;
	[tilespmem:$0x2AC0] =	vst v63  }
0x1ed: {  	_ = 	snop  }
0x1ee: {  	[spmem:s2] =	stream.indirect.scatter.add.f32 [tilespmem:s25], [sflag:$0x1], $0x1, s9, s24, $0xb8;
	[tilespmem:$0x2AC0] =	vst v63  }
0x1ef: {  	_ = 	snop  }
0x1f0: {  	[spmem:s2] =	stream.indirect.scatter.add.f32 [tilespmem:s25], [sflag:$0x1], $0x1, s10, s24, $0xb8;
	[tilespmem:$0x2AC0] =	vst v63  }
0x1f1: {  	_ = 	snop  }
0x1f2: {  	[spmem:s2] =	stream.indirect.scatter.add.f32 [tilespmem:s25], [sflag:$0x1], $0x1, s11, s24, $0xb8;
	[tilespmem:$0x2AC0] =	vst v63  }
0x1f3: {  	_ = 	snop  }
0x1f4: {  	[spmem:s2] =	stream.indirect.scatter.add.f32 [tilespmem:s25], [sflag:$0x1], $0x1, s12, s24, $0xb8;
	[tilespmem:$0x2AC0] =	vst v63  }
0x1f5: {  	_ =	swait.ge [sflag:s17], $0x80  }
0x1f6: {  	[sflag:s17] =	ssyncset.done $0x0  }
0x1f7: {  	[sflag:s17] =	ssyncadd.s32 $0xFFFFFF80  }
0x1f8: {  	_ =	swait.ge [sflag:s17], $0x80  }
0x1f9: {  	[sflag:s17] =	ssyncset.done $0x0  }
0x1fa: {  	[sflag:s17] =	ssyncadd.s32 $0xFFFFFF80  }
0x1fb: {  	_ =	swait.ge [sflag:s17], $0x80  }
0x1fc: {  	[sflag:s17] =	ssyncset.done $0x0  }
0x1fd: {  	[sflag:s17] =	ssyncadd.s32 $0xFFFFFF80  }
0x1fe: {  	_ =	swait.ge [sflag:s17], $0x80  }
0x1ff: {  	[sflag:s17] =	ssyncset.done $0x0  }
0x200: {  	[sflag:s17] =	ssyncadd.s32 $0xFFFFFF80  }
0x201: {  	_ =	swait.ge [sflag:s17], $0x80  }
0x202: {  	[sflag:s17] =	ssyncset.done $0x0  }
0x203: {  	[sflag:s17] =	ssyncadd.s32 $0xFFFFFF80  }
0x204: {  	_ =	swait.ge [sflag:s17], $0x80  }
0x205: {  	[sflag:s17] =	ssyncset.done $0x0  }
0x206: {  	[sflag:s17] =	ssyncadd.s32 $0xFFFFFF80  }
0x207: {  	_ =	swait.ge [sflag:s17], $0x80  }
0x208: {  	[sflag:s17] =	ssyncset.done $0x0  }
0x209: {  	[sflag:s17] =	ssyncadd.s32 $0xFFFFFF80  }
0x20a: {  	_ =	swait.ge [sflag:s17], $0x80  }
0x20b: {  	[sflag:s17] =	ssyncset.done $0x0  }
0x20c: {  	[sflag:s17] =	ssyncadd.s32 $0xFFFFFF80  }
0x20d: {  	_ =	swait.ge [sflag:s17], $0x80  }
0x20e: {  	[sflag:s17] =	ssyncset.done $0x0  }
0x20f: {  	[sflag:s17] =	ssyncadd.s32 $0xFFFFFF80  }
0x210: {  	_ =	swait.ge [sflag:s17], $0x80  }
0x211: {  	[sflag:s17] =	ssyncset.done $0x0  }
0x212: {  	[sflag:s17] =	ssyncadd.s32 $0xFFFFFF80  }
0x213: {  	_ =	swait.ge [sflag:s17], $0x80  }
0x214: {  	[sflag:s17] =	ssyncset.done $0x0  }
0x215: {  	[sflag:s17] =	ssyncadd.s32 $0xFFFFFF80  }
0x216: {  	_ =	swait.ge [sflag:s17], $0x80  }
0x217: {  	[sflag:s17] =	ssyncset.done $0x0  }
0x218: {  	[sflag:s17] =	ssyncadd.s32 $0xFFFFFF80  }
0x219: {  	_ =	swait.ge [sflag:s17], $0x80  }
0x21a: {  	[sflag:s17] =	ssyncset.done $0x0  }
0x21b: {  	[sflag:s17] =	ssyncadd.s32 $0xFFFFFF80  }
0x21c: {  	_ =	swait.ge [sflag:s17], $0x80  }
0x21d: {  	[sflag:s17] =	ssyncset.done $0x0  }
0x21e: {  	[sflag:s17] =	ssyncadd.s32 $0xFFFFFF80  }
0x21f: {  	_ =	swait.ge [sflag:s17], $0x80  }
0x220: {  	[sflag:s17] =	ssyncset.done $0x0  }
0x221: {  	[sflag:s17] =	ssyncadd.s32 $0xFFFFFF80  }
0x222: {  	_ =	swait.ge [sflag:s17], $0x80  }
0x223: {  	[sflag:s17] =	ssyncset.done $0x0  }
0x224: {  	[sflag:s17] =	ssyncadd.s32 $0xFFFFFF80  }
0x225: {  	[bflag:$0x0] =	sbarrier.arrive $0xFFFF  }
0x226: {  	s26 =	rddreg [dreg:$0x10]  }
0x227: {  	[tilespmem:s21], [sflag:$0x2] =	stream.linear.gather [spmem:s26], $0x1C0, $0x38;
	[tilespmem:$0x2AC0] =	vst v63  }
0x228: {  	_ =	swait.ge [sflag:s22], $0x1C0  }
0x229: {  	[sflag:s22] =	ssyncset.done $0x0  }
0x22a: {  	s4 =	sadd.s32 $0x0, s20;
	[sflag:s22] =	ssyncadd.s32 $0xFFFFFE40  }
0x22b: {  	[hbm4b:s4+s3] =	stream.linear.scatter [tilespmem:s21], [sflag:$0x2], $0x1C0, $0x38;
	[tilespmem:$0x2AC0] =	vst v63  }
0x22c: {  	_ =	swait.ge [sflag:s22], $0x1C0  }
0x22d: {  	s19 =	smov.u32 s26;
	s4 =	simm.s32 $0x38;
	[sflag:s22] =	ssyncset.done $0x0  }
.LBB2_4:
0x22e: {  	p0 =	sne.s32 s4, $0x2D8;
	[sflag:s22] =	ssyncadd.s32 $0xFFFFFE40;
	s19 =	sadd.s32 $0x1C0, s19  }
0x22f: {  	[tilespmem:s21], [sflag:$0x2] =	stream.linear.gather [spmem:s19], $0x1C0, $0x38;
	[tilespmem:$0x2AC0] =	vst v63  }
0x230: {  	s18 =	smov.u32 s4;
	s4 =	sadd.s32 $0x38, s4;
	_ =	swait.ge [sflag:s22], $0x1C0  }
.Ltmp1:
0x231: {  	[sflag:s22] =	ssyncset.done $0x0;
	(pc) =	sbr.rel @p0 .LBB2_4-.Ltmp1, $4  }
0x232: {  	s18 =	sadd.s32 s18, s20;
	[sflag:s22] =	ssyncadd.s32 $0xFFFFFE40  }
0x233: {  	[hbm4b:s18+s3] =	stream.linear.scatter [tilespmem:s21], [sflag:$0x2], $0x1C0, $0x38;
	[tilespmem:$0x2AC0] =	vst v63  }
0x234: {  	_ =	swait.ge [sflag:s22], $0x1C0  }
0x235: {  	[sflag:s22] =	ssyncset.done $0x0  }
0x236: {  	s18 =	sld [smem:$0x7FD];
	_ =	sdelay $0x2  }
0x237: {  	s4 =	rddreg [dreg:$0x12];
	s18 =	sadd.s32 $0x1, s18  }
0x238: {  	p0 =	sne.s32 s18, s4  }
.Ltmp2:
0x239: {  	_ = 	snop;
	(pc) =	sbr.rel @p0 .LBB2_1-.Ltmp2, $2  }
0x23a: {  	_ =	sdelay $0x2  }
0x23b: {  	[sflag:s22] =	ssyncadd.s32 $0xFFFFFE40  }
0x23c: {  	_ =	sfence.sel $0x180000  }
0x23d: {  	[bflag:$0x0] =	sbarrier.arrive $0xFFFF  }
0x23e: {  	_ =	strace $0x90000047  }
0x23f: {  	s0 =	stileid.u32;
	[bflag:$0x2] =	sbarrier.arrive $0xFFFF  }
0x240: {  	p0 =	sne.s32 s0, $0x0;
	s0 =	rddreg [dreg:$0x2]  }
0x241: {  	s0 =	sadd.s32 @!p0 $0x100000, s0  }
0x242: {  	[sflag:s0] =	ssyncadd.tile.s32 @!p0 $0x1;
	_ =	shalt  }
.Lfunc_end2:
_tile_overlayer_lowered:
.L_overlay_start_2:
0x243: {  	(tag) =	ssettag $0x2  }
0x244: {  	s0 =	rddreg [dreg:$0x0];
	s2 =	stileid.u32  }
0x245: {  	s1 =	rddreg [dreg:$0x1];
	p0 =	sne.s32 s2, $0x0  }
0x246: {  	s3 =	rddreg [dreg:$0x2];
	[bflag:$0x3] =	sbarrier.arrive $0xFFFF;
	s2 =	simm.s32 @!p0 $0x1C02  }
0x247: {  	[timem:s3], [sflag:s2] =	dma.local @!p0 [hbm:s0], s1  }
0x248: {  	s0 =	simm.s32 @!p0 $0x2  }
0x249: {  	_ =	swait.ge @!p0 [sflag:s0], s1  }
0x24a: {  	s1 =	ssub.s32 @!p0 $0x0, s1;
	[sflag:s0] =	ssyncset.done @!p0 $0x0  }
0x24b: {  	[sflag:s0] =	ssyncadd.s32 @!p0 s1  }
0x24c: {  	[bflag:$0x3] =	sbarrier.arrive $0xFFFF  }
0x24d: {  	_ =	shalt  }

// kernel: kernel.9.cloned.1.call-start
scs
__scs_entry_jumppad:
0x0: {  	(pc) =	sbr.rel $0x88, $3  }
0x1: {  	(tag) =	ssettag $0x0;
	lr =	simm.s32 $0x1  }
0x2: {  	[smem:$0x3F96] =	sst lr;
	_ =	strace $0xD0000000  }
0x3: {  	_ = 	snop  }
0x4: {  	_ = 	snop  }
0x5: {  	_ = 	snop  }
0x6: {  	_ = 	snop  }
0x7: {  	_ = 	snop  }
__scs_overlays_trampoline_lowered:
0x8: {  	[smem:$0x3FA5] =	sst s0  }
0x9: {  	[smem:$0x3FA6] =	sst s1  }
0xa: {  	[smem:$0x3FA7] =	sst s2  }
0xb: {  	[smem:$0x3FA8] =	sst s3  }
0xc: {  	[smem:$0x3FA9] =	sst s4  }
0xd: {  	[smem:$0x3FAA] =	sst s5  }
0xe: {  	[smem:$0x3FAB] =	sst s6  }
0xf: {  	[smem:$0x3FAC] =	sst s7  }
0x10: {  	[smem:$0x3FAD] =	sst s8  }
0x11: {  	[smem:$0x3FAE] =	sst s9;
	s0 =	simm.s32 @!p0 $0x0  }
0x12: {  	s1 =	sld [smem:$0x3F94];
	s0 =	simm.s32 @p0 $0x1  }
0x13: {  	[smem:$0x3FAF] =	sst s0;
	s0 =	simm.s32 @!p1 $0x0  }
0x14: {  	s2 =	sld [smem:$0x3F93];
	s0 =	simm.s32 @p1 $0x1  }
0x15: {  	[smem:$0x3FB0] =	sst s0;
	s0 =	simm.s32 @!p2 $0x0  }
0x16: {  	s3 =	sld [smem:$0x3FDB];
	s0 =	simm.s32 @p2 $0x1  }
0x17: {  	s4 =	simm.s32 $0x1BF5;
	[smem:$0x3FB2] =	sst s0  }
0x18: {  	s0 =	sld [smem:$0x3F95];
	_ =	swait.ge [sflag:s4], $0x0  }
0x19: {  	s7 =	sld [smem:$0x3F96]  }
0x1a: {  	s8 =	sadd.s32 $0xFFFFE003, lr  }
0x1b: {  	s9 =	sadd.s32 $0xFFFFFEF7, lr;
	s5 =	simm.s32 $0xFFFFFFFF;
	p2 =	slt.u32 s8, $0xFFFFF086  }
0x1c: {  	p1 =	slt.u32 s9, $0xF7A;
	s5 =	simm.s32 @!p2 $0x0  }
0x1d: {  	s5 =	simm.s32 @p1 $0x1;
	p0 =	seq.s32 s7, s2  }
0x1e: {  	s7 =	smul.u32 @!p0 $0xF7A, s2;
	p2 =	seq.s32 @!p0 s5, $0x0  }
0x1f: {  	s9 =	smul.u32 $0xF7A, s1;
	s8 =	simm.s32 @!p0 $0x1BF5;
	p2 =	por !p2, p0  }
0x20: {  	[sflag:s8] =	ssyncset.s32 @!p0 $0xFFFFF086;
	s6 =	sadd.s32 @!p0 s3, s7;
	s7 =	simm.s32 @!p0 $0x108  }
0x21: {  	s3 =	sadd.s32 s3, s9;
	s6 =	sadd.s32 @!p0 $0x88, s6;
	s7 =	simm.s32 @p2 $0x1082  }
0x22: {  	[simem:s7], [sflag:s8] =	dma.local @!p0 [hbm:s6], $0xF7A  }
0x23: {  	s9 =	sor.u32 $0xD0000000, s2;
	s6 =	simm.s32 $0x108;
	_ =	swait.ge @!p0 [sflag:s8], $0x0  }
0x24: {  	s3 =	sadd.s32 $0x88, s3;
	s6 =	simm.s32 @!p1 $0x1082;
	[sflag:s4] =	ssyncset.s32 $0xFFFFF086  }
0x25: {  	[simem:s6], [sflag:s4] =	dma.local [hbm:s3], $0xF7A  }
0x26: {  	[smem:$0x3F96] =	sst s1;
	(tag) =	ssettag s2;
	_ =	strace s9  }
0x27: {  	s1 =	sld [smem:$0x3FA6]  }
0x28: {  	s2 =	sld [smem:$0x3FA7]  }
0x29: {  	s4 =	sld [smem:$0x3FA9]  }
0x2a: {  	p0 =	seq.s32 s5, $0x0;
	s5 =	sld [smem:$0x3FAA]  }
0x2b: {  	s6 =	sld [smem:$0x3FAB]  }
0x2c: {  	s7 =	sld [smem:$0x3FAC]  }
0x2d: {  	s3 =	simm.s32 $0x108;
	s8 =	sld [smem:$0x3FAD]  }
0x2e: {  	s3 =	simm.s32 @!p0 $0x1082;
	s9 =	sld [smem:$0x3FAE]  }
0x2f: {  	lr =	sadd.s32 s0, s3;
	s0 =	sld [smem:$0x3FA5]  }
0x30: {  	s3 =	sld [smem:$0x3FA8]  }
0x31: {  	[smem:$0x3FB1] =	sst s10  }
0x32: {  	s10 =	sld [smem:$0x3FAF];
	_ =	sdelay $0x3  }
0x33: {  	p0 =	seq.s32 s10, $0x1;
	s10 =	sld [smem:$0x3FB1];
	_ =	sdelay $0x3  }
0x34: {  	[smem:$0x3FB1] =	sst s10  }
0x35: {  	s10 =	sld [smem:$0x3FB0];
	_ =	sdelay $0x3  }
0x36: {  	p1 =	seq.s32 s10, $0x1;
	s10 =	sld [smem:$0x3FB1];
	_ =	sdelay $0x3  }
0x37: {  	[smem:$0x3FB1] =	sst s10  }
0x38: {  	s10 =	sld [smem:$0x3FB2]  }
0x39: {  	_ = 	snop;
	(pc) =	sbr.ind lr, $3  }
0x3a: {  	_ = 	snop  }
0x3b: {  	_ = 	snop  }
0x3c: {  	p2 =	seq.s32 s10, $0x1;
	s10 =	sld [smem:$0x3FB1]  }
0x3d: {  	_ =	shalt  }
0x3e: {  	_ =	shalt  }
0x3f: {  	_ =	shalt  }
0x40: {  	_ =	shalt  }
0x41: {  	_ =	shalt  }
0x42: {  	_ =	shalt  }
0x43: {  	_ =	shalt  }
0x44: {  	_ =	shalt  }
0x45: {  	_ =	shalt  }
0x46: {  	_ =	shalt  }
0x47: {  	_ =	shalt  }
0x48: {  	_ =	shalt  }
0x49: {  	_ =	shalt  }
0x4a: {  	_ =	shalt  }
0x4b: {  	_ =	shalt  }
0x4c: {  	_ =	shalt  }
0x4d: {  	_ =	shalt  }
0x4e: {  	_ =	shalt  }
0x4f: {  	_ =	shalt  }
0x50: {  	_ =	shalt  }
0x51: {  	_ =	shalt  }
0x52: {  	_ =	shalt  }
0x53: {  	_ =	shalt  }
0x54: {  	_ =	shalt  }
0x55: {  	_ =	shalt  }
0x56: {  	_ =	shalt  }
0x57: {  	_ =	shalt  }
0x58: {  	_ =	shalt  }
0x59: {  	_ =	shalt  }
0x5a: {  	_ =	shalt  }
0x5b: {  	_ =	shalt  }
0x5c: {  	_ =	shalt  }
0x5d: {  	_ =	shalt  }
0x5e: {  	_ =	shalt  }
0x5f: {  	_ =	shalt  }
0x60: {  	_ =	shalt  }
0x61: {  	_ =	shalt  }
0x62: {  	_ =	shalt  }
0x63: {  	_ =	shalt  }
0x64: {  	_ =	shalt  }
0x65: {  	_ =	shalt  }
0x66: {  	_ =	shalt  }
0x67: {  	_ =	shalt  }
0x68: {  	_ =	shalt  }
0x69: {  	_ =	shalt  }
0x6a: {  	_ =	shalt  }
0x6b: {  	_ =	shalt  }
0x6c: {  	_ =	shalt  }
0x6d: {  	_ =	shalt  }
0x6e: {  	_ =	shalt  }
0x6f: {  	_ =	shalt  }
0x70: {  	_ =	shalt  }
0x71: {  	_ =	shalt  }
0x72: {  	_ =	shalt  }
0x73: {  	_ =	shalt  }
0x74: {  	_ =	shalt  }
0x75: {  	_ =	shalt  }
0x76: {  	_ =	shalt  }
0x77: {  	_ =	shalt  }
0x78: {  	_ =	shalt  }
0x79: {  	_ =	shalt  }
0x7a: {  	_ =	shalt  }
0x7b: {  	_ =	shalt  }
0x7c: {  	_ =	shalt  }
0x7d: {  	_ =	shalt  }
0x7e: {  	_ =	shalt  }
0x7f: {  	_ =	shalt  }
0x80: {  	_ =	shalt  }
0x81: {  	_ =	shalt  }
0x82: {  	_ =	shalt  }
0x83: {  	_ =	shalt  }
0x84: {  	_ =	shalt  }
0x85: {  	_ =	shalt  }
0x86: {  	_ =	shalt  }
0x87: {  	_ =	shalt  }
.Lfunc_end0:
.L_simem_size_0:
called_computation.1_lowered:
.L_overlay_start_0:
0x88: {  	s2 =	sld [smem:$0x3FD9]  }
0x89: {  	s3 =	sld [smem:$0x3FFE];
	_ =	sdelay $0x1  }
0x8a: {  	s1 =	srdreg.scid  }
0x8b: {  	s0 =	sand.u32 $0x1, s1  }
0x8c: {  	s16 =	sshll.u32 s0, $0xA;
	s2 =	sadd.s32 s3, s2  }
0x8d: {  	s2 =	sadd.s32 s2, s16  }
0x8e: {  	[smem:$0x3FBD] =	sst s2  }
0x8f: {  	_ = 	snop  }
0x90: {  	(tm) =	ssettm $0x1  }
0x91: {  	s17 =	sld [smem:$0x3FFB];
	_ =	sdelay $0x3  }
0x92: {  	_ =	strace s17  }
0x93: {  	s2 =	sld [smem:$0x3FFC];
	_ =	sdelay $0x3  }
0x94: {  	_ =	strace s2  }
0x95: {  	s2 =	sld [smem:$0x3FFD];
	_ =	sdelay $0x3  }
0x96: {  	_ =	strace s2  }
0x97: {  	_ =	strace $0x8FFFFFFF  }
0x98: {  	s18 =	sld [smem:$0x3FDB];
	_ =	sdelay $0x1  }
0x99: {  	s19 =	simm.s32 $_scs_section_size  }
0x9a: {  	s4 =	simm.s32 $_size__tile_overlayer_lowered;
	s5 =	simm.s32 $_tile_overlayer_lowered  }
0x9b: {  	s22 =	simm.s32 $0x1BFF;
	s21 =	sshll.u32 s5, $0x1;
	s2 =	sadd.s32 s19, s18  }
0x9c: {  	s6 =	simm.s32 $0x0;
	s20 =	sshll.u32 s4, $0x1;
	s4 =	sadd.s32 s21, s2  }
0x9d: {  	[timem:s6], [sflag:s22] =	dma.local [hbm:s4], s20  }
0x9e: {  	_ =	swait.ge [sflag:s22], s20  }
0x9f: {  	s3 =	ssub.s32 $0x0, s20;
	[sflag:s22] =	ssyncset.done $0x0  }
0xa0: {  	[sflag:s22] =	ssyncadd.s32 s3;
	_ =	sdelay $0x1  }
0xa1: {  	s23 =	simm.s32 $0x1B8B  }
0xa2: {  	_ =	swait.ge [sflag:s23], $0x1  }
0xa3: {  	[sflag:s23] =	ssyncset.done $0x0  }
0xa4: {  	s25 =	simm.s32 $0x1B8E;
	s24 =	sld [smem:$0x3FFE];
	[sflag:s23] =	ssyncadd.s32 $0xFFFFFFFF  }
0xa5: {  	s26 =	simm.s32 $execute0_lowered;
	[smem:$0x3FD2] =	sst s25  }
0xa6: {  	s4 =	sshll.u32 s26, $0x1;
	_ =	strace $0x80000049;
	[dreg:$0x1] =	wrdreg $0xFFFFFFFF  }
0xa7: {  	s28 =	simm.s32 $_size_execute0_lowered;
	s2 =	sadd.s32 s2, s4;
	[dreg:$0x0] =	wrdreg $0x0  }
0xa8: {  	s4 =	sshll.u32 s28, $0x1;
	[dreg:$0x2] =	wrdreg s2  }
0xa9: {  	[dreg:$0x3] =	wrdreg s4  }
0xaa: {  	[dreg:$0x4] =	wrdreg $0xC0  }
0xab: {  	_ =	task [dreg:s6], $0x5FFFF  }
0xac: {  	[dreg:$0x1] =	wrdreg $0xFFFFFFFF  }
0xad: {  	[dreg:$0x0] =	wrdreg $0x60  }
0xae: {  	[dreg:$0x2] =	wrdreg s24  }
0xaf: {  	[dreg:$0x3] =	wrdreg $0xC4000  }
0xb0: {  	[dreg:$0x4] =	wrdreg $0x188000  }
0xb1: {  	[dreg:$0x5] =	wrdreg $0x0  }
0xb2: {  	[dreg:$0x6] =	wrdreg $0x1A0800  }
0xb3: {  	[dreg:$0x7] =	wrdreg $0x9  }
0xb4: {  	_ =	task.clear_ibuf [dreg:s6], $0x8FFFF;
	_ =	strace $0x90000049  }
0xb5: {  	s29 =	simm.s32 $0x9;
	_ =	strace $0x8000004B  }
0xb6: {  	_ =	swait.ge [sflag:s29], $0x1  }
0xb7: {  	[sflag:s29] =	ssyncadd.s32 $0xFFFFFFFF  }
0xb8: {  	_ =	strace $0x9000004B  }
0xb9: {  	_ =	sfence  }
0xba: {  	s30 =	sld [smem:$0x0];
	_ =	sdelay $0x2  }
0xbb: {  	s31 =	sshll.u32 s1, $0xD;
	s1 =	sshrl.u32 s1, $0x2  }
0xbc: {  	s3 =	sand.u32 $0x4000, s31;
	s1 =	sadd.s32 s1, s30  }
0xbd: {  	s0 =	sor.u32 s3, s0;
	s1 =	sshll.u32 s1, $0x11  }
0xbe: {  	s0 =	sor.u32 s1, s0  }
0xbf: {  	s0 =	sadd.s32 $0x8F2B, s0  }
0xc0: {  	[sflag:s0] =	ssyncadd.remote.s32 $0x1  }
0xc1: {  	_ =	sfence.sel $0xFFFF  }
0xc2: {  	[dreg:$0x0] =	wrdreg $0xFFFFFFFF;
	(pc) =	sbr.abs _section_cstart, $3  }
0xc3: {  	[dreg:$0x1] =	wrdreg $0xFFFFFFFF  }
0xc4: {  	_ =	task.clear_ibuf [dreg:s6], $0x2FFFF;
	_ =	strace $0x9FFFFFFF  }
0xc5: {  	(tm) =	ssettm $0x7FFFFFFF  }
tec
execute0_lowered:
.L_overlay_start_1:
0x0: {  	(tag) =	ssettag $0x1  }
0x1: {  	s2 =	rddreg [dreg:$0x0]  }
0x2: {  	s1 =	rddreg [dreg:$0x1]  }
0x3: {  	s4 =	rddreg [dreg:$0x2]  }
0x4: {  	s3 =	srdreg.scid;
	s14 =	stileid.u32  }
0x5: {  	s5 =	rddreg [dreg:$0x3];
	s8 =	smul.u32 $0x1880, s14  }
0x6: {  	s31 =	rddreg [dreg:$0x4];
	s9 =	smul.u32 $0x310, s14  }
0x7: {  	s30 =	simm.s32 $0x0;
	s17 =	simm.s32 $0x1E500;
	s20 =	smul.u32 $0x6200, s14  }
0x8: {  	s18 =	simm.s32 $0x5;
	s19 =	simm.s32 $0x1F300;
	s13 =	smul.u32 $0x31000, s14  }
0x9: {  	s3 =	sand.u32 $0x1, s3;
	[smem:$0x7FF] =	sst s30;
	s23 =	smul.u32 $0x3100, s14  }
0xa: {  	s12 =	sadd.s32 $0x252200, s2;
	s14 =	simm.s32 $0x3;
	s7 =	smul.u32 $0x31000, s3  }
0xb: {  	s10 =	smul.u32 $0x18800, s3;
	_ =	strace $0x8000004A;
	[dreg:$0x8] =	wrdreg s12  }
0xc: {  	s3 =	ssub.s32 $0x2, s3;
	s11 =	sadd.s32 s8, s2;
	s9 =	sadd.s32 s9, s2  }
0xd: {  	s21 =	sshrl.u32 s3, $0x1;
	s22 =	sshrl.u32 s20, $0x2;
	s24 =	sshrl.u32 s13, $0x2  }
0xe: {  	s7 =	sadd.s32 s7, s2;
	s8 =	sadd.s32 s10, s8;
	s13 =	sadd.s32 s24, s1  }
0xf: {  	s3 =	ssub.s32 s3, s21;
	s25 =	sadd.s32 $0x3DBC00, s11;
	[dreg:$0xb] =	wrdreg s13  }
0x10: {  	s16 =	sadd.s32 s22, s4;
	s9 =	sadd.s32 $0x24F000, s9;
	[dreg:$0xc] =	wrdreg s25  }
0x11: {  	s29 =	sadd.s32 s10, s11;
	s11 =	simm.s32 $0x4;
	[dreg:$0xd] =	wrdreg s9  }
0x12: {  	s8 =	sshrl.u32 s8, $0x3;
	s3 =	smax.u32 s3, $0x1;
	[dreg:$0xa] =	wrdreg s16  }
0x13: {  	s2 =	sadd.s32 s8, s2;
	[dreg:$0x9] =	wrdreg s3;
	s8 =	sadd.s32 s22, s31  }
0x14: {  	s7 =	sadd.s32 s23, s7;
	s3 =	sadd.s32 s24, s5;
	[dreg:$0xe] =	wrdreg s8  }
0x15: {  	s10 =	simm.s32 $0x0;
	s26 =	sadd.s32 $0x65000, s7;
	[dreg:$0xf] =	wrdreg s3  }
0x16: {  	s28 =	sadd.s32 $0x3000, s7;
	s22 =	simm.s32 $0x80;
	[dreg:$0x6] =	wrdreg s26  }
0x17: {  	[dreg:$0x7] =	wrdreg s28;
	s15 =	sadd.s32 $0xF8000, s2;
	s2 =	sadd.s32 $0xC7000, s29  }
0x18: {  	s7 =	simm.s32 $0x1;
	s3 =	simm.s32 $0x1BD00;
	[dreg:$0x11] =	wrdreg s2  }
0x19: {  	v0 =	vimm.f32 $0.0e+00;
	s8 =	simm.s32 $0x2;
	s2 =	simm.s32 $0x1B900;
	[dreg:$0x10] =	wrdreg s15  }
.LBB2_1:
0x1a: {  	[tilespmem:$0x1F300] =	vst v0  }
0x1b: {  	[tilespmem:$0x1F310] =	vst v0  }
0x1c: {  	[tilespmem:$0x1F320] =	vst v0  }
0x1d: {  	[tilespmem:$0x1F330] =	vst v0  }
0x1e: {  	[tilespmem:$0x1F340] =	vst v0  }
0x1f: {  	[tilespmem:$0x1F350] =	vst v0  }
0x20: {  	[tilespmem:$0x1F360] =	vst v0  }
0x21: {  	[tilespmem:$0x1F370] =	vst v0  }
0x22: {  	[tilespmem:$0x1F380] =	vst v0  }
0x23: {  	[tilespmem:$0x1F390] =	vst v0  }
0x24: {  	[tilespmem:$0x1F3A0] =	vst v0  }
0x25: {  	[tilespmem:$0x1F3B0] =	vst v0  }
0x26: {  	[tilespmem:$0x1F3C0] =	vst v0  }
0x27: {  	[tilespmem:$0x1F3D0] =	vst v0  }
0x28: {  	[tilespmem:$0x1F3E0] =	vst v0  }
0x29: {  	[tilespmem:$0x1F3F0] =	vst v0  }
0x2a: {  	[tilespmem:$0x1F400] =	vst v0  }
0x2b: {  	[tilespmem:$0x1F410] =	vst v0  }
0x2c: {  	[tilespmem:$0x1F420] =	vst v0  }
0x2d: {  	[tilespmem:$0x1F430] =	vst v0  }
0x2e: {  	[tilespmem:$0x1F440] =	vst v0  }
0x2f: {  	[tilespmem:$0x1F450] =	vst v0  }
0x30: {  	[tilespmem:$0x1F460] =	vst v0  }
0x31: {  	[tilespmem:$0x1F470] =	vst v0  }
0x32: {  	[tilespmem:$0x1F480] =	vst v0  }
0x33: {  	[tilespmem:$0x1F490] =	vst v0  }
0x34: {  	[dreg:$0x12] =	wrdreg s10;
	[tilespmem:$0x1F4A0] =	vst v0  }
0x35: {  	[tilespmem:$0x1F4B0] =	vst v0;
	s9 =	rddreg [dreg:$0x8]  }
0x36: {  	[tilespmem:s17], [sflag:$0x5] =	stream.linear.gather [hbm4b:s9+s30], $0xE00, $0x38;
	[tilespmem:$0x1F4C0] =	vst v63  }
0x37: {  	_ =	swait.ge [sflag:s18], $0xE00  }
0x38: {  	[sflag:s18] =	ssyncset.done $0x0  }
0x39: {  	s12 =	rddreg [dreg:$0xb];
	[sflag:s18] =	ssyncadd.s32 $0xFFFFF200  }
0x3a: {  	[spmem:s12] =	stream.linear.scatter [tilespmem:s17], [sflag:$0x5], $0xE00, $0x38;
	[tilespmem:$0x1F4C0] =	vst v63  }
0x3b: {  	_ =	swait.ge [sflag:s18], $0xE00  }
0x3c: {  	[sflag:s18] =	ssyncset.done $0x0  }
0x3d: {  	s29 =	sadd.s32 $0x0, s16;
	[sflag:s18] =	ssyncadd.s32 $0xFFFFF200  }
0x3e: {  	[spmem:s29] =	stream.linear.scatter [tilespmem:s19], [sflag:$0x5], $0x1C0, $0x38;
	[tilespmem:$0x1F4C0] =	vst v63  }
0x3f: {  	_ =	swait.ge [sflag:s18], $0x1C0  }
0x40: {  	s10 =	simm.s32 $0x700;
	[sflag:s18] =	ssyncset.done $0x0  }
.LBB2_2:
0x41: {  	p0 =	sne.s32 s10, $0x5B00;
	[sflag:s18] =	ssyncadd.s32 $0xFFFFFE40;
	s12 =	sadd.s32 $0xE00, s12  }
0x42: {  	[spmem:s12] =	stream.linear.scatter [tilespmem:s17], [sflag:$0x5], $0xE00, $0x38;
	[tilespmem:$0x1F4C0] =	vst v63  }
0x43: {  	s13 =	smov.u32 s10;
	s10 =	sadd.s32 $0x700, s10;
	_ =	swait.ge [sflag:s18], $0xE00  }
.Ltmp0:
0x44: {  	s13 =	sshra.s32 s13, $0x2;
	[sflag:s18] =	ssyncset.done $0x0;
	(pc) =	sbr.rel @p0 .LBB2_2-.Ltmp0, $4  }
0x45: {  	s13 =	sadd.s32 s13, s16;
	[sflag:s18] =	ssyncadd.s32 $0xFFFFF200  }
0x46: {  	[spmem:s13] =	stream.linear.scatter [tilespmem:s19], [sflag:$0x5], $0x1C0, $0x38;
	[tilespmem:$0x1F4C0] =	vst v63  }
0x47: {  	_ =	swait.ge [sflag:s18], $0x1C0  }
0x48: {  	[sflag:s18] =	ssyncset.done $0x0  }
0x49: {  	[sflag:s18] =	ssyncadd.s32 $0xFFFFFE40;
	s9 =	rddreg [dreg:$0xc]  }
0x4a: {  	[tilespmem:s17], [sflag:$0x5] =	stream.linear.gather [hbm4b:s9+s30], $0xE00, $0x38;
	[tilespmem:$0x1F4C0] =	vst v63  }
0x4b: {  	_ =	swait.ge [sflag:s18], $0xE00  }
0x4c: {  	[sflag:s18] =	ssyncset.done $0x0  }
0x4d: {  	s16 =	rddreg [dreg:$0xf];
	[sflag:s18] =	ssyncadd.s32 $0xFFFFF200  }
0x4e: {  	[spmem:s16] =	stream.linear.scatter [tilespmem:s17], [sflag:$0x5], $0xE00, $0x38;
	[tilespmem:$0x1F4C0] =	vst v63  }
0x4f: {  	_ =	swait.ge [sflag:s18], $0xE00  }
0x50: {  	[sflag:s18] =	ssyncset.done $0x0;
	s15 =	rddreg [dreg:$0xd]  }
0x51: {  	[sflag:s18] =	ssyncadd.s32 $0xFFFFF200;
	s10 =	sadd.s32 $0x0, s15  }
0x52: {  	[tilespmem:s19], [sflag:$0x5] =	stream.linear.gather [hbm4b:s10+s30], $0x1C0, $0x38;
	[tilespmem:$0x1F4C0] =	vst v63  }
0x53: {  	_ =	swait.ge [sflag:s18], $0x1C0  }
0x54: {  	[sflag:s18] =	ssyncset.done $0x0  }
0x55: {  	s12 =	rddreg [dreg:$0xe];
	[sflag:s18] =	ssyncadd.s32 $0xFFFFFE40  }
0x56: {  	[spmem:s12] =	stream.linear.scatter [tilespmem:s19], [sflag:$0x5], $0x1C0, $0x38;
	[tilespmem:$0x1F4C0] =	vst v63  }
0x57: {  	s13 =	simm.s32 $0x38;
	_ =	swait.ge [sflag:s18], $0x1C0  }
0x58: {  	s16 =	sadd.s32 $0xE00, s16;
	s10 =	smov.u32 s9;
	[sflag:s18] =	ssyncset.done $0x0  }
.LBB2_4:
0x59: {  	[sflag:s18] =	ssyncadd.s32 $0xFFFFFE40  }
0x5a: {  	s10 =	sadd.s32 $0x1C0, s10;
	s12 =	sadd.s32 $0x1C0, s12;
	s9 =	smov.u32 s13  }
0x5b: {  	[tilespmem:s17], [sflag:$0x5] =	stream.linear.gather [hbm4b:s10+s30], $0xE00, $0x38;
	[tilespmem:$0x1F4C0] =	vst v63  }
0x5c: {  	p0 =	sne.s32 s13, $0x2D8;
	s13 =	sadd.s32 $0x38, s13;
	_ =	swait.ge [sflag:s18], $0xE00  }
0x5d: {  	[sflag:s18] =	ssyncset.done $0x0  }
0x5e: {  	[sflag:s18] =	ssyncadd.s32 $0xFFFFF200  }
0x5f: {  	[spmem:s16] =	stream.linear.scatter [tilespmem:s17], [sflag:$0x5], $0xE00, $0x38;
	[tilespmem:$0x1F4C0] =	vst v63  }
0x60: {  	_ =	swait.ge [sflag:s18], $0xE00  }
0x61: {  	[sflag:s18] =	ssyncset.done $0x0  }
0x62: {  	s9 =	sadd.s32 s9, s15;
	[sflag:s18] =	ssyncadd.s32 $0xFFFFF200  }
0x63: {  	[tilespmem:s19], [sflag:$0x5] =	stream.linear.gather [hbm4b:s9+s30], $0x1C0, $0x38;
	[tilespmem:$0x1F4C0] =	vst v63  }
0x64: {  	_ =	swait.ge [sflag:s18], $0x1C0  }
.Ltmp1:
0x65: {  	[sflag:s18] =	ssyncset.done $0x0;
	(pc) =	sbr.rel @p0 .LBB2_4-.Ltmp1, $4  }
0x66: {  	[sflag:s18] =	ssyncadd.s32 $0xFFFFFE40  }
0x67: {  	[spmem:s12] =	stream.linear.scatter [tilespmem:s19], [sflag:$0x5], $0x1C0, $0x38;
	[tilespmem:$0x1F4C0] =	vst v63  }
0x68: {  	_ =	swait.ge [sflag:s18], $0x1C0  }
0x69: {  	s16 =	sadd.s32 $0xE00, s16;
	[sflag:s18] =	ssyncset.done $0x0  }
0x6a: {  	[sflag:s18] =	ssyncadd.s32 $0xFFFFFE40  }
0x6b: {  	[bflag:$0x0] =	sbarrier.arrive $0xFFFF  }
0x6c: {  	s9 =	rddreg [dreg:$0x6]  }
0x6d: {  	s9 =	sadd.s32 $0x0, s9  }
0x6e: {  	[tilespmem:s2], [sflag:$0x5] =	stream.linear.gather [hbm4b:s9+s30], $0x400, $0x38;
	[tilespmem:$0x1F4C0] =	vst v63  }
0x6f: {  	_ =	swait.ge [sflag:s18], $0x400  }
0x70: {  	s12 =	rddreg [dreg:$0x7];
	[sflag:s18] =	ssyncset.done $0x0  }
0x71: {  	[sflag:s18] =	ssyncadd.s32 $0xFFFFFC00;
	s9 =	sadd.s32 $0x0, s12  }
0x72: {  	[tilespmem:s3], [sflag:$0x5] =	stream.linear.gather [hbm4b:s9+s30], $0x400, $0x38;
	[tilespmem:$0x1F4C0] =	vst v63  }
0x73: {  	_ =	swait.ge [sflag:s18], $0x400  }
0x74: {  	[sflag:s18] =	ssyncset.done $0x0  }
0x75: {  	s0 =	simm.s32 $0x1C100;
	[sflag:s18] =	ssyncadd.s32 $0xFFFFFC00  }
0x76: {  	[tilespmem:s0], [sflag:$0x1] =	stream.indirect.gather [spmem:s5], $0x8, s2, s22, $0xb8;
	[tilespmem:$0x1F4C0] =	vst v63  }
0x77: {  	s13 =	simm.s32 $0x1B980;
	s25 =	simm.s32 $0x1C500  }
0x78: {  	[tilespmem:s25], [sflag:$0x1] =	stream.indirect.gather [spmem:s5], $0x8, s13, s22, $0xb8;
	[tilespmem:$0x1F4C0] =	vst v63  }
0x79: {  	s15 =	simm.s32 $0x1BA00;
	s16 =	simm.s32 $0x1C900  }
0x7a: {  	[tilespmem:s16], [sflag:$0x1] =	stream.indirect.gather [spmem:s5], $0x8, s15, s22, $0xb8;
	[tilespmem:$0x1F4C0] =	vst v63  }
0x7b: {  	s17 =	simm.s32 $0x1BA80;
	s29 =	simm.s32 $0x1CD00  }
0x7c: {  	[tilespmem:s29], [sflag:$0x1] =	stream.indirect.gather [spmem:s5], $0x8, s17, s22, $0xb8;
	[tilespmem:$0x1F4C0] =	vst v63  }
0x7d: {  	s19 =	simm.s32 $0x1BB00;
	s28 =	simm.s32 $0x1D100  }
0x7e: {  	[tilespmem:s28], [sflag:$0x1] =	stream.indirect.gather [spmem:s5], $0x8, s19, s22, $0xb8;
	[tilespmem:$0x1F4C0] =	vst v63  }
0x7f: {  	s20 =	simm.s32 $0x1BB80;
	s26 =	simm.s32 $0x1D500  }
0x80: {  	[tilespmem:s26], [sflag:$0x1] =	stream.indirect.gather [spmem:s5], $0x8, s20, s22, $0xb8;
	[tilespmem:$0x1F4C0] =	vst v63  }
0x81: {  	s21 =	simm.s32 $0x1BC00;
	s20 =	simm.s32 $0x1D900  }
0x82: {  	[tilespmem:s20], [sflag:$0x1] =	stream.indirect.gather [spmem:s5], $0x8, s21, s22, $0xb8;
	[tilespmem:$0x1F4C0] =	vst v63  }
0x83: {  	s23 =	simm.s32 $0x1BC80;
	s19 =	simm.s32 $0x1DD00  }
0x84: {  	[tilespmem:s19], [sflag:$0x1] =	stream.indirect.gather [spmem:s5], $0x8, s23, s22, $0xb8;
	[tilespmem:$0x1F4C0] =	vst v63  }
0x85: {  	s12 =	simm.s32 $0x1BD00;
	s21 =	simm.s32 $0x1E100  }
0x86: {  	[tilespmem:s21], [sflag:$0x2] =	stream.indirect.gather [spmem:s31], $0x1, s12, s22, $0xb8;
	[tilespmem:$0x1F4C0] =	vst v63  }
0x87: {  	s10 =	simm.s32 $0x1BD80;
	s23 =	simm.s32 $0x1E180  }
0x88: {  	[tilespmem:s23], [sflag:$0x2] =	stream.indirect.gather [spmem:s31], $0x1, s10, s22, $0xb8;
	[tilespmem:$0x1F4C0] =	vst v63  }
0x89: {  	s9 =	simm.s32 $0x1BE00;
	s17 =	simm.s32 $0x1E200  }
0x8a: {  	[tilespmem:s17], [sflag:$0x2] =	stream.indirect.gather [spmem:s31], $0x1, s9, s22, $0xb8;
	[tilespmem:$0x1F4C0] =	vst v63  }
0x8b: {  	s6 =	simm.s32 $0x1BE80;
	s16 =	simm.s32 $0x1E280  }
0x8c: {  	[tilespmem:s16], [sflag:$0x2] =	stream.indirect.gather [spmem:s31], $0x1, s6, s22, $0xb8;
	[tilespmem:$0x1F4C0] =	vst v63  }
0x8d: {  	s4 =	simm.s32 $0x1BF00;
	s15 =	simm.s32 $0x1E300  }
0x8e: {  	[tilespmem:s15], [sflag:$0x2] =	stream.indirect.gather [spmem:s31], $0x1, s4, s22, $0xb8;
	[tilespmem:$0x1F4C0] =	vst v63  }
0x8f: {  	s3 =	simm.s32 $0x1BF80;
	s13 =	simm.s32 $0x1E380  }
0x90: {  	[tilespmem:s13], [sflag:$0x2] =	stream.indirect.gather [spmem:s31], $0x1, s3, s22, $0xb8;
	[tilespmem:$0x1F4C0] =	vst v63  }
0x91: {  	s24 =	simm.s32 $0x1E400;
	s2 =	simm.s32 $0x1C000  }
0x92: {  	[tilespmem:s24], [sflag:$0x2] =	stream.indirect.gather [spmem:s31], $0x1, s2, s22, $0xb8;
	[tilespmem:$0x1F4C0] =	vst v63  }
0x93: {  	s0 =	simm.s32 $0x1C080;
	s24 =	simm.s32 $0x1E480  }
0x94: {  	[tilespmem:s24], [sflag:$0x2] =	stream.indirect.gather [spmem:s31], $0x1, s0, s22, $0xb8;
	[tilespmem:$0x1F4C0] =	vst v63  }
0x95: {  	_ =	swait.ge [sflag:s7], $0x400  }
0x96: {  	[sflag:s7] =	ssyncset.done $0x0  }
0x97: {  	[sflag:s7] =	ssyncadd.s32 $0xFFFFFC00  }
0x98: {  	_ =	swait.ge [sflag:s7], $0x400  }
0x99: {  	[sflag:s7] =	ssyncset.done $0x0  }
0x9a: {  	[sflag:s7] =	ssyncadd.s32 $0xFFFFFC00  }
0x9b: {  	_ =	swait.ge [sflag:s7], $0x400  }
0x9c: {  	[sflag:s7] =	ssyncset.done $0x0  }
0x9d: {  	[sflag:s7] =	ssyncadd.s32 $0xFFFFFC00  }
0x9e: {  	_ =	swait.ge [sflag:s7], $0x400  }
0x9f: {  	[sflag:s7] =	ssyncset.done $0x0  }
0xa0: {  	[sflag:s7] =	ssyncadd.s32 $0xFFFFFC00  }
0xa1: {  	_ =	swait.ge [sflag:s7], $0x400  }
0xa2: {  	[sflag:s7] =	ssyncset.done $0x0  }
0xa3: {  	[sflag:s7] =	ssyncadd.s32 $0xFFFFFC00  }
0xa4: {  	_ =	swait.ge [sflag:s7], $0x400  }
0xa5: {  	[sflag:s7] =	ssyncset.done $0x0  }
0xa6: {  	[sflag:s7] =	ssyncadd.s32 $0xFFFFFC00  }
0xa7: {  	_ =	swait.ge [sflag:s7], $0x400  }
0xa8: {  	[sflag:s7] =	ssyncset.done $0x0  }
0xa9: {  	[sflag:s7] =	ssyncadd.s32 $0xFFFFFC00  }
0xaa: {  	_ =	swait.ge [sflag:s7], $0x400  }
0xab: {  	[sflag:s7] =	ssyncset.done $0x0  }
0xac: {  	[sflag:s7] =	ssyncadd.s32 $0xFFFFFC00  }
0xad: {  	_ =	swait.ge [sflag:s8], $0x80  }
0xae: {  	[sflag:s8] =	ssyncset.done $0x0  }
0xaf: {  	[sflag:s8] =	ssyncadd.s32 $0xFFFFFF80  }
0xb0: {  	_ =	swait.ge [sflag:s8], $0x80  }
0xb1: {  	[sflag:s8] =	ssyncset.done $0x0  }
0xb2: {  	[sflag:s8] =	ssyncadd.s32 $0xFFFFFF80  }
0xb3: {  	_ =	swait.ge [sflag:s8], $0x80  }
0xb4: {  	[sflag:s8] =	ssyncset.done $0x0  }
0xb5: {  	[sflag:s8] =	ssyncadd.s32 $0xFFFFFF80  }
0xb6: {  	_ =	swait.ge [sflag:s8], $0x80  }
0xb7: {  	[sflag:s8] =	ssyncset.done $0x0  }
0xb8: {  	[sflag:s8] =	ssyncadd.s32 $0xFFFFFF80  }
0xb9: {  	_ =	swait.ge [sflag:s8], $0x80  }
0xba: {  	[sflag:s8] =	ssyncset.done $0x0  }
0xbb: {  	[sflag:s8] =	ssyncadd.s32 $0xFFFFFF80  }
0xbc: {  	_ =	swait.ge [sflag:s8], $0x80  }
0xbd: {  	[sflag:s8] =	ssyncset.done $0x0  }
0xbe: {  	[sflag:s8] =	ssyncadd.s32 $0xFFFFFF80  }
0xbf: {  	_ =	swait.ge [sflag:s8], $0x80  }
0xc0: {  	[sflag:s8] =	ssyncset.done $0x0  }
0xc1: {  	[sflag:s8] =	ssyncadd.s32 $0xFFFFFF80  }
0xc2: {  	_ =	swait.ge [sflag:s8], $0x80  }
0xc3: {  	[sflag:s8] =	ssyncset.done $0x0  }
0xc4: {  	s24 =	simm.s32 $0x1C100;
	[sflag:s8] =	ssyncadd.s32 $0xFFFFFF80  }
0xc5: {  	[spmem:s1] =	stream.indirect.scatter.add.f32 [tilespmem:s24], [sflag:$0x3], $0x8, s12, s22, $0xb8;
	[tilespmem:$0x1F4C0] =	vst v63  }
0xc6: {  	_ = 	snop  }
0xc7: {  	[spmem:s1] =	stream.indirect.scatter.add.f32 [tilespmem:s25], [sflag:$0x3], $0x8, s10, s22, $0xb8;
	[tilespmem:$0x1F4C0] =	vst v63  }
0xc8: {  	s25 =	simm.s32 $0x1C900  }
0xc9: {  	[spmem:s1] =	stream.indirect.scatter.add.f32 [tilespmem:s25], [sflag:$0x3], $0x8, s9, s22, $0xb8;
	[tilespmem:$0x1F4C0] =	vst v63  }
0xca: {  	_ = 	snop  }
0xcb: {  	[spmem:s1] =	stream.indirect.scatter.add.f32 [tilespmem:s29], [sflag:$0x3], $0x8, s6, s22, $0xb8;
	[tilespmem:$0x1F4C0] =	vst v63  }
0xcc: {  	_ = 	snop  }
0xcd: {  	[spmem:s1] =	stream.indirect.scatter.add.f32 [tilespmem:s28], [sflag:$0x3], $0x8, s4, s22, $0xb8;
	[tilespmem:$0x1F4C0] =	vst v63  }
0xce: {  	_ = 	snop  }
0xcf: {  	[spmem:s1] =	stream.indirect.scatter.add.f32 [tilespmem:s26], [sflag:$0x3], $0x8, s3, s22, $0xb8;
	[tilespmem:$0x1F4C0] =	vst v63  }
0xd0: {  	_ = 	snop  }
0xd1: {  	[spmem:s1] =	stream.indirect.scatter.add.f32 [tilespmem:s20], [sflag:$0x3], $0x8, s2, s22, $0xb8;
	[tilespmem:$0x1F4C0] =	vst v63  }
0xd2: {  	_ = 	snop  }
0xd3: {  	[spmem:s1] =	stream.indirect.scatter.add.f32 [tilespmem:s19], [sflag:$0x3], $0x8, s0, s22, $0xb8;
	[tilespmem:$0x1F4C0] =	vst v63  }
0xd4: {  	s12 =	simm.s32 $0x1B900;
	s4 =	rddreg [dreg:$0x2]  }
0xd5: {  	[spmem:s4] =	stream.indirect.scatter.add.f32 [tilespmem:s21], [sflag:$0x4], $0x1, s12, s22, $0xb8;
	[tilespmem:$0x1F4C0] =	vst v63  }
0xd6: {  	s19 =	simm.s32 $0x1B980  }
0xd7: {  	[spmem:s4] =	stream.indirect.scatter.add.f32 [tilespmem:s23], [sflag:$0x4], $0x1, s19, s22, $0xb8;
	[tilespmem:$0x1F4C0] =	vst v63  }
0xd8: {  	s20 =	simm.s32 $0x1BA00  }
0xd9: {  	[spmem:s4] =	stream.indirect.scatter.add.f32 [tilespmem:s17], [sflag:$0x4], $0x1, s20, s22, $0xb8;
	[tilespmem:$0x1F4C0] =	vst v63  }
0xda: {  	s21 =	simm.s32 $0x1BA80  }
0xdb: {  	[spmem:s4] =	stream.indirect.scatter.add.f32 [tilespmem:s16], [sflag:$0x4], $0x1, s21, s22, $0xb8;
	[tilespmem:$0x1F4C0] =	vst v63  }
0xdc: {  	s23 =	simm.s32 $0x1BB00  }
0xdd: {  	[spmem:s4] =	stream.indirect.scatter.add.f32 [tilespmem:s15], [sflag:$0x4], $0x1, s23, s22, $0xb8;
	[tilespmem:$0x1F4C0] =	vst v63  }
0xde: {  	s24 =	simm.s32 $0x1BB80  }
0xdf: {  	[spmem:s4] =	stream.indirect.scatter.add.f32 [tilespmem:s13], [sflag:$0x4], $0x1, s24, s22, $0xb8;
	[tilespmem:$0x1F4C0] =	vst v63  }
0xe0: {  	s25 =	simm.s32 $0x1BC00;
	s26 =	simm.s32 $0x1E400  }
0xe1: {  	[spmem:s4] =	stream.indirect.scatter.add.f32 [tilespmem:s26], [sflag:$0x4], $0x1, s25, s22, $0xb8;
	[tilespmem:$0x1F4C0] =	vst v63  }
0xe2: {  	s29 =	simm.s32 $0x1E480;
	s28 =	simm.s32 $0x1BC80  }
0xe3: {  	[spmem:s4] =	stream.indirect.scatter.add.f32 [tilespmem:s29], [sflag:$0x4], $0x1, s28, s22, $0xb8;
	[tilespmem:$0x1F4C0] =	vst v63  }
0xe4: {  	_ =	swait.ge [sflag:s14], $0x400  }
0xe5: {  	[sflag:s14] =	ssyncset.done $0x0  }
0xe6: {  	[sflag:s14] =	ssyncadd.s32 $0xFFFFFC00  }
0xe7: {  	_ =	swait.ge [sflag:s14], $0x400  }
0xe8: {  	[sflag:s14] =	ssyncset.done $0x0  }
0xe9: {  	[sflag:s14] =	ssyncadd.s32 $0xFFFFFC00  }
0xea: {  	_ =	swait.ge [sflag:s14], $0x400  }
0xeb: {  	[sflag:s14] =	ssyncset.done $0x0  }
0xec: {  	[sflag:s14] =	ssyncadd.s32 $0xFFFFFC00  }
0xed: {  	_ =	swait.ge [sflag:s14], $0x400  }
0xee: {  	[sflag:s14] =	ssyncset.done $0x0  }
0xef: {  	[sflag:s14] =	ssyncadd.s32 $0xFFFFFC00  }
0xf0: {  	_ =	swait.ge [sflag:s14], $0x400  }
0xf1: {  	[sflag:s14] =	ssyncset.done $0x0  }
0xf2: {  	[sflag:s14] =	ssyncadd.s32 $0xFFFFFC00  }
0xf3: {  	_ =	swait.ge [sflag:s14], $0x400  }
0xf4: {  	[sflag:s14] =	ssyncset.done $0x0  }
0xf5: {  	[sflag:s14] =	ssyncadd.s32 $0xFFFFFC00  }
0xf6: {  	_ =	swait.ge [sflag:s14], $0x400  }
0xf7: {  	[sflag:s14] =	ssyncset.done $0x0  }
0xf8: {  	[sflag:s14] =	ssyncadd.s32 $0xFFFFFC00  }
0xf9: {  	_ =	swait.ge [sflag:s14], $0x400  }
0xfa: {  	[sflag:s14] =	ssyncset.done $0x0  }
0xfb: {  	[sflag:s14] =	ssyncadd.s32 $0xFFFFFC00  }
0xfc: {  	_ =	swait.ge [sflag:s11], $0x80  }
0xfd: {  	[sflag:s11] =	ssyncset.done $0x0  }
0xfe: {  	[sflag:s11] =	ssyncadd.s32 $0xFFFFFF80  }
0xff: {  	_ =	swait.ge [sflag:s11], $0x80  }
0x100: {  	[sflag:s11] =	ssyncset.done $0x0  }
0x101: {  	[sflag:s11] =	ssyncadd.s32 $0xFFFFFF80  }
0x102: {  	_ =	swait.ge [sflag:s11], $0x80  }
0x103: {  	[sflag:s11] =	ssyncset.done $0x0  }
0x104: {  	[sflag:s11] =	ssyncadd.s32 $0xFFFFFF80  }
0x105: {  	_ =	swait.ge [sflag:s11], $0x80  }
0x106: {  	[sflag:s11] =	ssyncset.done $0x0  }
0x107: {  	[sflag:s11] =	ssyncadd.s32 $0xFFFFFF80  }
0x108: {  	_ =	swait.ge [sflag:s11], $0x80  }
0x109: {  	[sflag:s11] =	ssyncset.done $0x0  }
0x10a: {  	[sflag:s11] =	ssyncadd.s32 $0xFFFFFF80  }
0x10b: {  	_ =	swait.ge [sflag:s11], $0x80  }
0x10c: {  	[sflag:s11] =	ssyncset.done $0x0  }
0x10d: {  	[sflag:s11] =	ssyncadd.s32 $0xFFFFFF80  }
0x10e: {  	_ =	swait.ge [sflag:s11], $0x80  }
0x10f: {  	[sflag:s11] =	ssyncset.done $0x0  }
0x110: {  	[sflag:s11] =	ssyncadd.s32 $0xFFFFFF80  }
0x111: {  	s16 =	simm.s32 $0x100;
	_ =	swait.ge [sflag:s11], $0x80  }
0x112: {  	s13 =	simm.s32 $0x80;
	s10 =	rddreg [dreg:$0x6];
	[sflag:s11] =	ssyncset.done $0x0  }
.LBB2_6:
0x113: {  	[sflag:s11] =	ssyncadd.s32 $0xFFFFFF80;
	s10 =	sadd.s32 s13, s10;
	s19 =	simm.s32 $0x1B900  }
0x114: {  	[tilespmem:s19], [sflag:$0x5] =	stream.linear.gather [hbm4b:s10+s30], $0x400, $0x38;
	[tilespmem:$0x1F4C0] =	vst v63  }
0x115: {  	_ =	swait.ge [sflag:s18], $0x400  }
0x116: {  	s29 =	rddreg [dreg:$0x7];
	[sflag:s18] =	ssyncset.done $0x0  }
0x117: {  	s6 =	simm.s32 $0x1BD00;
	[sflag:s18] =	ssyncadd.s32 $0xFFFFFC00;
	s10 =	sadd.s32 s13, s29  }
0x118: {  	[tilespmem:s6], [sflag:$0x5] =	stream.linear.gather [hbm4b:s10+s30], $0x400, $0x38;
	[tilespmem:$0x1F4C0] =	vst v63  }
0x119: {  	_ =	swait.ge [sflag:s18], $0x400  }
0x11a: {  	[sflag:s18] =	ssyncset.done $0x0  }
0x11b: {  	s29 =	simm.s32 $0x1C100;
	[sflag:s18] =	ssyncadd.s32 $0xFFFFFC00  }
0x11c: {  	[tilespmem:s29], [sflag:$0x1] =	stream.indirect.gather [spmem:s5], $0x8, s19, s22, $0xb8;
	[tilespmem:$0x1F4C0] =	vst v63  }
0x11d: {  	s2 =	simm.s32 $0x1B980;
	s21 =	simm.s32 $0x1C500  }
0x11e: {  	[tilespmem:s21], [sflag:$0x1] =	stream.indirect.gather [spmem:s5], $0x8, s2, s22, $0xb8;
	[tilespmem:$0x1F4C0] =	vst v63  }
0x11f: {  	s0 =	simm.s32 $0x1BA00;
	s24 =	simm.s32 $0x1C900  }
0x120: {  	[tilespmem:s24], [sflag:$0x1] =	stream.indirect.gather [spmem:s5], $0x8, s0, s22, $0xb8;
	[tilespmem:$0x1F4C0] =	vst v63  }
0x121: {  	s9 =	smov.u32 s16;
	s3 =	simm.s32 $0x1BA80;
	s23 =	simm.s32 $0x1CD00  }
0x122: {  	[tilespmem:s23], [sflag:$0x1] =	stream.indirect.gather [spmem:s5], $0x8, s3, s22, $0xb8;
	[tilespmem:$0x1F4C0] =	vst v63  }
0x123: {  	s28 =	simm.s32 $0x1D100;
	s13 =	smov.u32 s9;
	s9 =	simm.s32 $0x1BB00  }
0x124: {  	[tilespmem:s28], [sflag:$0x1] =	stream.indirect.gather [spmem:s5], $0x8, s9, s22, $0xb8;
	[tilespmem:$0x1F4C0] =	vst v63  }
0x125: {  	s26 =	simm.s32 $0x1D500;
	s10 =	simm.s32 $0x1BB80  }
0x126: {  	[tilespmem:s26], [sflag:$0x1] =	stream.indirect.gather [spmem:s5], $0x8, s10, s22, $0xb8;
	[tilespmem:$0x1F4C0] =	vst v63  }
0x127: {  	s12 =	simm.s32 $0x1BC00;
	s20 =	simm.s32 $0x1D900  }
0x128: {  	[tilespmem:s20], [sflag:$0x1] =	stream.indirect.gather [spmem:s5], $0x8, s12, s22, $0xb8;
	[tilespmem:$0x1F4C0] =	vst v63  }
0x129: {  	s15 =	simm.s32 $0x1BC80;
	s25 =	simm.s32 $0x1DD00  }
0x12a: {  	[tilespmem:s25], [sflag:$0x1] =	stream.indirect.gather [spmem:s5], $0x8, s15, s22, $0xb8;
	[tilespmem:$0x1F4C0] =	vst v63  }
0x12b: {  	s17 =	simm.s32 $0x1E100  }
0x12c: {  	[tilespmem:s17], [sflag:$0x2] =	stream.indirect.gather [spmem:s31], $0x1, s6, s22, $0xb8;
	[tilespmem:$0x1F4C0] =	vst v63  }
0x12d: {  	s2 =	simm.s32 $0x1BD80;
	s3 =	simm.s32 $0x1E180  }
0x12e: {  	[tilespmem:s3], [sflag:$0x2] =	stream.indirect.gather [spmem:s31], $0x1, s2, s22, $0xb8;
	[tilespmem:$0x1F4C0] =	vst v63  }
0x12f: {  	s30 =	simm.s32 $0x1E200;
	s3 =	simm.s32 $0x1BE00  }
0x130: {  	[tilespmem:s30], [sflag:$0x2] =	stream.indirect.gather [spmem:s31], $0x1, s3, s22, $0xb8;
	[tilespmem:$0x1F4C0] =	vst v63  }
0x131: {  	s0 =	simm.s32 $0x1E280;
	s17 =	simm.s32 $0x1BE80  }
0x132: {  	[tilespmem:s0], [sflag:$0x2] =	stream.indirect.gather [spmem:s31], $0x1, s17, s22, $0xb8;
	[tilespmem:$0x1F4C0] =	vst v63  }
0x133: {  	s9 =	simm.s32 $0x1BF00;
	s0 =	simm.s32 $0x1E300  }
0x134: {  	[tilespmem:s0], [sflag:$0x2] =	stream.indirect.gather [spmem:s31], $0x1, s9, s22, $0xb8;
	[tilespmem:$0x1F4C0] =	vst v63  }
0x135: {  	s10 =	simm.s32 $0x1BF80;
	s12 =	simm.s32 $0x1E380  }
0x136: {  	[tilespmem:s12], [sflag:$0x2] =	stream.indirect.gather [spmem:s31], $0x1, s10, s22, $0xb8;
	[tilespmem:$0x1F4C0] =	vst v63  }
0x137: {  	s15 =	simm.s32 $0x1E400;
	s12 =	simm.s32 $0x1C000  }
0x138: {  	[tilespmem:s15], [sflag:$0x2] =	stream.indirect.gather [spmem:s31], $0x1, s12, s22, $0xb8;
	[tilespmem:$0x1F4C0] =	vst v63  }
0x139: {  	s0 =	simm.s32 $0x1E480;
	s15 =	simm.s32 $0x1C080  }
0x13a: {  	[tilespmem:s0], [sflag:$0x2] =	stream.indirect.gather [spmem:s31], $0x1, s15, s22, $0xb8;
	[tilespmem:$0x1F4C0] =	vst v63  }
0x13b: {  	_ =	swait.ge [sflag:s7], $0x400  }
0x13c: {  	[sflag:s7] =	ssyncset.done $0x0  }
0x13d: {  	[sflag:s7] =	ssyncadd.s32 $0xFFFFFC00  }
0x13e: {  	_ =	swait.ge [sflag:s7], $0x400  }
0x13f: {  	[sflag:s7] =	ssyncset.done $0x0  }
0x140: {  	[sflag:s7] =	ssyncadd.s32 $0xFFFFFC00  }
0x141: {  	_ =	swait.ge [sflag:s7], $0x400  }
0x142: {  	[sflag:s7] =	ssyncset.done $0x0  }
0x143: {  	[sflag:s7] =	ssyncadd.s32 $0xFFFFFC00  }
0x144: {  	_ =	swait.ge [sflag:s7], $0x400  }
0x145: {  	[sflag:s7] =	ssyncset.done $0x0  }
0x146: {  	[sflag:s7] =	ssyncadd.s32 $0xFFFFFC00  }
0x147: {  	_ =	swait.ge [sflag:s7], $0x400  }
0x148: {  	[sflag:s7] =	ssyncset.done $0x0  }
0x149: {  	[sflag:s7] =	ssyncadd.s32 $0xFFFFFC00  }
0x14a: {  	_ =	swait.ge [sflag:s7], $0x400  }
0x14b: {  	[sflag:s7] =	ssyncset.done $0x0  }
0x14c: {  	[sflag:s7] =	ssyncadd.s32 $0xFFFFFC00  }
0x14d: {  	_ =	swait.ge [sflag:s7], $0x400  }
0x14e: {  	[sflag:s7] =	ssyncset.done $0x0  }
0x14f: {  	[sflag:s7] =	ssyncadd.s32 $0xFFFFFC00  }
0x150: {  	_ =	swait.ge [sflag:s7], $0x400  }
0x151: {  	[sflag:s7] =	ssyncset.done $0x0  }
0x152: {  	[sflag:s7] =	ssyncadd.s32 $0xFFFFFC00  }
0x153: {  	_ =	swait.ge [sflag:s8], $0x80  }
0x154: {  	[sflag:s8] =	ssyncset.done $0x0  }
0x155: {  	[sflag:s8] =	ssyncadd.s32 $0xFFFFFF80  }
0x156: {  	_ =	swait.ge [sflag:s8], $0x80  }
0x157: {  	[sflag:s8] =	ssyncset.done $0x0  }
0x158: {  	[sflag:s8] =	ssyncadd.s32 $0xFFFFFF80  }
0x159: {  	_ =	swait.ge [sflag:s8], $0x80  }
0x15a: {  	[sflag:s8] =	ssyncset.done $0x0  }
0x15b: {  	[sflag:s8] =	ssyncadd.s32 $0xFFFFFF80  }
0x15c: {  	_ =	swait.ge [sflag:s8], $0x80  }
0x15d: {  	[sflag:s8] =	ssyncset.done $0x0  }
0x15e: {  	[sflag:s8] =	ssyncadd.s32 $0xFFFFFF80  }
0x15f: {  	_ =	swait.ge [sflag:s8], $0x80  }
0x160: {  	[sflag:s8] =	ssyncset.done $0x0  }
0x161: {  	[sflag:s8] =	ssyncadd.s32 $0xFFFFFF80  }
0x162: {  	_ =	swait.ge [sflag:s8], $0x80  }
0x163: {  	[sflag:s8] =	ssyncset.done $0x0  }
0x164: {  	[sflag:s8] =	ssyncadd.s32 $0xFFFFFF80  }
0x165: {  	_ =	swait.ge [sflag:s8], $0x80  }
0x166: {  	[sflag:s8] =	ssyncset.done $0x0  }
0x167: {  	[sflag:s8] =	ssyncadd.s32 $0xFFFFFF80  }
0x168: {  	_ =	swait.ge [sflag:s8], $0x80  }
0x169: {  	[sflag:s8] =	ssyncset.done $0x0  }
0x16a: {  	[sflag:s8] =	ssyncadd.s32 $0xFFFFFF80  }
0x16b: {  	[spmem:s1] =	stream.indirect.scatter.add.f32 [tilespmem:s29], [sflag:$0x3], $0x8, s6, s22, $0xb8;
	[tilespmem:$0x1F4C0] =	vst v63  }
0x16c: {  	_ = 	snop  }
0x16d: {  	[spmem:s1] =	stream.indirect.scatter.add.f32 [tilespmem:s21], [sflag:$0x3], $0x8, s2, s22, $0xb8;
	[tilespmem:$0x1F4C0] =	vst v63  }
0x16e: {  	_ = 	snop  }
0x16f: {  	[spmem:s1] =	stream.indirect.scatter.add.f32 [tilespmem:s24], [sflag:$0x3], $0x8, s3, s22, $0xb8;
	[tilespmem:$0x1F4C0] =	vst v63  }
0x170: {  	_ = 	snop  }
0x171: {  	[spmem:s1] =	stream.indirect.scatter.add.f32 [tilespmem:s23], [sflag:$0x3], $0x8, s17, s22, $0xb8;
	[tilespmem:$0x1F4C0] =	vst v63  }
0x172: {  	_ = 	snop  }
0x173: {  	[spmem:s1] =	stream.indirect.scatter.add.f32 [tilespmem:s28], [sflag:$0x3], $0x8, s9, s22, $0xb8;
	[tilespmem:$0x1F4C0] =	vst v63  }
0x174: {  	_ = 	snop  }
0x175: {  	[spmem:s1] =	stream.indirect.scatter.add.f32 [tilespmem:s26], [sflag:$0x3], $0x8, s10, s22, $0xb8;
	[tilespmem:$0x1F4C0] =	vst v63  }
0x176: {  	_ = 	snop  }
0x177: {  	[spmem:s1] =	stream.indirect.scatter.add.f32 [tilespmem:s20], [sflag:$0x3], $0x8, s12, s22, $0xb8;
	[tilespmem:$0x1F4C0] =	vst v63  }
0x178: {  	_ = 	snop  }
0x179: {  	[spmem:s1] =	stream.indirect.scatter.add.f32 [tilespmem:s25], [sflag:$0x3], $0x8, s15, s22, $0xb8;
	[tilespmem:$0x1F4C0] =	vst v63  }
0x17a: {  	s9 =	simm.s32 $0x1E100  }
0x17b: {  	[spmem:s4] =	stream.indirect.scatter.add.f32 [tilespmem:s9], [sflag:$0x4], $0x1, s19, s22, $0xb8;
	[tilespmem:$0x1F4C0] =	vst v63  }
0x17c: {  	s10 =	simm.s32 $0x1B980;
	s12 =	simm.s32 $0x1E180  }
0x17d: {  	[spmem:s4] =	stream.indirect.scatter.add.f32 [tilespmem:s12], [sflag:$0x4], $0x1, s10, s22, $0xb8;
	[tilespmem:$0x1F4C0] =	vst v63  }
0x17e: {  	s15 =	simm.s32 $0x1BA00  }
0x17f: {  	[spmem:s4] =	stream.indirect.scatter.add.f32 [tilespmem:s30], [sflag:$0x4], $0x1, s15, s22, $0xb8;
	[tilespmem:$0x1F4C0] =	vst v63  }
0x180: {  	s17 =	simm.s32 $0x1BA80;
	s19 =	simm.s32 $0x1E280  }
0x181: {  	[spmem:s4] =	stream.indirect.scatter.add.f32 [tilespmem:s19], [sflag:$0x4], $0x1, s17, s22, $0xb8;
	[tilespmem:$0x1F4C0] =	vst v63  }
0x182: {  	s21 =	simm.s32 $0x1E300;
	s20 =	simm.s32 $0x1BB00  }
0x183: {  	[spmem:s4] =	stream.indirect.scatter.add.f32 [tilespmem:s21], [sflag:$0x4], $0x1, s20, s22, $0xb8;
	[tilespmem:$0x1F4C0] =	vst v63  }
0x184: {  	s24 =	simm.s32 $0x1E380;
	s23 =	simm.s32 $0x1BB80  }
0x185: {  	[spmem:s4] =	stream.indirect.scatter.add.f32 [tilespmem:s24], [sflag:$0x4], $0x1, s23, s22, $0xb8;
	[tilespmem:$0x1F4C0] =	vst v63  }
0x186: {  	s26 =	simm.s32 $0x1E400;
	s25 =	simm.s32 $0x1BC00  }
0x187: {  	[spmem:s4] =	stream.indirect.scatter.add.f32 [tilespmem:s26], [sflag:$0x4], $0x1, s25, s22, $0xb8;
	[tilespmem:$0x1F4C0] =	vst v63  }
0x188: {  	s29 =	simm.s32 $0x1E480;
	s28 =	simm.s32 $0x1BC80  }
0x189: {  	[spmem:s4] =	stream.indirect.scatter.add.f32 [tilespmem:s29], [sflag:$0x4], $0x1, s28, s22, $0xb8;
	[tilespmem:$0x1F4C0] =	vst v63  }
0x18a: {  	_ =	swait.ge [sflag:s14], $0x400  }
0x18b: {  	[sflag:s14] =	ssyncset.done $0x0  }
0x18c: {  	[sflag:s14] =	ssyncadd.s32 $0xFFFFFC00  }
0x18d: {  	_ =	swait.ge [sflag:s14], $0x400  }
0x18e: {  	[sflag:s14] =	ssyncset.done $0x0  }
0x18f: {  	[sflag:s14] =	ssyncadd.s32 $0xFFFFFC00  }
0x190: {  	_ =	swait.ge [sflag:s14], $0x400  }
0x191: {  	[sflag:s14] =	ssyncset.done $0x0  }
0x192: {  	[sflag:s14] =	ssyncadd.s32 $0xFFFFFC00  }
0x193: {  	_ =	swait.ge [sflag:s14], $0x400  }
0x194: {  	[sflag:s14] =	ssyncset.done $0x0  }
0x195: {  	[sflag:s14] =	ssyncadd.s32 $0xFFFFFC00  }
0x196: {  	_ =	swait.ge [sflag:s14], $0x400  }
0x197: {  	[sflag:s14] =	ssyncset.done $0x0  }
0x198: {  	[sflag:s14] =	ssyncadd.s32 $0xFFFFFC00  }
0x199: {  	_ =	swait.ge [sflag:s14], $0x400  }
0x19a: {  	[sflag:s14] =	ssyncset.done $0x0  }
0x19b: {  	[sflag:s14] =	ssyncadd.s32 $0xFFFFFC00  }
0x19c: {  	_ =	swait.ge [sflag:s14], $0x400  }
0x19d: {  	[sflag:s14] =	ssyncset.done $0x0  }
0x19e: {  	[sflag:s14] =	ssyncadd.s32 $0xFFFFFC00  }
0x19f: {  	_ =	swait.ge [sflag:s14], $0x400  }
0x1a0: {  	[sflag:s14] =	ssyncset.done $0x0  }
0x1a1: {  	[sflag:s14] =	ssyncadd.s32 $0xFFFFFC00  }
0x1a2: {  	_ =	swait.ge [sflag:s11], $0x80  }
0x1a3: {  	[sflag:s11] =	ssyncset.done $0x0  }
0x1a4: {  	[sflag:s11] =	ssyncadd.s32 $0xFFFFFF80  }
0x1a5: {  	_ =	swait.ge [sflag:s11], $0x80  }
0x1a6: {  	[sflag:s11] =	ssyncset.done $0x0  }
0x1a7: {  	[sflag:s11] =	ssyncadd.s32 $0xFFFFFF80  }
0x1a8: {  	_ =	swait.ge [sflag:s11], $0x80  }
0x1a9: {  	[sflag:s11] =	ssyncset.done $0x0  }
0x1aa: {  	[sflag:s11] =	ssyncadd.s32 $0xFFFFFF80  }
0x1ab: {  	_ =	swait.ge [sflag:s11], $0x80  }
0x1ac: {  	[sflag:s11] =	ssyncset.done $0x0  }
0x1ad: {  	[sflag:s11] =	ssyncadd.s32 $0xFFFFFF80  }
0x1ae: {  	_ =	swait.ge [sflag:s11], $0x80  }
0x1af: {  	[sflag:s11] =	ssyncset.done $0x0  }
0x1b0: {  	[sflag:s11] =	ssyncadd.s32 $0xFFFFFF80  }
0x1b1: {  	_ =	swait.ge [sflag:s11], $0x80  }
0x1b2: {  	[sflag:s11] =	ssyncset.done $0x0  }
0x1b3: {  	p0 =	sne.s32 s16, $0x3080;
	[sflag:s11] =	ssyncadd.s32 $0xFFFFFF80  }
.Ltmp2:
0x1b4: {  	_ =	swait.ge [sflag:s11], $0x80;
	(pc) =	sbr.rel @p0 .LBB2_6-.Ltmp2, $4  }
0x1b5: {  	[sflag:s11] =	ssyncset.done $0x0  }
0x1b6: {  	[sflag:s11] =	ssyncadd.s32 $0xFFFFFF80  }
0x1b7: {  	s16 =	sadd.s32 $0x80, s16;
	_ =	swait.ge [sflag:s11], $0x80  }
0x1b8: {  	s30 =	simm.s32 $0x0;
	s10 =	rddreg [dreg:$0x6];
	[sflag:s11] =	ssyncset.done $0x0  }
0x1b9: {  	[sflag:s11] =	ssyncadd.s32 $0xFFFFFF80;
	s9 =	sadd.s32 s13, s10;
	s15 =	simm.s32 $0x1B900  }
0x1ba: {  	[tilespmem:s15], [sflag:$0x5] =	stream.linear.gather [hbm4b:s9+s30], $0x400, $0x38;
	[tilespmem:$0x1F4C0] =	vst v63  }
0x1bb: {  	_ =	swait.ge [sflag:s18], $0x400  }
0x1bc: {  	s6 =	rddreg [dreg:$0x7];
	[sflag:s18] =	ssyncset.done $0x0  }
0x1bd: {  	s0 =	simm.s32 $0x1BD00;
	[sflag:s18] =	ssyncadd.s32 $0xFFFFFC00;
	s9 =	sadd.s32 s13, s6  }
0x1be: {  	[tilespmem:s0], [sflag:$0x5] =	stream.linear.gather [hbm4b:s9+s30], $0x400, $0x38;
	[tilespmem:$0x1F4C0] =	vst v63  }
0x1bf: {  	_ =	swait.ge [sflag:s18], $0x400  }
0x1c0: {  	[sflag:s18] =	ssyncset.done $0x0  }
0x1c1: {  	s29 =	simm.s32 $0x1C100;
	[sflag:s18] =	ssyncadd.s32 $0xFFFFFC00  }
0x1c2: {  	[tilespmem:s29], [sflag:$0x1] =	stream.indirect.gather [spmem:s5], $0x8, s15, s22, $0xb8;
	[tilespmem:$0x1F4C0] =	vst v63  }
0x1c3: {  	s2 =	simm.s32 $0x1B980;
	s20 =	simm.s32 $0x1C500  }
0x1c4: {  	[tilespmem:s20], [sflag:$0x1] =	stream.indirect.gather [spmem:s5], $0x8, s2, s22, $0xb8;
	[tilespmem:$0x1F4C0] =	vst v63  }
0x1c5: {  	s24 =	simm.s32 $0x1C900;
	s9 =	simm.s32 $0x1BA00  }
0x1c6: {  	[tilespmem:s24], [sflag:$0x1] =	stream.indirect.gather [spmem:s5], $0x8, s9, s22, $0xb8;
	[tilespmem:$0x1F4C0] =	vst v63  }
0x1c7: {  	s10 =	simm.s32 $0x1BA80;
	s23 =	simm.s32 $0x1CD00  }
0x1c8: {  	[tilespmem:s23], [sflag:$0x1] =	stream.indirect.gather [spmem:s5], $0x8, s10, s22, $0xb8;
	[tilespmem:$0x1F4C0] =	vst v63  }
0x1c9: {  	s12 =	simm.s32 $0x1BB00;
	s28 =	simm.s32 $0x1D100  }
0x1ca: {  	[tilespmem:s28], [sflag:$0x1] =	stream.indirect.gather [spmem:s5], $0x8, s12, s22, $0xb8;
	[tilespmem:$0x1F4C0] =	vst v63  }
0x1cb: {  	s26 =	simm.s32 $0x1D500;
	s13 =	simm.s32 $0x1BB80  }
0x1cc: {  	[tilespmem:s26], [sflag:$0x1] =	stream.indirect.gather [spmem:s5], $0x8, s13, s22, $0xb8;
	[tilespmem:$0x1F4C0] =	vst v63  }
0x1cd: {  	s16 =	simm.s32 $0x1BC00;
	s21 =	simm.s32 $0x1D900  }
0x1ce: {  	[tilespmem:s21], [sflag:$0x1] =	stream.indirect.gather [spmem:s5], $0x8, s16, s22, $0xb8;
	[tilespmem:$0x1F4C0] =	vst v63  }
0x1cf: {  	s17 =	simm.s32 $0x1BC80;
	s25 =	simm.s32 $0x1DD00  }
0x1d0: {  	[tilespmem:s25], [sflag:$0x1] =	stream.indirect.gather [spmem:s5], $0x8, s17, s22, $0xb8;
	[tilespmem:$0x1F4C0] =	vst v63  }
0x1d1: {  	s19 =	simm.s32 $0x1E100  }
0x1d2: {  	[tilespmem:s19], [sflag:$0x2] =	stream.indirect.gather [spmem:s31], $0x1, s0, s22, $0xb8;
	[tilespmem:$0x1F4C0] =	vst v63  }
0x1d3: {  	s3 =	simm.s32 $0x1E180;
	s12 =	simm.s32 $0x1BD80  }
0x1d4: {  	[tilespmem:s3], [sflag:$0x2] =	stream.indirect.gather [spmem:s31], $0x1, s12, s22, $0xb8;
	[tilespmem:$0x1F4C0] =	vst v63  }
0x1d5: {  	s5 =	simm.s32 $0x1E200;
	s3 =	simm.s32 $0x1BE00  }
0x1d6: {  	[tilespmem:s5], [sflag:$0x2] =	stream.indirect.gather [spmem:s31], $0x1, s3, s22, $0xb8;
	[tilespmem:$0x1F4C0] =	vst v63  }
0x1d7: {  	s6 =	simm.s32 $0x1E280;
	s5 =	simm.s32 $0x1BE80  }
0x1d8: {  	[tilespmem:s6], [sflag:$0x2] =	stream.indirect.gather [spmem:s31], $0x1, s5, s22, $0xb8;
	[tilespmem:$0x1F4C0] =	vst v63  }
0x1d9: {  	s19 =	simm.s32 $0x1E300;
	s6 =	simm.s32 $0x1BF00  }
0x1da: {  	[tilespmem:s19], [sflag:$0x2] =	stream.indirect.gather [spmem:s31], $0x1, s6, s22, $0xb8;
	[tilespmem:$0x1F4C0] =	vst v63  }
0x1db: {  	s9 =	simm.s32 $0x1BF80;
	s16 =	simm.s32 $0x1E380  }
0x1dc: {  	[tilespmem:s16], [sflag:$0x2] =	stream.indirect.gather [spmem:s31], $0x1, s9, s22, $0xb8;
	[tilespmem:$0x1F4C0] =	vst v63  }
0x1dd: {  	s10 =	simm.s32 $0x1C000;
	s17 =	simm.s32 $0x1E400  }
0x1de: {  	[tilespmem:s17], [sflag:$0x2] =	stream.indirect.gather [spmem:s31], $0x1, s10, s22, $0xb8;
	[tilespmem:$0x1F4C0] =	vst v63  }
0x1df: {  	s2 =	simm.s32 $0x1C080;
	s13 =	simm.s32 $0x1E480  }
0x1e0: {  	[tilespmem:s13], [sflag:$0x2] =	stream.indirect.gather [spmem:s31], $0x1, s2, s22, $0xb8;
	[tilespmem:$0x1F4C0] =	vst v63  }
0x1e1: {  	_ =	swait.ge [sflag:s7], $0x400  }
0x1e2: {  	[sflag:s7] =	ssyncset.done $0x0  }
0x1e3: {  	[sflag:s7] =	ssyncadd.s32 $0xFFFFFC00  }
0x1e4: {  	_ =	swait.ge [sflag:s7], $0x400  }
0x1e5: {  	[sflag:s7] =	ssyncset.done $0x0  }
0x1e6: {  	[sflag:s7] =	ssyncadd.s32 $0xFFFFFC00  }
0x1e7: {  	_ =	swait.ge [sflag:s7], $0x400  }
0x1e8: {  	[sflag:s7] =	ssyncset.done $0x0  }
0x1e9: {  	[sflag:s7] =	ssyncadd.s32 $0xFFFFFC00  }
0x1ea: {  	_ =	swait.ge [sflag:s7], $0x400  }
0x1eb: {  	[sflag:s7] =	ssyncset.done $0x0  }
0x1ec: {  	[sflag:s7] =	ssyncadd.s32 $0xFFFFFC00  }
0x1ed: {  	_ =	swait.ge [sflag:s7], $0x400  }
0x1ee: {  	[sflag:s7] =	ssyncset.done $0x0  }
0x1ef: {  	[sflag:s7] =	ssyncadd.s32 $0xFFFFFC00  }
0x1f0: {  	_ =	swait.ge [sflag:s7], $0x400  }
0x1f1: {  	[sflag:s7] =	ssyncset.done $0x0  }
0x1f2: {  	[sflag:s7] =	ssyncadd.s32 $0xFFFFFC00  }
0x1f3: {  	_ =	swait.ge [sflag:s7], $0x400  }
0x1f4: {  	[sflag:s7] =	ssyncset.done $0x0  }
0x1f5: {  	[sflag:s7] =	ssyncadd.s32 $0xFFFFFC00  }
0x1f6: {  	_ =	swait.ge [sflag:s7], $0x400  }
0x1f7: {  	[sflag:s7] =	ssyncset.done $0x0  }
0x1f8: {  	[sflag:s7] =	ssyncadd.s32 $0xFFFFFC00  }
0x1f9: {  	_ =	swait.ge [sflag:s8], $0x80  }
0x1fa: {  	[sflag:s8] =	ssyncset.done $0x0  }
0x1fb: {  	[sflag:s8] =	ssyncadd.s32 $0xFFFFFF80  }
0x1fc: {  	_ =	swait.ge [sflag:s8], $0x80  }
0x1fd: {  	[sflag:s8] =	ssyncset.done $0x0  }
0x1fe: {  	[sflag:s8] =	ssyncadd.s32 $0xFFFFFF80  }
0x1ff: {  	_ =	swait.ge [sflag:s8], $0x80  }
0x200: {  	[sflag:s8] =	ssyncset.done $0x0  }
0x201: {  	[sflag:s8] =	ssyncadd.s32 $0xFFFFFF80  }
0x202: {  	_ =	swait.ge [sflag:s8], $0x80  }
0x203: {  	[sflag:s8] =	ssyncset.done $0x0  }
0x204: {  	[sflag:s8] =	ssyncadd.s32 $0xFFFFFF80  }
0x205: {  	_ =	swait.ge [sflag:s8], $0x80  }
0x206: {  	[sflag:s8] =	ssyncset.done $0x0  }
0x207: {  	[sflag:s8] =	ssyncadd.s32 $0xFFFFFF80  }
0x208: {  	_ =	swait.ge [sflag:s8], $0x80  }
0x209: {  	[sflag:s8] =	ssyncset.done $0x0  }
0x20a: {  	[sflag:s8] =	ssyncadd.s32 $0xFFFFFF80  }
0x20b: {  	_ =	swait.ge [sflag:s8], $0x80  }
0x20c: {  	[sflag:s8] =	ssyncset.done $0x0  }
0x20d: {  	[sflag:s8] =	ssyncadd.s32 $0xFFFFFF80  }
0x20e: {  	_ =	swait.ge [sflag:s8], $0x80  }
0x20f: {  	[sflag:s8] =	ssyncset.done $0x0  }
0x210: {  	[sflag:s8] =	ssyncadd.s32 $0xFFFFFF80  }
0x211: {  	[spmem:s1] =	stream.indirect.scatter.add.f32 [tilespmem:s29], [sflag:$0x3], $0x8, s0, s22, $0xb8;
	[tilespmem:$0x1F4C0] =	vst v63  }
0x212: {  	_ = 	snop  }
0x213: {  	[spmem:s1] =	stream.indirect.scatter.add.f32 [tilespmem:s20], [sflag:$0x3], $0x8, s12, s22, $0xb8;
	[tilespmem:$0x1F4C0] =	vst v63  }
0x214: {  	_ = 	snop  }
0x215: {  	[spmem:s1] =	stream.indirect.scatter.add.f32 [tilespmem:s24], [sflag:$0x3], $0x8, s3, s22, $0xb8;
	[tilespmem:$0x1F4C0] =	vst v63  }
0x216: {  	_ = 	snop  }
0x217: {  	[spmem:s1] =	stream.indirect.scatter.add.f32 [tilespmem:s23], [sflag:$0x3], $0x8, s5, s22, $0xb8;
	[tilespmem:$0x1F4C0] =	vst v63  }
0x218: {  	_ = 	snop  }
0x219: {  	[spmem:s1] =	stream.indirect.scatter.add.f32 [tilespmem:s28], [sflag:$0x3], $0x8, s6, s22, $0xb8;
	[tilespmem:$0x1F4C0] =	vst v63  }
0x21a: {  	_ = 	snop  }
0x21b: {  	[spmem:s1] =	stream.indirect.scatter.add.f32 [tilespmem:s26], [sflag:$0x3], $0x8, s9, s22, $0xb8;
	[tilespmem:$0x1F4C0] =	vst v63  }
0x21c: {  	_ = 	snop  }
0x21d: {  	[spmem:s1] =	stream.indirect.scatter.add.f32 [tilespmem:s21], [sflag:$0x3], $0x8, s10, s22, $0xb8;
	[tilespmem:$0x1F4C0] =	vst v63  }
0x21e: {  	_ = 	snop  }
0x21f: {  	[spmem:s1] =	stream.indirect.scatter.add.f32 [tilespmem:s25], [sflag:$0x3], $0x8, s2, s22, $0xb8;
	[tilespmem:$0x1F4C0] =	vst v63  }
0x220: {  	s9 =	simm.s32 $0x1E100  }
0x221: {  	[spmem:s4] =	stream.indirect.scatter.add.f32 [tilespmem:s9], [sflag:$0x4], $0x1, s15, s22, $0xb8;
	[tilespmem:$0x1F4C0] =	vst v63  }
0x222: {  	s12 =	simm.s32 $0x1E180;
	s10 =	simm.s32 $0x1B980  }
0x223: {  	[spmem:s4] =	stream.indirect.scatter.add.f32 [tilespmem:s12], [sflag:$0x4], $0x1, s10, s22, $0xb8;
	[tilespmem:$0x1F4C0] =	vst v63  }
0x224: {  	s20 =	simm.s32 $0x1E200;
	s15 =	simm.s32 $0x1BA00  }
0x225: {  	[spmem:s4] =	stream.indirect.scatter.add.f32 [tilespmem:s20], [sflag:$0x4], $0x1, s15, s22, $0xb8;
	[tilespmem:$0x1F4C0] =	vst v63  }
0x226: {  	s23 =	simm.s32 $0x1E280;
	s21 =	simm.s32 $0x1BA80  }
0x227: {  	[spmem:s4] =	stream.indirect.scatter.add.f32 [tilespmem:s23], [sflag:$0x4], $0x1, s21, s22, $0xb8;
	[tilespmem:$0x1F4C0] =	vst v63  }
0x228: {  	s24 =	simm.s32 $0x1BB00  }
0x229: {  	[spmem:s4] =	stream.indirect.scatter.add.f32 [tilespmem:s19], [sflag:$0x4], $0x1, s24, s22, $0xb8;
	[tilespmem:$0x1F4C0] =	vst v63  }
0x22a: {  	s25 =	simm.s32 $0x1BB80  }
0x22b: {  	[spmem:s4] =	stream.indirect.scatter.add.f32 [tilespmem:s16], [sflag:$0x4], $0x1, s25, s22, $0xb8;
	[tilespmem:$0x1F4C0] =	vst v63  }
0x22c: {  	s26 =	simm.s32 $0x1BC00  }
0x22d: {  	[spmem:s4] =	stream.indirect.scatter.add.f32 [tilespmem:s17], [sflag:$0x4], $0x1, s26, s22, $0xb8;
	[tilespmem:$0x1F4C0] =	vst v63  }
0x22e: {  	s28 =	simm.s32 $0x1BC80  }
0x22f: {  	[spmem:s4] =	stream.indirect.scatter.add.f32 [tilespmem:s13], [sflag:$0x4], $0x1, s28, s22, $0xb8;
	[tilespmem:$0x1F4C0] =	vst v63  }
0x230: {  	_ =	swait.ge [sflag:s14], $0x400  }
0x231: {  	[sflag:s14] =	ssyncset.done $0x0  }
0x232: {  	[sflag:s14] =	ssyncadd.s32 $0xFFFFFC00  }
0x233: {  	_ =	swait.ge [sflag:s14], $0x400  }
0x234: {  	[sflag:s14] =	ssyncset.done $0x0  }
0x235: {  	[sflag:s14] =	ssyncadd.s32 $0xFFFFFC00  }
0x236: {  	_ =	swait.ge [sflag:s14], $0x400  }
0x237: {  	[sflag:s14] =	ssyncset.done $0x0  }
0x238: {  	[sflag:s14] =	ssyncadd.s32 $0xFFFFFC00  }
0x239: {  	_ =	swait.ge [sflag:s14], $0x400  }
0x23a: {  	[sflag:s14] =	ssyncset.done $0x0  }
0x23b: {  	[sflag:s14] =	ssyncadd.s32 $0xFFFFFC00  }
0x23c: {  	_ =	swait.ge [sflag:s14], $0x400  }
0x23d: {  	[sflag:s14] =	ssyncset.done $0x0  }
0x23e: {  	[sflag:s14] =	ssyncadd.s32 $0xFFFFFC00  }
0x23f: {  	_ =	swait.ge [sflag:s14], $0x400  }
0x240: {  	[sflag:s14] =	ssyncset.done $0x0  }
0x241: {  	[sflag:s14] =	ssyncadd.s32 $0xFFFFFC00  }
0x242: {  	_ =	swait.ge [sflag:s14], $0x400  }
0x243: {  	[sflag:s14] =	ssyncset.done $0x0  }
0x244: {  	[sflag:s14] =	ssyncadd.s32 $0xFFFFFC00  }
0x245: {  	_ =	swait.ge [sflag:s14], $0x400  }
0x246: {  	[sflag:s14] =	ssyncset.done $0x0  }
0x247: {  	[sflag:s14] =	ssyncadd.s32 $0xFFFFFC00  }
0x248: {  	_ =	swait.ge [sflag:s11], $0x80  }
0x249: {  	[sflag:s11] =	ssyncset.done $0x0  }
0x24a: {  	[sflag:s11] =	ssyncadd.s32 $0xFFFFFF80  }
0x24b: {  	_ =	swait.ge [sflag:s11], $0x80  }
0x24c: {  	[sflag:s11] =	ssyncset.done $0x0  }
0x24d: {  	[sflag:s11] =	ssyncadd.s32 $0xFFFFFF80  }
0x24e: {  	_ =	swait.ge [sflag:s11], $0x80  }
0x24f: {  	[sflag:s11] =	ssyncset.done $0x0  }
0x250: {  	[sflag:s11] =	ssyncadd.s32 $0xFFFFFF80  }
0x251: {  	_ =	swait.ge [sflag:s11], $0x80  }
0x252: {  	[sflag:s11] =	ssyncset.done $0x0  }
0x253: {  	[sflag:s11] =	ssyncadd.s32 $0xFFFFFF80  }
0x254: {  	_ =	swait.ge [sflag:s11], $0x80  }
0x255: {  	[sflag:s11] =	ssyncset.done $0x0  }
0x256: {  	[sflag:s11] =	ssyncadd.s32 $0xFFFFFF80  }
0x257: {  	_ =	swait.ge [sflag:s11], $0x80  }
0x258: {  	[sflag:s11] =	ssyncset.done $0x0  }
0x259: {  	[sflag:s11] =	ssyncadd.s32 $0xFFFFFF80  }
0x25a: {  	_ =	swait.ge [sflag:s11], $0x80  }
0x25b: {  	[sflag:s11] =	ssyncset.done $0x0  }
0x25c: {  	[sflag:s11] =	ssyncadd.s32 $0xFFFFFF80  }
0x25d: {  	_ =	swait.ge [sflag:s11], $0x80  }
0x25e: {  	[sflag:s11] =	ssyncset.done $0x0  }
0x25f: {  	[sflag:s11] =	ssyncadd.s32 $0xFFFFFF80  }
0x260: {  	[bflag:$0x0] =	sbarrier.arrive $0xFFFF  }
0x261: {  	s17 =	simm.s32 $0x1E500;
	s29 =	rddreg [dreg:$0xb]  }
0x262: {  	[tilespmem:s17], [sflag:$0x5] =	stream.linear.gather [spmem:s29], $0xE00, $0x38;
	[tilespmem:$0x1F4C0] =	vst v63  }
0x263: {  	_ =	swait.ge [sflag:s18], $0xE00  }
0x264: {  	[sflag:s18] =	ssyncset.done $0x0  }
0x265: {  	s10 =	rddreg [dreg:$0x11];
	[sflag:s18] =	ssyncadd.s32 $0xFFFFF200  }
0x266: {  	[hbm4b:s10+s30] =	stream.linear.scatter [tilespmem:s17], [sflag:$0x5], $0xE00, $0x38;
	[tilespmem:$0x1F4C0] =	vst v63  }
0x267: {  	_ =	swait.ge [sflag:s18], $0xE00  }
0x268: {  	[sflag:s18] =	ssyncset.done $0x0  }
0x269: {  	s19 =	simm.s32 $0x1F300;
	s12 =	rddreg [dreg:$0xa];
	[sflag:s18] =	ssyncadd.s32 $0xFFFFF200  }
0x26a: {  	[tilespmem:s19], [sflag:$0x5] =	stream.linear.gather [spmem:s12], $0x1C0, $0x38;
	[tilespmem:$0x1F4C0] =	vst v63  }
0x26b: {  	_ =	swait.ge [sflag:s18], $0x1C0  }
0x26c: {  	[sflag:s18] =	ssyncset.done $0x0;
	s15 =	rddreg [dreg:$0x10]  }
0x26d: {  	[sflag:s18] =	ssyncadd.s32 $0xFFFFFE40;
	s31 =	sadd.s32 $0x0, s15  }
0x26e: {  	[hbm4b:s31+s30] =	stream.linear.scatter [tilespmem:s19], [sflag:$0x5], $0x1C0, $0x38;
	[tilespmem:$0x1F4C0] =	vst v63  }
0x26f: {  	s2 =	simm.s32 $0x1B900;
	_ =	swait.ge [sflag:s18], $0x1C0  }
0x270: {  	s13 =	simm.s32 $0x38;
	s16 =	sadd.s32 $0xE00, s29;
	[sflag:s18] =	ssyncset.done $0x0  }
.LBB2_8:
0x271: {  	[sflag:s18] =	ssyncadd.s32 $0xFFFFFE40  }
0x272: {  	s10 =	sadd.s32 $0x1C0, s10;
	s12 =	sadd.s32 $0x1C0, s12;
	s9 =	smov.u32 s13  }
0x273: {  	[tilespmem:s17], [sflag:$0x5] =	stream.linear.gather [spmem:s16], $0xE00, $0x38;
	[tilespmem:$0x1F4C0] =	vst v63  }
0x274: {  	p0 =	sne.s32 s13, $0x2D8;
	s13 =	sadd.s32 $0x38, s13;
	_ =	swait.ge [sflag:s18], $0xE00  }
0x275: {  	[sflag:s18] =	ssyncset.done $0x0  }
0x276: {  	[sflag:s18] =	ssyncadd.s32 $0xFFFFF200  }
0x277: {  	[hbm4b:s10+s30] =	stream.linear.scatter [tilespmem:s17], [sflag:$0x5], $0xE00, $0x38;
	[tilespmem:$0x1F4C0] =	vst v63  }
0x278: {  	_ =	swait.ge [sflag:s18], $0xE00  }
0x279: {  	[sflag:s18] =	ssyncset.done $0x0  }
0x27a: {  	[sflag:s18] =	ssyncadd.s32 $0xFFFFF200  }
0x27b: {  	[tilespmem:s19], [sflag:$0x5] =	stream.linear.gather [spmem:s12], $0x1C0, $0x38;
	[tilespmem:$0x1F4C0] =	vst v63  }
0x27c: {  	_ =	swait.ge [sflag:s18], $0x1C0  }
.Ltmp3:
0x27d: {  	[sflag:s18] =	ssyncset.done $0x0;
	(pc) =	sbr.rel @p0 .LBB2_8-.Ltmp3, $4  }
0x27e: {  	s9 =	sadd.s32 s9, s15;
	[sflag:s18] =	ssyncadd.s32 $0xFFFFFE40  }
0x27f: {  	[hbm4b:s9+s30] =	stream.linear.scatter [tilespmem:s19], [sflag:$0x5], $0x1C0, $0x38;
	[tilespmem:$0x1F4C0] =	vst v63  }
0x280: {  	_ =	swait.ge [sflag:s18], $0x1C0  }
0x281: {  	s16 =	sadd.s32 $0xE00, s16;
	[sflag:s18] =	ssyncset.done $0x0  }
0x282: {  	s10 =	rddreg [dreg:$0x12]  }
0x283: {  	s9 =	rddreg [dreg:$0x9];
	s10 =	sadd.s32 $0x1, s10  }
0x284: {  	p0 =	sne.s32 s10, s9  }
.Ltmp4:
0x285: {  	_ = 	snop;
	(pc) =	sbr.rel @p0 .LBB2_1-.Ltmp4, $4  }
0x286: {  	_ = 	snop  }
0x287: {  	[sflag:s18] =	ssyncadd.s32 $0xFFFFFE40;
	s16 =	rddreg [dreg:$0xa]  }
0x288: {  	s5 =	rddreg [dreg:$0x3]  }
0x289: {  	s3 =	simm.s32 $0x1BD00;
	s31 =	rddreg [dreg:$0x4]  }
0x28a: {  	_ =	sfence.sel $0x180000  }
0x28b: {  	[bflag:$0x0] =	sbarrier.arrive $0xFFFF  }
0x28c: {  	_ =	strace $0x9000004A  }
0x28d: {  	s0 =	stileid.u32;
	[bflag:$0x2] =	sbarrier.arrive $0xFFFF  }
0x28e: {  	p0 =	sne.s32 s0, $0x0;
	s0 =	rddreg [dreg:$0x5]  }
0x28f: {  	s0 =	sadd.s32 @!p0 $0x100000, s0  }
0x290: {  	[sflag:s0] =	ssyncadd.tile.s32 @!p0 $0x1;
	_ =	shalt  }
.Lfunc_end2:
_tile_overlayer_lowered:
.L_overlay_start_2:
0x291: {  	(tag) =	ssettag $0x2  }
0x292: {  	s0 =	rddreg [dreg:$0x0];
	s2 =	stileid.u32  }
0x293: {  	s1 =	rddreg [dreg:$0x1];
	p0 =	sne.s32 s2, $0x0  }
0x294: {  	s3 =	rddreg [dreg:$0x2];
	[bflag:$0x3] =	sbarrier.arrive $0xFFFF;
	s2 =	simm.s32 @!p0 $0x1C05  }
0x295: {  	[timem:s3], [sflag:s2] =	dma.local @!p0 [hbm:s0], s1  }
0x296: {  	s0 =	simm.s32 @!p0 $0x5  }
0x297: {  	_ =	swait.ge @!p0 [sflag:s0], s1  }
0x298: {  	s1 =	ssub.s32 @!p0 $0x0, s1;
	[sflag:s0] =	ssyncset.done @!p0 $0x0  }
0x299: {  	[sflag:s0] =	ssyncadd.s32 @!p0 s1  }
0x29a: {  	[bflag:$0x3] =	sbarrier.arrive $0xFFFF  }
0x29b: {  	_ =	shalt  }

</sc_bundles>
